<compile_context>
chip_gen: v7x
topology: tpu7x:2x2x1
jax: 0.10.2.dev20260603
libtpu: 0.0.44.dev20260713+nightly
codegen_flags: <defaults>
</compile_context>

<pallas_src>
import functools

import jax
import jax.numpy as jnp
from jax import lax
from jax.experimental import pallas as pl
from jax.experimental.pallas import tpu as pltpu
from jax.experimental.pallas import tpu_sc as plsc

N = 10000
E = 320000
G = 64
H = 128

NC = 2
NS = 16
NW = NC * NS
EPW = E // NW
CHUNK = 80
NCHUNK = EPW // CHUNK
CPT = E // NS // CHUNK
CHALF = CPT // 2
RPT = 640
RPT_LAST = N - (NS - 1) * RPT
STRIP = 80
CW = 16
NBUF = 5

_MESH = plsc.VectorSubcoreMesh(
    core_axis_name="c", subcore_axis_name="s", num_cores=NC,
    num_subcores=NS)
_SC_PARAMS = pltpu.CompilerParams(use_tc_tiling_on_sc=False)


def _strip_loop(nrow, fn):
  for t in range(nrow // STRIP):
    fn(t * STRIP)


def _per_tile(sid, fn):
  @pl.when(sid != NS - 1)
  def _():
    fn(RPT)

  @pl.when(sid == NS - 1)
  def _():
    fn(RPT_LAST)


def _agg_body(h_hbm, src_hbm, dst_hbm, z_rows, acc_out, zbuf, sbuf, dbuf,
              acc_sh, *rest):
  rows = rest[:NBUF]
  sems = rest[NBUF:]
  cid = lax.axis_index("c")
  sid = lax.axis_index("s")
  wid = cid * NS + sid

  pltpu.sync_copy(z_rows, zbuf)
  pltpu.async_copy(src_hbm.at[wid], sbuf, sems[0])
  pltpu.async_copy(dst_hbm.at[wid], dbuf, sems[1])

  def zero_part(nrow):
    ns = nrow // STRIP
    for t in range(ns):
      pltpu.async_copy(zbuf, acc_sh.at[pl.ds(sid * RPT + t * STRIP,
                                             STRIP)], sems[2])
    for _ in range(ns):
      pltpu.make_async_copy(zbuf, acc_sh.at[pl.ds(sid * RPT, STRIP)],
                            sems[2]).wait()

  _per_tile(sid, zero_part)
  pltpu.make_async_copy(src_hbm.at[wid], sbuf, sems[0]).wait()
  pltpu.make_async_copy(dst_hbm.at[wid], dbuf, sems[1]).wait()
  plsc.subcore_barrier()

  for b in range(NBUF):
    pltpu.async_copy(h_hbm.at[sbuf.at[b]], rows[b], sems[b])

  def outer(it, carry):
    j0 = it * NBUF
    for b in range(NBUF):
      j = j0 + b
      pltpu.make_async_copy(h_hbm.at[sbuf.at[0]], rows[b], sems[b]).wait()
      pltpu.sync_copy(rows[b], acc_sh.at[dbuf.at[j]], add=True)

      @pl.when(j < NCHUNK - NBUF)
      def _():
        pltpu.async_copy(h_hbm.at[sbuf.at[j + NBUF]], rows[b], sems[b])
    return carry

  lax.fori_loop(0, NCHUNK // NBUF, outer, 0)
  plsc.subcore_barrier()

  def write_part(nrow):
    ns = nrow // STRIP
    bufs = (zbuf, rows[0])
    row0 = cid * N + sid * RPT
    for t in range(ns):
      b = t % 2
      if t >= 2:
        pltpu.make_async_copy(bufs[b], acc_out.at[pl.ds(row0, STRIP)],
                              sems[b]).wait()
      pltpu.sync_copy(acc_sh.at[pl.ds(sid * RPT + t * STRIP, STRIP)],
                      bufs[b])
      pltpu.async_copy(bufs[b], acc_out.at[pl.ds(row0 + t * STRIP,
                                                 STRIP)], sems[b])
    for t in range(min(ns, 2)):
      pltpu.make_async_copy(bufs[t], acc_out.at[pl.ds(row0, STRIP)],
                            sems[t]).wait()

  _per_tile(sid, write_part)


_edge_agg = pl.kernel(
    _agg_body,
    out_type=[jax.ShapeDtypeStruct((NC * N, H), jnp.bfloat16)],
    mesh=_MESH,
    scratch_types=[
        pltpu.VMEM((STRIP, H), jnp.bfloat16),
        pltpu.VMEM((NCHUNK, CHUNK), jnp.int32),
        pltpu.VMEM((NCHUNK, CHUNK), jnp.int32),
        pltpu.VMEM_SHARED((N, H), jnp.bfloat16),
    ] + [pltpu.VMEM((CHUNK, H), jnp.bfloat16) for _ in range(NBUF)]
      + [pltpu.SemaphoreType.DMA for _ in range(NBUF)],
    compiler_params=_SC_PARAMS,
)


def _count_body(dst_hbm, z_cnt, ones_hbm, cnt_out, cbuf, dbuf, ones_v,
                cnt_sh, sem, sem2):
  cid = lax.axis_index("c")
  sid = lax.axis_index("s")

  pltpu.sync_copy(z_cnt, cbuf)
  pltpu.async_copy(dst_hbm.at[sid], dbuf, sem2)
  pltpu.sync_copy(ones_hbm, ones_v)

  def zero_part(nrow):
    ns = nrow // STRIP
    for t in range(ns):
      pltpu.async_copy(cbuf, cnt_sh.at[pl.ds(sid * RPT + t * STRIP,
                                             STRIP)], sem)
    for _ in range(ns):
      pltpu.make_async_copy(cbuf, cnt_sh.at[pl.ds(sid * RPT, STRIP)],
                            sem).wait()

  _per_tile(sid, zero_part)
  pltpu.make_async_copy(dst_hbm.at[sid], dbuf, sem2).wait()
  plsc.subcore_barrier()

  j0 = cid * CHALF

  def fire(j, carry):
    pltpu.async_copy(ones_v, cnt_sh.at[dbuf.at[j0 + j]], sem, add=True)
    return carry

  lax.fori_loop(0, CHALF, fire, 0)

  def drain(j, carry):
    pltpu.make_async_copy(ones_v, cnt_sh.at[dbuf.at[j0]], sem).wait()
    return carry

  lax.fori_loop(0, CHALF, drain, 0)
  plsc.subcore_barrier()

  def write_part(nrow):
    ns = nrow // STRIP
    bufs = (cbuf, ones_v)
    row0 = cid * N + sid * RPT
    for t in range(ns):
      b = t % 2
      if t >= 2:
        pltpu.make_async_copy(bufs[b], cnt_out.at[pl.ds(row0, STRIP)],
                              (sem, sem2)[b]).wait()
      pltpu.sync_copy(cnt_sh.at[pl.ds(sid * RPT + t * STRIP, STRIP)],
                      bufs[b])
      pltpu.async_copy(bufs[b], cnt_out.at[pl.ds(row0 + t * STRIP,
                                                 STRIP)], (sem, sem2)[b])
    for t in range(min(ns, 2)):
      pltpu.make_async_copy(bufs[t], cnt_out.at[pl.ds(row0, STRIP)],
                            (sem, sem2)[t]).wait()

  _per_tile(sid, write_part)


_edge_count = pl.kernel(
    _count_body,
    out_type=[jax.ShapeDtypeStruct((NC * N, CW), jnp.float32)],
    mesh=_MESH,
    scratch_types=[
        pltpu.VMEM((STRIP, CW), jnp.float32),
        pltpu.VMEM((CPT, CHUNK), jnp.int32),
        pltpu.VMEM((CHUNK, CW), jnp.float32),
        pltpu.VMEM_SHARED((N, CW), jnp.float32),
        pltpu.SemaphoreType.DMA,
        pltpu.SemaphoreType.DMA,
    ],
    compiler_params=_SC_PARAMS,
)


def _lin1_body(x_ref, w_ref, b_ref, o_ref):
  out = lax.dot_general(
      x_ref[...], w_ref[...], (((1,), (1,)), ((), ())),
      preferred_element_type=jnp.float32) + b_ref[...]
  o_ref[...] = out.astype(jnp.bfloat16)


def _sage_combine(pal_ref, par_ref, pcl_ref, pcr_ref, h_ref, wl_ref,
                  bl_ref, wr_ref):
  agg = pal_ref[...].astype(jnp.float32) + par_ref[...].astype(jnp.float32)
  cnt = pcl_ref[:, 0:1] + pcr_ref[:, 0:1]
  mean = agg / jnp.maximum(cnt, 1.0)
  h = h_ref[...].astype(jnp.float32)
  out = lax.dot_general(mean, wl_ref[...], (((1,), (1,)), ((), ())),
                        preferred_element_type=jnp.float32)
  out = out + bl_ref[...]
  out = out + lax.dot_general(h, wr_ref[...], (((1,), (1,)), ((), ())),
                              preferred_element_type=jnp.float32)
  norm = jnp.sqrt(jnp.sum(out * out, axis=1, keepdims=True))
  return out / jnp.maximum(norm, 1e-12)


def _combine_body(pal_ref, par_ref, pcl_ref, pcr_ref, h_ref, wl_ref,
                  bl_ref, wr_ref, o_ref):
  out = _sage_combine(pal_ref, par_ref, pcl_ref, pcr_ref, h_ref, wl_ref,
                      bl_ref, wr_ref)
  o_ref[...] = jnp.maximum(out, 0.0).astype(jnp.bfloat16)


def _final_body(nsteps, pal_ref, par_ref, pcl_ref, pcr_ref, h_ref, wl_ref,
                bl_ref, wr_ref, batch_ref, wout_ref, bout_ref, o_ref,
                gsum, gcnt):
  i = pl.program_id(0)
  h3 = _sage_combine(pal_ref, par_ref, pcl_ref, pcr_ref, h_ref, wl_ref,
                     bl_ref, wr_ref)

  bn = h3.shape[0]
  gid = lax.broadcasted_iota(jnp.int32, (G, bn), 0)
  onehot = jnp.where(gid == batch_ref[0], 1.0, 0.0)

  @pl.when(i == 0)
  def _():
    gsum[...] = jnp.zeros_like(gsum)
    gcnt[...] = jnp.zeros_like(gcnt)

  gsum[...] += lax.dot_general(onehot, h3, (((1,), (0,)), ((), ())),
                               preferred_element_type=jnp.float32)
  gcnt[...] += jnp.sum(onehot, axis=1, keepdims=True)

  @pl.when(i == nsteps - 1)
  def _():
    pooled = gsum[...] / jnp.maximum(gcnt[...], 1.0)
    logits = jnp.sum(pooled * wout_ref[...], axis=1, keepdims=True)
    o_ref[...] = jax.nn.sigmoid(logits + bout_ref[0, 0])


def kernel(x, edge_index, batch, W1, b1, c1_Wl, c1_bl, c1_Wr, c2_Wl,
           c2_bl, c2_Wr, Wout, bout):
  D = x.shape[1]
  H2 = c2_Wl.shape[0]
  src = edge_index[0]
  dst = edge_index[1]

  BN = N
  nsteps = N // BN
  row_spec = pl.BlockSpec((BN, H), lambda i: (i, 0))
  left_spec = pl.BlockSpec((BN, H), lambda i: (i, 0))
  right_spec = pl.BlockSpec((BN, H), lambda i: (i + nsteps, 0))
  cntl_spec = pl.BlockSpec((BN, CW), lambda i: (i, 0))
  cntr_spec = pl.BlockSpec((BN, CW), lambda i: (i + nsteps, 0))
  w_spec = lambda r, c: pl.BlockSpec((r, c), lambda i: (0, 0))

  src3 = src.reshape(NW, NCHUNK, CHUNK)
  dst3 = dst.reshape(NW, NCHUNK, CHUNK)
  dstc = dst.reshape(NS, CPT, CHUNK)
  z_rows = jnp.zeros((STRIP, H), jnp.bfloat16)
  z_cnt = jnp.zeros((STRIP, CW), jnp.float32)
  ones = jnp.ones((CHUNK, CW), jnp.float32)

  (cnt,) = _edge_count(dstc, z_cnt, ones)

  (h,) = pl.pallas_call(
      _lin1_body,
      grid=(nsteps,),
      in_specs=[
          pl.BlockSpec((BN, D), lambda i: (i, 0)),
          pl.BlockSpec((H, D), lambda i: (0, 0)),
          pl.BlockSpec((1, H), lambda i: (0, 0)),
      ],
      out_specs=[row_spec],
      out_shape=[jax.ShapeDtypeStruct((N, H), jnp.bfloat16)],
  )(x, W1, b1.reshape(1, H))

  (agg1,) = _edge_agg(h, src3, dst3, z_rows)

  (h2,) = pl.pallas_call(
      _combine_body,
      grid=(nsteps,),
      in_specs=[
          left_spec, right_spec, cntl_spec, cntr_spec, row_spec,
          w_spec(H, H), w_spec(1, H), w_spec(H, H),
      ],
      out_specs=[row_spec],
      out_shape=[jax.ShapeDtypeStruct((N, H), jnp.bfloat16)],
  )(agg1, agg1, cnt, cnt, h, c1_Wl, c1_bl.reshape(1, H), c1_Wr)

  (agg2,) = _edge_agg(h2, src3, dst3, z_rows)

  batchi = batch.reshape(nsteps, 1, BN)
  out = pl.pallas_call(
      functools.partial(_final_body, nsteps),
      grid=(nsteps,),
      in_specs=[
          left_spec, right_spec, cntl_spec, cntr_spec, row_spec,
          w_spec(H2, H), w_spec(1, H2), w_spec(H2, H),
          pl.BlockSpec((1, 1, BN), lambda i: (i, 0, 0)),
          w_spec(1, H2), w_spec(1, 1),
      ],
      out_specs=pl.BlockSpec((G, 1), lambda i: (0, 0)),
      out_shape=jax.ShapeDtypeStruct((G, 1), jnp.float32),
      scratch_shapes=[
          pltpu.VMEM((G, H2), jnp.float32),
          pltpu.VMEM((G, 1), jnp.float32),
      ],
  )(agg2, agg2, cnt, cnt, h2, c2_Wl, c2_bl.reshape(1, H2), c2_Wr,
    batchi, Wout, bout.reshape(1, 1))
  return out

# --- scband reference (transcript-rebuilt; emitter-appended) ---
"""Pipeline reference for scband-gnn-w-dense-58703613002017 (READ-ONLY COPY).

The authoritative reference and input builder live on the scoring server;
editing this copy changes nothing except your own understanding.
"""

import jax, jax.numpy as jnp
import numpy as np

N = 10000
E = 320000
D = 128
H = 128
G = 64


def setup_inputs(seed: int = 0) -> dict:
    key = jax.random.key(seed)
    ks = jax.random.split(key, 16)
    inp = {}
    inp["x"] = jax.random.normal(ks[0], (N, D), dtype=jnp.float32)
    inp["edge_index"] = jax.random.randint(ks[1], (2, E), 0, N, dtype=jnp.int32)
    inp["batch"] = jnp.sort(jax.random.randint(ks[2], (N,), 0, G, dtype=jnp.int32))
    # lin1: Linear(D -> H)
    inp["W1"] = jax.random.normal(ks[3], (H, D), dtype=jnp.float32) / np.sqrt(D)
    inp["b1"] = jnp.zeros((H,), dtype=jnp.float32)
    # conv1: SAGEConv(H -> H, normalize=True): lin_l (neighbors, with bias), lin_r (root, no bias)
    inp["c1_Wl"] = jax.random.normal(ks[4], (H, H), dtype=jnp.float32) / np.sqrt(H)
    inp["c1_bl"] = jnp.zeros((H,), dtype=jnp.float32)
    inp["c1_Wr"] = jax.random.normal(ks[5], (H, H), dtype=jnp.float32) / np.sqrt(H)
    # conv2: SAGEConv(H -> 2H, normalize=True)
    inp["c2_Wl"] = jax.random.normal(ks[6], (2 * H, H), dtype=jnp.float32) / np.sqrt(H)
    inp["c2_bl"] = jnp.zeros((2 * H,), dtype=jnp.float32)
    inp["c2_Wr"] = jax.random.normal(ks[7], (2 * H, H), dtype=jnp.float32) / np.sqrt(H)
    # lin: Linear(2H -> 1)
    inp["Wout"] = jax.random.normal(ks[8], (1, 2 * H), dtype=jnp.float32) / np.sqrt(2 * H)
    inp["bout"] = jnp.zeros((1,), dtype=jnp.float32)
    return inp


def _sage_conv(x, edge_index, Wl, bl, Wr):
    # PyG SAGEConv, aggr='mean', root_weight=True, normalize=True
    src = edge_index[0]
    dst = edge_index[1]
    msg = jnp.take(x, src, axis=0)
    agg = jax.ops.segment_sum(msg, dst, num_segments=N)
    cnt = jax.ops.segment_sum(jnp.ones((E,), dtype=x.dtype), dst, num_segments=N)
    mean = agg / jnp.maximum(cnt, 1.0)[:, None]
    out = mean @ Wl.T + bl + x @ Wr.T
    norm = jnp.linalg.norm(out, axis=-1, keepdims=True)
    out = out / jnp.maximum(norm, 1e-12)
    return out


def reference(x, edge_index, batch, W1, b1, c1_Wl, c1_bl, c1_Wr, c2_Wl, c2_bl, c2_Wr, Wout, bout):
    h = x @ W1.T + b1
    h = _sage_conv(h, edge_index, c1_Wl, c1_bl, c1_Wr)
    h = jax.nn.relu(h)
    h = _sage_conv(h, edge_index, c2_Wl, c2_bl, c2_Wr)
    # global_mean_pool over batch ids
    gsum = jax.ops.segment_sum(h, batch, num_segments=G)
    gcnt = jax.ops.segment_sum(jnp.ones((N,), dtype=h.dtype), batch, num_segments=G)
    pooled = gsum / jnp.maximum(gcnt, 1.0)[:, None]
    out = pooled @ Wout.T + bout
    return jax.nn.sigmoid(out)

if __name__ == "__main__":
    import jax
    _d = setup_inputs()
    print(jax.jit(kernel)(*tuple(_d.values())))

</pallas_src>

<mosaic_0001>
#map = affine_map<(d0, d1) -> (0, 0, 0)>
#map1 = affine_map<(d0, d1) -> (0, 0)>
module attributes {stable_mosaic.version = 14 : i64} {
  func.func @_count_body(%arg0: i32, %arg1: i32, %arg2: memref<16x250x80xi32, #tpu.memory_space<hbm>>, %arg3: memref<80x16xf32, #tpu.memory_space<hbm>>, %arg4: memref<80x16xf32, #tpu.memory_space<hbm>>, %arg5: memref<20000x16xf32, #tpu.memory_space<hbm>>, %arg6: memref<80x16xf32, #tpu.memory_space<vmem>>, %arg7: memref<250x80xi32, #tpu.memory_space<vmem>>, %arg8: memref<80x16xf32, #tpu.memory_space<vmem>>, %arg9: memref<10000x16xf32, #tpu.memory_space<vmem_shared>>, %arg10: memref<!tpu.dma_semaphore, #tpu.memory_space<semaphore_mem>>, %arg11: memref<!tpu.dma_semaphore, #tpu.memory_space<semaphore_mem>>) attributes {dimension_semantics = [#tpu.dimension_semantics<core_parallel>, #tpu.dimension_semantics<subcore_parallel>], iteration_bounds = array<i64: 2, 16>, scalar_prefetch = 0 : i64, scratch_operands = 6 : i64, tpu.core_type = #tpu.core_type<sc_vector_subcore>, window_params = [{transform_indices = #map}, {transform_indices = #map1}, {transform_indices = #map1}, {transform_indices = #map1}]} {
    "tpu.region"() ({
      %run_scoped3A = tpu.sem_alloc : memref<!tpu.dma_semaphore, #tpu.memory_space<semaphore_mem>>
      tpu.enqueue_dma source(%arg3 : memref<80x16xf32, #tpu.memory_space<hbm>>) target(%arg6 : memref<80x16xf32, #tpu.memory_space<vmem>>) target_semaphore(%run_scoped3A : memref<!tpu.dma_semaphore, #tpu.memory_space<semaphore_mem>>)
      tpu.wait_dma2 semaphore(%run_scoped3A : memref<!tpu.dma_semaphore, #tpu.memory_space<semaphore_mem>>) src(%arg3 : memref<80x16xf32, #tpu.memory_space<hbm>>) dst(%arg6 : memref<80x16xf32, #tpu.memory_space<vmem>>)
      tpu.yield
    }) : () -> ()
    %dma_start3A = arith.constant 0 : i32
    %dma_start3A_0 = arith.constant 0 : i32
    %dma_start3A_1 = tpu.memref_slice %arg2[%arg1, %dma_start3A, %dma_start3A_0] : memref<16x250x80xi32, #tpu.memory_space<hbm>> -> memref<1x250x80xi32, #tpu.memory_space<hbm>>
    %dma_start3A_2 = tpu.memref_squeeze %dma_start3A_1 : memref<1x250x80xi32, #tpu.memory_space<hbm>> -> memref<250x80xi32, #tpu.memory_space<hbm>>
    %dma_start3A_3 = arith.constant 0 : i32
    %dma_start3A_4 = arith.constant 0 : i32
    %dma_start3A_5 = tpu.memref_slice %arg2[%arg1, %dma_start3A_3, %dma_start3A_4] : memref<16x250x80xi32, #tpu.memory_space<hbm>> -> memref<1x250x80xi32, #tpu.memory_space<hbm>>
    %dma_start3A_6 = tpu.memref_squeeze %dma_start3A_5 : memref<1x250x80xi32, #tpu.memory_space<hbm>> -> memref<250x80xi32, #tpu.memory_space<hbm>>
    tpu.enqueue_dma source(%dma_start3A_6 : memref<250x80xi32, #tpu.memory_space<hbm>>) target(%arg7 : memref<250x80xi32, #tpu.memory_space<vmem>>) target_semaphore(%arg11 : memref<!tpu.dma_semaphore, #tpu.memory_space<semaphore_mem>>)
    "tpu.region"() ({
      %run_scoped3A = tpu.sem_alloc : memref<!tpu.dma_semaphore, #tpu.memory_space<semaphore_mem>>
      tpu.enqueue_dma source(%arg4 : memref<80x16xf32, #tpu.memory_space<hbm>>) target(%arg8 : memref<80x16xf32, #tpu.memory_space<vmem>>) target_semaphore(%run_scoped3A : memref<!tpu.dma_semaphore, #tpu.memory_space<semaphore_mem>>)
      tpu.wait_dma2 semaphore(%run_scoped3A : memref<!tpu.dma_semaphore, #tpu.memory_space<semaphore_mem>>) src(%arg4 : memref<80x16xf32, #tpu.memory_space<hbm>>) dst(%arg8 : memref<80x16xf32, #tpu.memory_space<vmem>>)
      tpu.yield
    }) : () -> ()
    %ne3A = arith.constant 15 : i32
    %ne3A_7 = arith.cmpi ne, %arg1, %ne3A : i32
    %convert_element_type3A = arith.extui %ne3A_7 : i1 to i32
    %cond3A = arith.constant 0 : i32
    %cond3A_8 = arith.cmpi ne, %convert_element_type3A, %cond3A : i32
    scf.if %cond3A_8 {
      %mul3A_43 = arith.constant 640 : i32
      %mul3A_44 = arith.muli %arg1, %mul3A_43 : i32
      %add3A = arith.constant 0 : i32
      %add3A_45 = arith.addi %mul3A_44, %add3A : i32
      %dma_start3A_46 = arith.constant 0 : i32
      %dma_start3A_47 = tpu.memref_slice %arg9[%add3A_45, %dma_start3A_46] : memref<10000x16xf32, #tpu.memory_space<vmem_shared>> -> memref<80x16xf32, #tpu.memory_space<vmem_shared>>
      %dma_start3A_48 = arith.constant 0 : i32
      %dma_start3A_49 = tpu.memref_slice %arg9[%add3A_45, %dma_start3A_48] : memref<10000x16xf32, #tpu.memory_space<vmem_shared>> -> memref<80x16xf32, #tpu.memory_space<vmem_shared>>
      tpu.enqueue_dma source(%arg6 : memref<80x16xf32, #tpu.memory_space<vmem>>) target(%dma_start3A_49 : memref<80x16xf32, #tpu.memory_space<vmem_shared>>) target_semaphore(%arg10 : memref<!tpu.dma_semaphore, #tpu.memory_space<semaphore_mem>>)
      %mul3A_50 = arith.constant 640 : i32
      %mul3A_51 = arith.muli %arg1, %mul3A_50 : i32
      %add3A_52 = arith.constant 80 : i32
      %add3A_53 = arith.addi %mul3A_51, %add3A_52 : i32
      %dma_start3A_54 = arith.constant 0 : i32
      %dma_start3A_55 = tpu.memref_slice %arg9[%add3A_53, %dma_start3A_54] : memref<10000x16xf32, #tpu.memory_space<vmem_shared>> -> memref<80x16xf32, #tpu.memory_space<vmem_shared>>
      %dma_start3A_56 = arith.constant 0 : i32
      %dma_start3A_57 = tpu.memref_slice %arg9[%add3A_53, %dma_start3A_56] : memref<10000x16xf32, #tpu.memory_space<vmem_shared>> -> memref<80x16xf32, #tpu.memory_space<vmem_shared>>
      tpu.enqueue_dma source(%arg6 : memref<80x16xf32, #tpu.memory_space<vmem>>) target(%dma_start3A_57 : memref<80x16xf32, #tpu.memory_space<vmem_shared>>) target_semaphore(%arg10 : memref<!tpu.dma_semaphore, #tpu.memory_space<semaphore_mem>>)
      %mul3A_58 = arith.constant 640 : i32
      %mul3A_59 = arith.muli %arg1, %mul3A_58 : i32
      %add3A_60 = arith.constant 160 : i32
      %add3A_61 = arith.addi %mul3A_59, %add3A_60 : i32
      %dma_start3A_62 = arith.constant 0 : i32
      %dma_start3A_63 = tpu.memref_slice %arg9[%add3A_61, %dma_start3A_62] : memref<10000x16xf32, #tpu.memory_space<vmem_shared>> -> memref<80x16xf32, #tpu.memory_space<vmem_shared>>
      %dma_start3A_64 = arith.constant 0 : i32
      %dma_start3A_65 = tpu.memref_slice %arg9[%add3A_61, %dma_start3A_64] : memref<10000x16xf32, #tpu.memory_space<vmem_shared>> -> memref<80x16xf32, #tpu.memory_space<vmem_shared>>
      tpu.enqueue_dma source(%arg6 : memref<80x16xf32, #tpu.memory_space<vmem>>) target(%dma_start3A_65 : memref<80x16xf32, #tpu.memory_space<vmem_shared>>) target_semaphore(%arg10 : memref<!tpu.dma_semaphore, #tpu.memory_space<semaphore_mem>>)
      %mul3A_66 = arith.constant 640 : i32
      %mul3A_67 = arith.muli %arg1, %mul3A_66 : i32
      %add3A_68 = arith.constant 240 : i32
      %add3A_69 = arith.addi %mul3A_67, %add3A_68 : i32
      %dma_start3A_70 = arith.constant 0 : i32
      %dma_start3A_71 = tpu.memref_slice %arg9[%add3A_69, %dma_start3A_70] : memref<10000x16xf32, #tpu.memory_space<vmem_shared>> -> memref<80x16xf32, #tpu.memory_space<vmem_shared>>
      %dma_start3A_72 = arith.constant 0 : i32
      %dma_start3A_73 = tpu.memref_slice %arg9[%add3A_69, %dma_start3A_72] : memref<10000x16xf32, #tpu.memory_space<vmem_shared>> -> memref<80x16xf32, #tpu.memory_space<vmem_shared>>
      tpu.enqueue_dma source(%arg6 : memref<80x16xf32, #tpu.memory_space<vmem>>) target(%dma_start3A_73 : memref<80x16xf32, #tpu.memory_space<vmem_shared>>) target_semaphore(%arg10 : memref<!tpu.dma_semaphore, #tpu.memory_space<semaphore_mem>>)
      %mul3A_74 = arith.constant 640 : i32
      %mul3A_75 = arith.muli %arg1, %mul3A_74 : i32
      %add3A_76 = arith.constant 320 : i32
      %add3A_77 = arith.addi %mul3A_75, %add3A_76 : i32
      %dma_start3A_78 = arith.constant 0 : i32
      %dma_start3A_79 = tpu.memref_slice %arg9[%add3A_77, %dma_start3A_78] : memref<10000x16xf32, #tpu.memory_space<vmem_shared>> -> memref<80x16xf32, #tpu.memory_space<vmem_shared>>
      %dma_start3A_80 = arith.constant 0 : i32
      %dma_start3A_81 = tpu.memref_slice %arg9[%add3A_77, %dma_start3A_80] : memref<10000x16xf32, #tpu.memory_space<vmem_shared>> -> memref<80x16xf32, #tpu.memory_space<vmem_shared>>
      tpu.enqueue_dma source(%arg6 : memref<80x16xf32, #tpu.memory_space<vmem>>) target(%dma_start3A_81 : memref<80x16xf32, #tpu.memory_space<vmem_shared>>) target_semaphore(%arg10 : memref<!tpu.dma_semaphore, #tpu.memory_space<semaphore_mem>>)
      %mul3A_82 = arith.constant 640 : i32
      %mul3A_83 = arith.muli %arg1, %mul3A_82 : i32
      %add3A_84 = arith.constant 400 : i32
      %add3A_85 = arith.addi %mul3A_83, %add3A_84 : i32
      %dma_start3A_86 = arith.constant 0 : i32
      %dma_start3A_87 = tpu.memref_slice %arg9[%add3A_85, %dma_start3A_86] : memref<10000x16xf32, #tpu.memory_space<vmem_shared>> -> memref<80x16xf32, #tpu.memory_space<vmem_shared>>
      %dma_start3A_88 = arith.constant 0 : i32
      %dma_start3A_89 = tpu.memref_slice %arg9[%add3A_85, %dma_start3A_88] : memref<10000x16xf32, #tpu.memory_space<vmem_shared>> -> memref<80x16xf32, #tpu.memory_space<vmem_shared>>
      tpu.enqueue_dma source(%arg6 : memref<80x16xf32, #tpu.memory_space<vmem>>) target(%dma_start3A_89 : memref<80x16xf32, #tpu.memory_space<vmem_shared>>) target_semaphore(%arg10 : memref<!tpu.dma_semaphore, #tpu.memory_space<semaphore_mem>>)
      %mul3A_90 = arith.constant 640 : i32
      %mul3A_91 = arith.muli %arg1, %mul3A_90 : i32
      %add3A_92 = arith.constant 480 : i32
      %add3A_93 = arith.addi %mul3A_91, %add3A_92 : i32
      %dma_start3A_94 = arith.constant 0 : i32
      %dma_start3A_95 = tpu.memref_slice %arg9[%add3A_93, %dma_start3A_94] : memref<10000x16xf32, #tpu.memory_space<vmem_shared>> -> memref<80x16xf32, #tpu.memory_space<vmem_shared>>
      %dma_start3A_96 = arith.constant 0 : i32
      %dma_start3A_97 = tpu.memref_slice %arg9[%add3A_93, %dma_start3A_96] : memref<10000x16xf32, #tpu.memory_space<vmem_shared>> -> memref<80x16xf32, #tpu.memory_space<vmem_shared>>
      tpu.enqueue_dma source(%arg6 : memref<80x16xf32, #tpu.memory_space<vmem>>) target(%dma_start3A_97 : memref<80x16xf32, #tpu.memory_space<vmem_shared>>) target_semaphore(%arg10 : memref<!tpu.dma_semaphore, #tpu.memory_space<semaphore_mem>>)
      %mul3A_98 = arith.constant 640 : i32
      %mul3A_99 = arith.muli %arg1, %mul3A_98 : i32
      %add3A_100 = arith.constant 560 : i32
      %add3A_101 = arith.addi %mul3A_99, %add3A_100 : i32
      %dma_start3A_102 = arith.constant 0 : i32
      %dma_start3A_103 = tpu.memref_slice %arg9[%add3A_101, %dma_start3A_102] : memref<10000x16xf32, #tpu.memory_space<vmem_shared>> -> memref<80x16xf32, #tpu.memory_space<vmem_shared>>
      %dma_start3A_104 = arith.constant 0 : i32
      %dma_start3A_105 = tpu.memref_slice %arg9[%add3A_101, %dma_start3A_104] : memref<10000x16xf32, #tpu.memory_space<vmem_shared>> -> memref<80x16xf32, #tpu.memory_space<vmem_shared>>
      tpu.enqueue_dma source(%arg6 : memref<80x16xf32, #tpu.memory_space<vmem>>) target(%dma_start3A_105 : memref<80x16xf32, #tpu.memory_space<vmem_shared>>) target_semaphore(%arg10 : memref<!tpu.dma_semaphore, #tpu.memory_space<semaphore_mem>>)
      %mul3A_106 = arith.constant 640 : i32
      %mul3A_107 = arith.muli %arg1, %mul3A_106 : i32
      %dma_wait3A_108 = arith.constant 0 : i32
      %dma_wait3A_109 = tpu.memref_slice %arg9[%mul3A_107, %dma_wait3A_108] : memref<10000x16xf32, #tpu.memory_space<vmem_shared>> -> memref<80x16xf32, #tpu.memory_space<vmem_shared>>
      %dma_wait3A_110 = arith.constant 0 : i32
      %dma_wait3A_111 = tpu.memref_slice %arg9[%mul3A_107, %dma_wait3A_110] : memref<10000x16xf32, #tpu.memory_space<vmem_shared>> -> memref<80x16xf32, #tpu.memory_space<vmem_shared>>
      tpu.wait_dma2 semaphore(%arg10 : memref<!tpu.dma_semaphore, #tpu.memory_space<semaphore_mem>>) src(%arg6 : memref<80x16xf32, #tpu.memory_space<vmem>>) dst(%dma_wait3A_111 : memref<80x16xf32, #tpu.memory_space<vmem_shared>>)
      %mul3A_112 = arith.constant 640 : i32
      %mul3A_113 = arith.muli %arg1, %mul3A_112 : i32
      %dma_wait3A_114 = arith.constant 0 : i32
      %dma_wait3A_115 = tpu.memref_slice %arg9[%mul3A_113, %dma_wait3A_114] : memref<10000x16xf32, #tpu.memory_space<vmem_shared>> -> memref<80x16xf32, #tpu.memory_space<vmem_shared>>
      %dma_wait3A_116 = arith.constant 0 : i32
      %dma_wait3A_117 = tpu.memref_slice %arg9[%mul3A_113, %dma_wait3A_116] : memref<10000x16xf32, #tpu.memory_space<vmem_shared>> -> memref<80x16xf32, #tpu.memory_space<vmem_shared>>
      tpu.wait_dma2 semaphore(%arg10 : memref<!tpu.dma_semaphore, #tpu.memory_space<semaphore_mem>>) src(%arg6 : memref<80x16xf32, #tpu.memory_space<vmem>>) dst(%dma_wait3A_117 : memref<80x16xf32, #tpu.memory_space<vmem_shared>>)
      %mul3A_118 = arith.constant 640 : i32
      %mul3A_119 = arith.muli %arg1, %mul3A_118 : i32
      %dma_wait3A_120 = arith.constant 0 : i32
      %dma_wait3A_121 = tpu.memref_slice %arg9[%mul3A_119, %dma_wait3A_120] : memref<10000x16xf32, #tpu.memory_space<vmem_shared>> -> memref<80x16xf32, #tpu.memory_space<vmem_shared>>
      %dma_wait3A_122 = arith.constant 0 : i32
      %dma_wait3A_123 = tpu.memref_slice %arg9[%mul3A_119, %dma_wait3A_122] : memref<10000x16xf32, #tpu.memory_space<vmem_shared>> -> memref<80x16xf32, #tpu.memory_space<vmem_shared>>
      tpu.wait_dma2 semaphore(%arg10 : memref<!tpu.dma_semaphore, #tpu.memory_space<semaphore_mem>>) src(%arg6 : memref<80x16xf32, #tpu.memory_space<vmem>>) dst(%dma_wait3A_123 : memref<80x16xf32, #tpu.memory_space<vmem_shared>>)
      %mul3A_124 = arith.constant 640 : i32
      %mul3A_125 = arith.muli %arg1, %mul3A_124 : i32
      %dma_wait3A_126 = arith.constant 0 : i32
      %dma_wait3A_127 = tpu.memref_slice %arg9[%mul3A_125, %dma_wait3A_126] : memref<10000x16xf32, #tpu.memory_space<vmem_shared>> -> memref<80x16xf32, #tpu.memory_space<vmem_shared>>
      %dma_wait3A_128 = arith.constant 0 : i32
      %dma_wait3A_129 = tpu.memref_slice %arg9[%mul3A_125, %dma_wait3A_128] : memref<10000x16xf32, #tpu.memory_space<vmem_shared>> -> memref<80x16xf32, #tpu.memory_space<vmem_shared>>
      tpu.wait_dma2 semaphore(%arg10 : memref<!tpu.dma_semaphore, #tpu.memory_space<semaphore_mem>>) src(%arg6 : memref<80x16xf32, #tpu.memory_space<vmem>>) dst(%dma_wait3A_129 : memref<80x16xf32, #tpu.memory_space<vmem_shared>>)
      %mul3A_130 = arith.constant 640 : i32
      %mul3A_131 = arith.muli %arg1, %mul3A_130 : i32
      %dma_wait3A_132 = arith.constant 0 : i32
      %dma_wait3A_133 = tpu.memref_slice %arg9[%mul3A_131, %dma_wait3A_132] : memref<10000x16xf32, #tpu.memory_space<vmem_shared>> -> memref<80x16xf32, #tpu.memory_space<vmem_shared>>
      %dma_wait3A_134 = arith.constant 0 : i32
      %dma_wait3A_135 = tpu.memref_slice %arg9[%mul3A_131, %dma_wait3A_134] : memref<10000x16xf32, #tpu.memory_space<vmem_shared>> -> memref<80x16xf32, #tpu.memory_space<vmem_shared>>
      tpu.wait_dma2 semaphore(%arg10 : memref<!tpu.dma_semaphore, #tpu.memory_space<semaphore_mem>>) src(%arg6 : memref<80x16xf32, #tpu.memory_space<vmem>>) dst(%dma_wait3A_135 : memref<80x16xf32, #tpu.memory_space<vmem_shared>>)
      %mul3A_136 = arith.constant 640 : i32
      %mul3A_137 = arith.muli %arg1, %mul3A_136 : i32
      %dma_wait3A_138 = arith.constant 0 : i32
      %dma_wait3A_139 = tpu.memref_slice %arg9[%mul3A_137, %dma_wait3A_138] : memref<10000x16xf32, #tpu.memory_space<vmem_shared>> -> memref<80x16xf32, #tpu.memory_space<vmem_shared>>
      %dma_wait3A_140 = arith.constant 0 : i32
      %dma_wait3A_141 = tpu.memref_slice %arg9[%mul3A_137, %dma_wait3A_140] : memref<10000x16xf32, #tpu.memory_space<vmem_shared>> -> memref<80x16xf32, #tpu.memory_space<vmem_shared>>
      tpu.wait_dma2 semaphore(%arg10 : memref<!tpu.dma_semaphore, #tpu.memory_space<semaphore_mem>>) src(%arg6 : memref<80x16xf32, #tpu.memory_space<vmem>>) dst(%dma_wait3A_141 : memref<80x16xf32, #tpu.memory_space<vmem_shared>>)
      %mul3A_142 = arith.constant 640 : i32
      %mul3A_143 = arith.muli %arg1, %mul3A_142 : i32
      %dma_wait3A_144 = arith.constant 0 : i32
      %dma_wait3A_145 = tpu.memref_slice %arg9[%mul3A_143, %dma_wait3A_144] : memref<10000x16xf32, #tpu.memory_space<vmem_shared>> -> memref<80x16xf32, #tpu.memory_space<vmem_shared>>
      %dma_wait3A_146 = arith.constant 0 : i32
      %dma_wait3A_147 = tpu.memref_slice %arg9[%mul3A_143, %dma_wait3A_146] : memref<10000x16xf32, #tpu.memory_space<vmem_shared>> -> memref<80x16xf32, #tpu.memory_space<vmem_shared>>
      tpu.wait_dma2 semaphore(%arg10 : memref<!tpu.dma_semaphore, #tpu.memory_space<semaphore_mem>>) src(%arg6 : memref<80x16xf32, #tpu.memory_space<vmem>>) dst(%dma_wait3A_147 : memref<80x16xf32, #tpu.memory_space<vmem_shared>>)
      %mul3A_148 = arith.constant 640 : i32
      %mul3A_149 = arith.muli %arg1, %mul3A_148 : i32
      %dma_wait3A_150 = arith.constant 0 : i32
      %dma_wait3A_151 = tpu.memref_slice %arg9[%mul3A_149, %dma_wait3A_150] : memref<10000x16xf32, #tpu.memory_space<vmem_shared>> -> memref<80x16xf32, #tpu.memory_space<vmem_shared>>
      %dma_wait3A_152 = arith.constant 0 : i32
      %dma_wait3A_153 = tpu.memref_slice %arg9[%mul3A_149, %dma_wait3A_152] : memref<10000x16xf32, #tpu.memory_space<vmem_shared>> -> memref<80x16xf32, #tpu.memory_space<vmem_shared>>
      tpu.wait_dma2 semaphore(%arg10 : memref<!tpu.dma_semaphore, #tpu.memory_space<semaphore_mem>>) src(%arg6 : memref<80x16xf32, #tpu.memory_space<vmem>>) dst(%dma_wait3A_153 : memref<80x16xf32, #tpu.memory_space<vmem_shared>>)
    } else {
    }
    %eq3A = arith.constant 15 : i32
    %eq3A_9 = arith.cmpi eq, %arg1, %eq3A : i32
    %convert_element_type3A_10 = arith.extui %eq3A_9 : i1 to i32
    %cond3A_11 = arith.constant 0 : i32
    %cond3A_12 = arith.cmpi ne, %convert_element_type3A_10, %cond3A_11 : i32
    scf.if %cond3A_12 {
      %mul3A_43 = arith.constant 640 : i32
      %mul3A_44 = arith.muli %arg1, %mul3A_43 : i32
      %add3A = arith.constant 0 : i32
      %add3A_45 = arith.addi %mul3A_44, %add3A : i32
      %dma_start3A_46 = arith.constant 0 : i32
      %dma_start3A_47 = tpu.memref_slice %arg9[%add3A_45, %dma_start3A_46] : memref<10000x16xf32, #tpu.memory_space<vmem_shared>> -> memref<80x16xf32, #tpu.memory_space<vmem_shared>>
      %dma_start3A_48 = arith.constant 0 : i32
      %dma_start3A_49 = tpu.memref_slice %arg9[%add3A_45, %dma_start3A_48] : memref<10000x16xf32, #tpu.memory_space<vmem_shared>> -> memref<80x16xf32, #tpu.memory_space<vmem_shared>>
      tpu.enqueue_dma source(%arg6 : memref<80x16xf32, #tpu.memory_space<vmem>>) target(%dma_start3A_49 : memref<80x16xf32, #tpu.memory_space<vmem_shared>>) target_semaphore(%arg10 : memref<!tpu.dma_semaphore, #tpu.memory_space<semaphore_mem>>)
      %mul3A_50 = arith.constant 640 : i32
      %mul3A_51 = arith.muli %arg1, %mul3A_50 : i32
      %add3A_52 = arith.constant 80 : i32
      %add3A_53 = arith.addi %mul3A_51, %add3A_52 : i32
      %dma_start3A_54 = arith.constant 0 : i32
      %dma_start3A_55 = tpu.memref_slice %arg9[%add3A_53, %dma_start3A_54] : memref<10000x16xf32, #tpu.memory_space<vmem_shared>> -> memref<80x16xf32, #tpu.memory_space<vmem_shared>>
      %dma_start3A_56 = arith.constant 0 : i32
      %dma_start3A_57 = tpu.memref_slice %arg9[%add3A_53, %dma_start3A_56] : memref<10000x16xf32, #tpu.memory_space<vmem_shared>> -> memref<80x16xf32, #tpu.memory_space<vmem_shared>>
      tpu.enqueue_dma source(%arg6 : memref<80x16xf32, #tpu.memory_space<vmem>>) target(%dma_start3A_57 : memref<80x16xf32, #tpu.memory_space<vmem_shared>>) target_semaphore(%arg10 : memref<!tpu.dma_semaphore, #tpu.memory_space<semaphore_mem>>)
      %mul3A_58 = arith.constant 640 : i32
      %mul3A_59 = arith.muli %arg1, %mul3A_58 : i32
      %add3A_60 = arith.constant 160 : i32
      %add3A_61 = arith.addi %mul3A_59, %add3A_60 : i32
      %dma_start3A_62 = arith.constant 0 : i32
      %dma_start3A_63 = tpu.memref_slice %arg9[%add3A_61, %dma_start3A_62] : memref<10000x16xf32, #tpu.memory_space<vmem_shared>> -> memref<80x16xf32, #tpu.memory_space<vmem_shared>>
      %dma_start3A_64 = arith.constant 0 : i32
      %dma_start3A_65 = tpu.memref_slice %arg9[%add3A_61, %dma_start3A_64] : memref<10000x16xf32, #tpu.memory_space<vmem_shared>> -> memref<80x16xf32, #tpu.memory_space<vmem_shared>>
      tpu.enqueue_dma source(%arg6 : memref<80x16xf32, #tpu.memory_space<vmem>>) target(%dma_start3A_65 : memref<80x16xf32, #tpu.memory_space<vmem_shared>>) target_semaphore(%arg10 : memref<!tpu.dma_semaphore, #tpu.memory_space<semaphore_mem>>)
      %mul3A_66 = arith.constant 640 : i32
      %mul3A_67 = arith.muli %arg1, %mul3A_66 : i32
      %add3A_68 = arith.constant 240 : i32
      %add3A_69 = arith.addi %mul3A_67, %add3A_68 : i32
      %dma_start3A_70 = arith.constant 0 : i32
      %dma_start3A_71 = tpu.memref_slice %arg9[%add3A_69, %dma_start3A_70] : memref<10000x16xf32, #tpu.memory_space<vmem_shared>> -> memref<80x16xf32, #tpu.memory_space<vmem_shared>>
      %dma_start3A_72 = arith.constant 0 : i32
      %dma_start3A_73 = tpu.memref_slice %arg9[%add3A_69, %dma_start3A_72] : memref<10000x16xf32, #tpu.memory_space<vmem_shared>> -> memref<80x16xf32, #tpu.memory_space<vmem_shared>>
      tpu.enqueue_dma source(%arg6 : memref<80x16xf32, #tpu.memory_space<vmem>>) target(%dma_start3A_73 : memref<80x16xf32, #tpu.memory_space<vmem_shared>>) target_semaphore(%arg10 : memref<!tpu.dma_semaphore, #tpu.memory_space<semaphore_mem>>)
      %mul3A_74 = arith.constant 640 : i32
      %mul3A_75 = arith.muli %arg1, %mul3A_74 : i32
      %add3A_76 = arith.constant 320 : i32
      %add3A_77 = arith.addi %mul3A_75, %add3A_76 : i32
      %dma_start3A_78 = arith.constant 0 : i32
      %dma_start3A_79 = tpu.memref_slice %arg9[%add3A_77, %dma_start3A_78] : memref<10000x16xf32, #tpu.memory_space<vmem_shared>> -> memref<80x16xf32, #tpu.memory_space<vmem_shared>>
      %dma_start3A_80 = arith.constant 0 : i32
      %dma_start3A_81 = tpu.memref_slice %arg9[%add3A_77, %dma_start3A_80] : memref<10000x16xf32, #tpu.memory_space<vmem_shared>> -> memref<80x16xf32, #tpu.memory_space<vmem_shared>>
      tpu.enqueue_dma source(%arg6 : memref<80x16xf32, #tpu.memory_space<vmem>>) target(%dma_start3A_81 : memref<80x16xf32, #tpu.memory_space<vmem_shared>>) target_semaphore(%arg10 : memref<!tpu.dma_semaphore, #tpu.memory_space<semaphore_mem>>)
      %mul3A_82 = arith.constant 640 : i32
      %mul3A_83 = arith.muli %arg1, %mul3A_82 : i32
      %dma_wait3A_84 = arith.constant 0 : i32
      %dma_wait3A_85 = tpu.memref_slice %arg9[%mul3A_83, %dma_wait3A_84] : memref<10000x16xf32, #tpu.memory_space<vmem_shared>> -> memref<80x16xf32, #tpu.memory_space<vmem_shared>>
      %dma_wait3A_86 = arith.constant 0 : i32
      %dma_wait3A_87 = tpu.memref_slice %arg9[%mul3A_83, %dma_wait3A_86] : memref<10000x16xf32, #tpu.memory_space<vmem_shared>> -> memref<80x16xf32, #tpu.memory_space<vmem_shared>>
      tpu.wait_dma2 semaphore(%arg10 : memref<!tpu.dma_semaphore, #tpu.memory_space<semaphore_mem>>) src(%arg6 : memref<80x16xf32, #tpu.memory_space<vmem>>) dst(%dma_wait3A_87 : memref<80x16xf32, #tpu.memory_space<vmem_shared>>)
      %mul3A_88 = arith.constant 640 : i32
      %mul3A_89 = arith.muli %arg1, %mul3A_88 : i32
      %dma_wait3A_90 = arith.constant 0 : i32
      %dma_wait3A_91 = tpu.memref_slice %arg9[%mul3A_89, %dma_wait3A_90] : memref<10000x16xf32, #tpu.memory_space<vmem_shared>> -> memref<80x16xf32, #tpu.memory_space<vmem_shared>>
      %dma_wait3A_92 = arith.constant 0 : i32
      %dma_wait3A_93 = tpu.memref_slice %arg9[%mul3A_89, %dma_wait3A_92] : memref<10000x16xf32, #tpu.memory_space<vmem_shared>> -> memref<80x16xf32, #tpu.memory_space<vmem_shared>>
      tpu.wait_dma2 semaphore(%arg10 : memref<!tpu.dma_semaphore, #tpu.memory_space<semaphore_mem>>) src(%arg6 : memref<80x16xf32, #tpu.memory_space<vmem>>) dst(%dma_wait3A_93 : memref<80x16xf32, #tpu.memory_space<vmem_shared>>)
      %mul3A_94 = arith.constant 640 : i32
      %mul3A_95 = arith.muli %arg1, %mul3A_94 : i32
      %dma_wait3A_96 = arith.constant 0 : i32
      %dma_wait3A_97 = tpu.memref_slice %arg9[%mul3A_95, %dma_wait3A_96] : memref<10000x16xf32, #tpu.memory_space<vmem_shared>> -> memref<80x16xf32, #tpu.memory_space<vmem_shared>>
      %dma_wait3A_98 = arith.constant 0 : i32
      %dma_wait3A_99 = tpu.memref_slice %arg9[%mul3A_95, %dma_wait3A_98] : memref<10000x16xf32, #tpu.memory_space<vmem_shared>> -> memref<80x16xf32, #tpu.memory_space<vmem_shared>>
      tpu.wait_dma2 semaphore(%arg10 : memref<!tpu.dma_semaphore, #tpu.memory_space<semaphore_mem>>) src(%arg6 : memref<80x16xf32, #tpu.memory_space<vmem>>) dst(%dma_wait3A_99 : memref<80x16xf32, #tpu.memory_space<vmem_shared>>)
      %mul3A_100 = arith.constant 640 : i32
      %mul3A_101 = arith.muli %arg1, %mul3A_100 : i32
      %dma_wait3A_102 = arith.constant 0 : i32
      %dma_wait3A_103 = tpu.memref_slice %arg9[%mul3A_101, %dma_wait3A_102] : memref<10000x16xf32, #tpu.memory_space<vmem_shared>> -> memref<80x16xf32, #tpu.memory_space<vmem_shared>>
      %dma_wait3A_104 = arith.constant 0 : i32
      %dma_wait3A_105 = tpu.memref_slice %arg9[%mul3A_101, %dma_wait3A_104] : memref<10000x16xf32, #tpu.memory_space<vmem_shared>> -> memref<80x16xf32, #tpu.memory_space<vmem_shared>>
      tpu.wait_dma2 semaphore(%arg10 : memref<!tpu.dma_semaphore, #tpu.memory_space<semaphore_mem>>) src(%arg6 : memref<80x16xf32, #tpu.memory_space<vmem>>) dst(%dma_wait3A_105 : memref<80x16xf32, #tpu.memory_space<vmem_shared>>)
      %mul3A_106 = arith.constant 640 : i32
      %mul3A_107 = arith.muli %arg1, %mul3A_106 : i32
      %dma_wait3A_108 = arith.constant 0 : i32
      %dma_wait3A_109 = tpu.memref_slice %arg9[%mul3A_107, %dma_wait3A_108] : memref<10000x16xf32, #tpu.memory_space<vmem_shared>> -> memref<80x16xf32, #tpu.memory_space<vmem_shared>>
      %dma_wait3A_110 = arith.constant 0 : i32
      %dma_wait3A_111 = tpu.memref_slice %arg9[%mul3A_107, %dma_wait3A_110] : memref<10000x16xf32, #tpu.memory_space<vmem_shared>> -> memref<80x16xf32, #tpu.memory_space<vmem_shared>>
      tpu.wait_dma2 semaphore(%arg10 : memref<!tpu.dma_semaphore, #tpu.memory_space<semaphore_mem>>) src(%arg6 : memref<80x16xf32, #tpu.memory_space<vmem>>) dst(%dma_wait3A_111 : memref<80x16xf32, #tpu.memory_space<vmem_shared>>)
    } else {
    }
    %dma_wait3A = arith.constant 0 : i32
    %dma_wait3A_13 = arith.constant 0 : i32
    %dma_wait3A_14 = tpu.memref_slice %arg2[%arg1, %dma_wait3A, %dma_wait3A_13] : memref<16x250x80xi32, #tpu.memory_space<hbm>> -> memref<1x250x80xi32, #tpu.memory_space<hbm>>
    %dma_wait3A_15 = tpu.memref_squeeze %dma_wait3A_14 : memref<1x250x80xi32, #tpu.memory_space<hbm>> -> memref<250x80xi32, #tpu.memory_space<hbm>>
    %dma_wait3A_16 = arith.constant 0 : i32
    %dma_wait3A_17 = arith.constant 0 : i32
    %dma_wait3A_18 = tpu.memref_slice %arg2[%arg1, %dma_wait3A_16, %dma_wait3A_17] : memref<16x250x80xi32, #tpu.memory_space<hbm>> -> memref<1x250x80xi32, #tpu.memory_space<hbm>>
    %dma_wait3A_19 = tpu.memref_squeeze %dma_wait3A_18 : memref<1x250x80xi32, #tpu.memory_space<hbm>> -> memref<250x80xi32, #tpu.memory_space<hbm>>
    tpu.wait_dma2 semaphore(%arg11 : memref<!tpu.dma_semaphore, #tpu.memory_space<semaphore_mem>>) src(%dma_wait3A_19 : memref<250x80xi32, #tpu.memory_space<hbm>>) dst(%arg7 : memref<250x80xi32, #tpu.memory_space<vmem>>)
    %barrier3A = arith.constant 0 : index
    tpu.barrier barrier_id(%barrier3A)
    %mul3A = arith.constant 125 : i32
    %mul3A_20 = arith.muli %arg0, %mul3A : i32
    %scan3A = arith.constant 0 : i32
    %scan3A_21 = arith.constant 0 : i32
    %scan3A_22 = arith.constant 125 : i32
    %scan3A_23 = arith.addi %scan3A_21, %scan3A_22 : i32
    %scan3A_24 = arith.constant 1 : i32
    scf.for %scan3A_43 = %scan3A_21 to %scan3A_23 step %scan3A_24  : i32 {
      %add3A = arith.addi %mul3A_20, %scan3A_43 : i32
      %dma_start3A_44 = arith.constant 0 : i32
      %dma_start3A_45 = tpu.memref_slice %arg7[%add3A, %dma_start3A_44] : memref<250x80xi32, #tpu.memory_space<vmem>> -> memref<1x80xi32, #tpu.memory_space<vmem>>
      %dma_start3A_46 = tpu.memref_squeeze %dma_start3A_45 : memref<1x80xi32, #tpu.memory_space<vmem>> -> memref<80xi32, #tpu.memory_space<vmem>>
      %dma_start3A_47 = arith.constant 0 : i32
      %dma_start3A_48 = arith.constant 0 : i32
      %dma_start3A_49 = tpu.memref_slice %arg9[%dma_start3A_47, %dma_start3A_48] : memref<10000x16xf32, #tpu.memory_space<vmem_shared>> -> memref<10000x16xf32, #tpu.memory_space<vmem_shared>>
      tpu.enqueue_indirect_dma source(%arg8 : memref<80x16xf32, #tpu.memory_space<vmem>>) target(%dma_start3A_49 : memref<10000x16xf32, #tpu.memory_space<vmem_shared>>) offsets(%dma_start3A_46 : memref<80xi32, #tpu.memory_space<vmem>>) semaphore(%arg10 : memref<!tpu.dma_semaphore, #tpu.memory_space<semaphore_mem>>) {add = true}
    }
    %scan3A_25 = arith.constant 125 : i32
    %scan3A_26 = arith.constant 0 : i32
    %scan3A_27 = arith.constant 0 : i32
    %scan3A_28 = arith.constant 125 : i32
    %scan3A_29 = arith.addi %scan3A_27, %scan3A_28 : i32
    %scan3A_30 = arith.constant 1 : i32
    scf.for %scan3A_43 = %scan3A_27 to %scan3A_29 step %scan3A_30  : i32 {
      %dma_wait3A_44 = arith.constant 0 : i32
      %dma_wait3A_45 = tpu.memref_slice %arg7[%mul3A_20, %dma_wait3A_44] : memref<250x80xi32, #tpu.memory_space<vmem>> -> memref<1x80xi32, #tpu.memory_space<vmem>>
      %dma_wait3A_46 = tpu.memref_squeeze %dma_wait3A_45 : memref<1x80xi32, #tpu.memory_space<vmem>> -> memref<80xi32, #tpu.memory_space<vmem>>
      %dma_wait3A_47 = arith.constant 0 : i32
      %dma_wait3A_48 = arith.constant 0 : i32
      %dma_wait3A_49 = tpu.memref_slice %arg9[%dma_wait3A_47, %dma_wait3A_48] : memref<10000x16xf32, #tpu.memory_space<vmem_shared>> -> memref<10000x16xf32, #tpu.memory_space<vmem_shared>>
      tpu.wait_indirect_dma semaphore(%arg10 : memref<!tpu.dma_semaphore, #tpu.memory_space<semaphore_mem>>) src(%arg8 : memref<80x16xf32, #tpu.memory_space<vmem>>) dst(%dma_wait3A_49 : memref<10000x16xf32, #tpu.memory_space<vmem_shared>>)
    }
    %scan3A_31 = arith.constant 125 : i32
    %barrier3A_32 = arith.constant 0 : index
    tpu.barrier barrier_id(%barrier3A_32)
    %ne3A_33 = arith.constant 15 : i32
    %ne3A_34 = arith.cmpi ne, %arg1, %ne3A_33 : i32
    %convert_element_type3A_35 = arith.extui %ne3A_34 : i1 to i32
    %cond3A_36 = arith.constant 0 : i32
    %cond3A_37 = arith.cmpi ne, %convert_element_type3A_35, %cond3A_36 : i32
    scf.if %cond3A_37 {
      %mul3A_43 = arith.constant 10000 : i32
      %mul3A_44 = arith.muli %arg0, %mul3A_43 : i32
      %mul3A_45 = arith.constant 640 : i32
      %mul3A_46 = arith.muli %arg1, %mul3A_45 : i32
      %add3A = arith.addi %mul3A_44, %mul3A_46 : i32
      %mul3A_47 = arith.constant 640 : i32
      %mul3A_48 = arith.muli %arg1, %mul3A_47 : i32
      %add3A_49 = arith.constant 0 : i32
      %add3A_50 = arith.addi %mul3A_48, %add3A_49 : i32
      "tpu.region"() ({
        %run_scoped3A = tpu.sem_alloc : memref<!tpu.dma_semaphore, #tpu.memory_space<semaphore_mem>>
        %dma_start3A_159 = arith.constant 0 : i32
        %dma_start3A_160 = tpu.memref_slice %arg9[%add3A_50, %dma_start3A_159] : memref<10000x16xf32, #tpu.memory_space<vmem_shared>> -> memref<80x16xf32, #tpu.memory_space<vmem_shared>>
        %dma_start3A_161 = arith.constant 0 : i32
        %dma_start3A_162 = tpu.memref_slice %arg9[%add3A_50, %dma_start3A_161] : memref<10000x16xf32, #tpu.memory_space<vmem_shared>> -> memref<80x16xf32, #tpu.memory_space<vmem_shared>>
        tpu.enqueue_dma source(%dma_start3A_162 : memref<80x16xf32, #tpu.memory_space<vmem_shared>>) target(%arg6 : memref<80x16xf32, #tpu.memory_space<vmem>>) target_semaphore(%run_scoped3A : memref<!tpu.dma_semaphore, #tpu.memory_space<semaphore_mem>>)
        %dma_wait3A_163 = arith.constant 0 : i32
        %dma_wait3A_164 = tpu.memref_slice %arg9[%add3A_50, %dma_wait3A_163] : memref<10000x16xf32, #tpu.memory_space<vmem_shared>> -> memref<80x16xf32, #tpu.memory_space<vmem_shared>>
        %dma_wait3A_165 = arith.constant 0 : i32
        %dma_wait3A_166 = tpu.memref_slice %arg9[%add3A_50, %dma_wait3A_165] : memref<10000x16xf32, #tpu.memory_space<vmem_shared>> -> memref<80x16xf32, #tpu.memory_space<vmem_shared>>
        tpu.wait_dma2 semaphore(%run_scoped3A : memref<!tpu.dma_semaphore, #tpu.memory_space<semaphore_mem>>) src(%dma_wait3A_166 : memref<80x16xf32, #tpu.memory_space<vmem_shared>>) dst(%arg6 : memref<80x16xf32, #tpu.memory_space<vmem>>)
        tpu.yield
      }) : () -> ()
      %add3A_51 = arith.constant 0 : i32
      %add3A_52 = arith.addi %add3A, %add3A_51 : i32
      %dma_start3A_53 = arith.constant 0 : i32
      %dma_start3A_54 = tpu.memref_slice %arg5[%add3A_52, %dma_start3A_53] : memref<20000x16xf32, #tpu.memory_space<hbm>> -> memref<80x16xf32, #tpu.memory_space<hbm>>
      %dma_start3A_55 = arith.constant 0 : i32
      %dma_start3A_56 = tpu.memref_slice %arg5[%add3A_52, %dma_start3A_55] : memref<20000x16xf32, #tpu.memory_space<hbm>> -> memref<80x16xf32, #tpu.memory_space<hbm>>
      tpu.enqueue_dma source(%arg6 : memref<80x16xf32, #tpu.memory_space<vmem>>) target(%dma_start3A_56 : memref<80x16xf32, #tpu.memory_space<hbm>>) target_semaphore(%arg10 : memref<!tpu.dma_semaphore, #tpu.memory_space<semaphore_mem>>)
      %mul3A_57 = arith.constant 640 : i32
      %mul3A_58 = arith.muli %arg1, %mul3A_57 : i32
      %add3A_59 = arith.constant 80 : i32
      %add3A_60 = arith.addi %mul3A_58, %add3A_59 : i32
      "tpu.region"() ({
        %run_scoped3A = tpu.sem_alloc : memref<!tpu.dma_semaphore, #tpu.memory_space<semaphore_mem>>
        %dma_start3A_159 = arith.constant 0 : i32
        %dma_start3A_160 = tpu.memref_slice %arg9[%add3A_60, %dma_start3A_159] : memref<10000x16xf32, #tpu.memory_space<vmem_shared>> -> memref<80x16xf32, #tpu.memory_space<vmem_shared>>
        %dma_start3A_161 = arith.constant 0 : i32
        %dma_start3A_162 = tpu.memref_slice %arg9[%add3A_60, %dma_start3A_161] : memref<10000x16xf32, #tpu.memory_space<vmem_shared>> -> memref<80x16xf32, #tpu.memory_space<vmem_shared>>
        tpu.enqueue_dma source(%dma_start3A_162 : memref<80x16xf32, #tpu.memory_space<vmem_shared>>) target(%arg8 : memref<80x16xf32, #tpu.memory_space<vmem>>) target_semaphore(%run_scoped3A : memref<!tpu.dma_semaphore, #tpu.memory_space<semaphore_mem>>)
        %dma_wait3A_163 = arith.constant 0 : i32
        %dma_wait3A_164 = tpu.memref_slice %arg9[%add3A_60, %dma_wait3A_163] : memref<10000x16xf32, #tpu.memory_space<vmem_shared>> -> memref<80x16xf32, #tpu.memory_space<vmem_shared>>
        %dma_wait3A_165 = arith.constant 0 : i32
        %dma_wait3A_166 = tpu.memref_slice %arg9[%add3A_60, %dma_wait3A_165] : memref<10000x16xf32, #tpu.memory_space<vmem_shared>> -> memref<80x16xf32, #tpu.memory_space<vmem_shared>>
        tpu.wait_dma2 semaphore(%run_scoped3A : memref<!tpu.dma_semaphore, #tpu.memory_space<semaphore_mem>>) src(%dma_wait3A_166 : memref<80x16xf32, #tpu.memory_space<vmem_shared>>) dst(%arg8 : memref<80x16xf32, #tpu.memory_space<vmem>>)
        tpu.yield
      }) : () -> ()
      %add3A_61 = arith.constant 80 : i32
      %add3A_62 = arith.addi %add3A, %add3A_61 : i32
      %dma_start3A_63 = arith.constant 0 : i32
      %dma_start3A_64 = tpu.memref_slice %arg5[%add3A_62, %dma_start3A_63] : memref<20000x16xf32, #tpu.memory_space<hbm>> -> memref<80x16xf32, #tpu.memory_space<hbm>>
      %dma_start3A_65 = arith.constant 0 : i32
      %dma_start3A_66 = tpu.memref_slice %arg5[%add3A_62, %dma_start3A_65] : memref<20000x16xf32, #tpu.memory_space<hbm>> -> memref<80x16xf32, #tpu.memory_space<hbm>>
      tpu.enqueue_dma source(%arg8 : memref<80x16xf32, #tpu.memory_space<vmem>>) target(%dma_start3A_66 : memref<80x16xf32, #tpu.memory_space<hbm>>) target_semaphore(%arg11 : memref<!tpu.dma_semaphore, #tpu.memory_space<semaphore_mem>>)
      %dma_wait3A_67 = arith.constant 0 : i32
      %dma_wait3A_68 = tpu.memref_slice %arg5[%add3A, %dma_wait3A_67] : memref<20000x16xf32, #tpu.memory_space<hbm>> -> memref<80x16xf32, #tpu.memory_space<hbm>>
      %dma_wait3A_69 = arith.constant 0 : i32
      %dma_wait3A_70 = tpu.memref_slice %arg5[%add3A, %dma_wait3A_69] : memref<20000x16xf32, #tpu.memory_space<hbm>> -> memref<80x16xf32, #tpu.memory_space<hbm>>
      tpu.wait_dma2 semaphore(%arg10 : memref<!tpu.dma_semaphore, #tpu.memory_space<semaphore_mem>>) src(%arg6 : memref<80x16xf32, #tpu.memory_space<vmem>>) dst(%dma_wait3A_70 : memref<80x16xf32, #tpu.memory_space<hbm>>)
      %mul3A_71 = arith.constant 640 : i32
      %mul3A_72 = arith.muli %arg1, %mul3A_71 : i32
      %add3A_73 = arith.constant 160 : i32
      %add3A_74 = arith.addi %mul3A_72, %add3A_73 : i32
      "tpu.region"() ({
        %run_scoped3A = tpu.sem_alloc : memref<!tpu.dma_semaphore, #tpu.memory_space<semaphore_mem>>
        %dma_start3A_159 = arith.constant 0 : i32
        %dma_start3A_160 = tpu.memref_slice %arg9[%add3A_74, %dma_start3A_159] : memref<10000x16xf32, #tpu.memory_space<vmem_shared>> -> memref<80x16xf32, #tpu.memory_space<vmem_shared>>
        %dma_start3A_161 = arith.constant 0 : i32
        %dma_start3A_162 = tpu.memref_slice %arg9[%add3A_74, %dma_start3A_161] : memref<10000x16xf32, #tpu.memory_space<vmem_shared>> -> memref<80x16xf32, #tpu.memory_space<vmem_shared>>
        tpu.enqueue_dma source(%dma_start3A_162 : memref<80x16xf32, #tpu.memory_space<vmem_shared>>) target(%arg6 : memref<80x16xf32, #tpu.memory_space<vmem>>) target_semaphore(%run_scoped3A : memref<!tpu.dma_semaphore, #tpu.memory_space<semaphore_mem>>)
        %dma_wait3A_163 = arith.constant 0 : i32
        %dma_wait3A_164 = tpu.memref_slice %arg9[%add3A_74, %dma_wait3A_163] : memref<10000x16xf32, #tpu.memory_space<vmem_shared>> -> memref<80x16xf32, #tpu.memory_space<vmem_shared>>
        %dma_wait3A_165 = arith.constant 0 : i32
        %dma_wait3A_166 = tpu.memref_slice %arg9[%add3A_74, %dma_wait3A_165] : memref<10000x16xf32, #tpu.memory_space<vmem_shared>> -> memref<80x16xf32, #tpu.memory_space<vmem_shared>>
        tpu.wait_dma2 semaphore(%run_scoped3A : memref<!tpu.dma_semaphore, #tpu.memory_space<semaphore_mem>>) src(%dma_wait3A_166 : memref<80x16xf32, #tpu.memory_space<vmem_shared>>) dst(%arg6 : memref<80x16xf32, #tpu.memory_space<vmem>>)
        tpu.yield
      }) : () -> ()
      %add3A_75 = arith.constant 160 : i32
      %add3A_76 = arith.addi %add3A, %add3A_75 : i32
      %dma_start3A_77 = arith.constant 0 : i32
      %dma_start3A_78 = tpu.memref_slice %arg5[%add3A_76, %dma_start3A_77] : memref<20000x16xf32, #tpu.memory_space<hbm>> -> memref<80x16xf32, #tpu.memory_space<hbm>>
      %dma_start3A_79 = arith.constant 0 : i32
      %dma_start3A_80 = tpu.memref_slice %arg5[%add3A_76, %dma_start3A_79] : memref<20000x16xf32, #tpu.memory_space<hbm>> -> memref<80x16xf32, #tpu.memory_space<hbm>>
      tpu.enqueue_dma source(%arg6 : memref<80x16xf32, #tpu.memory_space<vmem>>) target(%dma_start3A_80 : memref<80x16xf32, #tpu.memory_space<hbm>>) target_semaphore(%arg10 : memref<!tpu.dma_semaphore, #tpu.memory_space<semaphore_mem>>)
      %dma_wait3A_81 = arith.constant 0 : i32
      %dma_wait3A_82 = tpu.memref_slice %arg5[%add3A, %dma_wait3A_81] : memref<20000x16xf32, #tpu.memory_space<hbm>> -> memref<80x16xf32, #tpu.memory_space<hbm>>
      %dma_wait3A_83 = arith.constant 0 : i32
      %dma_wait3A_84 = tpu.memref_slice %arg5[%add3A, %dma_wait3A_83] : memref<20000x16xf32, #tpu.memory_space<hbm>> -> memref<80x16xf32, #tpu.memory_space<hbm>>
      tpu.wait_dma2 semaphore(%arg11 : memref<!tpu.dma_semaphore, #tpu.memory_space<semaphore_mem>>) src(%arg8 : memref<80x16xf32, #tpu.memory_space<vmem>>) dst(%dma_wait3A_84 : memref<80x16xf32, #tpu.memory_space<hbm>>)
      %mul3A_85 = arith.constant 640 : i32
      %mul3A_86 = arith.muli %arg1, %mul3A_85 : i32
      %add3A_87 = arith.constant 240 : i32
      %add3A_88 = arith.addi %mul3A_86, %add3A_87 : i32
      "tpu.region"() ({
        %run_scoped3A = tpu.sem_alloc : memref<!tpu.dma_semaphore, #tpu.memory_space<semaphore_mem>>
        %dma_start3A_159 = arith.constant 0 : i32
        %dma_start3A_160 = tpu.memref_slice %arg9[%add3A_88, %dma_start3A_159] : memref<10000x16xf32, #tpu.memory_space<vmem_shared>> -> memref<80x16xf32, #tpu.memory_space<vmem_shared>>
        %dma_start3A_161 = arith.constant 0 : i32
        %dma_start3A_162 = tpu.memref_slice %arg9[%add3A_88, %dma_start3A_161] : memref<10000x16xf32, #tpu.memory_space<vmem_shared>> -> memref<80x16xf32, #tpu.memory_space<vmem_shared>>
        tpu.enqueue_dma source(%dma_start3A_162 : memref<80x16xf32, #tpu.memory_space<vmem_shared>>) target(%arg8 : memref<80x16xf32, #tpu.memory_space<vmem>>) target_semaphore(%run_scoped3A : memref<!tpu.dma_semaphore, #tpu.memory_space<semaphore_mem>>)
        %dma_wait3A_163 = arith.constant 0 : i32
        %dma_wait3A_164 = tpu.memref_slice %arg9[%add3A_88, %dma_wait3A_163] : memref<10000x16xf32, #tpu.memory_space<vmem_shared>> -> memref<80x16xf32, #tpu.memory_space<vmem_shared>>
        %dma_wait3A_165 = arith.constant 0 : i32
        %dma_wait3A_166 = tpu.memref_slice %arg9[%add3A_88, %dma_wait3A_165] : memref<10000x16xf32, #tpu.memory_space<vmem_shared>> -> memref<80x16xf32, #tpu.memory_space<vmem_shared>>
        tpu.wait_dma2 semaphore(%run_scoped3A : memref<!tpu.dma_semaphore, #tpu.memory_space<semaphore_mem>>) src(%dma_wait3A_166 : memref<80x16xf32, #tpu.memory_space<vmem_shared>>) dst(%arg8 : memref<80x16xf32, #tpu.memory_space<vmem>>)
        tpu.yield
      }) : () -> ()
      %add3A_89 = arith.constant 240 : i32
      %add3A_90 = arith.addi %add3A, %add3A_89 : i32
      %dma_start3A_91 = arith.constant 0 : i32
      %dma_start3A_92 = tpu.memref_slice %arg5[%add3A_90, %dma_start3A_91] : memref<20000x16xf32, #tpu.memory_space<hbm>> -> memref<80x16xf32, #tpu.memory_space<hbm>>
      %dma_start3A_93 = arith.constant 0 : i32
      %dma_start3A_94 = tpu.memref_slice %arg5[%add3A_90, %dma_start3A_93] : memref<20000x16xf32, #tpu.memory_space<hbm>> -> memref<80x16xf32, #tpu.memory_space<hbm>>
      tpu.enqueue_dma source(%arg8 : memref<80x16xf32, #tpu.memory_space<vmem>>) target(%dma_start3A_94 : memref<80x16xf32, #tpu.memory_space<hbm>>) target_semaphore(%arg11 : memref<!tpu.dma_semaphore, #tpu.memory_space<semaphore_mem>>)
      %dma_wait3A_95 = arith.constant 0 : i32
      %dma_wait3A_96 = tpu.memref_slice %arg5[%add3A, %dma_wait3A_95] : memref<20000x16xf32, #tpu.memory_space<hbm>> -> memref<80x16xf32, #tpu.memory_space<hbm>>
      %dma_wait3A_97 = arith.constant 0 : i32
      %dma_wait3A_98 = tpu.memref_slice %arg5[%add3A, %dma_wait3A_97] : memref<20000x16xf32, #tpu.memory_space<hbm>> -> memref<80x16xf32, #tpu.memory_space<hbm>>
      tpu.wait_dma2 semaphore(%arg10 : memref<!tpu.dma_semaphore, #tpu.memory_space<semaphore_mem>>) src(%arg6 : memref<80x16xf32, #tpu.memory_space<vmem>>) dst(%dma_wait3A_98 : memref<80x16xf32, #tpu.memory_space<hbm>>)
      %mul3A_99 = arith.constant 640 : i32
      %mul3A_100 = arith.muli %arg1, %mul3A_99 : i32
      %add3A_101 = arith.constant 320 : i32
      %add3A_102 = arith.addi %mul3A_100, %add3A_101 : i32
      "tpu.region"() ({
        %run_scoped3A = tpu.sem_alloc : memref<!tpu.dma_semaphore, #tpu.memory_space<semaphore_mem>>
        %dma_start3A_159 = arith.constant 0 : i32
        %dma_start3A_160 = tpu.memref_slice %arg9[%add3A_102, %dma_start3A_159] : memref<10000x16xf32, #tpu.memory_space<vmem_shared>> -> memref<80x16xf32, #tpu.memory_space<vmem_shared>>
        %dma_start3A_161 = arith.constant 0 : i32
        %dma_start3A_162 = tpu.memref_slice %arg9[%add3A_102, %dma_start3A_161] : memref<10000x16xf32, #tpu.memory_space<vmem_shared>> -> memref<80x16xf32, #tpu.memory_space<vmem_shared>>
        tpu.enqueue_dma source(%dma_start3A_162 : memref<80x16xf32, #tpu.memory_space<vmem_shared>>) target(%arg6 : memref<80x16xf32, #tpu.memory_space<vmem>>) target_semaphore(%run_scoped3A : memref<!tpu.dma_semaphore, #tpu.memory_space<semaphore_mem>>)
        %dma_wait3A_163 = arith.constant 0 : i32
        %dma_wait3A_164 = tpu.memref_slice %arg9[%add3A_102, %dma_wait3A_163] : memref<10000x16xf32, #tpu.memory_space<vmem_shared>> -> memref<80x16xf32, #tpu.memory_space<vmem_shared>>
        %dma_wait3A_165 = arith.constant 0 : i32
        %dma_wait3A_166 = tpu.memref_slice %arg9[%add3A_102, %dma_wait3A_165] : memref<10000x16xf32, #tpu.memory_space<vmem_shared>> -> memref<80x16xf32, #tpu.memory_space<vmem_shared>>
        tpu.wait_dma2 semaphore(%run_scoped3A : memref<!tpu.dma_semaphore, #tpu.memory_space<semaphore_mem>>) src(%dma_wait3A_166 : memref<80x16xf32, #tpu.memory_space<vmem_shared>>) dst(%arg6 : memref<80x16xf32, #tpu.memory_space<vmem>>)
        tpu.yield
      }) : () -> ()
      %add3A_103 = arith.constant 320 : i32
      %add3A_104 = arith.addi %add3A, %add3A_103 : i32
      %dma_start3A_105 = arith.constant 0 : i32
      %dma_start3A_106 = tpu.memref_slice %arg5[%add3A_104, %dma_start3A_105] : memref<20000x16xf32, #tpu.memory_space<hbm>> -> memref<80x16xf32, #tpu.memory_space<hbm>>
      %dma_start3A_107 = arith.constant 0 : i32
      %dma_start3A_108 = tpu.memref_slice %arg5[%add3A_104, %dma_start3A_107] : memref<20000x16xf32, #tpu.memory_space<hbm>> -> memref<80x16xf32, #tpu.memory_space<hbm>>
      tpu.enqueue_dma source(%arg6 : memref<80x16xf32, #tpu.memory_space<vmem>>) target(%dma_start3A_108 : memref<80x16xf32, #tpu.memory_space<hbm>>) target_semaphore(%arg10 : memref<!tpu.dma_semaphore, #tpu.memory_space<semaphore_mem>>)
      %dma_wait3A_109 = arith.constant 0 : i32
      %dma_wait3A_110 = tpu.memref_slice %arg5[%add3A, %dma_wait3A_109] : memref<20000x16xf32, #tpu.memory_space<hbm>> -> memref<80x16xf32, #tpu.memory_space<hbm>>
      %dma_wait3A_111 = arith.constant 0 : i32
      %dma_wait3A_112 = tpu.memref_slice %arg5[%add3A, %dma_wait3A_111] : memref<20000x16xf32, #tpu.memory_space<hbm>> -> memref<80x16xf32, #tpu.memory_space<hbm>>
      tpu.wait_dma2 semaphore(%arg11 : memref<!tpu.dma_semaphore, #tpu.memory_space<semaphore_mem>>) src(%arg8 : memref<80x16xf32, #tpu.memory_space<vmem>>) dst(%dma_wait3A_112 : memref<80x16xf32, #tpu.memory_space<hbm>>)
      %mul3A_113 = arith.constant 640 : i32
      %mul3A_114 = arith.muli %arg1, %mul3A_113 : i32
      %add3A_115 = arith.constant 400 : i32
      %add3A_116 = arith.addi %mul3A_114, %add3A_115 : i32
      "tpu.region"() ({
        %run_scoped3A = tpu.sem_alloc : memref<!tpu.dma_semaphore, #tpu.memory_space<semaphore_mem>>
        %dma_start3A_159 = arith.constant 0 : i32
        %dma_start3A_160 = tpu.memref_slice %arg9[%add3A_116, %dma_start3A_159] : memref<10000x16xf32, #tpu.memory_space<vmem_shared>> -> memref<80x16xf32, #tpu.memory_space<vmem_shared>>
        %dma_start3A_161 = arith.constant 0 : i32
        %dma_start3A_162 = tpu.memref_slice %arg9[%add3A_116, %dma_start3A_161] : memref<10000x16xf32, #tpu.memory_space<vmem_shared>> -> memref<80x16xf32, #tpu.memory_space<vmem_shared>>
        tpu.enqueue_dma source(%dma_start3A_162 : memref<80x16xf32, #tpu.memory_space<vmem_shared>>) target(%arg8 : memref<80x16xf32, #tpu.memory_space<vmem>>) target_semaphore(%run_scoped3A : memref<!tpu.dma_semaphore, #tpu.memory_space<semaphore_mem>>)
        %dma_wait3A_163 = arith.constant 0 : i32
        %dma_wait3A_164 = tpu.memref_slice %arg9[%add3A_116, %dma_wait3A_163] : memref<10000x16xf32, #tpu.memory_space<vmem_shared>> -> memref<80x16xf32, #tpu.memory_space<vmem_shared>>
        %dma_wait3A_165 = arith.constant 0 : i32
        %dma_wait3A_166 = tpu.memref_slice %arg9[%add3A_116, %dma_wait3A_165] : memref<10000x16xf32, #tpu.memory_space<vmem_shared>> -> memref<80x16xf32, #tpu.memory_space<vmem_shared>>
        tpu.wait_dma2 semaphore(%run_scoped3A : memref<!tpu.dma_semaphore, #tpu.memory_space<semaphore_mem>>) src(%dma_wait3A_166 : memref<80x16xf32, #tpu.memory_space<vmem_shared>>) dst(%arg8 : memref<80x16xf32, #tpu.memory_space<vmem>>)
        tpu.yield
      }) : () -> ()
      %add3A_117 = arith.constant 400 : i32
      %add3A_118 = arith.addi %add3A, %add3A_117 : i32
      %dma_start3A_119 = arith.constant 0 : i32
      %dma_start3A_120 = tpu.memref_slice %arg5[%add3A_118, %dma_start3A_119] : memref<20000x16xf32, #tpu.memory_space<hbm>> -> memref<80x16xf32, #tpu.memory_space<hbm>>
      %dma_start3A_121 = arith.constant 0 : i32
      %dma_start3A_122 = tpu.memref_slice %arg5[%add3A_118, %dma_start3A_121] : memref<20000x16xf32, #tpu.memory_space<hbm>> -> memref<80x16xf32, #tpu.memory_space<hbm>>
      tpu.enqueue_dma source(%arg8 : memref<80x16xf32, #tpu.memory_space<vmem>>) target(%dma_start3A_122 : memref<80x16xf32, #tpu.memory_space<hbm>>) target_semaphore(%arg11 : memref<!tpu.dma_semaphore, #tpu.memory_space<semaphore_mem>>)
      %dma_wait3A_123 = arith.constant 0 : i32
      %dma_wait3A_124 = tpu.memref_slice %arg5[%add3A, %dma_wait3A_123] : memref<20000x16xf32, #tpu.memory_space<hbm>> -> memref<80x16xf32, #tpu.memory_space<hbm>>
      %dma_wait3A_125 = arith.constant 0 : i32
      %dma_wait3A_126 = tpu.memref_slice %arg5[%add3A, %dma_wait3A_125] : memref<20000x16xf32, #tpu.memory_space<hbm>> -> memref<80x16xf32, #tpu.memory_space<hbm>>
      tpu.wait_dma2 semaphore(%arg10 : memref<!tpu.dma_semaphore, #tpu.memory_space<semaphore_mem>>) src(%arg6 : memref<80x16xf32, #tpu.memory_space<vmem>>) dst(%dma_wait3A_126 : memref<80x16xf32, #tpu.memory_space<hbm>>)
      %mul3A_127 = arith.constant 640 : i32
      %mul3A_128 = arith.muli %arg1, %mul3A_127 : i32
      %add3A_129 = arith.constant 480 : i32
      %add3A_130 = arith.addi %mul3A_128, %add3A_129 : i32
      "tpu.region"() ({
        %run_scoped3A = tpu.sem_alloc : memref<!tpu.dma_semaphore, #tpu.memory_space<semaphore_mem>>
        %dma_start3A_159 = arith.constant 0 : i32
        %dma_start3A_160 = tpu.memref_slice %arg9[%add3A_130, %dma_start3A_159] : memref<10000x16xf32, #tpu.memory_space<vmem_shared>> -> memref<80x16xf32, #tpu.memory_space<vmem_shared>>
        %dma_start3A_161 = arith.constant 0 : i32
        %dma_start3A_162 = tpu.memref_slice %arg9[%add3A_130, %dma_start3A_161] : memref<10000x16xf32, #tpu.memory_space<vmem_shared>> -> memref<80x16xf32, #tpu.memory_space<vmem_shared>>
        tpu.enqueue_dma source(%dma_start3A_162 : memref<80x16xf32, #tpu.memory_space<vmem_shared>>) target(%arg6 : memref<80x16xf32, #tpu.memory_space<vmem>>) target_semaphore(%run_scoped3A : memref<!tpu.dma_semaphore, #tpu.memory_space<semaphore_mem>>)
        %dma_wait3A_163 = arith.constant 0 : i32
        %dma_wait3A_164 = tpu.memref_slice %arg9[%add3A_130, %dma_wait3A_163] : memref<10000x16xf32, #tpu.memory_space<vmem_shared>> -> memref<80x16xf32, #tpu.memory_space<vmem_shared>>
        %dma_wait3A_165 = arith.constant 0 : i32
        %dma_wait3A_166 = tpu.memref_slice %arg9[%add3A_130, %dma_wait3A_165] : memref<10000x16xf32, #tpu.memory_space<vmem_shared>> -> memref<80x16xf32, #tpu.memory_space<vmem_shared>>
        tpu.wait_dma2 semaphore(%run_scoped3A : memref<!tpu.dma_semaphore, #tpu.memory_space<semaphore_mem>>) src(%dma_wait3A_166 : memref<80x16xf32, #tpu.memory_space<vmem_shared>>) dst(%arg6 : memref<80x16xf32, #tpu.memory_space<vmem>>)
        tpu.yield
      }) : () -> ()
      %add3A_131 = arith.constant 480 : i32
      %add3A_132 = arith.addi %add3A, %add3A_131 : i32
      %dma_start3A_133 = arith.constant 0 : i32
      %dma_start3A_134 = tpu.memref_slice %arg5[%add3A_132, %dma_start3A_133] : memref<20000x16xf32, #tpu.memory_space<hbm>> -> memref<80x16xf32, #tpu.memory_space<hbm>>
      %dma_start3A_135 = arith.constant 0 : i32
      %dma_start3A_136 = tpu.memref_slice %arg5[%add3A_132, %dma_start3A_135] : memref<20000x16xf32, #tpu.memory_space<hbm>> -> memref<80x16xf32, #tpu.memory_space<hbm>>
      tpu.enqueue_dma source(%arg6 : memref<80x16xf32, #tpu.memory_space<vmem>>) target(%dma_start3A_136 : memref<80x16xf32, #tpu.memory_space<hbm>>) target_semaphore(%arg10 : memref<!tpu.dma_semaphore, #tpu.memory_space<semaphore_mem>>)
      %dma_wait3A_137 = arith.constant 0 : i32
      %dma_wait3A_138 = tpu.memref_slice %arg5[%add3A, %dma_wait3A_137] : memref<20000x16xf32, #tpu.memory_space<hbm>> -> memref<80x16xf32, #tpu.memory_space<hbm>>
      %dma_wait3A_139 = arith.constant 0 : i32
      %dma_wait3A_140 = tpu.memref_slice %arg5[%add3A, %dma_wait3A_139] : memref<20000x16xf32, #tpu.memory_space<hbm>> -> memref<80x16xf32, #tpu.memory_space<hbm>>
      tpu.wait_dma2 semaphore(%arg11 : memref<!tpu.dma_semaphore, #tpu.memory_space<semaphore_mem>>) src(%arg8 : memref<80x16xf32, #tpu.memory_space<vmem>>) dst(%dma_wait3A_140 : memref<80x16xf32, #tpu.memory_space<hbm>>)
      %mul3A_141 = arith.constant 640 : i32
      %mul3A_142 = arith.muli %arg1, %mul3A_141 : i32
      %add3A_143 = arith.constant 560 : i32
      %add3A_144 = arith.addi %mul3A_142, %add3A_143 : i32
      "tpu.region"() ({
        %run_scoped3A = tpu.sem_alloc : memref<!tpu.dma_semaphore, #tpu.memory_space<semaphore_mem>>
        %dma_start3A_159 = arith.constant 0 : i32
        %dma_start3A_160 = tpu.memref_slice %arg9[%add3A_144, %dma_start3A_159] : memref<10000x16xf32, #tpu.memory_space<vmem_shared>> -> memref<80x16xf32, #tpu.memory_space<vmem_shared>>
        %dma_start3A_161 = arith.constant 0 : i32
        %dma_start3A_162 = tpu.memref_slice %arg9[%add3A_144, %dma_start3A_161] : memref<10000x16xf32, #tpu.memory_space<vmem_shared>> -> memref<80x16xf32, #tpu.memory_space<vmem_shared>>
        tpu.enqueue_dma source(%dma_start3A_162 : memref<80x16xf32, #tpu.memory_space<vmem_shared>>) target(%arg8 : memref<80x16xf32, #tpu.memory_space<vmem>>) target_semaphore(%run_scoped3A : memref<!tpu.dma_semaphore, #tpu.memory_space<semaphore_mem>>)
        %dma_wait3A_163 = arith.constant 0 : i32
        %dma_wait3A_164 = tpu.memref_slice %arg9[%add3A_144, %dma_wait3A_163] : memref<10000x16xf32, #tpu.memory_space<vmem_shared>> -> memref<80x16xf32, #tpu.memory_space<vmem_shared>>
        %dma_wait3A_165 = arith.constant 0 : i32
        %dma_wait3A_166 = tpu.memref_slice %arg9[%add3A_144, %dma_wait3A_165] : memref<10000x16xf32, #tpu.memory_space<vmem_shared>> -> memref<80x16xf32, #tpu.memory_space<vmem_shared>>
        tpu.wait_dma2 semaphore(%run_scoped3A : memref<!tpu.dma_semaphore, #tpu.memory_space<semaphore_mem>>) src(%dma_wait3A_166 : memref<80x16xf32, #tpu.memory_space<vmem_shared>>) dst(%arg8 : memref<80x16xf32, #tpu.memory_space<vmem>>)
        tpu.yield
      }) : () -> ()
      %add3A_145 = arith.constant 560 : i32
      %add3A_146 = arith.addi %add3A, %add3A_145 : i32
      %dma_start3A_147 = arith.constant 0 : i32
      %dma_start3A_148 = tpu.memref_slice %arg5[%add3A_146, %dma_start3A_147] : memref<20000x16xf32, #tpu.memory_space<hbm>> -> memref<80x16xf32, #tpu.memory_space<hbm>>
      %dma_start3A_149 = arith.constant 0 : i32
      %dma_start3A_150 = tpu.memref_slice %arg5[%add3A_146, %dma_start3A_149] : memref<20000x16xf32, #tpu.memory_space<hbm>> -> memref<80x16xf32, #tpu.memory_space<hbm>>
      tpu.enqueue_dma source(%arg8 : memref<80x16xf32, #tpu.memory_space<vmem>>) target(%dma_start3A_150 : memref<80x16xf32, #tpu.memory_space<hbm>>) target_semaphore(%arg11 : memref<!tpu.dma_semaphore, #tpu.memory_space<semaphore_mem>>)
      %dma_wait3A_151 = arith.constant 0 : i32
      %dma_wait3A_152 = tpu.memref_slice %arg5[%add3A, %dma_wait3A_151] : memref<20000x16xf32, #tpu.memory_space<hbm>> -> memref<80x16xf32, #tpu.memory_space<hbm>>
      %dma_wait3A_153 = arith.constant 0 : i32
      %dma_wait3A_154 = tpu.memref_slice %arg5[%add3A, %dma_wait3A_153] : memref<20000x16xf32, #tpu.memory_space<hbm>> -> memref<80x16xf32, #tpu.memory_space<hbm>>
      tpu.wait_dma2 semaphore(%arg10 : memref<!tpu.dma_semaphore, #tpu.memory_space<semaphore_mem>>) src(%arg6 : memref<80x16xf32, #tpu.memory_space<vmem>>) dst(%dma_wait3A_154 : memref<80x16xf32, #tpu.memory_space<hbm>>)
      %dma_wait3A_155 = arith.constant 0 : i32
      %dma_wait3A_156 = tpu.memref_slice %arg5[%add3A, %dma_wait3A_155] : memref<20000x16xf32, #tpu.memory_space<hbm>> -> memref<80x16xf32, #tpu.memory_space<hbm>>
      %dma_wait3A_157 = arith.constant 0 : i32
      %dma_wait3A_158 = tpu.memref_slice %arg5[%add3A, %dma_wait3A_157] : memref<20000x16xf32, #tpu.memory_space<hbm>> -> memref<80x16xf32, #tpu.memory_space<hbm>>
      tpu.wait_dma2 semaphore(%arg11 : memref<!tpu.dma_semaphore, #tpu.memory_space<semaphore_mem>>) src(%arg8 : memref<80x16xf32, #tpu.memory_space<vmem>>) dst(%dma_wait3A_158 : memref<80x16xf32, #tpu.memory_space<hbm>>)
    } else {
    }
    %eq3A_38 = arith.constant 15 : i32
    %eq3A_39 = arith.cmpi eq, %arg1, %eq3A_38 : i32
    %convert_element_type3A_40 = arith.extui %eq3A_39 : i1 to i32
    %cond3A_41 = arith.constant 0 : i32
    %cond3A_42 = arith.cmpi ne, %convert_element_type3A_40, %cond3A_41 : i32
    scf.if %cond3A_42 {
      %mul3A_43 = arith.constant 10000 : i32
      %mul3A_44 = arith.muli %arg0, %mul3A_43 : i32
      %mul3A_45 = arith.constant 640 : i32
      %mul3A_46 = arith.muli %arg1, %mul3A_45 : i32
      %add3A = arith.addi %mul3A_44, %mul3A_46 : i32
      %mul3A_47 = arith.constant 640 : i32
      %mul3A_48 = arith.muli %arg1, %mul3A_47 : i32
      %add3A_49 = arith.constant 0 : i32
      %add3A_50 = arith.addi %mul3A_48, %add3A_49 : i32
      "tpu.region"() ({
        %run_scoped3A = tpu.sem_alloc : memref<!tpu.dma_semaphore, #tpu.memory_space<semaphore_mem>>
        %dma_start3A_117 = arith.constant 0 : i32
        %dma_start3A_118 = tpu.memref_slice %arg9[%add3A_50, %dma_start3A_117] : memref<10000x16xf32, #tpu.memory_space<vmem_shared>> -> memref<80x16xf32, #tpu.memory_space<vmem_shared>>
        %dma_start3A_119 = arith.constant 0 : i32
        %dma_start3A_120 = tpu.memref_slice %arg9[%add3A_50, %dma_start3A_119] : memref<10000x16xf32, #tpu.memory_space<vmem_shared>> -> memref<80x16xf32, #tpu.memory_space<vmem_shared>>
        tpu.enqueue_dma source(%dma_start3A_120 : memref<80x16xf32, #tpu.memory_space<vmem_shared>>) target(%arg6 : memref<80x16xf32, #tpu.memory_space<vmem>>) target_semaphore(%run_scoped3A : memref<!tpu.dma_semaphore, #tpu.memory_space<semaphore_mem>>)
        %dma_wait3A_121 = arith.constant 0 : i32
        %dma_wait3A_122 = tpu.memref_slice %arg9[%add3A_50, %dma_wait3A_121] : memref<10000x16xf32, #tpu.memory_space<vmem_shared>> -> memref<80x16xf32, #tpu.memory_space<vmem_shared>>
        %dma_wait3A_123 = arith.constant 0 : i32
        %dma_wait3A_124 = tpu.memref_slice %arg9[%add3A_50, %dma_wait3A_123] : memref<10000x16xf32, #tpu.memory_space<vmem_shared>> -> memref<80x16xf32, #tpu.memory_space<vmem_shared>>
        tpu.wait_dma2 semaphore(%run_scoped3A : memref<!tpu.dma_semaphore, #tpu.memory_space<semaphore_mem>>) src(%dma_wait3A_124 : memref<80x16xf32, #tpu.memory_space<vmem_shared>>) dst(%arg6 : memref<80x16xf32, #tpu.memory_space<vmem>>)
        tpu.yield
      }) : () -> ()
      %add3A_51 = arith.constant 0 : i32
      %add3A_52 = arith.addi %add3A, %add3A_51 : i32
      %dma_start3A_53 = arith.constant 0 : i32
      %dma_start3A_54 = tpu.memref_slice %arg5[%add3A_52, %dma_start3A_53] : memref<20000x16xf32, #tpu.memory_space<hbm>> -> memref<80x16xf32, #tpu.memory_space<hbm>>
      %dma_start3A_55 = arith.constant 0 : i32
      %dma_start3A_56 = tpu.memref_slice %arg5[%add3A_52, %dma_start3A_55] : memref<20000x16xf32, #tpu.memory_space<hbm>> -> memref<80x16xf32, #tpu.memory_space<hbm>>
      tpu.enqueue_dma source(%arg6 : memref<80x16xf32, #tpu.memory_space<vmem>>) target(%dma_start3A_56 : memref<80x16xf32, #tpu.memory_space<hbm>>) target_semaphore(%arg10 : memref<!tpu.dma_semaphore, #tpu.memory_space<semaphore_mem>>)
      %mul3A_57 = arith.constant 640 : i32
      %mul3A_58 = arith.muli %arg1, %mul3A_57 : i32
      %add3A_59 = arith.constant 80 : i32
      %add3A_60 = arith.addi %mul3A_58, %add3A_59 : i32
      "tpu.region"() ({
        %run_scoped3A = tpu.sem_alloc : memref<!tpu.dma_semaphore, #tpu.memory_space<semaphore_mem>>
        %dma_start3A_117 = arith.constant 0 : i32
        %dma_start3A_118 = tpu.memref_slice %arg9[%add3A_60, %dma_start3A_117] : memref<10000x16xf32, #tpu.memory_space<vmem_shared>> -> memref<80x16xf32, #tpu.memory_space<vmem_shared>>
        %dma_start3A_119 = arith.constant 0 : i32
        %dma_start3A_120 = tpu.memref_slice %arg9[%add3A_60, %dma_start3A_119] : memref<10000x16xf32, #tpu.memory_space<vmem_shared>> -> memref<80x16xf32, #tpu.memory_space<vmem_shared>>
        tpu.enqueue_dma source(%dma_start3A_120 : memref<80x16xf32, #tpu.memory_space<vmem_shared>>) target(%arg8 : memref<80x16xf32, #tpu.memory_space<vmem>>) target_semaphore(%run_scoped3A : memref<!tpu.dma_semaphore, #tpu.memory_space<semaphore_mem>>)
        %dma_wait3A_121 = arith.constant 0 : i32
        %dma_wait3A_122 = tpu.memref_slice %arg9[%add3A_60, %dma_wait3A_121] : memref<10000x16xf32, #tpu.memory_space<vmem_shared>> -> memref<80x16xf32, #tpu.memory_space<vmem_shared>>
        %dma_wait3A_123 = arith.constant 0 : i32
        %dma_wait3A_124 = tpu.memref_slice %arg9[%add3A_60, %dma_wait3A_123] : memref<10000x16xf32, #tpu.memory_space<vmem_shared>> -> memref<80x16xf32, #tpu.memory_space<vmem_shared>>
        tpu.wait_dma2 semaphore(%run_scoped3A : memref<!tpu.dma_semaphore, #tpu.memory_space<semaphore_mem>>) src(%dma_wait3A_124 : memref<80x16xf32, #tpu.memory_space<vmem_shared>>) dst(%arg8 : memref<80x16xf32, #tpu.memory_space<vmem>>)
        tpu.yield
      }) : () -> ()
      %add3A_61 = arith.constant 80 : i32
      %add3A_62 = arith.addi %add3A, %add3A_61 : i32
      %dma_start3A_63 = arith.constant 0 : i32
      %dma_start3A_64 = tpu.memref_slice %arg5[%add3A_62, %dma_start3A_63] : memref<20000x16xf32, #tpu.memory_space<hbm>> -> memref<80x16xf32, #tpu.memory_space<hbm>>
      %dma_start3A_65 = arith.constant 0 : i32
      %dma_start3A_66 = tpu.memref_slice %arg5[%add3A_62, %dma_start3A_65] : memref<20000x16xf32, #tpu.memory_space<hbm>> -> memref<80x16xf32, #tpu.memory_space<hbm>>
      tpu.enqueue_dma source(%arg8 : memref<80x16xf32, #tpu.memory_space<vmem>>) target(%dma_start3A_66 : memref<80x16xf32, #tpu.memory_space<hbm>>) target_semaphore(%arg11 : memref<!tpu.dma_semaphore, #tpu.memory_space<semaphore_mem>>)
      %dma_wait3A_67 = arith.constant 0 : i32
      %dma_wait3A_68 = tpu.memref_slice %arg5[%add3A, %dma_wait3A_67] : memref<20000x16xf32, #tpu.memory_space<hbm>> -> memref<80x16xf32, #tpu.memory_space<hbm>>
      %dma_wait3A_69 = arith.constant 0 : i32
      %dma_wait3A_70 = tpu.memref_slice %arg5[%add3A, %dma_wait3A_69] : memref<20000x16xf32, #tpu.memory_space<hbm>> -> memref<80x16xf32, #tpu.memory_space<hbm>>
      tpu.wait_dma2 semaphore(%arg10 : memref<!tpu.dma_semaphore, #tpu.memory_space<semaphore_mem>>) src(%arg6 : memref<80x16xf32, #tpu.memory_space<vmem>>) dst(%dma_wait3A_70 : memref<80x16xf32, #tpu.memory_space<hbm>>)
      %mul3A_71 = arith.constant 640 : i32
      %mul3A_72 = arith.muli %arg1, %mul3A_71 : i32
      %add3A_73 = arith.constant 160 : i32
      %add3A_74 = arith.addi %mul3A_72, %add3A_73 : i32
      "tpu.region"() ({
        %run_scoped3A = tpu.sem_alloc : memref<!tpu.dma_semaphore, #tpu.memory_space<semaphore_mem>>
        %dma_start3A_117 = arith.constant 0 : i32
        %dma_start3A_118 = tpu.memref_slice %arg9[%add3A_74, %dma_start3A_117] : memref<10000x16xf32, #tpu.memory_space<vmem_shared>> -> memref<80x16xf32, #tpu.memory_space<vmem_shared>>
        %dma_start3A_119 = arith.constant 0 : i32
        %dma_start3A_120 = tpu.memref_slice %arg9[%add3A_74, %dma_start3A_119] : memref<10000x16xf32, #tpu.memory_space<vmem_shared>> -> memref<80x16xf32, #tpu.memory_space<vmem_shared>>
        tpu.enqueue_dma source(%dma_start3A_120 : memref<80x16xf32, #tpu.memory_space<vmem_shared>>) target(%arg6 : memref<80x16xf32, #tpu.memory_space<vmem>>) target_semaphore(%run_scoped3A : memref<!tpu.dma_semaphore, #tpu.memory_space<semaphore_mem>>)
        %dma_wait3A_121 = arith.constant 0 : i32
        %dma_wait3A_122 = tpu.memref_slice %arg9[%add3A_74, %dma_wait3A_121] : memref<10000x16xf32, #tpu.memory_space<vmem_shared>> -> memref<80x16xf32, #tpu.memory_space<vmem_shared>>
        %dma_wait3A_123 = arith.constant 0 : i32
        %dma_wait3A_124 = tpu.memref_slice %arg9[%add3A_74, %dma_wait3A_123] : memref<10000x16xf32, #tpu.memory_space<vmem_shared>> -> memref<80x16xf32, #tpu.memory_space<vmem_shared>>
        tpu.wait_dma2 semaphore(%run_scoped3A : memref<!tpu.dma_semaphore, #tpu.memory_space<semaphore_mem>>) src(%dma_wait3A_124 : memref<80x16xf32, #tpu.memory_space<vmem_shared>>) dst(%arg6 : memref<80x16xf32, #tpu.memory_space<vmem>>)
        tpu.yield
      }) : () -> ()
      %add3A_75 = arith.constant 160 : i32
      %add3A_76 = arith.addi %add3A, %add3A_75 : i32
      %dma_start3A_77 = arith.constant 0 : i32
      %dma_start3A_78 = tpu.memref_slice %arg5[%add3A_76, %dma_start3A_77] : memref<20000x16xf32, #tpu.memory_space<hbm>> -> memref<80x16xf32, #tpu.memory_space<hbm>>
      %dma_start3A_79 = arith.constant 0 : i32
      %dma_start3A_80 = tpu.memref_slice %arg5[%add3A_76, %dma_start3A_79] : memref<20000x16xf32, #tpu.memory_space<hbm>> -> memref<80x16xf32, #tpu.memory_space<hbm>>
      tpu.enqueue_dma source(%arg6 : memref<80x16xf32, #tpu.memory_space<vmem>>) target(%dma_start3A_80 : memref<80x16xf32, #tpu.memory_space<hbm>>) target_semaphore(%arg10 : memref<!tpu.dma_semaphore, #tpu.memory_space<semaphore_mem>>)
      %dma_wait3A_81 = arith.constant 0 : i32
      %dma_wait3A_82 = tpu.memref_slice %arg5[%add3A, %dma_wait3A_81] : memref<20000x16xf32, #tpu.memory_space<hbm>> -> memref<80x16xf32, #tpu.memory_space<hbm>>
      %dma_wait3A_83 = arith.constant 0 : i32
      %dma_wait3A_84 = tpu.memref_slice %arg5[%add3A, %dma_wait3A_83] : memref<20000x16xf32, #tpu.memory_space<hbm>> -> memref<80x16xf32, #tpu.memory_space<hbm>>
      tpu.wait_dma2 semaphore(%arg11 : memref<!tpu.dma_semaphore, #tpu.memory_space<semaphore_mem>>) src(%arg8 : memref<80x16xf32, #tpu.memory_space<vmem>>) dst(%dma_wait3A_84 : memref<80x16xf32, #tpu.memory_space<hbm>>)
      %mul3A_85 = arith.constant 640 : i32
      %mul3A_86 = arith.muli %arg1, %mul3A_85 : i32
      %add3A_87 = arith.constant 240 : i32
      %add3A_88 = arith.addi %mul3A_86, %add3A_87 : i32
      "tpu.region"() ({
        %run_scoped3A = tpu.sem_alloc : memref<!tpu.dma_semaphore, #tpu.memory_space<semaphore_mem>>
        %dma_start3A_117 = arith.constant 0 : i32
        %dma_start3A_118 = tpu.memref_slice %arg9[%add3A_88, %dma_start3A_117] : memref<10000x16xf32, #tpu.memory_space<vmem_shared>> -> memref<80x16xf32, #tpu.memory_space<vmem_shared>>
        %dma_start3A_119 = arith.constant 0 : i32
        %dma_start3A_120 = tpu.memref_slice %arg9[%add3A_88, %dma_start3A_119] : memref<10000x16xf32, #tpu.memory_space<vmem_shared>> -> memref<80x16xf32, #tpu.memory_space<vmem_shared>>
        tpu.enqueue_dma source(%dma_start3A_120 : memref<80x16xf32, #tpu.memory_space<vmem_shared>>) target(%arg8 : memref<80x16xf32, #tpu.memory_space<vmem>>) target_semaphore(%run_scoped3A : memref<!tpu.dma_semaphore, #tpu.memory_space<semaphore_mem>>)
        %dma_wait3A_121 = arith.constant 0 : i32
        %dma_wait3A_122 = tpu.memref_slice %arg9[%add3A_88, %dma_wait3A_121] : memref<10000x16xf32, #tpu.memory_space<vmem_shared>> -> memref<80x16xf32, #tpu.memory_space<vmem_shared>>
        %dma_wait3A_123 = arith.constant 0 : i32
        %dma_wait3A_124 = tpu.memref_slice %arg9[%add3A_88, %dma_wait3A_123] : memref<10000x16xf32, #tpu.memory_space<vmem_shared>> -> memref<80x16xf32, #tpu.memory_space<vmem_shared>>
        tpu.wait_dma2 semaphore(%run_scoped3A : memref<!tpu.dma_semaphore, #tpu.memory_space<semaphore_mem>>) src(%dma_wait3A_124 : memref<80x16xf32, #tpu.memory_space<vmem_shared>>) dst(%arg8 : memref<80x16xf32, #tpu.memory_space<vmem>>)
        tpu.yield
      }) : () -> ()
      %add3A_89 = arith.constant 240 : i32
      %add3A_90 = arith.addi %add3A, %add3A_89 : i32
      %dma_start3A_91 = arith.constant 0 : i32
      %dma_start3A_92 = tpu.memref_slice %arg5[%add3A_90, %dma_start3A_91] : memref<20000x16xf32, #tpu.memory_space<hbm>> -> memref<80x16xf32, #tpu.memory_space<hbm>>
      %dma_start3A_93 = arith.constant 0 : i32
      %dma_start3A_94 = tpu.memref_slice %arg5[%add3A_90, %dma_start3A_93] : memref<20000x16xf32, #tpu.memory_space<hbm>> -> memref<80x16xf32, #tpu.memory_space<hbm>>
      tpu.enqueue_dma source(%arg8 : memref<80x16xf32, #tpu.memory_space<vmem>>) target(%dma_start3A_94 : memref<80x16xf32, #tpu.memory_space<hbm>>) target_semaphore(%arg11 : memref<!tpu.dma_semaphore, #tpu.memory_space<semaphore_mem>>)
      %dma_wait3A_95 = arith.constant 0 : i32
      %dma_wait3A_96 = tpu.memref_slice %arg5[%add3A, %dma_wait3A_95] : memref<20000x16xf32, #tpu.memory_space<hbm>> -> memref<80x16xf32, #tpu.memory_space<hbm>>
      %dma_wait3A_97 = arith.constant 0 : i32
      %dma_wait3A_98 = tpu.memref_slice %arg5[%add3A, %dma_wait3A_97] : memref<20000x16xf32, #tpu.memory_space<hbm>> -> memref<80x16xf32, #tpu.memory_space<hbm>>
      tpu.wait_dma2 semaphore(%arg10 : memref<!tpu.dma_semaphore, #tpu.memory_space<semaphore_mem>>) src(%arg6 : memref<80x16xf32, #tpu.memory_space<vmem>>) dst(%dma_wait3A_98 : memref<80x16xf32, #tpu.memory_space<hbm>>)
      %mul3A_99 = arith.constant 640 : i32
      %mul3A_100 = arith.muli %arg1, %mul3A_99 : i32
      %add3A_101 = arith.constant 320 : i32
      %add3A_102 = arith.addi %mul3A_100, %add3A_101 : i32
      "tpu.region"() ({
        %run_scoped3A = tpu.sem_alloc : memref<!tpu.dma_semaphore, #tpu.memory_space<semaphore_mem>>
        %dma_start3A_117 = arith.constant 0 : i32
        %dma_start3A_118 = tpu.memref_slice %arg9[%add3A_102, %dma_start3A_117] : memref<10000x16xf32, #tpu.memory_space<vmem_shared>> -> memref<80x16xf32, #tpu.memory_space<vmem_shared>>
        %dma_start3A_119 = arith.constant 0 : i32
        %dma_start3A_120 = tpu.memref_slice %arg9[%add3A_102, %dma_start3A_119] : memref<10000x16xf32, #tpu.memory_space<vmem_shared>> -> memref<80x16xf32, #tpu.memory_space<vmem_shared>>
        tpu.enqueue_dma source(%dma_start3A_120 : memref<80x16xf32, #tpu.memory_space<vmem_shared>>) target(%arg6 : memref<80x16xf32, #tpu.memory_space<vmem>>) target_semaphore(%run_scoped3A : memref<!tpu.dma_semaphore, #tpu.memory_space<semaphore_mem>>)
        %dma_wait3A_121 = arith.constant 0 : i32
        %dma_wait3A_122 = tpu.memref_slice %arg9[%add3A_102, %dma_wait3A_121] : memref<10000x16xf32, #tpu.memory_space<vmem_shared>> -> memref<80x16xf32, #tpu.memory_space<vmem_shared>>
        %dma_wait3A_123 = arith.constant 0 : i32
        %dma_wait3A_124 = tpu.memref_slice %arg9[%add3A_102, %dma_wait3A_123] : memref<10000x16xf32, #tpu.memory_space<vmem_shared>> -> memref<80x16xf32, #tpu.memory_space<vmem_shared>>
        tpu.wait_dma2 semaphore(%run_scoped3A : memref<!tpu.dma_semaphore, #tpu.memory_space<semaphore_mem>>) src(%dma_wait3A_124 : memref<80x16xf32, #tpu.memory_space<vmem_shared>>) dst(%arg6 : memref<80x16xf32, #tpu.memory_space<vmem>>)
        tpu.yield
      }) : () -> ()
      %add3A_103 = arith.constant 320 : i32
      %add3A_104 = arith.addi %add3A, %add3A_103 : i32
      %dma_start3A_105 = arith.constant 0 : i32
      %dma_start3A_106 = tpu.memref_slice %arg5[%add3A_104, %dma_start3A_105] : memref<20000x16xf32, #tpu.memory_space<hbm>> -> memref<80x16xf32, #tpu.memory_space<hbm>>
      %dma_start3A_107 = arith.constant 0 : i32
      %dma_start3A_108 = tpu.memref_slice %arg5[%add3A_104, %dma_start3A_107] : memref<20000x16xf32, #tpu.memory_space<hbm>> -> memref<80x16xf32, #tpu.memory_space<hbm>>
      tpu.enqueue_dma source(%arg6 : memref<80x16xf32, #tpu.memory_space<vmem>>) target(%dma_start3A_108 : memref<80x16xf32, #tpu.memory_space<hbm>>) target_semaphore(%arg10 : memref<!tpu.dma_semaphore, #tpu.memory_space<semaphore_mem>>)
      %dma_wait3A_109 = arith.constant 0 : i32
      %dma_wait3A_110 = tpu.memref_slice %arg5[%add3A, %dma_wait3A_109] : memref<20000x16xf32, #tpu.memory_space<hbm>> -> memref<80x16xf32, #tpu.memory_space<hbm>>
      %dma_wait3A_111 = arith.constant 0 : i32
      %dma_wait3A_112 = tpu.memref_slice %arg5[%add3A, %dma_wait3A_111] : memref<20000x16xf32, #tpu.memory_space<hbm>> -> memref<80x16xf32, #tpu.memory_space<hbm>>
      tpu.wait_dma2 semaphore(%arg10 : memref<!tpu.dma_semaphore, #tpu.memory_space<semaphore_mem>>) src(%arg6 : memref<80x16xf32, #tpu.memory_space<vmem>>) dst(%dma_wait3A_112 : memref<80x16xf32, #tpu.memory_space<hbm>>)
      %dma_wait3A_113 = arith.constant 0 : i32
      %dma_wait3A_114 = tpu.memref_slice %arg5[%add3A, %dma_wait3A_113] : memref<20000x16xf32, #tpu.memory_space<hbm>> -> memref<80x16xf32, #tpu.memory_space<hbm>>
      %dma_wait3A_115 = arith.constant 0 : i32
      %dma_wait3A_116 = tpu.memref_slice %arg5[%add3A, %dma_wait3A_115] : memref<20000x16xf32, #tpu.memory_space<hbm>> -> memref<80x16xf32, #tpu.memory_space<hbm>>
      tpu.wait_dma2 semaphore(%arg11 : memref<!tpu.dma_semaphore, #tpu.memory_space<semaphore_mem>>) src(%arg8 : memref<80x16xf32, #tpu.memory_space<vmem>>) dst(%dma_wait3A_116 : memref<80x16xf32, #tpu.memory_space<hbm>>)
    } else {
    }
    return
  }
}

#map = affine_map<(d0, d1) -> (0, 0)>
#map1 = affine_map<(d0, d1) -> (0, 0, 0)>
module attributes {stable_mosaic.version = 14 : i64} {
  func.func @_agg_body(%arg0: i32, %arg1: i32, %arg2: memref<10000x128xbf16, #tpu.memory_space<hbm>>, %arg3: memref<32x125x80xi32, #tpu.memory_space<hbm>>, %arg4: memref<32x125x80xi32, #tpu.memory_space<hbm>>, %arg5: memref<80x128xbf16, #tpu.memory_space<hbm>>, %arg6: memref<20000x128xbf16, #tpu.memory_space<hbm>>, %arg7: memref<80x128xbf16, #tpu.memory_space<vmem>>, %arg8: memref<125x80xi32, #tpu.memory_space<vmem>>, %arg9: memref<125x80xi32, #tpu.memory_space<vmem>>, %arg10: memref<10000x128xbf16, #tpu.memory_space<vmem_shared>>, %arg11: memref<80x128xbf16, #tpu.memory_space<vmem>>, %arg12: memref<80x128xbf16, #tpu.memory_space<vmem>>, %arg13: memref<80x128xbf16, #tpu.memory_space<vmem>>, %arg14: memref<80x128xbf16, #tpu.memory_space<vmem>>, %arg15: memref<80x128xbf16, #tpu.memory_space<vmem>>, %arg16: memref<!tpu.dma_semaphore, #tpu.memory_space<semaphore_mem>>, %arg17: memref<!tpu.dma_semaphore, #tpu.memory_space<semaphore_mem>>, %arg18: memref<!tpu.dma_semaphore, #tpu.memory_space<semaphore_mem>>, %arg19: memref<!tpu.dma_semaphore, #tpu.memory_space<semaphore_mem>>, %arg20: memref<!tpu.dma_semaphore, #tpu.memory_space<semaphore_mem>>) attributes {dimension_semantics = [#tpu.dimension_semantics<core_parallel>, #tpu.dimension_semantics<subcore_parallel>], iteration_bounds = array<i64: 2, 16>, scalar_prefetch = 0 : i64, scratch_operands = 14 : i64, tpu.core_type = #tpu.core_type<sc_vector_subcore>, window_params = [{transform_indices = #map}, {transform_indices = #map1}, {transform_indices = #map1}, {transform_indices = #map}, {transform_indices = #map}]} {
    %mul3A = arith.constant 16 : i32
    %mul3A_0 = arith.muli %arg0, %mul3A : i32
    %add3A = arith.addi %mul3A_0, %arg1 : i32
    "tpu.region"() ({
      %run_scoped3A = tpu.sem_alloc : memref<!tpu.dma_semaphore, #tpu.memory_space<semaphore_mem>>
      tpu.enqueue_dma source(%arg5 : memref<80x128xbf16, #tpu.memory_space<hbm>>) target(%arg7 : memref<80x128xbf16, #tpu.memory_space<vmem>>) target_semaphore(%run_scoped3A : memref<!tpu.dma_semaphore, #tpu.memory_space<semaphore_mem>>)
      tpu.wait_dma2 semaphore(%run_scoped3A : memref<!tpu.dma_semaphore, #tpu.memory_space<semaphore_mem>>) src(%arg5 : memref<80x128xbf16, #tpu.memory_space<hbm>>) dst(%arg7 : memref<80x128xbf16, #tpu.memory_space<vmem>>)
      tpu.yield
    }) : () -> ()
    %dma_start3A = arith.constant 0 : i32
    %dma_start3A_1 = arith.constant 0 : i32
    %dma_start3A_2 = tpu.memref_slice %arg3[%add3A, %dma_start3A, %dma_start3A_1] : memref<32x125x80xi32, #tpu.memory_space<hbm>> -> memref<1x125x80xi32, #tpu.memory_space<hbm>>
    %dma_start3A_3 = tpu.memref_squeeze %dma_start3A_2 : memref<1x125x80xi32, #tpu.memory_space<hbm>> -> memref<125x80xi32, #tpu.memory_space<hbm>>
    %dma_start3A_4 = arith.constant 0 : i32
    %dma_start3A_5 = arith.constant 0 : i32
    %dma_start3A_6 = tpu.memref_slice %arg3[%add3A, %dma_start3A_4, %dma_start3A_5] : memref<32x125x80xi32, #tpu.memory_space<hbm>> -> memref<1x125x80xi32, #tpu.memory_space<hbm>>
    %dma_start3A_7 = tpu.memref_squeeze %dma_start3A_6 : memref<1x125x80xi32, #tpu.memory_space<hbm>> -> memref<125x80xi32, #tpu.memory_space<hbm>>
    tpu.enqueue_dma source(%dma_start3A_7 : memref<125x80xi32, #tpu.memory_space<hbm>>) target(%arg8 : memref<125x80xi32, #tpu.memory_space<vmem>>) target_semaphore(%arg16 : memref<!tpu.dma_semaphore, #tpu.memory_space<semaphore_mem>>)
    %dma_start3A_8 = arith.constant 0 : i32
    %dma_start3A_9 = arith.constant 0 : i32
    %dma_start3A_10 = tpu.memref_slice %arg4[%add3A, %dma_start3A_8, %dma_start3A_9] : memref<32x125x80xi32, #tpu.memory_space<hbm>> -> memref<1x125x80xi32, #tpu.memory_space<hbm>>
    %dma_start3A_11 = tpu.memref_squeeze %dma_start3A_10 : memref<1x125x80xi32, #tpu.memory_space<hbm>> -> memref<125x80xi32, #tpu.memory_space<hbm>>
    %dma_start3A_12 = arith.constant 0 : i32
    %dma_start3A_13 = arith.constant 0 : i32
    %dma_start3A_14 = tpu.memref_slice %arg4[%add3A, %dma_start3A_12, %dma_start3A_13] : memref<32x125x80xi32, #tpu.memory_space<hbm>> -> memref<1x125x80xi32, #tpu.memory_space<hbm>>
    %dma_start3A_15 = tpu.memref_squeeze %dma_start3A_14 : memref<1x125x80xi32, #tpu.memory_space<hbm>> -> memref<125x80xi32, #tpu.memory_space<hbm>>
    tpu.enqueue_dma source(%dma_start3A_15 : memref<125x80xi32, #tpu.memory_space<hbm>>) target(%arg9 : memref<125x80xi32, #tpu.memory_space<vmem>>) target_semaphore(%arg17 : memref<!tpu.dma_semaphore, #tpu.memory_space<semaphore_mem>>)
    %ne3A = arith.constant 15 : i32
    %ne3A_16 = arith.cmpi ne, %arg1, %ne3A : i32
    %convert_element_type3A = arith.extui %ne3A_16 : i1 to i32
    %cond3A = arith.constant 0 : i32
    %cond3A_17 = arith.cmpi ne, %convert_element_type3A, %cond3A : i32
    scf.if %cond3A_17 {
      %mul3A_88 = arith.constant 640 : i32
      %mul3A_89 = arith.muli %arg1, %mul3A_88 : i32
      %add3A_90 = arith.constant 0 : i32
      %add3A_91 = arith.addi %mul3A_89, %add3A_90 : i32
      %dma_start3A_92 = arith.constant 0 : i32
      %dma_start3A_93 = tpu.memref_slice %arg10[%add3A_91, %dma_start3A_92] : memref<10000x128xbf16, #tpu.memory_space<vmem_shared>> -> memref<80x128xbf16, #tpu.memory_space<vmem_shared>>
      %dma_start3A_94 = arith.constant 0 : i32
      %dma_start3A_95 = tpu.memref_slice %arg10[%add3A_91, %dma_start3A_94] : memref<10000x128xbf16, #tpu.memory_space<vmem_shared>> -> memref<80x128xbf16, #tpu.memory_space<vmem_shared>>
      tpu.enqueue_dma source(%arg7 : memref<80x128xbf16, #tpu.memory_space<vmem>>) target(%dma_start3A_95 : memref<80x128xbf16, #tpu.memory_space<vmem_shared>>) target_semaphore(%arg18 : memref<!tpu.dma_semaphore, #tpu.memory_space<semaphore_mem>>)
      %mul3A_96 = arith.constant 640 : i32
      %mul3A_97 = arith.muli %arg1, %mul3A_96 : i32
      %add3A_98 = arith.constant 80 : i32
      %add3A_99 = arith.addi %mul3A_97, %add3A_98 : i32
      %dma_start3A_100 = arith.constant 0 : i32
      %dma_start3A_101 = tpu.memref_slice %arg10[%add3A_99, %dma_start3A_100] : memref<10000x128xbf16, #tpu.memory_space<vmem_shared>> -> memref<80x128xbf16, #tpu.memory_space<vmem_shared>>
      %dma_start3A_102 = arith.constant 0 : i32
      %dma_start3A_103 = tpu.memref_slice %arg10[%add3A_99, %dma_start3A_102] : memref<10000x128xbf16, #tpu.memory_space<vmem_shared>> -> memref<80x128xbf16, #tpu.memory_space<vmem_shared>>
      tpu.enqueue_dma source(%arg7 : memref<80x128xbf16, #tpu.memory_space<vmem>>) target(%dma_start3A_103 : memref<80x128xbf16, #tpu.memory_space<vmem_shared>>) target_semaphore(%arg18 : memref<!tpu.dma_semaphore, #tpu.memory_space<semaphore_mem>>)
      %mul3A_104 = arith.constant 640 : i32
      %mul3A_105 = arith.muli %arg1, %mul3A_104 : i32
      %add3A_106 = arith.constant 160 : i32
      %add3A_107 = arith.addi %mul3A_105, %add3A_106 : i32
      %dma_start3A_108 = arith.constant 0 : i32
      %dma_start3A_109 = tpu.memref_slice %arg10[%add3A_107, %dma_start3A_108] : memref<10000x128xbf16, #tpu.memory_space<vmem_shared>> -> memref<80x128xbf16, #tpu.memory_space<vmem_shared>>
      %dma_start3A_110 = arith.constant 0 : i32
      %dma_start3A_111 = tpu.memref_slice %arg10[%add3A_107, %dma_start3A_110] : memref<10000x128xbf16, #tpu.memory_space<vmem_shared>> -> memref<80x128xbf16, #tpu.memory_space<vmem_shared>>
      tpu.enqueue_dma source(%arg7 : memref<80x128xbf16, #tpu.memory_space<vmem>>) target(%dma_start3A_111 : memref<80x128xbf16, #tpu.memory_space<vmem_shared>>) target_semaphore(%arg18 : memref<!tpu.dma_semaphore, #tpu.memory_space<semaphore_mem>>)
      %mul3A_112 = arith.constant 640 : i32
      %mul3A_113 = arith.muli %arg1, %mul3A_112 : i32
      %add3A_114 = arith.constant 240 : i32
      %add3A_115 = arith.addi %mul3A_113, %add3A_114 : i32
      %dma_start3A_116 = arith.constant 0 : i32
      %dma_start3A_117 = tpu.memref_slice %arg10[%add3A_115, %dma_start3A_116] : memref<10000x128xbf16, #tpu.memory_space<vmem_shared>> -> memref<80x128xbf16, #tpu.memory_space<vmem_shared>>
      %dma_start3A_118 = arith.constant 0 : i32
      %dma_start3A_119 = tpu.memref_slice %arg10[%add3A_115, %dma_start3A_118] : memref<10000x128xbf16, #tpu.memory_space<vmem_shared>> -> memref<80x128xbf16, #tpu.memory_space<vmem_shared>>
      tpu.enqueue_dma source(%arg7 : memref<80x128xbf16, #tpu.memory_space<vmem>>) target(%dma_start3A_119 : memref<80x128xbf16, #tpu.memory_space<vmem_shared>>) target_semaphore(%arg18 : memref<!tpu.dma_semaphore, #tpu.memory_space<semaphore_mem>>)
      %mul3A_120 = arith.constant 640 : i32
      %mul3A_121 = arith.muli %arg1, %mul3A_120 : i32
      %add3A_122 = arith.constant 320 : i32
      %add3A_123 = arith.addi %mul3A_121, %add3A_122 : i32
      %dma_start3A_124 = arith.constant 0 : i32
      %dma_start3A_125 = tpu.memref_slice %arg10[%add3A_123, %dma_start3A_124] : memref<10000x128xbf16, #tpu.memory_space<vmem_shared>> -> memref<80x128xbf16, #tpu.memory_space<vmem_shared>>
      %dma_start3A_126 = arith.constant 0 : i32
      %dma_start3A_127 = tpu.memref_slice %arg10[%add3A_123, %dma_start3A_126] : memref<10000x128xbf16, #tpu.memory_space<vmem_shared>> -> memref<80x128xbf16, #tpu.memory_space<vmem_shared>>
      tpu.enqueue_dma source(%arg7 : memref<80x128xbf16, #tpu.memory_space<vmem>>) target(%dma_start3A_127 : memref<80x128xbf16, #tpu.memory_space<vmem_shared>>) target_semaphore(%arg18 : memref<!tpu.dma_semaphore, #tpu.memory_space<semaphore_mem>>)
      %mul3A_128 = arith.constant 640 : i32
      %mul3A_129 = arith.muli %arg1, %mul3A_128 : i32
      %add3A_130 = arith.constant 400 : i32
      %add3A_131 = arith.addi %mul3A_129, %add3A_130 : i32
      %dma_start3A_132 = arith.constant 0 : i32
      %dma_start3A_133 = tpu.memref_slice %arg10[%add3A_131, %dma_start3A_132] : memref<10000x128xbf16, #tpu.memory_space<vmem_shared>> -> memref<80x128xbf16, #tpu.memory_space<vmem_shared>>
      %dma_start3A_134 = arith.constant 0 : i32
      %dma_start3A_135 = tpu.memref_slice %arg10[%add3A_131, %dma_start3A_134] : memref<10000x128xbf16, #tpu.memory_space<vmem_shared>> -> memref<80x128xbf16, #tpu.memory_space<vmem_shared>>
      tpu.enqueue_dma source(%arg7 : memref<80x128xbf16, #tpu.memory_space<vmem>>) target(%dma_start3A_135 : memref<80x128xbf16, #tpu.memory_space<vmem_shared>>) target_semaphore(%arg18 : memref<!tpu.dma_semaphore, #tpu.memory_space<semaphore_mem>>)
      %mul3A_136 = arith.constant 640 : i32
      %mul3A_137 = arith.muli %arg1, %mul3A_136 : i32
      %add3A_138 = arith.constant 480 : i32
      %add3A_139 = arith.addi %mul3A_137, %add3A_138 : i32
      %dma_start3A_140 = arith.constant 0 : i32
      %dma_start3A_141 = tpu.memref_slice %arg10[%add3A_139, %dma_start3A_140] : memref<10000x128xbf16, #tpu.memory_space<vmem_shared>> -> memref<80x128xbf16, #tpu.memory_space<vmem_shared>>
      %dma_start3A_142 = arith.constant 0 : i32
      %dma_start3A_143 = tpu.memref_slice %arg10[%add3A_139, %dma_start3A_142] : memref<10000x128xbf16, #tpu.memory_space<vmem_shared>> -> memref<80x128xbf16, #tpu.memory_space<vmem_shared>>
      tpu.enqueue_dma source(%arg7 : memref<80x128xbf16, #tpu.memory_space<vmem>>) target(%dma_start3A_143 : memref<80x128xbf16, #tpu.memory_space<vmem_shared>>) target_semaphore(%arg18 : memref<!tpu.dma_semaphore, #tpu.memory_space<semaphore_mem>>)
      %mul3A_144 = arith.constant 640 : i32
      %mul3A_145 = arith.muli %arg1, %mul3A_144 : i32
      %add3A_146 = arith.constant 560 : i32
      %add3A_147 = arith.addi %mul3A_145, %add3A_146 : i32
      %dma_start3A_148 = arith.constant 0 : i32
      %dma_start3A_149 = tpu.memref_slice %arg10[%add3A_147, %dma_start3A_148] : memref<10000x128xbf16, #tpu.memory_space<vmem_shared>> -> memref<80x128xbf16, #tpu.memory_space<vmem_shared>>
      %dma_start3A_150 = arith.constant 0 : i32
      %dma_start3A_151 = tpu.memref_slice %arg10[%add3A_147, %dma_start3A_150] : memref<10000x128xbf16, #tpu.memory_space<vmem_shared>> -> memref<80x128xbf16, #tpu.memory_space<vmem_shared>>
      tpu.enqueue_dma source(%arg7 : memref<80x128xbf16, #tpu.memory_space<vmem>>) target(%dma_start3A_151 : memref<80x128xbf16, #tpu.memory_space<vmem_shared>>) target_semaphore(%arg18 : memref<!tpu.dma_semaphore, #tpu.memory_space<semaphore_mem>>)
      %mul3A_152 = arith.constant 640 : i32
      %mul3A_153 = arith.muli %arg1, %mul3A_152 : i32
      %dma_wait3A_154 = arith.constant 0 : i32
      %dma_wait3A_155 = tpu.memref_slice %arg10[%mul3A_153, %dma_wait3A_154] : memref<10000x128xbf16, #tpu.memory_space<vmem_shared>> -> memref<80x128xbf16, #tpu.memory_space<vmem_shared>>
      %dma_wait3A_156 = arith.constant 0 : i32
      %dma_wait3A_157 = tpu.memref_slice %arg10[%mul3A_153, %dma_wait3A_156] : memref<10000x128xbf16, #tpu.memory_space<vmem_shared>> -> memref<80x128xbf16, #tpu.memory_space<vmem_shared>>
      tpu.wait_dma2 semaphore(%arg18 : memref<!tpu.dma_semaphore, #tpu.memory_space<semaphore_mem>>) src(%arg7 : memref<80x128xbf16, #tpu.memory_space<vmem>>) dst(%dma_wait3A_157 : memref<80x128xbf16, #tpu.memory_space<vmem_shared>>)
      %mul3A_158 = arith.constant 640 : i32
      %mul3A_159 = arith.muli %arg1, %mul3A_158 : i32
      %dma_wait3A_160 = arith.constant 0 : i32
      %dma_wait3A_161 = tpu.memref_slice %arg10[%mul3A_159, %dma_wait3A_160] : memref<10000x128xbf16, #tpu.memory_space<vmem_shared>> -> memref<80x128xbf16, #tpu.memory_space<vmem_shared>>
      %dma_wait3A_162 = arith.constant 0 : i32
      %dma_wait3A_163 = tpu.memref_slice %arg10[%mul3A_159, %dma_wait3A_162] : memref<10000x128xbf16, #tpu.memory_space<vmem_shared>> -> memref<80x128xbf16, #tpu.memory_space<vmem_shared>>
      tpu.wait_dma2 semaphore(%arg18 : memref<!tpu.dma_semaphore, #tpu.memory_space<semaphore_mem>>) src(%arg7 : memref<80x128xbf16, #tpu.memory_space<vmem>>) dst(%dma_wait3A_163 : memref<80x128xbf16, #tpu.memory_space<vmem_shared>>)
      %mul3A_164 = arith.constant 640 : i32
      %mul3A_165 = arith.muli %arg1, %mul3A_164 : i32
      %dma_wait3A_166 = arith.constant 0 : i32
      %dma_wait3A_167 = tpu.memref_slice %arg10[%mul3A_165, %dma_wait3A_166] : memref<10000x128xbf16, #tpu.memory_space<vmem_shared>> -> memref<80x128xbf16, #tpu.memory_space<vmem_shared>>
      %dma_wait3A_168 = arith.constant 0 : i32
      %dma_wait3A_169 = tpu.memref_slice %arg10[%mul3A_165, %dma_wait3A_168] : memref<10000x128xbf16, #tpu.memory_space<vmem_shared>> -> memref<80x128xbf16, #tpu.memory_space<vmem_shared>>
      tpu.wait_dma2 semaphore(%arg18 : memref<!tpu.dma_semaphore, #tpu.memory_space<semaphore_mem>>) src(%arg7 : memref<80x128xbf16, #tpu.memory_space<vmem>>) dst(%dma_wait3A_169 : memref<80x128xbf16, #tpu.memory_space<vmem_shared>>)
      %mul3A_170 = arith.constant 640 : i32
      %mul3A_171 = arith.muli %arg1, %mul3A_170 : i32
      %dma_wait3A_172 = arith.constant 0 : i32
      %dma_wait3A_173 = tpu.memref_slice %arg10[%mul3A_171, %dma_wait3A_172] : memref<10000x128xbf16, #tpu.memory_space<vmem_shared>> -> memref<80x128xbf16, #tpu.memory_space<vmem_shared>>
      %dma_wait3A_174 = arith.constant 0 : i32
      %dma_wait3A_175 = tpu.memref_slice %arg10[%mul3A_171, %dma_wait3A_174] : memref<10000x128xbf16, #tpu.memory_space<vmem_shared>> -> memref<80x128xbf16, #tpu.memory_space<vmem_shared>>
      tpu.wait_dma2 semaphore(%arg18 : memref<!tpu.dma_semaphore, #tpu.memory_space<semaphore_mem>>) src(%arg7 : memref<80x128xbf16, #tpu.memory_space<vmem>>) dst(%dma_wait3A_175 : memref<80x128xbf16, #tpu.memory_space<vmem_shared>>)
      %mul3A_176 = arith.constant 640 : i32
      %mul3A_177 = arith.muli %arg1, %mul3A_176 : i32
      %dma_wait3A_178 = arith.constant 0 : i32
      %dma_wait3A_179 = tpu.memref_slice %arg10[%mul3A_177, %dma_wait3A_178] : memref<10000x128xbf16, #tpu.memory_space<vmem_shared>> -> memref<80x128xbf16, #tpu.memory_space<vmem_shared>>
      %dma_wait3A_180 = arith.constant 0 : i32
      %dma_wait3A_181 = tpu.memref_slice %arg10[%mul3A_177, %dma_wait3A_180] : memref<10000x128xbf16, #tpu.memory_space<vmem_shared>> -> memref<80x128xbf16, #tpu.memory_space<vmem_shared>>
      tpu.wait_dma2 semaphore(%arg18 : memref<!tpu.dma_semaphore, #tpu.memory_space<semaphore_mem>>) src(%arg7 : memref<80x128xbf16, #tpu.memory_space<vmem>>) dst(%dma_wait3A_181 : memref<80x128xbf16, #tpu.memory_space<vmem_shared>>)
      %mul3A_182 = arith.constant 640 : i32
      %mul3A_183 = arith.muli %arg1, %mul3A_182 : i32
      %dma_wait3A_184 = arith.constant 0 : i32
      %dma_wait3A_185 = tpu.memref_slice %arg10[%mul3A_183, %dma_wait3A_184] : memref<10000x128xbf16, #tpu.memory_space<vmem_shared>> -> memref<80x128xbf16, #tpu.memory_space<vmem_shared>>
      %dma_wait3A_186 = arith.constant 0 : i32
      %dma_wait3A_187 = tpu.memref_slice %arg10[%mul3A_183, %dma_wait3A_186] : memref<10000x128xbf16, #tpu.memory_space<vmem_shared>> -> memref<80x128xbf16, #tpu.memory_space<vmem_shared>>
      tpu.wait_dma2 semaphore(%arg18 : memref<!tpu.dma_semaphore, #tpu.memory_space<semaphore_mem>>) src(%arg7 : memref<80x128xbf16, #tpu.memory_space<vmem>>) dst(%dma_wait3A_187 : memref<80x128xbf16, #tpu.memory_space<vmem_shared>>)
      %mul3A_188 = arith.constant 640 : i32
      %mul3A_189 = arith.muli %arg1, %mul3A_188 : i32
      %dma_wait3A_190 = arith.constant 0 : i32
      %dma_wait3A_191 = tpu.memref_slice %arg10[%mul3A_189, %dma_wait3A_190] : memref<10000x128xbf16, #tpu.memory_space<vmem_shared>> -> memref<80x128xbf16, #tpu.memory_space<vmem_shared>>
      %dma_wait3A_192 = arith.constant 0 : i32
      %dma_wait3A_193 = tpu.memref_slice %arg10[%mul3A_189, %dma_wait3A_192] : memref<10000x128xbf16, #tpu.memory_space<vmem_shared>> -> memref<80x128xbf16, #tpu.memory_space<vmem_shared>>
      tpu.wait_dma2 semaphore(%arg18 : memref<!tpu.dma_semaphore, #tpu.memory_space<semaphore_mem>>) src(%arg7 : memref<80x128xbf16, #tpu.memory_space<vmem>>) dst(%dma_wait3A_193 : memref<80x128xbf16, #tpu.memory_space<vmem_shared>>)
      %mul3A_194 = arith.constant 640 : i32
      %mul3A_195 = arith.muli %arg1, %mul3A_194 : i32
      %dma_wait3A_196 = arith.constant 0 : i32
      %dma_wait3A_197 = tpu.memref_slice %arg10[%mul3A_195, %dma_wait3A_196] : memref<10000x128xbf16, #tpu.memory_space<vmem_shared>> -> memref<80x128xbf16, #tpu.memory_space<vmem_shared>>
      %dma_wait3A_198 = arith.constant 0 : i32
      %dma_wait3A_199 = tpu.memref_slice %arg10[%mul3A_195, %dma_wait3A_198] : memref<10000x128xbf16, #tpu.memory_space<vmem_shared>> -> memref<80x128xbf16, #tpu.memory_space<vmem_shared>>
      tpu.wait_dma2 semaphore(%arg18 : memref<!tpu.dma_semaphore, #tpu.memory_space<semaphore_mem>>) src(%arg7 : memref<80x128xbf16, #tpu.memory_space<vmem>>) dst(%dma_wait3A_199 : memref<80x128xbf16, #tpu.memory_space<vmem_shared>>)
    } else {
    }
    %eq3A = arith.constant 15 : i32
    %eq3A_18 = arith.cmpi eq, %arg1, %eq3A : i32
    %convert_element_type3A_19 = arith.extui %eq3A_18 : i1 to i32
    %cond3A_20 = arith.constant 0 : i32
    %cond3A_21 = arith.cmpi ne, %convert_element_type3A_19, %cond3A_20 : i32
    scf.if %cond3A_21 {
      %mul3A_88 = arith.constant 640 : i32
      %mul3A_89 = arith.muli %arg1, %mul3A_88 : i32
      %add3A_90 = arith.constant 0 : i32
      %add3A_91 = arith.addi %mul3A_89, %add3A_90 : i32
      %dma_start3A_92 = arith.constant 0 : i32
      %dma_start3A_93 = tpu.memref_slice %arg10[%add3A_91, %dma_start3A_92] : memref<10000x128xbf16, #tpu.memory_space<vmem_shared>> -> memref<80x128xbf16, #tpu.memory_space<vmem_shared>>
      %dma_start3A_94 = arith.constant 0 : i32
      %dma_start3A_95 = tpu.memref_slice %arg10[%add3A_91, %dma_start3A_94] : memref<10000x128xbf16, #tpu.memory_space<vmem_shared>> -> memref<80x128xbf16, #tpu.memory_space<vmem_shared>>
      tpu.enqueue_dma source(%arg7 : memref<80x128xbf16, #tpu.memory_space<vmem>>) target(%dma_start3A_95 : memref<80x128xbf16, #tpu.memory_space<vmem_shared>>) target_semaphore(%arg18 : memref<!tpu.dma_semaphore, #tpu.memory_space<semaphore_mem>>)
      %mul3A_96 = arith.constant 640 : i32
      %mul3A_97 = arith.muli %arg1, %mul3A_96 : i32
      %add3A_98 = arith.constant 80 : i32
      %add3A_99 = arith.addi %mul3A_97, %add3A_98 : i32
      %dma_start3A_100 = arith.constant 0 : i32
      %dma_start3A_101 = tpu.memref_slice %arg10[%add3A_99, %dma_start3A_100] : memref<10000x128xbf16, #tpu.memory_space<vmem_shared>> -> memref<80x128xbf16, #tpu.memory_space<vmem_shared>>
      %dma_start3A_102 = arith.constant 0 : i32
      %dma_start3A_103 = tpu.memref_slice %arg10[%add3A_99, %dma_start3A_102] : memref<10000x128xbf16, #tpu.memory_space<vmem_shared>> -> memref<80x128xbf16, #tpu.memory_space<vmem_shared>>
      tpu.enqueue_dma source(%arg7 : memref<80x128xbf16, #tpu.memory_space<vmem>>) target(%dma_start3A_103 : memref<80x128xbf16, #tpu.memory_space<vmem_shared>>) target_semaphore(%arg18 : memref<!tpu.dma_semaphore, #tpu.memory_space<semaphore_mem>>)
      %mul3A_104 = arith.constant 640 : i32
      %mul3A_105 = arith.muli %arg1, %mul3A_104 : i32
      %add3A_106 = arith.constant 160 : i32
      %add3A_107 = arith.addi %mul3A_105, %add3A_106 : i32
      %dma_start3A_108 = arith.constant 0 : i32
      %dma_start3A_109 = tpu.memref_slice %arg10[%add3A_107, %dma_start3A_108] : memref<10000x128xbf16, #tpu.memory_space<vmem_shared>> -> memref<80x128xbf16, #tpu.memory_space<vmem_shared>>
      %dma_start3A_110 = arith.constant 0 : i32
      %dma_start3A_111 = tpu.memref_slice %arg10[%add3A_107, %dma_start3A_110] : memref<10000x128xbf16, #tpu.memory_space<vmem_shared>> -> memref<80x128xbf16, #tpu.memory_space<vmem_shared>>
      tpu.enqueue_dma source(%arg7 : memref<80x128xbf16, #tpu.memory_space<vmem>>) target(%dma_start3A_111 : memref<80x128xbf16, #tpu.memory_space<vmem_shared>>) target_semaphore(%arg18 : memref<!tpu.dma_semaphore, #tpu.memory_space<semaphore_mem>>)
      %mul3A_112 = arith.constant 640 : i32
      %mul3A_113 = arith.muli %arg1, %mul3A_112 : i32
      %add3A_114 = arith.constant 240 : i32
      %add3A_115 = arith.addi %mul3A_113, %add3A_114 : i32
      %dma_start3A_116 = arith.constant 0 : i32
      %dma_start3A_117 = tpu.memref_slice %arg10[%add3A_115, %dma_start3A_116] : memref<10000x128xbf16, #tpu.memory_space<vmem_shared>> -> memref<80x128xbf16, #tpu.memory_space<vmem_shared>>
      %dma_start3A_118 = arith.constant 0 : i32
      %dma_start3A_119 = tpu.memref_slice %arg10[%add3A_115, %dma_start3A_118] : memref<10000x128xbf16, #tpu.memory_space<vmem_shared>> -> memref<80x128xbf16, #tpu.memory_space<vmem_shared>>
      tpu.enqueue_dma source(%arg7 : memref<80x128xbf16, #tpu.memory_space<vmem>>) target(%dma_start3A_119 : memref<80x128xbf16, #tpu.memory_space<vmem_shared>>) target_semaphore(%arg18 : memref<!tpu.dma_semaphore, #tpu.memory_space<semaphore_mem>>)
      %mul3A_120 = arith.constant 640 : i32
      %mul3A_121 = arith.muli %arg1, %mul3A_120 : i32
      %add3A_122 = arith.constant 320 : i32
      %add3A_123 = arith.addi %mul3A_121, %add3A_122 : i32
      %dma_start3A_124 = arith.constant 0 : i32
      %dma_start3A_125 = tpu.memref_slice %arg10[%add3A_123, %dma_start3A_124] : memref<10000x128xbf16, #tpu.memory_space<vmem_shared>> -> memref<80x128xbf16, #tpu.memory_space<vmem_shared>>
      %dma_start3A_126 = arith.constant 0 : i32
      %dma_start3A_127 = tpu.memref_slice %arg10[%add3A_123, %dma_start3A_126] : memref<10000x128xbf16, #tpu.memory_space<vmem_shared>> -> memref<80x128xbf16, #tpu.memory_space<vmem_shared>>
      tpu.enqueue_dma source(%arg7 : memref<80x128xbf16, #tpu.memory_space<vmem>>) target(%dma_start3A_127 : memref<80x128xbf16, #tpu.memory_space<vmem_shared>>) target_semaphore(%arg18 : memref<!tpu.dma_semaphore, #tpu.memory_space<semaphore_mem>>)
      %mul3A_128 = arith.constant 640 : i32
      %mul3A_129 = arith.muli %arg1, %mul3A_128 : i32
      %dma_wait3A_130 = arith.constant 0 : i32
      %dma_wait3A_131 = tpu.memref_slice %arg10[%mul3A_129, %dma_wait3A_130] : memref<10000x128xbf16, #tpu.memory_space<vmem_shared>> -> memref<80x128xbf16, #tpu.memory_space<vmem_shared>>
      %dma_wait3A_132 = arith.constant 0 : i32
      %dma_wait3A_133 = tpu.memref_slice %arg10[%mul3A_129, %dma_wait3A_132] : memref<10000x128xbf16, #tpu.memory_space<vmem_shared>> -> memref<80x128xbf16, #tpu.memory_space<vmem_shared>>
      tpu.wait_dma2 semaphore(%arg18 : memref<!tpu.dma_semaphore, #tpu.memory_space<semaphore_mem>>) src(%arg7 : memref<80x128xbf16, #tpu.memory_space<vmem>>) dst(%dma_wait3A_133 : memref<80x128xbf16, #tpu.memory_space<vmem_shared>>)
      %mul3A_134 = arith.constant 640 : i32
      %mul3A_135 = arith.muli %arg1, %mul3A_134 : i32
      %dma_wait3A_136 = arith.constant 0 : i32
      %dma_wait3A_137 = tpu.memref_slice %arg10[%mul3A_135, %dma_wait3A_136] : memref<10000x128xbf16, #tpu.memory_space<vmem_shared>> -> memref<80x128xbf16, #tpu.memory_space<vmem_shared>>
      %dma_wait3A_138 = arith.constant 0 : i32
      %dma_wait3A_139 = tpu.memref_slice %arg10[%mul3A_135, %dma_wait3A_138] : memref<10000x128xbf16, #tpu.memory_space<vmem_shared>> -> memref<80x128xbf16, #tpu.memory_space<vmem_shared>>
      tpu.wait_dma2 semaphore(%arg18 : memref<!tpu.dma_semaphore, #tpu.memory_space<semaphore_mem>>) src(%arg7 : memref<80x128xbf16, #tpu.memory_space<vmem>>) dst(%dma_wait3A_139 : memref<80x128xbf16, #tpu.memory_space<vmem_shared>>)
      %mul3A_140 = arith.constant 640 : i32
      %mul3A_141 = arith.muli %arg1, %mul3A_140 : i32
      %dma_wait3A_142 = arith.constant 0 : i32
      %dma_wait3A_143 = tpu.memref_slice %arg10[%mul3A_141, %dma_wait3A_142] : memref<10000x128xbf16, #tpu.memory_space<vmem_shared>> -> memref<80x128xbf16, #tpu.memory_space<vmem_shared>>
      %dma_wait3A_144 = arith.constant 0 : i32
      %dma_wait3A_145 = tpu.memref_slice %arg10[%mul3A_141, %dma_wait3A_144] : memref<10000x128xbf16, #tpu.memory_space<vmem_shared>> -> memref<80x128xbf16, #tpu.memory_space<vmem_shared>>
      tpu.wait_dma2 semaphore(%arg18 : memref<!tpu.dma_semaphore, #tpu.memory_space<semaphore_mem>>) src(%arg7 : memref<80x128xbf16, #tpu.memory_space<vmem>>) dst(%dma_wait3A_145 : memref<80x128xbf16, #tpu.memory_space<vmem_shared>>)
      %mul3A_146 = arith.constant 640 : i32
      %mul3A_147 = arith.muli %arg1, %mul3A_146 : i32
      %dma_wait3A_148 = arith.constant 0 : i32
      %dma_wait3A_149 = tpu.memref_slice %arg10[%mul3A_147, %dma_wait3A_148] : memref<10000x128xbf16, #tpu.memory_space<vmem_shared>> -> memref<80x128xbf16, #tpu.memory_space<vmem_shared>>
      %dma_wait3A_150 = arith.constant 0 : i32
      %dma_wait3A_151 = tpu.memref_slice %arg10[%mul3A_147, %dma_wait3A_150] : memref<10000x128xbf16, #tpu.memory_space<vmem_shared>> -> memref<80x128xbf16, #tpu.memory_space<vmem_shared>>
      tpu.wait_dma2 semaphore(%arg18 : memref<!tpu.dma_semaphore, #tpu.memory_space<semaphore_mem>>) src(%arg7 : memref<80x128xbf16, #tpu.memory_space<vmem>>) dst(%dma_wait3A_151 : memref<80x128xbf16, #tpu.memory_space<vmem_shared>>)
      %mul3A_152 = arith.constant 640 : i32
      %mul3A_153 = arith.muli %arg1, %mul3A_152 : i32
      %dma_wait3A_154 = arith.constant 0 : i32
      %dma_wait3A_155 = tpu.memref_slice %arg10[%mul3A_153, %dma_wait3A_154] : memref<10000x128xbf16, #tpu.memory_space<vmem_shared>> -> memref<80x128xbf16, #tpu.memory_space<vmem_shared>>
      %dma_wait3A_156 = arith.constant 0 : i32
      %dma_wait3A_157 = tpu.memref_slice %arg10[%mul3A_153, %dma_wait3A_156] : memref<10000x128xbf16, #tpu.memory_space<vmem_shared>> -> memref<80x128xbf16, #tpu.memory_space<vmem_shared>>
      tpu.wait_dma2 semaphore(%arg18 : memref<!tpu.dma_semaphore, #tpu.memory_space<semaphore_mem>>) src(%arg7 : memref<80x128xbf16, #tpu.memory_space<vmem>>) dst(%dma_wait3A_157 : memref<80x128xbf16, #tpu.memory_space<vmem_shared>>)
    } else {
    }
    %dma_wait3A = arith.constant 0 : i32
    %dma_wait3A_22 = arith.constant 0 : i32
    %dma_wait3A_23 = tpu.memref_slice %arg3[%add3A, %dma_wait3A, %dma_wait3A_22] : memref<32x125x80xi32, #tpu.memory_space<hbm>> -> memref<1x125x80xi32, #tpu.memory_space<hbm>>
    %dma_wait3A_24 = tpu.memref_squeeze %dma_wait3A_23 : memref<1x125x80xi32, #tpu.memory_space<hbm>> -> memref<125x80xi32, #tpu.memory_space<hbm>>
    %dma_wait3A_25 = arith.constant 0 : i32
    %dma_wait3A_26 = arith.constant 0 : i32
    %dma_wait3A_27 = tpu.memref_slice %arg3[%add3A, %dma_wait3A_25, %dma_wait3A_26] : memref<32x125x80xi32, #tpu.memory_space<hbm>> -> memref<1x125x80xi32, #tpu.memory_space<hbm>>
    %dma_wait3A_28 = tpu.memref_squeeze %dma_wait3A_27 : memref<1x125x80xi32, #tpu.memory_space<hbm>> -> memref<125x80xi32, #tpu.memory_space<hbm>>
    tpu.wait_dma2 semaphore(%arg16 : memref<!tpu.dma_semaphore, #tpu.memory_space<semaphore_mem>>) src(%dma_wait3A_28 : memref<125x80xi32, #tpu.memory_space<hbm>>) dst(%arg8 : memref<125x80xi32, #tpu.memory_space<vmem>>)
    %dma_wait3A_29 = arith.constant 0 : i32
    %dma_wait3A_30 = arith.constant 0 : i32
    %dma_wait3A_31 = tpu.memref_slice %arg4[%add3A, %dma_wait3A_29, %dma_wait3A_30] : memref<32x125x80xi32, #tpu.memory_space<hbm>> -> memref<1x125x80xi32, #tpu.memory_space<hbm>>
    %dma_wait3A_32 = tpu.memref_squeeze %dma_wait3A_31 : memref<1x125x80xi32, #tpu.memory_space<hbm>> -> memref<125x80xi32, #tpu.memory_space<hbm>>
    %dma_wait3A_33 = arith.constant 0 : i32
    %dma_wait3A_34 = arith.constant 0 : i32
    %dma_wait3A_35 = tpu.memref_slice %arg4[%add3A, %dma_wait3A_33, %dma_wait3A_34] : memref<32x125x80xi32, #tpu.memory_space<hbm>> -> memref<1x125x80xi32, #tpu.memory_space<hbm>>
    %dma_wait3A_36 = tpu.memref_squeeze %dma_wait3A_35 : memref<1x125x80xi32, #tpu.memory_space<hbm>> -> memref<125x80xi32, #tpu.memory_space<hbm>>
    tpu.wait_dma2 semaphore(%arg17 : memref<!tpu.dma_semaphore, #tpu.memory_space<semaphore_mem>>) src(%dma_wait3A_36 : memref<125x80xi32, #tpu.memory_space<hbm>>) dst(%arg9 : memref<125x80xi32, #tpu.memory_space<vmem>>)
    %barrier3A = arith.constant 0 : index
    tpu.barrier barrier_id(%barrier3A)
    %dma_start3A_37 = arith.constant 0 : i32
    %dma_start3A_38 = arith.constant 0 : i32
    %dma_start3A_39 = tpu.memref_slice %arg8[%dma_start3A_37, %dma_start3A_38] : memref<125x80xi32, #tpu.memory_space<vmem>> -> memref<1x80xi32, #tpu.memory_space<vmem>>
    %dma_start3A_40 = tpu.memref_squeeze %dma_start3A_39 : memref<1x80xi32, #tpu.memory_space<vmem>> -> memref<80xi32, #tpu.memory_space<vmem>>
    %dma_start3A_41 = arith.constant 0 : i32
    %dma_start3A_42 = arith.constant 0 : i32
    %dma_start3A_43 = tpu.memref_slice %arg2[%dma_start3A_41, %dma_start3A_42] : memref<10000x128xbf16, #tpu.memory_space<hbm>> -> memref<10000x128xbf16, #tpu.memory_space<hbm>>
    tpu.enqueue_indirect_dma source(%dma_start3A_43 : memref<10000x128xbf16, #tpu.memory_space<hbm>>) target(%arg11 : memref<80x128xbf16, #tpu.memory_space<vmem>>) offsets(%dma_start3A_40 : memref<80xi32, #tpu.memory_space<vmem>>) semaphore(%arg16 : memref<!tpu.dma_semaphore, #tpu.memory_space<semaphore_mem>>)
    %dma_start3A_44 = arith.constant 1 : i32
    %dma_start3A_45 = arith.constant 0 : i32
    %dma_start3A_46 = tpu.memref_slice %arg8[%dma_start3A_44, %dma_start3A_45] : memref<125x80xi32, #tpu.memory_space<vmem>> -> memref<1x80xi32, #tpu.memory_space<vmem>>
    %dma_start3A_47 = tpu.memref_squeeze %dma_start3A_46 : memref<1x80xi32, #tpu.memory_space<vmem>> -> memref<80xi32, #tpu.memory_space<vmem>>
    %dma_start3A_48 = arith.constant 0 : i32
    %dma_start3A_49 = arith.constant 0 : i32
    %dma_start3A_50 = tpu.memref_slice %arg2[%dma_start3A_48, %dma_start3A_49] : memref<10000x128xbf16, #tpu.memory_space<hbm>> -> memref<10000x128xbf16, #tpu.memory_space<hbm>>
    tpu.enqueue_indirect_dma source(%dma_start3A_50 : memref<10000x128xbf16, #tpu.memory_space<hbm>>) target(%arg12 : memref<80x128xbf16, #tpu.memory_space<vmem>>) offsets(%dma_start3A_47 : memref<80xi32, #tpu.memory_space<vmem>>) semaphore(%arg17 : memref<!tpu.dma_semaphore, #tpu.memory_space<semaphore_mem>>)
    %dma_start3A_51 = arith.constant 2 : i32
    %dma_start3A_52 = arith.constant 0 : i32
    %dma_start3A_53 = tpu.memref_slice %arg8[%dma_start3A_51, %dma_start3A_52] : memref<125x80xi32, #tpu.memory_space<vmem>> -> memref<1x80xi32, #tpu.memory_space<vmem>>
    %dma_start3A_54 = tpu.memref_squeeze %dma_start3A_53 : memref<1x80xi32, #tpu.memory_space<vmem>> -> memref<80xi32, #tpu.memory_space<vmem>>
    %dma_start3A_55 = arith.constant 0 : i32
    %dma_start3A_56 = arith.constant 0 : i32
    %dma_start3A_57 = tpu.memref_slice %arg2[%dma_start3A_55, %dma_start3A_56] : memref<10000x128xbf16, #tpu.memory_space<hbm>> -> memref<10000x128xbf16, #tpu.memory_space<hbm>>
    tpu.enqueue_indirect_dma source(%dma_start3A_57 : memref<10000x128xbf16, #tpu.memory_space<hbm>>) target(%arg13 : memref<80x128xbf16, #tpu.memory_space<vmem>>) offsets(%dma_start3A_54 : memref<80xi32, #tpu.memory_space<vmem>>) semaphore(%arg18 : memref<!tpu.dma_semaphore, #tpu.memory_space<semaphore_mem>>)
    %dma_start3A_58 = arith.constant 3 : i32
    %dma_start3A_59 = arith.constant 0 : i32
    %dma_start3A_60 = tpu.memref_slice %arg8[%dma_start3A_58, %dma_start3A_59] : memref<125x80xi32, #tpu.memory_space<vmem>> -> memref<1x80xi32, #tpu.memory_space<vmem>>
    %dma_start3A_61 = tpu.memref_squeeze %dma_start3A_60 : memref<1x80xi32, #tpu.memory_space<vmem>> -> memref<80xi32, #tpu.memory_space<vmem>>
    %dma_start3A_62 = arith.constant 0 : i32
    %dma_start3A_63 = arith.constant 0 : i32
    %dma_start3A_64 = tpu.memref_slice %arg2[%dma_start3A_62, %dma_start3A_63] : memref<10000x128xbf16, #tpu.memory_space<hbm>> -> memref<10000x128xbf16, #tpu.memory_space<hbm>>
    tpu.enqueue_indirect_dma source(%dma_start3A_64 : memref<10000x128xbf16, #tpu.memory_space<hbm>>) target(%arg14 : memref<80x128xbf16, #tpu.memory_space<vmem>>) offsets(%dma_start3A_61 : memref<80xi32, #tpu.memory_space<vmem>>) semaphore(%arg19 : memref<!tpu.dma_semaphore, #tpu.memory_space<semaphore_mem>>)
    %dma_start3A_65 = arith.constant 4 : i32
    %dma_start3A_66 = arith.constant 0 : i32
    %dma_start3A_67 = tpu.memref_slice %arg8[%dma_start3A_65, %dma_start3A_66] : memref<125x80xi32, #tpu.memory_space<vmem>> -> memref<1x80xi32, #tpu.memory_space<vmem>>
    %dma_start3A_68 = tpu.memref_squeeze %dma_start3A_67 : memref<1x80xi32, #tpu.memory_space<vmem>> -> memref<80xi32, #tpu.memory_space<vmem>>
    %dma_start3A_69 = arith.constant 0 : i32
    %dma_start3A_70 = arith.constant 0 : i32
    %dma_start3A_71 = tpu.memref_slice %arg2[%dma_start3A_69, %dma_start3A_70] : memref<10000x128xbf16, #tpu.memory_space<hbm>> -> memref<10000x128xbf16, #tpu.memory_space<hbm>>
    tpu.enqueue_indirect_dma source(%dma_start3A_71 : memref<10000x128xbf16, #tpu.memory_space<hbm>>) target(%arg15 : memref<80x128xbf16, #tpu.memory_space<vmem>>) offsets(%dma_start3A_68 : memref<80xi32, #tpu.memory_space<vmem>>) semaphore(%arg20 : memref<!tpu.dma_semaphore, #tpu.memory_space<semaphore_mem>>)
    %scan3A = arith.constant 0 : i32
    %scan3A_72 = arith.constant 0 : i32
    %scan3A_73 = arith.constant 25 : i32
    %scan3A_74 = arith.addi %scan3A_72, %scan3A_73 : i32
    %scan3A_75 = arith.constant 1 : i32
    scf.for %scan3A_88 = %scan3A_72 to %scan3A_74 step %scan3A_75  : i32 {
      %mul3A_89 = arith.constant 5 : i32
      %mul3A_90 = arith.muli %scan3A_88, %mul3A_89 : i32
      %add3A_91 = arith.constant 0 : i32
      %add3A_92 = arith.addi %mul3A_90, %add3A_91 : i32
      %dma_wait3A_93 = arith.constant 0 : i32
      %dma_wait3A_94 = arith.constant 0 : i32
      %dma_wait3A_95 = tpu.memref_slice %arg8[%dma_wait3A_93, %dma_wait3A_94] : memref<125x80xi32, #tpu.memory_space<vmem>> -> memref<1x80xi32, #tpu.memory_space<vmem>>
      %dma_wait3A_96 = tpu.memref_squeeze %dma_wait3A_95 : memref<1x80xi32, #tpu.memory_space<vmem>> -> memref<80xi32, #tpu.memory_space<vmem>>
      %dma_wait3A_97 = arith.constant 0 : i32
      %dma_wait3A_98 = arith.constant 0 : i32
      %dma_wait3A_99 = tpu.memref_slice %arg2[%dma_wait3A_97, %dma_wait3A_98] : memref<10000x128xbf16, #tpu.memory_space<hbm>> -> memref<10000x128xbf16, #tpu.memory_space<hbm>>
      tpu.wait_indirect_dma semaphore(%arg16 : memref<!tpu.dma_semaphore, #tpu.memory_space<semaphore_mem>>) src(%dma_wait3A_99 : memref<10000x128xbf16, #tpu.memory_space<hbm>>) dst(%arg11 : memref<80x128xbf16, #tpu.memory_space<vmem>>)
      "tpu.region"() ({
        %run_scoped3A = tpu.sem_alloc : memref<!tpu.dma_semaphore, #tpu.memory_space<semaphore_mem>>
        %dma_start3A_160 = arith.constant 0 : i32
        %dma_start3A_161 = tpu.memref_slice %arg9[%add3A_92, %dma_start3A_160] : memref<125x80xi32, #tpu.memory_space<vmem>> -> memref<1x80xi32, #tpu.memory_space<vmem>>
        %dma_start3A_162 = tpu.memref_squeeze %dma_start3A_161 : memref<1x80xi32, #tpu.memory_space<vmem>> -> memref<80xi32, #tpu.memory_space<vmem>>
        %dma_start3A_163 = arith.constant 0 : i32
        %dma_start3A_164 = arith.constant 0 : i32
        %dma_start3A_165 = tpu.memref_slice %arg10[%dma_start3A_163, %dma_start3A_164] : memref<10000x128xbf16, #tpu.memory_space<vmem_shared>> -> memref<10000x128xbf16, #tpu.memory_space<vmem_shared>>
        tpu.enqueue_indirect_dma source(%arg11 : memref<80x128xbf16, #tpu.memory_space<vmem>>) target(%dma_start3A_165 : memref<10000x128xbf16, #tpu.memory_space<vmem_shared>>) offsets(%dma_start3A_162 : memref<80xi32, #tpu.memory_space<vmem>>) semaphore(%run_scoped3A : memref<!tpu.dma_semaphore, #tpu.memory_space<semaphore_mem>>) {add = true}
        %dma_wait3A_166 = arith.constant 0 : i32
        %dma_wait3A_167 = tpu.memref_slice %arg9[%add3A_92, %dma_wait3A_166] : memref<125x80xi32, #tpu.memory_space<vmem>> -> memref<1x80xi32, #tpu.memory_space<vmem>>
        %dma_wait3A_168 = tpu.memref_squeeze %dma_wait3A_167 : memref<1x80xi32, #tpu.memory_space<vmem>> -> memref<80xi32, #tpu.memory_space<vmem>>
        %dma_wait3A_169 = arith.constant 0 : i32
        %dma_wait3A_170 = arith.constant 0 : i32
        %dma_wait3A_171 = tpu.memref_slice %arg10[%dma_wait3A_169, %dma_wait3A_170] : memref<10000x128xbf16, #tpu.memory_space<vmem_shared>> -> memref<10000x128xbf16, #tpu.memory_space<vmem_shared>>
        tpu.wait_indirect_dma semaphore(%run_scoped3A : memref<!tpu.dma_semaphore, #tpu.memory_space<semaphore_mem>>) src(%arg11 : memref<80x128xbf16, #tpu.memory_space<vmem>>) dst(%dma_wait3A_171 : memref<10000x128xbf16, #tpu.memory_space<vmem_shared>>)
        tpu.yield
      }) : () -> ()
      %lt3A = arith.constant 120 : i32
      %lt3A_100 = arith.cmpi slt, %add3A_92, %lt3A : i32
      %convert_element_type3A_101 = arith.extui %lt3A_100 : i1 to i32
      %cond3A_102 = arith.constant 0 : i32
      %cond3A_103 = arith.cmpi ne, %convert_element_type3A_101, %cond3A_102 : i32
      scf.if %cond3A_103 {
        %add3A_160 = arith.constant 5 : i32
        %add3A_161 = arith.addi %add3A_92, %add3A_160 : i32
        %dma_start3A_162 = arith.constant 0 : i32
        %dma_start3A_163 = tpu.memref_slice %arg8[%add3A_161, %dma_start3A_162] : memref<125x80xi32, #tpu.memory_space<vmem>> -> memref<1x80xi32, #tpu.memory_space<vmem>>
        %dma_start3A_164 = tpu.memref_squeeze %dma_start3A_163 : memref<1x80xi32, #tpu.memory_space<vmem>> -> memref<80xi32, #tpu.memory_space<vmem>>
        %dma_start3A_165 = arith.constant 0 : i32
        %dma_start3A_166 = arith.constant 0 : i32
        %dma_start3A_167 = tpu.memref_slice %arg2[%dma_start3A_165, %dma_start3A_166] : memref<10000x128xbf16, #tpu.memory_space<hbm>> -> memref<10000x128xbf16, #tpu.memory_space<hbm>>
        tpu.enqueue_indirect_dma source(%dma_start3A_167 : memref<10000x128xbf16, #tpu.memory_space<hbm>>) target(%arg11 : memref<80x128xbf16, #tpu.memory_space<vmem>>) offsets(%dma_start3A_164 : memref<80xi32, #tpu.memory_space<vmem>>) semaphore(%arg16 : memref<!tpu.dma_semaphore, #tpu.memory_space<semaphore_mem>>)
      } else {
      }
      %add3A_104 = arith.constant 1 : i32
      %add3A_105 = arith.addi %mul3A_90, %add3A_104 : i32
      %dma_wait3A_106 = arith.constant 0 : i32
      %dma_wait3A_107 = arith.constant 0 : i32
      %dma_wait3A_108 = tpu.memref_slice %arg8[%dma_wait3A_106, %dma_wait3A_107] : memref<125x80xi32, #tpu.memory_space<vmem>> -> memref<1x80xi32, #tpu.memory_space<vmem>>
      %dma_wait3A_109 = tpu.memref_squeeze %dma_wait3A_108 : memref<1x80xi32, #tpu.memory_space<vmem>> -> memref<80xi32, #tpu.memory_space<vmem>>
      %dma_wait3A_110 = arith.constant 0 : i32
      %dma_wait3A_111 = arith.constant 0 : i32
      %dma_wait3A_112 = tpu.memref_slice %arg2[%dma_wait3A_110, %dma_wait3A_111] : memref<10000x128xbf16, #tpu.memory_space<hbm>> -> memref<10000x128xbf16, #tpu.memory_space<hbm>>
      tpu.wait_indirect_dma semaphore(%arg17 : memref<!tpu.dma_semaphore, #tpu.memory_space<semaphore_mem>>) src(%dma_wait3A_112 : memref<10000x128xbf16, #tpu.memory_space<hbm>>) dst(%arg12 : memref<80x128xbf16, #tpu.memory_space<vmem>>)
      "tpu.region"() ({
        %run_scoped3A = tpu.sem_alloc : memref<!tpu.dma_semaphore, #tpu.memory_space<semaphore_mem>>
        %dma_start3A_160 = arith.constant 0 : i32
        %dma_start3A_161 = tpu.memref_slice %arg9[%add3A_105, %dma_start3A_160] : memref<125x80xi32, #tpu.memory_space<vmem>> -> memref<1x80xi32, #tpu.memory_space<vmem>>
        %dma_start3A_162 = tpu.memref_squeeze %dma_start3A_161 : memref<1x80xi32, #tpu.memory_space<vmem>> -> memref<80xi32, #tpu.memory_space<vmem>>
        %dma_start3A_163 = arith.constant 0 : i32
        %dma_start3A_164 = arith.constant 0 : i32
        %dma_start3A_165 = tpu.memref_slice %arg10[%dma_start3A_163, %dma_start3A_164] : memref<10000x128xbf16, #tpu.memory_space<vmem_shared>> -> memref<10000x128xbf16, #tpu.memory_space<vmem_shared>>
        tpu.enqueue_indirect_dma source(%arg12 : memref<80x128xbf16, #tpu.memory_space<vmem>>) target(%dma_start3A_165 : memref<10000x128xbf16, #tpu.memory_space<vmem_shared>>) offsets(%dma_start3A_162 : memref<80xi32, #tpu.memory_space<vmem>>) semaphore(%run_scoped3A : memref<!tpu.dma_semaphore, #tpu.memory_space<semaphore_mem>>) {add = true}
        %dma_wait3A_166 = arith.constant 0 : i32
        %dma_wait3A_167 = tpu.memref_slice %arg9[%add3A_105, %dma_wait3A_166] : memref<125x80xi32, #tpu.memory_space<vmem>> -> memref<1x80xi32, #tpu.memory_space<vmem>>
        %dma_wait3A_168 = tpu.memref_squeeze %dma_wait3A_167 : memref<1x80xi32, #tpu.memory_space<vmem>> -> memref<80xi32, #tpu.memory_space<vmem>>
        %dma_wait3A_169 = arith.constant 0 : i32
        %dma_wait3A_170 = arith.constant 0 : i32
        %dma_wait3A_171 = tpu.memref_slice %arg10[%dma_wait3A_169, %dma_wait3A_170] : memref<10000x128xbf16, #tpu.memory_space<vmem_shared>> -> memref<10000x128xbf16, #tpu.memory_space<vmem_shared>>
        tpu.wait_indirect_dma semaphore(%run_scoped3A : memref<!tpu.dma_semaphore, #tpu.memory_space<semaphore_mem>>) src(%arg12 : memref<80x128xbf16, #tpu.memory_space<vmem>>) dst(%dma_wait3A_171 : memref<10000x128xbf16, #tpu.memory_space<vmem_shared>>)
        tpu.yield
      }) : () -> ()
      %lt3A_113 = arith.constant 120 : i32
      %lt3A_114 = arith.cmpi slt, %add3A_105, %lt3A_113 : i32
      %convert_element_type3A_115 = arith.extui %lt3A_114 : i1 to i32
      %cond3A_116 = arith.constant 0 : i32
      %cond3A_117 = arith.cmpi ne, %convert_element_type3A_115, %cond3A_116 : i32
      scf.if %cond3A_117 {
        %add3A_160 = arith.constant 5 : i32
        %add3A_161 = arith.addi %add3A_105, %add3A_160 : i32
        %dma_start3A_162 = arith.constant 0 : i32
        %dma_start3A_163 = tpu.memref_slice %arg8[%add3A_161, %dma_start3A_162] : memref<125x80xi32, #tpu.memory_space<vmem>> -> memref<1x80xi32, #tpu.memory_space<vmem>>
        %dma_start3A_164 = tpu.memref_squeeze %dma_start3A_163 : memref<1x80xi32, #tpu.memory_space<vmem>> -> memref<80xi32, #tpu.memory_space<vmem>>
        %dma_start3A_165 = arith.constant 0 : i32
        %dma_start3A_166 = arith.constant 0 : i32
        %dma_start3A_167 = tpu.memref_slice %arg2[%dma_start3A_165, %dma_start3A_166] : memref<10000x128xbf16, #tpu.memory_space<hbm>> -> memref<10000x128xbf16, #tpu.memory_space<hbm>>
        tpu.enqueue_indirect_dma source(%dma_start3A_167 : memref<10000x128xbf16, #tpu.memory_space<hbm>>) target(%arg12 : memref<80x128xbf16, #tpu.memory_space<vmem>>) offsets(%dma_start3A_164 : memref<80xi32, #tpu.memory_space<vmem>>) semaphore(%arg17 : memref<!tpu.dma_semaphore, #tpu.memory_space<semaphore_mem>>)
      } else {
      }
      %add3A_118 = arith.constant 2 : i32
      %add3A_119 = arith.addi %mul3A_90, %add3A_118 : i32
      %dma_wait3A_120 = arith.constant 0 : i32
      %dma_wait3A_121 = arith.constant 0 : i32
      %dma_wait3A_122 = tpu.memref_slice %arg8[%dma_wait3A_120, %dma_wait3A_121] : memref<125x80xi32, #tpu.memory_space<vmem>> -> memref<1x80xi32, #tpu.memory_space<vmem>>
      %dma_wait3A_123 = tpu.memref_squeeze %dma_wait3A_122 : memref<1x80xi32, #tpu.memory_space<vmem>> -> memref<80xi32, #tpu.memory_space<vmem>>
      %dma_wait3A_124 = arith.constant 0 : i32
      %dma_wait3A_125 = arith.constant 0 : i32
      %dma_wait3A_126 = tpu.memref_slice %arg2[%dma_wait3A_124, %dma_wait3A_125] : memref<10000x128xbf16, #tpu.memory_space<hbm>> -> memref<10000x128xbf16, #tpu.memory_space<hbm>>
      tpu.wait_indirect_dma semaphore(%arg18 : memref<!tpu.dma_semaphore, #tpu.memory_space<semaphore_mem>>) src(%dma_wait3A_126 : memref<10000x128xbf16, #tpu.memory_space<hbm>>) dst(%arg13 : memref<80x128xbf16, #tpu.memory_space<vmem>>)
      "tpu.region"() ({
        %run_scoped3A = tpu.sem_alloc : memref<!tpu.dma_semaphore, #tpu.memory_space<semaphore_mem>>
        %dma_start3A_160 = arith.constant 0 : i32
        %dma_start3A_161 = tpu.memref_slice %arg9[%add3A_119, %dma_start3A_160] : memref<125x80xi32, #tpu.memory_space<vmem>> -> memref<1x80xi32, #tpu.memory_space<vmem>>
        %dma_start3A_162 = tpu.memref_squeeze %dma_start3A_161 : memref<1x80xi32, #tpu.memory_space<vmem>> -> memref<80xi32, #tpu.memory_space<vmem>>
        %dma_start3A_163 = arith.constant 0 : i32
        %dma_start3A_164 = arith.constant 0 : i32
        %dma_start3A_165 = tpu.memref_slice %arg10[%dma_start3A_163, %dma_start3A_164] : memref<10000x128xbf16, #tpu.memory_space<vmem_shared>> -> memref<10000x128xbf16, #tpu.memory_space<vmem_shared>>
        tpu.enqueue_indirect_dma source(%arg13 : memref<80x128xbf16, #tpu.memory_space<vmem>>) target(%dma_start3A_165 : memref<10000x128xbf16, #tpu.memory_space<vmem_shared>>) offsets(%dma_start3A_162 : memref<80xi32, #tpu.memory_space<vmem>>) semaphore(%run_scoped3A : memref<!tpu.dma_semaphore, #tpu.memory_space<semaphore_mem>>) {add = true}
        %dma_wait3A_166 = arith.constant 0 : i32
        %dma_wait3A_167 = tpu.memref_slice %arg9[%add3A_119, %dma_wait3A_166] : memref<125x80xi32, #tpu.memory_space<vmem>> -> memref<1x80xi32, #tpu.memory_space<vmem>>
        %dma_wait3A_168 = tpu.memref_squeeze %dma_wait3A_167 : memref<1x80xi32, #tpu.memory_space<vmem>> -> memref<80xi32, #tpu.memory_space<vmem>>
        %dma_wait3A_169 = arith.constant 0 : i32
        %dma_wait3A_170 = arith.constant 0 : i32
        %dma_wait3A_171 = tpu.memref_slice %arg10[%dma_wait3A_169, %dma_wait3A_170] : memref<10000x128xbf16, #tpu.memory_space<vmem_shared>> -> memref<10000x128xbf16, #tpu.memory_space<vmem_shared>>
        tpu.wait_indirect_dma semaphore(%run_scoped3A : memref<!tpu.dma_semaphore, #tpu.memory_space<semaphore_mem>>) src(%arg13 : memref<80x128xbf16, #tpu.memory_space<vmem>>) dst(%dma_wait3A_171 : memref<10000x128xbf16, #tpu.memory_space<vmem_shared>>)
        tpu.yield
      }) : () -> ()
      %lt3A_127 = arith.constant 120 : i32
      %lt3A_128 = arith.cmpi slt, %add3A_119, %lt3A_127 : i32
      %convert_element_type3A_129 = arith.extui %lt3A_128 : i1 to i32
      %cond3A_130 = arith.constant 0 : i32
      %cond3A_131 = arith.cmpi ne, %convert_element_type3A_129, %cond3A_130 : i32
      scf.if %cond3A_131 {
        %add3A_160 = arith.constant 5 : i32
        %add3A_161 = arith.addi %add3A_119, %add3A_160 : i32
        %dma_start3A_162 = arith.constant 0 : i32
        %dma_start3A_163 = tpu.memref_slice %arg8[%add3A_161, %dma_start3A_162] : memref<125x80xi32, #tpu.memory_space<vmem>> -> memref<1x80xi32, #tpu.memory_space<vmem>>
        %dma_start3A_164 = tpu.memref_squeeze %dma_start3A_163 : memref<1x80xi32, #tpu.memory_space<vmem>> -> memref<80xi32, #tpu.memory_space<vmem>>
        %dma_start3A_165 = arith.constant 0 : i32
        %dma_start3A_166 = arith.constant 0 : i32
        %dma_start3A_167 = tpu.memref_slice %arg2[%dma_start3A_165, %dma_start3A_166] : memref<10000x128xbf16, #tpu.memory_space<hbm>> -> memref<10000x128xbf16, #tpu.memory_space<hbm>>
        tpu.enqueue_indirect_dma source(%dma_start3A_167 : memref<10000x128xbf16, #tpu.memory_space<hbm>>) target(%arg13 : memref<80x128xbf16, #tpu.memory_space<vmem>>) offsets(%dma_start3A_164 : memref<80xi32, #tpu.memory_space<vmem>>) semaphore(%arg18 : memref<!tpu.dma_semaphore, #tpu.memory_space<semaphore_mem>>)
      } else {
      }
      %add3A_132 = arith.constant 3 : i32
      %add3A_133 = arith.addi %mul3A_90, %add3A_132 : i32
      %dma_wait3A_134 = arith.constant 0 : i32
      %dma_wait3A_135 = arith.constant 0 : i32
      %dma_wait3A_136 = tpu.memref_slice %arg8[%dma_wait3A_134, %dma_wait3A_135] : memref<125x80xi32, #tpu.memory_space<vmem>> -> memref<1x80xi32, #tpu.memory_space<vmem>>
      %dma_wait3A_137 = tpu.memref_squeeze %dma_wait3A_136 : memref<1x80xi32, #tpu.memory_space<vmem>> -> memref<80xi32, #tpu.memory_space<vmem>>
      %dma_wait3A_138 = arith.constant 0 : i32
      %dma_wait3A_139 = arith.constant 0 : i32
      %dma_wait3A_140 = tpu.memref_slice %arg2[%dma_wait3A_138, %dma_wait3A_139] : memref<10000x128xbf16, #tpu.memory_space<hbm>> -> memref<10000x128xbf16, #tpu.memory_space<hbm>>
      tpu.wait_indirect_dma semaphore(%arg19 : memref<!tpu.dma_semaphore, #tpu.memory_space<semaphore_mem>>) src(%dma_wait3A_140 : memref<10000x128xbf16, #tpu.memory_space<hbm>>) dst(%arg14 : memref<80x128xbf16, #tpu.memory_space<vmem>>)
      "tpu.region"() ({
        %run_scoped3A = tpu.sem_alloc : memref<!tpu.dma_semaphore, #tpu.memory_space<semaphore_mem>>
        %dma_start3A_160 = arith.constant 0 : i32
        %dma_start3A_161 = tpu.memref_slice %arg9[%add3A_133, %dma_start3A_160] : memref<125x80xi32, #tpu.memory_space<vmem>> -> memref<1x80xi32, #tpu.memory_space<vmem>>
        %dma_start3A_162 = tpu.memref_squeeze %dma_start3A_161 : memref<1x80xi32, #tpu.memory_space<vmem>> -> memref<80xi32, #tpu.memory_space<vmem>>
        %dma_start3A_163 = arith.constant 0 : i32
        %dma_start3A_164 = arith.constant 0 : i32
        %dma_start3A_165 = tpu.memref_slice %arg10[%dma_start3A_163, %dma_start3A_164] : memref<10000x128xbf16, #tpu.memory_space<vmem_shared>> -> memref<10000x128xbf16, #tpu.memory_space<vmem_shared>>
        tpu.enqueue_indirect_dma source(%arg14 : memref<80x128xbf16, #tpu.memory_space<vmem>>) target(%dma_start3A_165 : memref<10000x128xbf16, #tpu.memory_space<vmem_shared>>) offsets(%dma_start3A_162 : memref<80xi32, #tpu.memory_space<vmem>>) semaphore(%run_scoped3A : memref<!tpu.dma_semaphore, #tpu.memory_space<semaphore_mem>>) {add = true}
        %dma_wait3A_166 = arith.constant 0 : i32
        %dma_wait3A_167 = tpu.memref_slice %arg9[%add3A_133, %dma_wait3A_166] : memref<125x80xi32, #tpu.memory_space<vmem>> -> memref<1x80xi32, #tpu.memory_space<vmem>>
        %dma_wait3A_168 = tpu.memref_squeeze %dma_wait3A_167 : memref<1x80xi32, #tpu.memory_space<vmem>> -> memref<80xi32, #tpu.memory_space<vmem>>
        %dma_wait3A_169 = arith.constant 0 : i32
        %dma_wait3A_170 = arith.constant 0 : i32
        %dma_wait3A_171 = tpu.memref_slice %arg10[%dma_wait3A_169, %dma_wait3A_170] : memref<10000x128xbf16, #tpu.memory_space<vmem_shared>> -> memref<10000x128xbf16, #tpu.memory_space<vmem_shared>>
        tpu.wait_indirect_dma semaphore(%run_scoped3A : memref<!tpu.dma_semaphore, #tpu.memory_space<semaphore_mem>>) src(%arg14 : memref<80x128xbf16, #tpu.memory_space<vmem>>) dst(%dma_wait3A_171 : memref<10000x128xbf16, #tpu.memory_space<vmem_shared>>)
        tpu.yield
      }) : () -> ()
      %lt3A_141 = arith.constant 120 : i32
      %lt3A_142 = arith.cmpi slt, %add3A_133, %lt3A_141 : i32
      %convert_element_type3A_143 = arith.extui %lt3A_142 : i1 to i32
      %cond3A_144 = arith.constant 0 : i32
      %cond3A_145 = arith.cmpi ne, %convert_element_type3A_143, %cond3A_144 : i32
      scf.if %cond3A_145 {
        %add3A_160 = arith.constant 5 : i32
        %add3A_161 = arith.addi %add3A_133, %add3A_160 : i32
        %dma_start3A_162 = arith.constant 0 : i32
        %dma_start3A_163 = tpu.memref_slice %arg8[%add3A_161, %dma_start3A_162] : memref<125x80xi32, #tpu.memory_space<vmem>> -> memref<1x80xi32, #tpu.memory_space<vmem>>
        %dma_start3A_164 = tpu.memref_squeeze %dma_start3A_163 : memref<1x80xi32, #tpu.memory_space<vmem>> -> memref<80xi32, #tpu.memory_space<vmem>>
        %dma_start3A_165 = arith.constant 0 : i32
        %dma_start3A_166 = arith.constant 0 : i32
        %dma_start3A_167 = tpu.memref_slice %arg2[%dma_start3A_165, %dma_start3A_166] : memref<10000x128xbf16, #tpu.memory_space<hbm>> -> memref<10000x128xbf16, #tpu.memory_space<hbm>>
        tpu.enqueue_indirect_dma source(%dma_start3A_167 : memref<10000x128xbf16, #tpu.memory_space<hbm>>) target(%arg14 : memref<80x128xbf16, #tpu.memory_space<vmem>>) offsets(%dma_start3A_164 : memref<80xi32, #tpu.memory_space<vmem>>) semaphore(%arg19 : memref<!tpu.dma_semaphore, #tpu.memory_space<semaphore_mem>>)
      } else {
      }
      %add3A_146 = arith.constant 4 : i32
      %add3A_147 = arith.addi %mul3A_90, %add3A_146 : i32
      %dma_wait3A_148 = arith.constant 0 : i32
      %dma_wait3A_149 = arith.constant 0 : i32
      %dma_wait3A_150 = tpu.memref_slice %arg8[%dma_wait3A_148, %dma_wait3A_149] : memref<125x80xi32, #tpu.memory_space<vmem>> -> memref<1x80xi32, #tpu.memory_space<vmem>>
      %dma_wait3A_151 = tpu.memref_squeeze %dma_wait3A_150 : memref<1x80xi32, #tpu.memory_space<vmem>> -> memref<80xi32, #tpu.memory_space<vmem>>
      %dma_wait3A_152 = arith.constant 0 : i32
      %dma_wait3A_153 = arith.constant 0 : i32
      %dma_wait3A_154 = tpu.memref_slice %arg2[%dma_wait3A_152, %dma_wait3A_153] : memref<10000x128xbf16, #tpu.memory_space<hbm>> -> memref<10000x128xbf16, #tpu.memory_space<hbm>>
      tpu.wait_indirect_dma semaphore(%arg20 : memref<!tpu.dma_semaphore, #tpu.memory_space<semaphore_mem>>) src(%dma_wait3A_154 : memref<10000x128xbf16, #tpu.memory_space<hbm>>) dst(%arg15 : memref<80x128xbf16, #tpu.memory_space<vmem>>)
      "tpu.region"() ({
        %run_scoped3A = tpu.sem_alloc : memref<!tpu.dma_semaphore, #tpu.memory_space<semaphore_mem>>
        %dma_start3A_160 = arith.constant 0 : i32
        %dma_start3A_161 = tpu.memref_slice %arg9[%add3A_147, %dma_start3A_160] : memref<125x80xi32, #tpu.memory_space<vmem>> -> memref<1x80xi32, #tpu.memory_space<vmem>>
        %dma_start3A_162 = tpu.memref_squeeze %dma_start3A_161 : memref<1x80xi32, #tpu.memory_space<vmem>> -> memref<80xi32, #tpu.memory_space<vmem>>
        %dma_start3A_163 = arith.constant 0 : i32
        %dma_start3A_164 = arith.constant 0 : i32
        %dma_start3A_165 = tpu.memref_slice %arg10[%dma_start3A_163, %dma_start3A_164] : memref<10000x128xbf16, #tpu.memory_space<vmem_shared>> -> memref<10000x128xbf16, #tpu.memory_space<vmem_shared>>
        tpu.enqueue_indirect_dma source(%arg15 : memref<80x128xbf16, #tpu.memory_space<vmem>>) target(%dma_start3A_165 : memref<10000x128xbf16, #tpu.memory_space<vmem_shared>>) offsets(%dma_start3A_162 : memref<80xi32, #tpu.memory_space<vmem>>) semaphore(%run_scoped3A : memref<!tpu.dma_semaphore, #tpu.memory_space<semaphore_mem>>) {add = true}
        %dma_wait3A_166 = arith.constant 0 : i32
        %dma_wait3A_167 = tpu.memref_slice %arg9[%add3A_147, %dma_wait3A_166] : memref<125x80xi32, #tpu.memory_space<vmem>> -> memref<1x80xi32, #tpu.memory_space<vmem>>
        %dma_wait3A_168 = tpu.memref_squeeze %dma_wait3A_167 : memref<1x80xi32, #tpu.memory_space<vmem>> -> memref<80xi32, #tpu.memory_space<vmem>>
        %dma_wait3A_169 = arith.constant 0 : i32
        %dma_wait3A_170 = arith.constant 0 : i32
        %dma_wait3A_171 = tpu.memref_slice %arg10[%dma_wait3A_169, %dma_wait3A_170] : memref<10000x128xbf16, #tpu.memory_space<vmem_shared>> -> memref<10000x128xbf16, #tpu.memory_space<vmem_shared>>
        tpu.wait_indirect_dma semaphore(%run_scoped3A : memref<!tpu.dma_semaphore, #tpu.memory_space<semaphore_mem>>) src(%arg15 : memref<80x128xbf16, #tpu.memory_space<vmem>>) dst(%dma_wait3A_171 : memref<10000x128xbf16, #tpu.memory_space<vmem_shared>>)
        tpu.yield
      }) : () -> ()
      %lt3A_155 = arith.constant 120 : i32
      %lt3A_156 = arith.cmpi slt, %add3A_147, %lt3A_155 : i32
      %convert_element_type3A_157 = arith.extui %lt3A_156 : i1 to i32
      %cond3A_158 = arith.constant 0 : i32
      %cond3A_159 = arith.cmpi ne, %convert_element_type3A_157, %cond3A_158 : i32
      scf.if %cond3A_159 {
        %add3A_160 = arith.constant 5 : i32
        %add3A_161 = arith.addi %add3A_147, %add3A_160 : i32
        %dma_start3A_162 = arith.constant 0 : i32
        %dma_start3A_163 = tpu.memref_slice %arg8[%add3A_161, %dma_start3A_162] : memref<125x80xi32, #tpu.memory_space<vmem>> -> memref<1x80xi32, #tpu.memory_space<vmem>>
        %dma_start3A_164 = tpu.memref_squeeze %dma_start3A_163 : memref<1x80xi32, #tpu.memory_space<vmem>> -> memref<80xi32, #tpu.memory_space<vmem>>
        %dma_start3A_165 = arith.constant 0 : i32
        %dma_start3A_166 = arith.constant 0 : i32
        %dma_start3A_167 = tpu.memref_slice %arg2[%dma_start3A_165, %dma_start3A_166] : memref<10000x128xbf16, #tpu.memory_space<hbm>> -> memref<10000x128xbf16, #tpu.memory_space<hbm>>
        tpu.enqueue_indirect_dma source(%dma_start3A_167 : memref<10000x128xbf16, #tpu.memory_space<hbm>>) target(%arg15 : memref<80x128xbf16, #tpu.memory_space<vmem>>) offsets(%dma_start3A_164 : memref<80xi32, #tpu.memory_space<vmem>>) semaphore(%arg20 : memref<!tpu.dma_semaphore, #tpu.memory_space<semaphore_mem>>)
      } else {
      }
    }
    %scan3A_76 = arith.constant 25 : i32
    %barrier3A_77 = arith.constant 0 : index
    tpu.barrier barrier_id(%barrier3A_77)
    %ne3A_78 = arith.constant 15 : i32
    %ne3A_79 = arith.cmpi ne, %arg1, %ne3A_78 : i32
    %convert_element_type3A_80 = arith.extui %ne3A_79 : i1 to i32
    %cond3A_81 = arith.constant 0 : i32
    %cond3A_82 = arith.cmpi ne, %convert_element_type3A_80, %cond3A_81 : i32
    scf.if %cond3A_82 {
      %mul3A_88 = arith.constant 10000 : i32
      %mul3A_89 = arith.muli %arg0, %mul3A_88 : i32
      %mul3A_90 = arith.constant 640 : i32
      %mul3A_91 = arith.muli %arg1, %mul3A_90 : i32
      %add3A_92 = arith.addi %mul3A_89, %mul3A_91 : i32
      %mul3A_93 = arith.constant 640 : i32
      %mul3A_94 = arith.muli %arg1, %mul3A_93 : i32
      %add3A_95 = arith.constant 0 : i32
      %add3A_96 = arith.addi %mul3A_94, %add3A_95 : i32
      "tpu.region"() ({
        %run_scoped3A = tpu.sem_alloc : memref<!tpu.dma_semaphore, #tpu.memory_space<semaphore_mem>>
        %dma_start3A_205 = arith.constant 0 : i32
        %dma_start3A_206 = tpu.memref_slice %arg10[%add3A_96, %dma_start3A_205] : memref<10000x128xbf16, #tpu.memory_space<vmem_shared>> -> memref<80x128xbf16, #tpu.memory_space<vmem_shared>>
        %dma_start3A_207 = arith.constant 0 : i32
        %dma_start3A_208 = tpu.memref_slice %arg10[%add3A_96, %dma_start3A_207] : memref<10000x128xbf16, #tpu.memory_space<vmem_shared>> -> memref<80x128xbf16, #tpu.memory_space<vmem_shared>>
        tpu.enqueue_dma source(%dma_start3A_208 : memref<80x128xbf16, #tpu.memory_space<vmem_shared>>) target(%arg7 : memref<80x128xbf16, #tpu.memory_space<vmem>>) target_semaphore(%run_scoped3A : memref<!tpu.dma_semaphore, #tpu.memory_space<semaphore_mem>>)
        %dma_wait3A_209 = arith.constant 0 : i32
        %dma_wait3A_210 = tpu.memref_slice %arg10[%add3A_96, %dma_wait3A_209] : memref<10000x128xbf16, #tpu.memory_space<vmem_shared>> -> memref<80x128xbf16, #tpu.memory_space<vmem_shared>>
        %dma_wait3A_211 = arith.constant 0 : i32
        %dma_wait3A_212 = tpu.memref_slice %arg10[%add3A_96, %dma_wait3A_211] : memref<10000x128xbf16, #tpu.memory_space<vmem_shared>> -> memref<80x128xbf16, #tpu.memory_space<vmem_shared>>
        tpu.wait_dma2 semaphore(%run_scoped3A : memref<!tpu.dma_semaphore, #tpu.memory_space<semaphore_mem>>) src(%dma_wait3A_212 : memref<80x128xbf16, #tpu.memory_space<vmem_shared>>) dst(%arg7 : memref<80x128xbf16, #tpu.memory_space<vmem>>)
        tpu.yield
      }) : () -> ()
      %add3A_97 = arith.constant 0 : i32
      %add3A_98 = arith.addi %add3A_92, %add3A_97 : i32
      %dma_start3A_99 = arith.constant 0 : i32
      %dma_start3A_100 = tpu.memref_slice %arg6[%add3A_98, %dma_start3A_99] : memref<20000x128xbf16, #tpu.memory_space<hbm>> -> memref<80x128xbf16, #tpu.memory_space<hbm>>
      %dma_start3A_101 = arith.constant 0 : i32
      %dma_start3A_102 = tpu.memref_slice %arg6[%add3A_98, %dma_start3A_101] : memref<20000x128xbf16, #tpu.memory_space<hbm>> -> memref<80x128xbf16, #tpu.memory_space<hbm>>
      tpu.enqueue_dma source(%arg7 : memref<80x128xbf16, #tpu.memory_space<vmem>>) target(%dma_start3A_102 : memref<80x128xbf16, #tpu.memory_space<hbm>>) target_semaphore(%arg16 : memref<!tpu.dma_semaphore, #tpu.memory_space<semaphore_mem>>)
      %mul3A_103 = arith.constant 640 : i32
      %mul3A_104 = arith.muli %arg1, %mul3A_103 : i32
      %add3A_105 = arith.constant 80 : i32
      %add3A_106 = arith.addi %mul3A_104, %add3A_105 : i32
      "tpu.region"() ({
        %run_scoped3A = tpu.sem_alloc : memref<!tpu.dma_semaphore, #tpu.memory_space<semaphore_mem>>
        %dma_start3A_205 = arith.constant 0 : i32
        %dma_start3A_206 = tpu.memref_slice %arg10[%add3A_106, %dma_start3A_205] : memref<10000x128xbf16, #tpu.memory_space<vmem_shared>> -> memref<80x128xbf16, #tpu.memory_space<vmem_shared>>
        %dma_start3A_207 = arith.constant 0 : i32
        %dma_start3A_208 = tpu.memref_slice %arg10[%add3A_106, %dma_start3A_207] : memref<10000x128xbf16, #tpu.memory_space<vmem_shared>> -> memref<80x128xbf16, #tpu.memory_space<vmem_shared>>
        tpu.enqueue_dma source(%dma_start3A_208 : memref<80x128xbf16, #tpu.memory_space<vmem_shared>>) target(%arg11 : memref<80x128xbf16, #tpu.memory_space<vmem>>) target_semaphore(%run_scoped3A : memref<!tpu.dma_semaphore, #tpu.memory_space<semaphore_mem>>)
        %dma_wait3A_209 = arith.constant 0 : i32
        %dma_wait3A_210 = tpu.memref_slice %arg10[%add3A_106, %dma_wait3A_209] : memref<10000x128xbf16, #tpu.memory_space<vmem_shared>> -> memref<80x128xbf16, #tpu.memory_space<vmem_shared>>
        %dma_wait3A_211 = arith.constant 0 : i32
        %dma_wait3A_212 = tpu.memref_slice %arg10[%add3A_106, %dma_wait3A_211] : memref<10000x128xbf16, #tpu.memory_space<vmem_shared>> -> memref<80x128xbf16, #tpu.memory_space<vmem_shared>>
        tpu.wait_dma2 semaphore(%run_scoped3A : memref<!tpu.dma_semaphore, #tpu.memory_space<semaphore_mem>>) src(%dma_wait3A_212 : memref<80x128xbf16, #tpu.memory_space<vmem_shared>>) dst(%arg11 : memref<80x128xbf16, #tpu.memory_space<vmem>>)
        tpu.yield
      }) : () -> ()
      %add3A_107 = arith.constant 80 : i32
      %add3A_108 = arith.addi %add3A_92, %add3A_107 : i32
      %dma_start3A_109 = arith.constant 0 : i32
      %dma_start3A_110 = tpu.memref_slice %arg6[%add3A_108, %dma_start3A_109] : memref<20000x128xbf16, #tpu.memory_space<hbm>> -> memref<80x128xbf16, #tpu.memory_space<hbm>>
      %dma_start3A_111 = arith.constant 0 : i32
      %dma_start3A_112 = tpu.memref_slice %arg6[%add3A_108, %dma_start3A_111] : memref<20000x128xbf16, #tpu.memory_space<hbm>> -> memref<80x128xbf16, #tpu.memory_space<hbm>>
      tpu.enqueue_dma source(%arg11 : memref<80x128xbf16, #tpu.memory_space<vmem>>) target(%dma_start3A_112 : memref<80x128xbf16, #tpu.memory_space<hbm>>) target_semaphore(%arg17 : memref<!tpu.dma_semaphore, #tpu.memory_space<semaphore_mem>>)
      %dma_wait3A_113 = arith.constant 0 : i32
      %dma_wait3A_114 = tpu.memref_slice %arg6[%add3A_92, %dma_wait3A_113] : memref<20000x128xbf16, #tpu.memory_space<hbm>> -> memref<80x128xbf16, #tpu.memory_space<hbm>>
      %dma_wait3A_115 = arith.constant 0 : i32
      %dma_wait3A_116 = tpu.memref_slice %arg6[%add3A_92, %dma_wait3A_115] : memref<20000x128xbf16, #tpu.memory_space<hbm>> -> memref<80x128xbf16, #tpu.memory_space<hbm>>
      tpu.wait_dma2 semaphore(%arg16 : memref<!tpu.dma_semaphore, #tpu.memory_space<semaphore_mem>>) src(%arg7 : memref<80x128xbf16, #tpu.memory_space<vmem>>) dst(%dma_wait3A_116 : memref<80x128xbf16, #tpu.memory_space<hbm>>)
      %mul3A_117 = arith.constant 640 : i32
      %mul3A_118 = arith.muli %arg1, %mul3A_117 : i32
      %add3A_119 = arith.constant 160 : i32
      %add3A_120 = arith.addi %mul3A_118, %add3A_119 : i32
      "tpu.region"() ({
        %run_scoped3A = tpu.sem_alloc : memref<!tpu.dma_semaphore, #tpu.memory_space<semaphore_mem>>
        %dma_start3A_205 = arith.constant 0 : i32
        %dma_start3A_206 = tpu.memref_slice %arg10[%add3A_120, %dma_start3A_205] : memref<10000x128xbf16, #tpu.memory_space<vmem_shared>> -> memref<80x128xbf16, #tpu.memory_space<vmem_shared>>
        %dma_start3A_207 = arith.constant 0 : i32
        %dma_start3A_208 = tpu.memref_slice %arg10[%add3A_120, %dma_start3A_207] : memref<10000x128xbf16, #tpu.memory_space<vmem_shared>> -> memref<80x128xbf16, #tpu.memory_space<vmem_shared>>
        tpu.enqueue_dma source(%dma_start3A_208 : memref<80x128xbf16, #tpu.memory_space<vmem_shared>>) target(%arg7 : memref<80x128xbf16, #tpu.memory_space<vmem>>) target_semaphore(%run_scoped3A : memref<!tpu.dma_semaphore, #tpu.memory_space<semaphore_mem>>)
        %dma_wait3A_209 = arith.constant 0 : i32
        %dma_wait3A_210 = tpu.memref_slice %arg10[%add3A_120, %dma_wait3A_209] : memref<10000x128xbf16, #tpu.memory_space<vmem_shared>> -> memref<80x128xbf16, #tpu.memory_space<vmem_shared>>
        %dma_wait3A_211 = arith.constant 0 : i32
        %dma_wait3A_212 = tpu.memref_slice %arg10[%add3A_120, %dma_wait3A_211] : memref<10000x128xbf16, #tpu.memory_space<vmem_shared>> -> memref<80x128xbf16, #tpu.memory_space<vmem_shared>>
        tpu.wait_dma2 semaphore(%run_scoped3A : memref<!tpu.dma_semaphore, #tpu.memory_space<semaphore_mem>>) src(%dma_wait3A_212 : memref<80x128xbf16, #tpu.memory_space<vmem_shared>>) dst(%arg7 : memref<80x128xbf16, #tpu.memory_space<vmem>>)
        tpu.yield
      }) : () -> ()
      %add3A_121 = arith.constant 160 : i32
      %add3A_122 = arith.addi %add3A_92, %add3A_121 : i32
      %dma_start3A_123 = arith.constant 0 : i32
      %dma_start3A_124 = tpu.memref_slice %arg6[%add3A_122, %dma_start3A_123] : memref<20000x128xbf16, #tpu.memory_space<hbm>> -> memref<80x128xbf16, #tpu.memory_space<hbm>>
      %dma_start3A_125 = arith.constant 0 : i32
      %dma_start3A_126 = tpu.memref_slice %arg6[%add3A_122, %dma_start3A_125] : memref<20000x128xbf16, #tpu.memory_space<hbm>> -> memref<80x128xbf16, #tpu.memory_space<hbm>>
      tpu.enqueue_dma source(%arg7 : memref<80x128xbf16, #tpu.memory_space<vmem>>) target(%dma_start3A_126 : memref<80x128xbf16, #tpu.memory_space<hbm>>) target_semaphore(%arg16 : memref<!tpu.dma_semaphore, #tpu.memory_space<semaphore_mem>>)
      %dma_wait3A_127 = arith.constant 0 : i32
      %dma_wait3A_128 = tpu.memref_slice %arg6[%add3A_92, %dma_wait3A_127] : memref<20000x128xbf16, #tpu.memory_space<hbm>> -> memref<80x128xbf16, #tpu.memory_space<hbm>>
      %dma_wait3A_129 = arith.constant 0 : i32
      %dma_wait3A_130 = tpu.memref_slice %arg6[%add3A_92, %dma_wait3A_129] : memref<20000x128xbf16, #tpu.memory_space<hbm>> -> memref<80x128xbf16, #tpu.memory_space<hbm>>
      tpu.wait_dma2 semaphore(%arg17 : memref<!tpu.dma_semaphore, #tpu.memory_space<semaphore_mem>>) src(%arg11 : memref<80x128xbf16, #tpu.memory_space<vmem>>) dst(%dma_wait3A_130 : memref<80x128xbf16, #tpu.memory_space<hbm>>)
      %mul3A_131 = arith.constant 640 : i32
      %mul3A_132 = arith.muli %arg1, %mul3A_131 : i32
      %add3A_133 = arith.constant 240 : i32
      %add3A_134 = arith.addi %mul3A_132, %add3A_133 : i32
      "tpu.region"() ({
        %run_scoped3A = tpu.sem_alloc : memref<!tpu.dma_semaphore, #tpu.memory_space<semaphore_mem>>
        %dma_start3A_205 = arith.constant 0 : i32
        %dma_start3A_206 = tpu.memref_slice %arg10[%add3A_134, %dma_start3A_205] : memref<10000x128xbf16, #tpu.memory_space<vmem_shared>> -> memref<80x128xbf16, #tpu.memory_space<vmem_shared>>
        %dma_start3A_207 = arith.constant 0 : i32
        %dma_start3A_208 = tpu.memref_slice %arg10[%add3A_134, %dma_start3A_207] : memref<10000x128xbf16, #tpu.memory_space<vmem_shared>> -> memref<80x128xbf16, #tpu.memory_space<vmem_shared>>
        tpu.enqueue_dma source(%dma_start3A_208 : memref<80x128xbf16, #tpu.memory_space<vmem_shared>>) target(%arg11 : memref<80x128xbf16, #tpu.memory_space<vmem>>) target_semaphore(%run_scoped3A : memref<!tpu.dma_semaphore, #tpu.memory_space<semaphore_mem>>)
        %dma_wait3A_209 = arith.constant 0 : i32
        %dma_wait3A_210 = tpu.memref_slice %arg10[%add3A_134, %dma_wait3A_209] : memref<10000x128xbf16, #tpu.memory_space<vmem_shared>> -> memref<80x128xbf16, #tpu.memory_space<vmem_shared>>
        %dma_wait3A_211 = arith.constant 0 : i32
        %dma_wait3A_212 = tpu.memref_slice %arg10[%add3A_134, %dma_wait3A_211] : memref<10000x128xbf16, #tpu.memory_space<vmem_shared>> -> memref<80x128xbf16, #tpu.memory_space<vmem_shared>>
        tpu.wait_dma2 semaphore(%run_scoped3A : memref<!tpu.dma_semaphore, #tpu.memory_space<semaphore_mem>>) src(%dma_wait3A_212 : memref<80x128xbf16, #tpu.memory_space<vmem_shared>>) dst(%arg11 : memref<80x128xbf16, #tpu.memory_space<vmem>>)
        tpu.yield
      }) : () -> ()
      %add3A_135 = arith.constant 240 : i32
      %add3A_136 = arith.addi %add3A_92, %add3A_135 : i32
      %dma_start3A_137 = arith.constant 0 : i32
      %dma_start3A_138 = tpu.memref_slice %arg6[%add3A_136, %dma_start3A_137] : memref<20000x128xbf16, #tpu.memory_space<hbm>> -> memref<80x128xbf16, #tpu.memory_space<hbm>>
      %dma_start3A_139 = arith.constant 0 : i32
      %dma_start3A_140 = tpu.memref_slice %arg6[%add3A_136, %dma_start3A_139] : memref<20000x128xbf16, #tpu.memory_space<hbm>> -> memref<80x128xbf16, #tpu.memory_space<hbm>>
      tpu.enqueue_dma source(%arg11 : memref<80x128xbf16, #tpu.memory_space<vmem>>) target(%dma_start3A_140 : memref<80x128xbf16, #tpu.memory_space<hbm>>) target_semaphore(%arg17 : memref<!tpu.dma_semaphore, #tpu.memory_space<semaphore_mem>>)
      %dma_wait3A_141 = arith.constant 0 : i32
      %dma_wait3A_142 = tpu.memref_slice %arg6[%add3A_92, %dma_wait3A_141] : memref<20000x128xbf16, #tpu.memory_space<hbm>> -> memref<80x128xbf16, #tpu.memory_space<hbm>>
      %dma_wait3A_143 = arith.constant 0 : i32
      %dma_wait3A_144 = tpu.memref_slice %arg6[%add3A_92, %dma_wait3A_143] : memref<20000x128xbf16, #tpu.memory_space<hbm>> -> memref<80x128xbf16, #tpu.memory_space<hbm>>
      tpu.wait_dma2 semaphore(%arg16 : memref<!tpu.dma_semaphore, #tpu.memory_space<semaphore_mem>>) src(%arg7 : memref<80x128xbf16, #tpu.memory_space<vmem>>) dst(%dma_wait3A_144 : memref<80x128xbf16, #tpu.memory_space<hbm>>)
      %mul3A_145 = arith.constant 640 : i32
      %mul3A_146 = arith.muli %arg1, %mul3A_145 : i32
      %add3A_147 = arith.constant 320 : i32
      %add3A_148 = arith.addi %mul3A_146, %add3A_147 : i32
      "tpu.region"() ({
        %run_scoped3A = tpu.sem_alloc : memref<!tpu.dma_semaphore, #tpu.memory_space<semaphore_mem>>
        %dma_start3A_205 = arith.constant 0 : i32
        %dma_start3A_206 = tpu.memref_slice %arg10[%add3A_148, %dma_start3A_205] : memref<10000x128xbf16, #tpu.memory_space<vmem_shared>> -> memref<80x128xbf16, #tpu.memory_space<vmem_shared>>
        %dma_start3A_207 = arith.constant 0 : i32
        %dma_start3A_208 = tpu.memref_slice %arg10[%add3A_148, %dma_start3A_207] : memref<10000x128xbf16, #tpu.memory_space<vmem_shared>> -> memref<80x128xbf16, #tpu.memory_space<vmem_shared>>
        tpu.enqueue_dma source(%dma_start3A_208 : memref<80x128xbf16, #tpu.memory_space<vmem_shared>>) target(%arg7 : memref<80x128xbf16, #tpu.memory_space<vmem>>) target_semaphore(%run_scoped3A : memref<!tpu.dma_semaphore, #tpu.memory_space<semaphore_mem>>)
        %dma_wait3A_209 = arith.constant 0 : i32
        %dma_wait3A_210 = tpu.memref_slice %arg10[%add3A_148, %dma_wait3A_209] : memref<10000x128xbf16, #tpu.memory_space<vmem_shared>> -> memref<80x128xbf16, #tpu.memory_space<vmem_shared>>
        %dma_wait3A_211 = arith.constant 0 : i32
        %dma_wait3A_212 = tpu.memref_slice %arg10[%add3A_148, %dma_wait3A_211] : memref<10000x128xbf16, #tpu.memory_space<vmem_shared>> -> memref<80x128xbf16, #tpu.memory_space<vmem_shared>>
        tpu.wait_dma2 semaphore(%run_scoped3A : memref<!tpu.dma_semaphore, #tpu.memory_space<semaphore_mem>>) src(%dma_wait3A_212 : memref<80x128xbf16, #tpu.memory_space<vmem_shared>>) dst(%arg7 : memref<80x128xbf16, #tpu.memory_space<vmem>>)
        tpu.yield
      }) : () -> ()
      %add3A_149 = arith.constant 320 : i32
      %add3A_150 = arith.addi %add3A_92, %add3A_149 : i32
      %dma_start3A_151 = arith.constant 0 : i32
      %dma_start3A_152 = tpu.memref_slice %arg6[%add3A_150, %dma_start3A_151] : memref<20000x128xbf16, #tpu.memory_space<hbm>> -> memref<80x128xbf16, #tpu.memory_space<hbm>>
      %dma_start3A_153 = arith.constant 0 : i32
      %dma_start3A_154 = tpu.memref_slice %arg6[%add3A_150, %dma_start3A_153] : memref<20000x128xbf16, #tpu.memory_space<hbm>> -> memref<80x128xbf16, #tpu.memory_space<hbm>>
      tpu.enqueue_dma source(%arg7 : memref<80x128xbf16, #tpu.memory_space<vmem>>) target(%dma_start3A_154 : memref<80x128xbf16, #tpu.memory_space<hbm>>) target_semaphore(%arg16 : memref<!tpu.dma_semaphore, #tpu.memory_space<semaphore_mem>>)
      %dma_wait3A_155 = arith.constant 0 : i32
      %dma_wait3A_156 = tpu.memref_slice %arg6[%add3A_92, %dma_wait3A_155] : memref<20000x128xbf16, #tpu.memory_space<hbm>> -> memref<80x128xbf16, #tpu.memory_space<hbm>>
      %dma_wait3A_157 = arith.constant 0 : i32
      %dma_wait3A_158 = tpu.memref_slice %arg6[%add3A_92, %dma_wait3A_157] : memref<20000x128xbf16, #tpu.memory_space<hbm>> -> memref<80x128xbf16, #tpu.memory_space<hbm>>
      tpu.wait_dma2 semaphore(%arg17 : memref<!tpu.dma_semaphore, #tpu.memory_space<semaphore_mem>>) src(%arg11 : memref<80x128xbf16, #tpu.memory_space<vmem>>) dst(%dma_wait3A_158 : memref<80x128xbf16, #tpu.memory_space<hbm>>)
      %mul3A_159 = arith.constant 640 : i32
      %mul3A_160 = arith.muli %arg1, %mul3A_159 : i32
      %add3A_161 = arith.constant 400 : i32
      %add3A_162 = arith.addi %mul3A_160, %add3A_161 : i32
      "tpu.region"() ({
        %run_scoped3A = tpu.sem_alloc : memref<!tpu.dma_semaphore, #tpu.memory_space<semaphore_mem>>
        %dma_start3A_205 = arith.constant 0 : i32
        %dma_start3A_206 = tpu.memref_slice %arg10[%add3A_162, %dma_start3A_205] : memref<10000x128xbf16, #tpu.memory_space<vmem_shared>> -> memref<80x128xbf16, #tpu.memory_space<vmem_shared>>
        %dma_start3A_207 = arith.constant 0 : i32
        %dma_start3A_208 = tpu.memref_slice %arg10[%add3A_162, %dma_start3A_207] : memref<10000x128xbf16, #tpu.memory_space<vmem_shared>> -> memref<80x128xbf16, #tpu.memory_space<vmem_shared>>
        tpu.enqueue_dma source(%dma_start3A_208 : memref<80x128xbf16, #tpu.memory_space<vmem_shared>>) target(%arg11 : memref<80x128xbf16, #tpu.memory_space<vmem>>) target_semaphore(%run_scoped3A : memref<!tpu.dma_semaphore, #tpu.memory_space<semaphore_mem>>)
        %dma_wait3A_209 = arith.constant 0 : i32
        %dma_wait3A_210 = tpu.memref_slice %arg10[%add3A_162, %dma_wait3A_209] : memref<10000x128xbf16, #tpu.memory_space<vmem_shared>> -> memref<80x128xbf16, #tpu.memory_space<vmem_shared>>
        %dma_wait3A_211 = arith.constant 0 : i32
        %dma_wait3A_212 = tpu.memref_slice %arg10[%add3A_162, %dma_wait3A_211] : memref<10000x128xbf16, #tpu.memory_space<vmem_shared>> -> memref<80x128xbf16, #tpu.memory_space<vmem_shared>>
        tpu.wait_dma2 semaphore(%run_scoped3A : memref<!tpu.dma_semaphore, #tpu.memory_space<semaphore_mem>>) src(%dma_wait3A_212 : memref<80x128xbf16, #tpu.memory_space<vmem_shared>>) dst(%arg11 : memref<80x128xbf16, #tpu.memory_space<vmem>>)
        tpu.yield
      }) : () -> ()
      %add3A_163 = arith.constant 400 : i32
      %add3A_164 = arith.addi %add3A_92, %add3A_163 : i32
      %dma_start3A_165 = arith.constant 0 : i32
      %dma_start3A_166 = tpu.memref_slice %arg6[%add3A_164, %dma_start3A_165] : memref<20000x128xbf16, #tpu.memory_space<hbm>> -> memref<80x128xbf16, #tpu.memory_space<hbm>>
      %dma_start3A_167 = arith.constant 0 : i32
      %dma_start3A_168 = tpu.memref_slice %arg6[%add3A_164, %dma_start3A_167] : memref<20000x128xbf16, #tpu.memory_space<hbm>> -> memref<80x128xbf16, #tpu.memory_space<hbm>>
      tpu.enqueue_dma source(%arg11 : memref<80x128xbf16, #tpu.memory_space<vmem>>) target(%dma_start3A_168 : memref<80x128xbf16, #tpu.memory_space<hbm>>) target_semaphore(%arg17 : memref<!tpu.dma_semaphore, #tpu.memory_space<semaphore_mem>>)
      %dma_wait3A_169 = arith.constant 0 : i32
      %dma_wait3A_170 = tpu.memref_slice %arg6[%add3A_92, %dma_wait3A_169] : memref<20000x128xbf16, #tpu.memory_space<hbm>> -> memref<80x128xbf16, #tpu.memory_space<hbm>>
      %dma_wait3A_171 = arith.constant 0 : i32
      %dma_wait3A_172 = tpu.memref_slice %arg6[%add3A_92, %dma_wait3A_171] : memref<20000x128xbf16, #tpu.memory_space<hbm>> -> memref<80x128xbf16, #tpu.memory_space<hbm>>
      tpu.wait_dma2 semaphore(%arg16 : memref<!tpu.dma_semaphore, #tpu.memory_space<semaphore_mem>>) src(%arg7 : memref<80x128xbf16, #tpu.memory_space<vmem>>) dst(%dma_wait3A_172 : memref<80x128xbf16, #tpu.memory_space<hbm>>)
      %mul3A_173 = arith.constant 640 : i32
      %mul3A_174 = arith.muli %arg1, %mul3A_173 : i32
      %add3A_175 = arith.constant 480 : i32
      %add3A_176 = arith.addi %mul3A_174, %add3A_175 : i32
      "tpu.region"() ({
        %run_scoped3A = tpu.sem_alloc : memref<!tpu.dma_semaphore, #tpu.memory_space<semaphore_mem>>
        %dma_start3A_205 = arith.constant 0 : i32
        %dma_start3A_206 = tpu.memref_slice %arg10[%add3A_176, %dma_start3A_205] : memref<10000x128xbf16, #tpu.memory_space<vmem_shared>> -> memref<80x128xbf16, #tpu.memory_space<vmem_shared>>
        %dma_start3A_207 = arith.constant 0 : i32
        %dma_start3A_208 = tpu.memref_slice %arg10[%add3A_176, %dma_start3A_207] : memref<10000x128xbf16, #tpu.memory_space<vmem_shared>> -> memref<80x128xbf16, #tpu.memory_space<vmem_shared>>
        tpu.enqueue_dma source(%dma_start3A_208 : memref<80x128xbf16, #tpu.memory_space<vmem_shared>>) target(%arg7 : memref<80x128xbf16, #tpu.memory_space<vmem>>) target_semaphore(%run_scoped3A : memref<!tpu.dma_semaphore, #tpu.memory_space<semaphore_mem>>)
        %dma_wait3A_209 = arith.constant 0 : i32
        %dma_wait3A_210 = tpu.memref_slice %arg10[%add3A_176, %dma_wait3A_209] : memref<10000x128xbf16, #tpu.memory_space<vmem_shared>> -> memref<80x128xbf16, #tpu.memory_space<vmem_shared>>
        %dma_wait3A_211 = arith.constant 0 : i32
        %dma_wait3A_212 = tpu.memref_slice %arg10[%add3A_176, %dma_wait3A_211] : memref<10000x128xbf16, #tpu.memory_space<vmem_shared>> -> memref<80x128xbf16, #tpu.memory_space<vmem_shared>>
        tpu.wait_dma2 semaphore(%run_scoped3A : memref<!tpu.dma_semaphore, #tpu.memory_space<semaphore_mem>>) src(%dma_wait3A_212 : memref<80x128xbf16, #tpu.memory_space<vmem_shared>>) dst(%arg7 : memref<80x128xbf16, #tpu.memory_space<vmem>>)
        tpu.yield
      }) : () -> ()
      %add3A_177 = arith.constant 480 : i32
      %add3A_178 = arith.addi %add3A_92, %add3A_177 : i32
      %dma_start3A_179 = arith.constant 0 : i32
      %dma_start3A_180 = tpu.memref_slice %arg6[%add3A_178, %dma_start3A_179] : memref<20000x128xbf16, #tpu.memory_space<hbm>> -> memref<80x128xbf16, #tpu.memory_space<hbm>>
      %dma_start3A_181 = arith.constant 0 : i32
      %dma_start3A_182 = tpu.memref_slice %arg6[%add3A_178, %dma_start3A_181] : memref<20000x128xbf16, #tpu.memory_space<hbm>> -> memref<80x128xbf16, #tpu.memory_space<hbm>>
      tpu.enqueue_dma source(%arg7 : memref<80x128xbf16, #tpu.memory_space<vmem>>) target(%dma_start3A_182 : memref<80x128xbf16, #tpu.memory_space<hbm>>) target_semaphore(%arg16 : memref<!tpu.dma_semaphore, #tpu.memory_space<semaphore_mem>>)
      %dma_wait3A_183 = arith.constant 0 : i32
      %dma_wait3A_184 = tpu.memref_slice %arg6[%add3A_92, %dma_wait3A_183] : memref<20000x128xbf16, #tpu.memory_space<hbm>> -> memref<80x128xbf16, #tpu.memory_space<hbm>>
      %dma_wait3A_185 = arith.constant 0 : i32
      %dma_wait3A_186 = tpu.memref_slice %arg6[%add3A_92, %dma_wait3A_185] : memref<20000x128xbf16, #tpu.memory_space<hbm>> -> memref<80x128xbf16, #tpu.memory_space<hbm>>
      tpu.wait_dma2 semaphore(%arg17 : memref<!tpu.dma_semaphore, #tpu.memory_space<semaphore_mem>>) src(%arg11 : memref<80x128xbf16, #tpu.memory_space<vmem>>) dst(%dma_wait3A_186 : memref<80x128xbf16, #tpu.memory_space<hbm>>)
      %mul3A_187 = arith.constant 640 : i32
      %mul3A_188 = arith.muli %arg1, %mul3A_187 : i32
      %add3A_189 = arith.constant 560 : i32
      %add3A_190 = arith.addi %mul3A_188, %add3A_189 : i32
      "tpu.region"() ({
        %run_scoped3A = tpu.sem_alloc : memref<!tpu.dma_semaphore, #tpu.memory_space<semaphore_mem>>
        %dma_start3A_205 = arith.constant 0 : i32
        %dma_start3A_206 = tpu.memref_slice %arg10[%add3A_190, %dma_start3A_205] : memref<10000x128xbf16, #tpu.memory_space<vmem_shared>> -> memref<80x128xbf16, #tpu.memory_space<vmem_shared>>
        %dma_start3A_207 = arith.constant 0 : i32
        %dma_start3A_208 = tpu.memref_slice %arg10[%add3A_190, %dma_start3A_207] : memref<10000x128xbf16, #tpu.memory_space<vmem_shared>> -> memref<80x128xbf16, #tpu.memory_space<vmem_shared>>
        tpu.enqueue_dma source(%dma_start3A_208 : memref<80x128xbf16, #tpu.memory_space<vmem_shared>>) target(%arg11 : memref<80x128xbf16, #tpu.memory_space<vmem>>) target_semaphore(%run_scoped3A : memref<!tpu.dma_semaphore, #tpu.memory_space<semaphore_mem>>)
        %dma_wait3A_209 = arith.constant 0 : i32
        %dma_wait3A_210 = tpu.memref_slice %arg10[%add3A_190, %dma_wait3A_209] : memref<10000x128xbf16, #tpu.memory_space<vmem_shared>> -> memref<80x128xbf16, #tpu.memory_space<vmem_shared>>
        %dma_wait3A_211 = arith.constant 0 : i32
        %dma_wait3A_212 = tpu.memref_slice %arg10[%add3A_190, %dma_wait3A_211] : memref<10000x128xbf16, #tpu.memory_space<vmem_shared>> -> memref<80x128xbf16, #tpu.memory_space<vmem_shared>>
        tpu.wait_dma2 semaphore(%run_scoped3A : memref<!tpu.dma_semaphore, #tpu.memory_space<semaphore_mem>>) src(%dma_wait3A_212 : memref<80x128xbf16, #tpu.memory_space<vmem_shared>>) dst(%arg11 : memref<80x128xbf16, #tpu.memory_space<vmem>>)
        tpu.yield
      }) : () -> ()
      %add3A_191 = arith.constant 560 : i32
      %add3A_192 = arith.addi %add3A_92, %add3A_191 : i32
      %dma_start3A_193 = arith.constant 0 : i32
      %dma_start3A_194 = tpu.memref_slice %arg6[%add3A_192, %dma_start3A_193] : memref<20000x128xbf16, #tpu.memory_space<hbm>> -> memref<80x128xbf16, #tpu.memory_space<hbm>>
      %dma_start3A_195 = arith.constant 0 : i32
      %dma_start3A_196 = tpu.memref_slice %arg6[%add3A_192, %dma_start3A_195] : memref<20000x128xbf16, #tpu.memory_space<hbm>> -> memref<80x128xbf16, #tpu.memory_space<hbm>>
      tpu.enqueue_dma source(%arg11 : memref<80x128xbf16, #tpu.memory_space<vmem>>) target(%dma_start3A_196 : memref<80x128xbf16, #tpu.memory_space<hbm>>) target_semaphore(%arg17 : memref<!tpu.dma_semaphore, #tpu.memory_space<semaphore_mem>>)
      %dma_wait3A_197 = arith.constant 0 : i32
      %dma_wait3A_198 = tpu.memref_slice %arg6[%add3A_92, %dma_wait3A_197] : memref<20000x128xbf16, #tpu.memory_space<hbm>> -> memref<80x128xbf16, #tpu.memory_space<hbm>>
      %dma_wait3A_199 = arith.constant 0 : i32
      %dma_wait3A_200 = tpu.memref_slice %arg6[%add3A_92, %dma_wait3A_199] : memref<20000x128xbf16, #tpu.memory_space<hbm>> -> memref<80x128xbf16, #tpu.memory_space<hbm>>
      tpu.wait_dma2 semaphore(%arg16 : memref<!tpu.dma_semaphore, #tpu.memory_space<semaphore_mem>>) src(%arg7 : memref<80x128xbf16, #tpu.memory_space<vmem>>) dst(%dma_wait3A_200 : memref<80x128xbf16, #tpu.memory_space<hbm>>)
      %dma_wait3A_201 = arith.constant 0 : i32
      %dma_wait3A_202 = tpu.memref_slice %arg6[%add3A_92, %dma_wait3A_201] : memref<20000x128xbf16, #tpu.memory_space<hbm>> -> memref<80x128xbf16, #tpu.memory_space<hbm>>
      %dma_wait3A_203 = arith.constant 0 : i32
      %dma_wait3A_204 = tpu.memref_slice %arg6[%add3A_92, %dma_wait3A_203] : memref<20000x128xbf16, #tpu.memory_space<hbm>> -> memref<80x128xbf16, #tpu.memory_space<hbm>>
      tpu.wait_dma2 semaphore(%arg17 : memref<!tpu.dma_semaphore, #tpu.memory_space<semaphore_mem>>) src(%arg11 : memref<80x128xbf16, #tpu.memory_space<vmem>>) dst(%dma_wait3A_204 : memref<80x128xbf16, #tpu.memory_space<hbm>>)
    } else {
    }
    %eq3A_83 = arith.constant 15 : i32
    %eq3A_84 = arith.cmpi eq, %arg1, %eq3A_83 : i32
    %convert_element_type3A_85 = arith.extui %eq3A_84 : i1 to i32
    %cond3A_86 = arith.constant 0 : i32
    %cond3A_87 = arith.cmpi ne, %convert_element_type3A_85, %cond3A_86 : i32
    scf.if %cond3A_87 {
      %mul3A_88 = arith.constant 10000 : i32
      %mul3A_89 = arith.muli %arg0, %mul3A_88 : i32
      %mul3A_90 = arith.constant 640 : i32
      %mul3A_91 = arith.muli %arg1, %mul3A_90 : i32
      %add3A_92 = arith.addi %mul3A_89, %mul3A_91 : i32
      %mul3A_93 = arith.constant 640 : i32
      %mul3A_94 = arith.muli %arg1, %mul3A_93 : i32
      %add3A_95 = arith.constant 0 : i32
      %add3A_96 = arith.addi %mul3A_94, %add3A_95 : i32
      "tpu.region"() ({
        %run_scoped3A = tpu.sem_alloc : memref<!tpu.dma_semaphore, #tpu.memory_space<semaphore_mem>>
        %dma_start3A_163 = arith.constant 0 : i32
        %dma_start3A_164 = tpu.memref_slice %arg10[%add3A_96, %dma_start3A_163] : memref<10000x128xbf16, #tpu.memory_space<vmem_shared>> -> memref<80x128xbf16, #tpu.memory_space<vmem_shared>>
        %dma_start3A_165 = arith.constant 0 : i32
        %dma_start3A_166 = tpu.memref_slice %arg10[%add3A_96, %dma_start3A_165] : memref<10000x128xbf16, #tpu.memory_space<vmem_shared>> -> memref<80x128xbf16, #tpu.memory_space<vmem_shared>>
        tpu.enqueue_dma source(%dma_start3A_166 : memref<80x128xbf16, #tpu.memory_space<vmem_shared>>) target(%arg7 : memref<80x128xbf16, #tpu.memory_space<vmem>>) target_semaphore(%run_scoped3A : memref<!tpu.dma_semaphore, #tpu.memory_space<semaphore_mem>>)
        %dma_wait3A_167 = arith.constant 0 : i32
        %dma_wait3A_168 = tpu.memref_slice %arg10[%add3A_96, %dma_wait3A_167] : memref<10000x128xbf16, #tpu.memory_space<vmem_shared>> -> memref<80x128xbf16, #tpu.memory_space<vmem_shared>>
        %dma_wait3A_169 = arith.constant 0 : i32
        %dma_wait3A_170 = tpu.memref_slice %arg10[%add3A_96, %dma_wait3A_169] : memref<10000x128xbf16, #tpu.memory_space<vmem_shared>> -> memref<80x128xbf16, #tpu.memory_space<vmem_shared>>
        tpu.wait_dma2 semaphore(%run_scoped3A : memref<!tpu.dma_semaphore, #tpu.memory_space<semaphore_mem>>) src(%dma_wait3A_170 : memref<80x128xbf16, #tpu.memory_space<vmem_shared>>) dst(%arg7 : memref<80x128xbf16, #tpu.memory_space<vmem>>)
        tpu.yield
      }) : () -> ()
      %add3A_97 = arith.constant 0 : i32
      %add3A_98 = arith.addi %add3A_92, %add3A_97 : i32
      %dma_start3A_99 = arith.constant 0 : i32
      %dma_start3A_100 = tpu.memref_slice %arg6[%add3A_98, %dma_start3A_99] : memref<20000x128xbf16, #tpu.memory_space<hbm>> -> memref<80x128xbf16, #tpu.memory_space<hbm>>
      %dma_start3A_101 = arith.constant 0 : i32
      %dma_start3A_102 = tpu.memref_slice %arg6[%add3A_98, %dma_start3A_101] : memref<20000x128xbf16, #tpu.memory_space<hbm>> -> memref<80x128xbf16, #tpu.memory_space<hbm>>
      tpu.enqueue_dma source(%arg7 : memref<80x128xbf16, #tpu.memory_space<vmem>>) target(%dma_start3A_102 : memref<80x128xbf16, #tpu.memory_space<hbm>>) target_semaphore(%arg16 : memref<!tpu.dma_semaphore, #tpu.memory_space<semaphore_mem>>)
      %mul3A_103 = arith.constant 640 : i32
      %mul3A_104 = arith.muli %arg1, %mul3A_103 : i32
      %add3A_105 = arith.constant 80 : i32
      %add3A_106 = arith.addi %mul3A_104, %add3A_105 : i32
      "tpu.region"() ({
        %run_scoped3A = tpu.sem_alloc : memref<!tpu.dma_semaphore, #tpu.memory_space<semaphore_mem>>
        %dma_start3A_163 = arith.constant 0 : i32
        %dma_start3A_164 = tpu.memref_slice %arg10[%add3A_106, %dma_start3A_163] : memref<10000x128xbf16, #tpu.memory_space<vmem_shared>> -> memref<80x128xbf16, #tpu.memory_space<vmem_shared>>
        %dma_start3A_165 = arith.constant 0 : i32
        %dma_start3A_166 = tpu.memref_slice %arg10[%add3A_106, %dma_start3A_165] : memref<10000x128xbf16, #tpu.memory_space<vmem_shared>> -> memref<80x128xbf16, #tpu.memory_space<vmem_shared>>
        tpu.enqueue_dma source(%dma_start3A_166 : memref<80x128xbf16, #tpu.memory_space<vmem_shared>>) target(%arg11 : memref<80x128xbf16, #tpu.memory_space<vmem>>) target_semaphore(%run_scoped3A : memref<!tpu.dma_semaphore, #tpu.memory_space<semaphore_mem>>)
        %dma_wait3A_167 = arith.constant 0 : i32
        %dma_wait3A_168 = tpu.memref_slice %arg10[%add3A_106, %dma_wait3A_167] : memref<10000x128xbf16, #tpu.memory_space<vmem_shared>> -> memref<80x128xbf16, #tpu.memory_space<vmem_shared>>
        %dma_wait3A_169 = arith.constant 0 : i32
        %dma_wait3A_170 = tpu.memref_slice %arg10[%add3A_106, %dma_wait3A_169] : memref<10000x128xbf16, #tpu.memory_space<vmem_shared>> -> memref<80x128xbf16, #tpu.memory_space<vmem_shared>>
        tpu.wait_dma2 semaphore(%run_scoped3A : memref<!tpu.dma_semaphore, #tpu.memory_space<semaphore_mem>>) src(%dma_wait3A_170 : memref<80x128xbf16, #tpu.memory_space<vmem_shared>>) dst(%arg11 : memref<80x128xbf16, #tpu.memory_space<vmem>>)
        tpu.yield
      }) : () -> ()
      %add3A_107 = arith.constant 80 : i32
      %add3A_108 = arith.addi %add3A_92, %add3A_107 : i32
      %dma_start3A_109 = arith.constant 0 : i32
      %dma_start3A_110 = tpu.memref_slice %arg6[%add3A_108, %dma_start3A_109] : memref<20000x128xbf16, #tpu.memory_space<hbm>> -> memref<80x128xbf16, #tpu.memory_space<hbm>>
      %dma_start3A_111 = arith.constant 0 : i32
      %dma_start3A_112 = tpu.memref_slice %arg6[%add3A_108, %dma_start3A_111] : memref<20000x128xbf16, #tpu.memory_space<hbm>> -> memref<80x128xbf16, #tpu.memory_space<hbm>>
      tpu.enqueue_dma source(%arg11 : memref<80x128xbf16, #tpu.memory_space<vmem>>) target(%dma_start3A_112 : memref<80x128xbf16, #tpu.memory_space<hbm>>) target_semaphore(%arg17 : memref<!tpu.dma_semaphore, #tpu.memory_space<semaphore_mem>>)
      %dma_wait3A_113 = arith.constant 0 : i32
      %dma_wait3A_114 = tpu.memref_slice %arg6[%add3A_92, %dma_wait3A_113] : memref<20000x128xbf16, #tpu.memory_space<hbm>> -> memref<80x128xbf16, #tpu.memory_space<hbm>>
      %dma_wait3A_115 = arith.constant 0 : i32
      %dma_wait3A_116 = tpu.memref_slice %arg6[%add3A_92, %dma_wait3A_115] : memref<20000x128xbf16, #tpu.memory_space<hbm>> -> memref<80x128xbf16, #tpu.memory_space<hbm>>
      tpu.wait_dma2 semaphore(%arg16 : memref<!tpu.dma_semaphore, #tpu.memory_space<semaphore_mem>>) src(%arg7 : memref<80x128xbf16, #tpu.memory_space<vmem>>) dst(%dma_wait3A_116 : memref<80x128xbf16, #tpu.memory_space<hbm>>)
      %mul3A_117 = arith.constant 640 : i32
      %mul3A_118 = arith.muli %arg1, %mul3A_117 : i32
      %add3A_119 = arith.constant 160 : i32
      %add3A_120 = arith.addi %mul3A_118, %add3A_119 : i32
      "tpu.region"() ({
        %run_scoped3A = tpu.sem_alloc : memref<!tpu.dma_semaphore, #tpu.memory_space<semaphore_mem>>
        %dma_start3A_163 = arith.constant 0 : i32
        %dma_start3A_164 = tpu.memref_slice %arg10[%add3A_120, %dma_start3A_163] : memref<10000x128xbf16, #tpu.memory_space<vmem_shared>> -> memref<80x128xbf16, #tpu.memory_space<vmem_shared>>
        %dma_start3A_165 = arith.constant 0 : i32
        %dma_start3A_166 = tpu.memref_slice %arg10[%add3A_120, %dma_start3A_165] : memref<10000x128xbf16, #tpu.memory_space<vmem_shared>> -> memref<80x128xbf16, #tpu.memory_space<vmem_shared>>
        tpu.enqueue_dma source(%dma_start3A_166 : memref<80x128xbf16, #tpu.memory_space<vmem_shared>>) target(%arg7 : memref<80x128xbf16, #tpu.memory_space<vmem>>) target_semaphore(%run_scoped3A : memref<!tpu.dma_semaphore, #tpu.memory_space<semaphore_mem>>)
        %dma_wait3A_167 = arith.constant 0 : i32
        %dma_wait3A_168 = tpu.memref_slice %arg10[%add3A_120, %dma_wait3A_167] : memref<10000x128xbf16, #tpu.memory_space<vmem_shared>> -> memref<80x128xbf16, #tpu.memory_space<vmem_shared>>
        %dma_wait3A_169 = arith.constant 0 : i32
        %dma_wait3A_170 = tpu.memref_slice %arg10[%add3A_120, %dma_wait3A_169] : memref<10000x128xbf16, #tpu.memory_space<vmem_shared>> -> memref<80x128xbf16, #tpu.memory_space<vmem_shared>>
        tpu.wait_dma2 semaphore(%run_scoped3A : memref<!tpu.dma_semaphore, #tpu.memory_space<semaphore_mem>>) src(%dma_wait3A_170 : memref<80x128xbf16, #tpu.memory_space<vmem_shared>>) dst(%arg7 : memref<80x128xbf16, #tpu.memory_space<vmem>>)
        tpu.yield
      }) : () -> ()
      %add3A_121 = arith.constant 160 : i32
      %add3A_122 = arith.addi %add3A_92, %add3A_121 : i32
      %dma_start3A_123 = arith.constant 0 : i32
      %dma_start3A_124 = tpu.memref_slice %arg6[%add3A_122, %dma_start3A_123] : memref<20000x128xbf16, #tpu.memory_space<hbm>> -> memref<80x128xbf16, #tpu.memory_space<hbm>>
      %dma_start3A_125 = arith.constant 0 : i32
      %dma_start3A_126 = tpu.memref_slice %arg6[%add3A_122, %dma_start3A_125] : memref<20000x128xbf16, #tpu.memory_space<hbm>> -> memref<80x128xbf16, #tpu.memory_space<hbm>>
      tpu.enqueue_dma source(%arg7 : memref<80x128xbf16, #tpu.memory_space<vmem>>) target(%dma_start3A_126 : memref<80x128xbf16, #tpu.memory_space<hbm>>) target_semaphore(%arg16 : memref<!tpu.dma_semaphore, #tpu.memory_space<semaphore_mem>>)
      %dma_wait3A_127 = arith.constant 0 : i32
      %dma_wait3A_128 = tpu.memref_slice %arg6[%add3A_92, %dma_wait3A_127] : memref<20000x128xbf16, #tpu.memory_space<hbm>> -> memref<80x128xbf16, #tpu.memory_space<hbm>>
      %dma_wait3A_129 = arith.constant 0 : i32
      %dma_wait3A_130 = tpu.memref_slice %arg6[%add3A_92, %dma_wait3A_129] : memref<20000x128xbf16, #tpu.memory_space<hbm>> -> memref<80x128xbf16, #tpu.memory_space<hbm>>
      tpu.wait_dma2 semaphore(%arg17 : memref<!tpu.dma_semaphore, #tpu.memory_space<semaphore_mem>>) src(%arg11 : memref<80x128xbf16, #tpu.memory_space<vmem>>) dst(%dma_wait3A_130 : memref<80x128xbf16, #tpu.memory_space<hbm>>)
      %mul3A_131 = arith.constant 640 : i32
      %mul3A_132 = arith.muli %arg1, %mul3A_131 : i32
      %add3A_133 = arith.constant 240 : i32
      %add3A_134 = arith.addi %mul3A_132, %add3A_133 : i32
      "tpu.region"() ({
        %run_scoped3A = tpu.sem_alloc : memref<!tpu.dma_semaphore, #tpu.memory_space<semaphore_mem>>
        %dma_start3A_163 = arith.constant 0 : i32
        %dma_start3A_164 = tpu.memref_slice %arg10[%add3A_134, %dma_start3A_163] : memref<10000x128xbf16, #tpu.memory_space<vmem_shared>> -> memref<80x128xbf16, #tpu.memory_space<vmem_shared>>
        %dma_start3A_165 = arith.constant 0 : i32
        %dma_start3A_166 = tpu.memref_slice %arg10[%add3A_134, %dma_start3A_165] : memref<10000x128xbf16, #tpu.memory_space<vmem_shared>> -> memref<80x128xbf16, #tpu.memory_space<vmem_shared>>
        tpu.enqueue_dma source(%dma_start3A_166 : memref<80x128xbf16, #tpu.memory_space<vmem_shared>>) target(%arg11 : memref<80x128xbf16, #tpu.memory_space<vmem>>) target_semaphore(%run_scoped3A : memref<!tpu.dma_semaphore, #tpu.memory_space<semaphore_mem>>)
        %dma_wait3A_167 = arith.constant 0 : i32
        %dma_wait3A_168 = tpu.memref_slice %arg10[%add3A_134, %dma_wait3A_167] : memref<10000x128xbf16, #tpu.memory_space<vmem_shared>> -> memref<80x128xbf16, #tpu.memory_space<vmem_shared>>
        %dma_wait3A_169 = arith.constant 0 : i32
        %dma_wait3A_170 = tpu.memref_slice %arg10[%add3A_134, %dma_wait3A_169] : memref<10000x128xbf16, #tpu.memory_space<vmem_shared>> -> memref<80x128xbf16, #tpu.memory_space<vmem_shared>>
        tpu.wait_dma2 semaphore(%run_scoped3A : memref<!tpu.dma_semaphore, #tpu.memory_space<semaphore_mem>>) src(%dma_wait3A_170 : memref<80x128xbf16, #tpu.memory_space<vmem_shared>>) dst(%arg11 : memref<80x128xbf16, #tpu.memory_space<vmem>>)
        tpu.yield
      }) : () -> ()
      %add3A_135 = arith.constant 240 : i32
      %add3A_136 = arith.addi %add3A_92, %add3A_135 : i32
      %dma_start3A_137 = arith.constant 0 : i32
      %dma_start3A_138 = tpu.memref_slice %arg6[%add3A_136, %dma_start3A_137] : memref<20000x128xbf16, #tpu.memory_space<hbm>> -> memref<80x128xbf16, #tpu.memory_space<hbm>>
      %dma_start3A_139 = arith.constant 0 : i32
      %dma_start3A_140 = tpu.memref_slice %arg6[%add3A_136, %dma_start3A_139] : memref<20000x128xbf16, #tpu.memory_space<hbm>> -> memref<80x128xbf16, #tpu.memory_space<hbm>>
      tpu.enqueue_dma source(%arg11 : memref<80x128xbf16, #tpu.memory_space<vmem>>) target(%dma_start3A_140 : memref<80x128xbf16, #tpu.memory_space<hbm>>) target_semaphore(%arg17 : memref<!tpu.dma_semaphore, #tpu.memory_space<semaphore_mem>>)
      %dma_wait3A_141 = arith.constant 0 : i32
      %dma_wait3A_142 = tpu.memref_slice %arg6[%add3A_92, %dma_wait3A_141] : memref<20000x128xbf16, #tpu.memory_space<hbm>> -> memref<80x128xbf16, #tpu.memory_space<hbm>>
      %dma_wait3A_143 = arith.constant 0 : i32
      %dma_wait3A_144 = tpu.memref_slice %arg6[%add3A_92, %dma_wait3A_143] : memref<20000x128xbf16, #tpu.memory_space<hbm>> -> memref<80x128xbf16, #tpu.memory_space<hbm>>
      tpu.wait_dma2 semaphore(%arg16 : memref<!tpu.dma_semaphore, #tpu.memory_space<semaphore_mem>>) src(%arg7 : memref<80x128xbf16, #tpu.memory_space<vmem>>) dst(%dma_wait3A_144 : memref<80x128xbf16, #tpu.memory_space<hbm>>)
      %mul3A_145 = arith.constant 640 : i32
      %mul3A_146 = arith.muli %arg1, %mul3A_145 : i32
      %add3A_147 = arith.constant 320 : i32
      %add3A_148 = arith.addi %mul3A_146, %add3A_147 : i32
      "tpu.region"() ({
        %run_scoped3A = tpu.sem_alloc : memref<!tpu.dma_semaphore, #tpu.memory_space<semaphore_mem>>
        %dma_start3A_163 = arith.constant 0 : i32
        %dma_start3A_164 = tpu.memref_slice %arg10[%add3A_148, %dma_start3A_163] : memref<10000x128xbf16, #tpu.memory_space<vmem_shared>> -> memref<80x128xbf16, #tpu.memory_space<vmem_shared>>
        %dma_start3A_165 = arith.constant 0 : i32
        %dma_start3A_166 = tpu.memref_slice %arg10[%add3A_148, %dma_start3A_165] : memref<10000x128xbf16, #tpu.memory_space<vmem_shared>> -> memref<80x128xbf16, #tpu.memory_space<vmem_shared>>
        tpu.enqueue_dma source(%dma_start3A_166 : memref<80x128xbf16, #tpu.memory_space<vmem_shared>>) target(%arg7 : memref<80x128xbf16, #tpu.memory_space<vmem>>) target_semaphore(%run_scoped3A : memref<!tpu.dma_semaphore, #tpu.memory_space<semaphore_mem>>)
        %dma_wait3A_167 = arith.constant 0 : i32
        %dma_wait3A_168 = tpu.memref_slice %arg10[%add3A_148, %dma_wait3A_167] : memref<10000x128xbf16, #tpu.memory_space<vmem_shared>> -> memref<80x128xbf16, #tpu.memory_space<vmem_shared>>
        %dma_wait3A_169 = arith.constant 0 : i32
        %dma_wait3A_170 = tpu.memref_slice %arg10[%add3A_148, %dma_wait3A_169] : memref<10000x128xbf16, #tpu.memory_space<vmem_shared>> -> memref<80x128xbf16, #tpu.memory_space<vmem_shared>>
        tpu.wait_dma2 semaphore(%run_scoped3A : memref<!tpu.dma_semaphore, #tpu.memory_space<semaphore_mem>>) src(%dma_wait3A_170 : memref<80x128xbf16, #tpu.memory_space<vmem_shared>>) dst(%arg7 : memref<80x128xbf16, #tpu.memory_space<vmem>>)
        tpu.yield
      }) : () -> ()
      %add3A_149 = arith.constant 320 : i32
      %add3A_150 = arith.addi %add3A_92, %add3A_149 : i32
      %dma_start3A_151 = arith.constant 0 : i32
      %dma_start3A_152 = tpu.memref_slice %arg6[%add3A_150, %dma_start3A_151] : memref<20000x128xbf16, #tpu.memory_space<hbm>> -> memref<80x128xbf16, #tpu.memory_space<hbm>>
      %dma_start3A_153 = arith.constant 0 : i32
      %dma_start3A_154 = tpu.memref_slice %arg6[%add3A_150, %dma_start3A_153] : memref<20000x128xbf16, #tpu.memory_space<hbm>> -> memref<80x128xbf16, #tpu.memory_space<hbm>>
      tpu.enqueue_dma source(%arg7 : memref<80x128xbf16, #tpu.memory_space<vmem>>) target(%dma_start3A_154 : memref<80x128xbf16, #tpu.memory_space<hbm>>) target_semaphore(%arg16 : memref<!tpu.dma_semaphore, #tpu.memory_space<semaphore_mem>>)
      %dma_wait3A_155 = arith.constant 0 : i32
      %dma_wait3A_156 = tpu.memref_slice %arg6[%add3A_92, %dma_wait3A_155] : memref<20000x128xbf16, #tpu.memory_space<hbm>> -> memref<80x128xbf16, #tpu.memory_space<hbm>>
      %dma_wait3A_157 = arith.constant 0 : i32
      %dma_wait3A_158 = tpu.memref_slice %arg6[%add3A_92, %dma_wait3A_157] : memref<20000x128xbf16, #tpu.memory_space<hbm>> -> memref<80x128xbf16, #tpu.memory_space<hbm>>
      tpu.wait_dma2 semaphore(%arg16 : memref<!tpu.dma_semaphore, #tpu.memory_space<semaphore_mem>>) src(%arg7 : memref<80x128xbf16, #tpu.memory_space<vmem>>) dst(%dma_wait3A_158 : memref<80x128xbf16, #tpu.memory_space<hbm>>)
      %dma_wait3A_159 = arith.constant 0 : i32
      %dma_wait3A_160 = tpu.memref_slice %arg6[%add3A_92, %dma_wait3A_159] : memref<20000x128xbf16, #tpu.memory_space<hbm>> -> memref<80x128xbf16, #tpu.memory_space<hbm>>
      %dma_wait3A_161 = arith.constant 0 : i32
      %dma_wait3A_162 = tpu.memref_slice %arg6[%add3A_92, %dma_wait3A_161] : memref<20000x128xbf16, #tpu.memory_space<hbm>> -> memref<80x128xbf16, #tpu.memory_space<hbm>>
      tpu.wait_dma2 semaphore(%arg17 : memref<!tpu.dma_semaphore, #tpu.memory_space<semaphore_mem>>) src(%arg11 : memref<80x128xbf16, #tpu.memory_space<vmem>>) dst(%dma_wait3A_162 : memref<80x128xbf16, #tpu.memory_space<hbm>>)
    } else {
    }
    return
  }
}

#map = affine_map<(d0, d1) -> (0, 0)>
#map1 = affine_map<(d0, d1) -> (0, 0, 0)>
module attributes {stable_mosaic.version = 14 : i64} {
  func.func @_agg_body(%arg0: i32, %arg1: i32, %arg2: memref<10000x128xbf16, #tpu.memory_space<hbm>>, %arg3: memref<32x125x80xi32, #tpu.memory_space<hbm>>, %arg4: memref<32x125x80xi32, #tpu.memory_space<hbm>>, %arg5: memref<80x128xbf16, #tpu.memory_space<hbm>>, %arg6: memref<20000x128xbf16, #tpu.memory_space<hbm>>, %arg7: memref<80x128xbf16, #tpu.memory_space<vmem>>, %arg8: memref<125x80xi32, #tpu.memory_space<vmem>>, %arg9: memref<125x80xi32, #tpu.memory_space<vmem>>, %arg10: memref<10000x128xbf16, #tpu.memory_space<vmem_shared>>, %arg11: memref<80x128xbf16, #tpu.memory_space<vmem>>, %arg12: memref<80x128xbf16, #tpu.memory_space<vmem>>, %arg13: memref<80x128xbf16, #tpu.memory_space<vmem>>, %arg14: memref<80x128xbf16, #tpu.memory_space<vmem>>, %arg15: memref<80x128xbf16, #tpu.memory_space<vmem>>, %arg16: memref<!tpu.dma_semaphore, #tpu.memory_space<semaphore_mem>>, %arg17: memref<!tpu.dma_semaphore, #tpu.memory_space<semaphore_mem>>, %arg18: memref<!tpu.dma_semaphore, #tpu.memory_space<semaphore_mem>>, %arg19: memref<!tpu.dma_semaphore, #tpu.memory_space<semaphore_mem>>, %arg20: memref<!tpu.dma_semaphore, #tpu.memory_space<semaphore_mem>>) attributes {dimension_semantics = [#tpu.dimension_semantics<core_parallel>, #tpu.dimension_semantics<subcore_parallel>], iteration_bounds = array<i64: 2, 16>, scalar_prefetch = 0 : i64, scratch_operands = 14 : i64, tpu.core_type = #tpu.core_type<sc_vector_subcore>, window_params = [{transform_indices = #map}, {transform_indices = #map1}, {transform_indices = #map1}, {transform_indices = #map}, {transform_indices = #map}]} {
    %mul3A = arith.constant 16 : i32
    %mul3A_0 = arith.muli %arg0, %mul3A : i32
    %add3A = arith.addi %mul3A_0, %arg1 : i32
    "tpu.region"() ({
      %run_scoped3A = tpu.sem_alloc : memref<!tpu.dma_semaphore, #tpu.memory_space<semaphore_mem>>
      tpu.enqueue_dma source(%arg5 : memref<80x128xbf16, #tpu.memory_space<hbm>>) target(%arg7 : memref<80x128xbf16, #tpu.memory_space<vmem>>) target_semaphore(%run_scoped3A : memref<!tpu.dma_semaphore, #tpu.memory_space<semaphore_mem>>)
      tpu.wait_dma2 semaphore(%run_scoped3A : memref<!tpu.dma_semaphore, #tpu.memory_space<semaphore_mem>>) src(%arg5 : memref<80x128xbf16, #tpu.memory_space<hbm>>) dst(%arg7 : memref<80x128xbf16, #tpu.memory_space<vmem>>)
      tpu.yield
    }) : () -> ()
    %dma_start3A = arith.constant 0 : i32
    %dma_start3A_1 = arith.constant 0 : i32
    %dma_start3A_2 = tpu.memref_slice %arg3[%add3A, %dma_start3A, %dma_start3A_1] : memref<32x125x80xi32, #tpu.memory_space<hbm>> -> memref<1x125x80xi32, #tpu.memory_space<hbm>>
    %dma_start3A_3 = tpu.memref_squeeze %dma_start3A_2 : memref<1x125x80xi32, #tpu.memory_space<hbm>> -> memref<125x80xi32, #tpu.memory_space<hbm>>
    %dma_start3A_4 = arith.constant 0 : i32
    %dma_start3A_5 = arith.constant 0 : i32
    %dma_start3A_6 = tpu.memref_slice %arg3[%add3A, %dma_start3A_4, %dma_start3A_5] : memref<32x125x80xi32, #tpu.memory_space<hbm>> -> memref<1x125x80xi32, #tpu.memory_space<hbm>>
    %dma_start3A_7 = tpu.memref_squeeze %dma_start3A_6 : memref<1x125x80xi32, #tpu.memory_space<hbm>> -> memref<125x80xi32, #tpu.memory_space<hbm>>
    tpu.enqueue_dma source(%dma_start3A_7 : memref<125x80xi32, #tpu.memory_space<hbm>>) target(%arg8 : memref<125x80xi32, #tpu.memory_space<vmem>>) target_semaphore(%arg16 : memref<!tpu.dma_semaphore, #tpu.memory_space<semaphore_mem>>)
    %dma_start3A_8 = arith.constant 0 : i32
    %dma_start3A_9 = arith.constant 0 : i32
    %dma_start3A_10 = tpu.memref_slice %arg4[%add3A, %dma_start3A_8, %dma_start3A_9] : memref<32x125x80xi32, #tpu.memory_space<hbm>> -> memref<1x125x80xi32, #tpu.memory_space<hbm>>
    %dma_start3A_11 = tpu.memref_squeeze %dma_start3A_10 : memref<1x125x80xi32, #tpu.memory_space<hbm>> -> memref<125x80xi32, #tpu.memory_space<hbm>>
    %dma_start3A_12 = arith.constant 0 : i32
    %dma_start3A_13 = arith.constant 0 : i32
    %dma_start3A_14 = tpu.memref_slice %arg4[%add3A, %dma_start3A_12, %dma_start3A_13] : memref<32x125x80xi32, #tpu.memory_space<hbm>> -> memref<1x125x80xi32, #tpu.memory_space<hbm>>
    %dma_start3A_15 = tpu.memref_squeeze %dma_start3A_14 : memref<1x125x80xi32, #tpu.memory_space<hbm>> -> memref<125x80xi32, #tpu.memory_space<hbm>>
    tpu.enqueue_dma source(%dma_start3A_15 : memref<125x80xi32, #tpu.memory_space<hbm>>) target(%arg9 : memref<125x80xi32, #tpu.memory_space<vmem>>) target_semaphore(%arg17 : memref<!tpu.dma_semaphore, #tpu.memory_space<semaphore_mem>>)
    %ne3A = arith.constant 15 : i32
    %ne3A_16 = arith.cmpi ne, %arg1, %ne3A : i32
    %convert_element_type3A = arith.extui %ne3A_16 : i1 to i32
    %cond3A = arith.constant 0 : i32
    %cond3A_17 = arith.cmpi ne, %convert_element_type3A, %cond3A : i32
    scf.if %cond3A_17 {
      %mul3A_88 = arith.constant 640 : i32
      %mul3A_89 = arith.muli %arg1, %mul3A_88 : i32
      %add3A_90 = arith.constant 0 : i32
      %add3A_91 = arith.addi %mul3A_89, %add3A_90 : i32
      %dma_start3A_92 = arith.constant 0 : i32
      %dma_start3A_93 = tpu.memref_slice %arg10[%add3A_91, %dma_start3A_92] : memref<10000x128xbf16, #tpu.memory_space<vmem_shared>> -> memref<80x128xbf16, #tpu.memory_space<vmem_shared>>
      %dma_start3A_94 = arith.constant 0 : i32
      %dma_start3A_95 = tpu.memref_slice %arg10[%add3A_91, %dma_start3A_94] : memref<10000x128xbf16, #tpu.memory_space<vmem_shared>> -> memref<80x128xbf16, #tpu.memory_space<vmem_shared>>
      tpu.enqueue_dma source(%arg7 : memref<80x128xbf16, #tpu.memory_space<vmem>>) target(%dma_start3A_95 : memref<80x128xbf16, #tpu.memory_space<vmem_shared>>) target_semaphore(%arg18 : memref<!tpu.dma_semaphore, #tpu.memory_space<semaphore_mem>>)
      %mul3A_96 = arith.constant 640 : i32
      %mul3A_97 = arith.muli %arg1, %mul3A_96 : i32
      %add3A_98 = arith.constant 80 : i32
      %add3A_99 = arith.addi %mul3A_97, %add3A_98 : i32
      %dma_start3A_100 = arith.constant 0 : i32
      %dma_start3A_101 = tpu.memref_slice %arg10[%add3A_99, %dma_start3A_100] : memref<10000x128xbf16, #tpu.memory_space<vmem_shared>> -> memref<80x128xbf16, #tpu.memory_space<vmem_shared>>
      %dma_start3A_102 = arith.constant 0 : i32
      %dma_start3A_103 = tpu.memref_slice %arg10[%add3A_99, %dma_start3A_102] : memref<10000x128xbf16, #tpu.memory_space<vmem_shared>> -> memref<80x128xbf16, #tpu.memory_space<vmem_shared>>
      tpu.enqueue_dma source(%arg7 : memref<80x128xbf16, #tpu.memory_space<vmem>>) target(%dma_start3A_103 : memref<80x128xbf16, #tpu.memory_space<vmem_shared>>) target_semaphore(%arg18 : memref<!tpu.dma_semaphore, #tpu.memory_space<semaphore_mem>>)
      %mul3A_104 = arith.constant 640 : i32
      %mul3A_105 = arith.muli %arg1, %mul3A_104 : i32
      %add3A_106 = arith.constant 160 : i32
      %add3A_107 = arith.addi %mul3A_105, %add3A_106 : i32
      %dma_start3A_108 = arith.constant 0 : i32
      %dma_start3A_109 = tpu.memref_slice %arg10[%add3A_107, %dma_start3A_108] : memref<10000x128xbf16, #tpu.memory_space<vmem_shared>> -> memref<80x128xbf16, #tpu.memory_space<vmem_shared>>
      %dma_start3A_110 = arith.constant 0 : i32
      %dma_start3A_111 = tpu.memref_slice %arg10[%add3A_107, %dma_start3A_110] : memref<10000x128xbf16, #tpu.memory_space<vmem_shared>> -> memref<80x128xbf16, #tpu.memory_space<vmem_shared>>
      tpu.enqueue_dma source(%arg7 : memref<80x128xbf16, #tpu.memory_space<vmem>>) target(%dma_start3A_111 : memref<80x128xbf16, #tpu.memory_space<vmem_shared>>) target_semaphore(%arg18 : memref<!tpu.dma_semaphore, #tpu.memory_space<semaphore_mem>>)
      %mul3A_112 = arith.constant 640 : i32
      %mul3A_113 = arith.muli %arg1, %mul3A_112 : i32
      %add3A_114 = arith.constant 240 : i32
      %add3A_115 = arith.addi %mul3A_113, %add3A_114 : i32
      %dma_start3A_116 = arith.constant 0 : i32
      %dma_start3A_117 = tpu.memref_slice %arg10[%add3A_115, %dma_start3A_116] : memref<10000x128xbf16, #tpu.memory_space<vmem_shared>> -> memref<80x128xbf16, #tpu.memory_space<vmem_shared>>
      %dma_start3A_118 = arith.constant 0 : i32
      %dma_start3A_119 = tpu.memref_slice %arg10[%add3A_115, %dma_start3A_118] : memref<10000x128xbf16, #tpu.memory_space<vmem_shared>> -> memref<80x128xbf16, #tpu.memory_space<vmem_shared>>
      tpu.enqueue_dma source(%arg7 : memref<80x128xbf16, #tpu.memory_space<vmem>>) target(%dma_start3A_119 : memref<80x128xbf16, #tpu.memory_space<vmem_shared>>) target_semaphore(%arg18 : memref<!tpu.dma_semaphore, #tpu.memory_space<semaphore_mem>>)
      %mul3A_120 = arith.constant 640 : i32
      %mul3A_121 = arith.muli %arg1, %mul3A_120 : i32
      %add3A_122 = arith.constant 320 : i32
      %add3A_123 = arith.addi %mul3A_121, %add3A_122 : i32
      %dma_start3A_124 = arith.constant 0 : i32
      %dma_start3A_125 = tpu.memref_slice %arg10[%add3A_123, %dma_start3A_124] : memref<10000x128xbf16, #tpu.memory_space<vmem_shared>> -> memref<80x128xbf16, #tpu.memory_space<vmem_shared>>
      %dma_start3A_126 = arith.constant 0 : i32
      %dma_start3A_127 = tpu.memref_slice %arg10[%add3A_123, %dma_start3A_126] : memref<10000x128xbf16, #tpu.memory_space<vmem_shared>> -> memref<80x128xbf16, #tpu.memory_space<vmem_shared>>
      tpu.enqueue_dma source(%arg7 : memref<80x128xbf16, #tpu.memory_space<vmem>>) target(%dma_start3A_127 : memref<80x128xbf16, #tpu.memory_space<vmem_shared>>) target_semaphore(%arg18 : memref<!tpu.dma_semaphore, #tpu.memory_space<semaphore_mem>>)
      %mul3A_128 = arith.constant 640 : i32
      %mul3A_129 = arith.muli %arg1, %mul3A_128 : i32
      %add3A_130 = arith.constant 400 : i32
      %add3A_131 = arith.addi %mul3A_129, %add3A_130 : i32
      %dma_start3A_132 = arith.constant 0 : i32
      %dma_start3A_133 = tpu.memref_slice %arg10[%add3A_131, %dma_start3A_132] : memref<10000x128xbf16, #tpu.memory_space<vmem_shared>> -> memref<80x128xbf16, #tpu.memory_space<vmem_shared>>
      %dma_start3A_134 = arith.constant 0 : i32
      %dma_start3A_135 = tpu.memref_slice %arg10[%add3A_131, %dma_start3A_134] : memref<10000x128xbf16, #tpu.memory_space<vmem_shared>> -> memref<80x128xbf16, #tpu.memory_space<vmem_shared>>
      tpu.enqueue_dma source(%arg7 : memref<80x128xbf16, #tpu.memory_space<vmem>>) target(%dma_start3A_135 : memref<80x128xbf16, #tpu.memory_space<vmem_shared>>) target_semaphore(%arg18 : memref<!tpu.dma_semaphore, #tpu.memory_space<semaphore_mem>>)
      %mul3A_136 = arith.constant 640 : i32
      %mul3A_137 = arith.muli %arg1, %mul3A_136 : i32
      %add3A_138 = arith.constant 480 : i32
      %add3A_139 = arith.addi %mul3A_137, %add3A_138 : i32
      %dma_start3A_140 = arith.constant 0 : i32
      %dma_start3A_141 = tpu.memref_slice %arg10[%add3A_139, %dma_start3A_140] : memref<10000x128xbf16, #tpu.memory_space<vmem_shared>> -> memref<80x128xbf16, #tpu.memory_space<vmem_shared>>
      %dma_start3A_142 = arith.constant 0 : i32
      %dma_start3A_143 = tpu.memref_slice %arg10[%add3A_139, %dma_start3A_142] : memref<10000x128xbf16, #tpu.memory_space<vmem_shared>> -> memref<80x128xbf16, #tpu.memory_space<vmem_shared>>
      tpu.enqueue_dma source(%arg7 : memref<80x128xbf16, #tpu.memory_space<vmem>>) target(%dma_start3A_143 : memref<80x128xbf16, #tpu.memory_space<vmem_shared>>) target_semaphore(%arg18 : memref<!tpu.dma_semaphore, #tpu.memory_space<semaphore_mem>>)
      %mul3A_144 = arith.constant 640 : i32
      %mul3A_145 = arith.muli %arg1, %mul3A_144 : i32
      %add3A_146 = arith.constant 560 : i32
      %add3A_147 = arith.addi %mul3A_145, %add3A_146 : i32
      %dma_start3A_148 = arith.constant 0 : i32
      %dma_start3A_149 = tpu.memref_slice %arg10[%add3A_147, %dma_start3A_148] : memref<10000x128xbf16, #tpu.memory_space<vmem_shared>> -> memref<80x128xbf16, #tpu.memory_space<vmem_shared>>
      %dma_start3A_150 = arith.constant 0 : i32
      %dma_start3A_151 = tpu.memref_slice %arg10[%add3A_147, %dma_start3A_150] : memref<10000x128xbf16, #tpu.memory_space<vmem_shared>> -> memref<80x128xbf16, #tpu.memory_space<vmem_shared>>
      tpu.enqueue_dma source(%arg7 : memref<80x128xbf16, #tpu.memory_space<vmem>>) target(%dma_start3A_151 : memref<80x128xbf16, #tpu.memory_space<vmem_shared>>) target_semaphore(%arg18 : memref<!tpu.dma_semaphore, #tpu.memory_space<semaphore_mem>>)
      %mul3A_152 = arith.constant 640 : i32
      %mul3A_153 = arith.muli %arg1, %mul3A_152 : i32
      %dma_wait3A_154 = arith.constant 0 : i32
      %dma_wait3A_155 = tpu.memref_slice %arg10[%mul3A_153, %dma_wait3A_154] : memref<10000x128xbf16, #tpu.memory_space<vmem_shared>> -> memref<80x128xbf16, #tpu.memory_space<vmem_shared>>
      %dma_wait3A_156 = arith.constant 0 : i32
      %dma_wait3A_157 = tpu.memref_slice %arg10[%mul3A_153, %dma_wait3A_156] : memref<10000x128xbf16, #tpu.memory_space<vmem_shared>> -> memref<80x128xbf16, #tpu.memory_space<vmem_shared>>
      tpu.wait_dma2 semaphore(%arg18 : memref<!tpu.dma_semaphore, #tpu.memory_space<semaphore_mem>>) src(%arg7 : memref<80x128xbf16, #tpu.memory_space<vmem>>) dst(%dma_wait3A_157 : memref<80x128xbf16, #tpu.memory_space<vmem_shared>>)
      %mul3A_158 = arith.constant 640 : i32
      %mul3A_159 = arith.muli %arg1, %mul3A_158 : i32
      %dma_wait3A_160 = arith.constant 0 : i32
      %dma_wait3A_161 = tpu.memref_slice %arg10[%mul3A_159, %dma_wait3A_160] : memref<10000x128xbf16, #tpu.memory_space<vmem_shared>> -> memref<80x128xbf16, #tpu.memory_space<vmem_shared>>
      %dma_wait3A_162 = arith.constant 0 : i32
      %dma_wait3A_163 = tpu.memref_slice %arg10[%mul3A_159, %dma_wait3A_162] : memref<10000x128xbf16, #tpu.memory_space<vmem_shared>> -> memref<80x128xbf16, #tpu.memory_space<vmem_shared>>
      tpu.wait_dma2 semaphore(%arg18 : memref<!tpu.dma_semaphore, #tpu.memory_space<semaphore_mem>>) src(%arg7 : memref<80x128xbf16, #tpu.memory_space<vmem>>) dst(%dma_wait3A_163 : memref<80x128xbf16, #tpu.memory_space<vmem_shared>>)
      %mul3A_164 = arith.constant 640 : i32
      %mul3A_165 = arith.muli %arg1, %mul3A_164 : i32
      %dma_wait3A_166 = arith.constant 0 : i32
      %dma_wait3A_167 = tpu.memref_slice %arg10[%mul3A_165, %dma_wait3A_166] : memref<10000x128xbf16, #tpu.memory_space<vmem_shared>> -> memref<80x128xbf16, #tpu.memory_space<vmem_shared>>
      %dma_wait3A_168 = arith.constant 0 : i32
      %dma_wait3A_169 = tpu.memref_slice %arg10[%mul3A_165, %dma_wait3A_168] : memref<10000x128xbf16, #tpu.memory_space<vmem_shared>> -> memref<80x128xbf16, #tpu.memory_space<vmem_shared>>
      tpu.wait_dma2 semaphore(%arg18 : memref<!tpu.dma_semaphore, #tpu.memory_space<semaphore_mem>>) src(%arg7 : memref<80x128xbf16, #tpu.memory_space<vmem>>) dst(%dma_wait3A_169 : memref<80x128xbf16, #tpu.memory_space<vmem_shared>>)
      %mul3A_170 = arith.constant 640 : i32
      %mul3A_171 = arith.muli %arg1, %mul3A_170 : i32
      %dma_wait3A_172 = arith.constant 0 : i32
      %dma_wait3A_173 = tpu.memref_slice %arg10[%mul3A_171, %dma_wait3A_172] : memref<10000x128xbf16, #tpu.memory_space<vmem_shared>> -> memref<80x128xbf16, #tpu.memory_space<vmem_shared>>
      %dma_wait3A_174 = arith.constant 0 : i32
      %dma_wait3A_175 = tpu.memref_slice %arg10[%mul3A_171, %dma_wait3A_174] : memref<10000x128xbf16, #tpu.memory_space<vmem_shared>> -> memref<80x128xbf16, #tpu.memory_space<vmem_shared>>
      tpu.wait_dma2 semaphore(%arg18 : memref<!tpu.dma_semaphore, #tpu.memory_space<semaphore_mem>>) src(%arg7 : memref<80x128xbf16, #tpu.memory_space<vmem>>) dst(%dma_wait3A_175 : memref<80x128xbf16, #tpu.memory_space<vmem_shared>>)
      %mul3A_176 = arith.constant 640 : i32
      %mul3A_177 = arith.muli %arg1, %mul3A_176 : i32
      %dma_wait3A_178 = arith.constant 0 : i32
      %dma_wait3A_179 = tpu.memref_slice %arg10[%mul3A_177, %dma_wait3A_178] : memref<10000x128xbf16, #tpu.memory_space<vmem_shared>> -> memref<80x128xbf16, #tpu.memory_space<vmem_shared>>
      %dma_wait3A_180 = arith.constant 0 : i32
      %dma_wait3A_181 = tpu.memref_slice %arg10[%mul3A_177, %dma_wait3A_180] : memref<10000x128xbf16, #tpu.memory_space<vmem_shared>> -> memref<80x128xbf16, #tpu.memory_space<vmem_shared>>
      tpu.wait_dma2 semaphore(%arg18 : memref<!tpu.dma_semaphore, #tpu.memory_space<semaphore_mem>>) src(%arg7 : memref<80x128xbf16, #tpu.memory_space<vmem>>) dst(%dma_wait3A_181 : memref<80x128xbf16, #tpu.memory_space<vmem_shared>>)
      %mul3A_182 = arith.constant 640 : i32
      %mul3A_183 = arith.muli %arg1, %mul3A_182 : i32
      %dma_wait3A_184 = arith.constant 0 : i32
      %dma_wait3A_185 = tpu.memref_slice %arg10[%mul3A_183, %dma_wait3A_184] : memref<10000x128xbf16, #tpu.memory_space<vmem_shared>> -> memref<80x128xbf16, #tpu.memory_space<vmem_shared>>
      %dma_wait3A_186 = arith.constant 0 : i32
      %dma_wait3A_187 = tpu.memref_slice %arg10[%mul3A_183, %dma_wait3A_186] : memref<10000x128xbf16, #tpu.memory_space<vmem_shared>> -> memref<80x128xbf16, #tpu.memory_space<vmem_shared>>
      tpu.wait_dma2 semaphore(%arg18 : memref<!tpu.dma_semaphore, #tpu.memory_space<semaphore_mem>>) src(%arg7 : memref<80x128xbf16, #tpu.memory_space<vmem>>) dst(%dma_wait3A_187 : memref<80x128xbf16, #tpu.memory_space<vmem_shared>>)
      %mul3A_188 = arith.constant 640 : i32
      %mul3A_189 = arith.muli %arg1, %mul3A_188 : i32
      %dma_wait3A_190 = arith.constant 0 : i32
      %dma_wait3A_191 = tpu.memref_slice %arg10[%mul3A_189, %dma_wait3A_190] : memref<10000x128xbf16, #tpu.memory_space<vmem_shared>> -> memref<80x128xbf16, #tpu.memory_space<vmem_shared>>
      %dma_wait3A_192 = arith.constant 0 : i32
      %dma_wait3A_193 = tpu.memref_slice %arg10[%mul3A_189, %dma_wait3A_192] : memref<10000x128xbf16, #tpu.memory_space<vmem_shared>> -> memref<80x128xbf16, #tpu.memory_space<vmem_shared>>
      tpu.wait_dma2 semaphore(%arg18 : memref<!tpu.dma_semaphore, #tpu.memory_space<semaphore_mem>>) src(%arg7 : memref<80x128xbf16, #tpu.memory_space<vmem>>) dst(%dma_wait3A_193 : memref<80x128xbf16, #tpu.memory_space<vmem_shared>>)
      %mul3A_194 = arith.constant 640 : i32
      %mul3A_195 = arith.muli %arg1, %mul3A_194 : i32
      %dma_wait3A_196 = arith.constant 0 : i32
      %dma_wait3A_197 = tpu.memref_slice %arg10[%mul3A_195, %dma_wait3A_196] : memref<10000x128xbf16, #tpu.memory_space<vmem_shared>> -> memref<80x128xbf16, #tpu.memory_space<vmem_shared>>
      %dma_wait3A_198 = arith.constant 0 : i32
      %dma_wait3A_199 = tpu.memref_slice %arg10[%mul3A_195, %dma_wait3A_198] : memref<10000x128xbf16, #tpu.memory_space<vmem_shared>> -> memref<80x128xbf16, #tpu.memory_space<vmem_shared>>
      tpu.wait_dma2 semaphore(%arg18 : memref<!tpu.dma_semaphore, #tpu.memory_space<semaphore_mem>>) src(%arg7 : memref<80x128xbf16, #tpu.memory_space<vmem>>) dst(%dma_wait3A_199 : memref<80x128xbf16, #tpu.memory_space<vmem_shared>>)
    } else {
    }
    %eq3A = arith.constant 15 : i32
    %eq3A_18 = arith.cmpi eq, %arg1, %eq3A : i32
    %convert_element_type3A_19 = arith.extui %eq3A_18 : i1 to i32
    %cond3A_20 = arith.constant 0 : i32
    %cond3A_21 = arith.cmpi ne, %convert_element_type3A_19, %cond3A_20 : i32
    scf.if %cond3A_21 {
      %mul3A_88 = arith.constant 640 : i32
      %mul3A_89 = arith.muli %arg1, %mul3A_88 : i32
      %add3A_90 = arith.constant 0 : i32
      %add3A_91 = arith.addi %mul3A_89, %add3A_90 : i32
      %dma_start3A_92 = arith.constant 0 : i32
      %dma_start3A_93 = tpu.memref_slice %arg10[%add3A_91, %dma_start3A_92] : memref<10000x128xbf16, #tpu.memory_space<vmem_shared>> -> memref<80x128xbf16, #tpu.memory_space<vmem_shared>>
      %dma_start3A_94 = arith.constant 0 : i32
      %dma_start3A_95 = tpu.memref_slice %arg10[%add3A_91, %dma_start3A_94] : memref<10000x128xbf16, #tpu.memory_space<vmem_shared>> -> memref<80x128xbf16, #tpu.memory_space<vmem_shared>>
      tpu.enqueue_dma source(%arg7 : memref<80x128xbf16, #tpu.memory_space<vmem>>) target(%dma_start3A_95 : memref<80x128xbf16, #tpu.memory_space<vmem_shared>>) target_semaphore(%arg18 : memref<!tpu.dma_semaphore, #tpu.memory_space<semaphore_mem>>)
      %mul3A_96 = arith.constant 640 : i32
      %mul3A_97 = arith.muli %arg1, %mul3A_96 : i32
      %add3A_98 = arith.constant 80 : i32
      %add3A_99 = arith.addi %mul3A_97, %add3A_98 : i32
      %dma_start3A_100 = arith.constant 0 : i32
      %dma_start3A_101 = tpu.memref_slice %arg10[%add3A_99, %dma_start3A_100] : memref<10000x128xbf16, #tpu.memory_space<vmem_shared>> -> memref<80x128xbf16, #tpu.memory_space<vmem_shared>>
      %dma_start3A_102 = arith.constant 0 : i32
      %dma_start3A_103 = tpu.memref_slice %arg10[%add3A_99, %dma_start3A_102] : memref<10000x128xbf16, #tpu.memory_space<vmem_shared>> -> memref<80x128xbf16, #tpu.memory_space<vmem_shared>>
      tpu.enqueue_dma source(%arg7 : memref<80x128xbf16, #tpu.memory_space<vmem>>) target(%dma_start3A_103 : memref<80x128xbf16, #tpu.memory_space<vmem_shared>>) target_semaphore(%arg18 : memref<!tpu.dma_semaphore, #tpu.memory_space<semaphore_mem>>)
      %mul3A_104 = arith.constant 640 : i32
      %mul3A_105 = arith.muli %arg1, %mul3A_104 : i32
      %add3A_106 = arith.constant 160 : i32
      %add3A_107 = arith.addi %mul3A_105, %add3A_106 : i32
      %dma_start3A_108 = arith.constant 0 : i32
      %dma_start3A_109 = tpu.memref_slice %arg10[%add3A_107, %dma_start3A_108] : memref<10000x128xbf16, #tpu.memory_space<vmem_shared>> -> memref<80x128xbf16, #tpu.memory_space<vmem_shared>>
      %dma_start3A_110 = arith.constant 0 : i32
      %dma_start3A_111 = tpu.memref_slice %arg10[%add3A_107, %dma_start3A_110] : memref<10000x128xbf16, #tpu.memory_space<vmem_shared>> -> memref<80x128xbf16, #tpu.memory_space<vmem_shared>>
      tpu.enqueue_dma source(%arg7 : memref<80x128xbf16, #tpu.memory_space<vmem>>) target(%dma_start3A_111 : memref<80x128xbf16, #tpu.memory_space<vmem_shared>>) target_semaphore(%arg18 : memref<!tpu.dma_semaphore, #tpu.memory_space<semaphore_mem>>)
      %mul3A_112 = arith.constant 640 : i32
      %mul3A_113 = arith.muli %arg1, %mul3A_112 : i32
      %add3A_114 = arith.constant 240 : i32
      %add3A_115 = arith.addi %mul3A_113, %add3A_114 : i32
      %dma_start3A_116 = arith.constant 0 : i32
      %dma_start3A_117 = tpu.memref_slice %arg10[%add3A_115, %dma_start3A_116] : memref<10000x128xbf16, #tpu.memory_space<vmem_shared>> -> memref<80x128xbf16, #tpu.memory_space<vmem_shared>>
      %dma_start3A_118 = arith.constant 0 : i32
      %dma_start3A_119 = tpu.memref_slice %arg10[%add3A_115, %dma_start3A_118] : memref<10000x128xbf16, #tpu.memory_space<vmem_shared>> -> memref<80x128xbf16, #tpu.memory_space<vmem_shared>>
      tpu.enqueue_dma source(%arg7 : memref<80x128xbf16, #tpu.memory_space<vmem>>) target(%dma_start3A_119 : memref<80x128xbf16, #tpu.memory_space<vmem_shared>>) target_semaphore(%arg18 : memref<!tpu.dma_semaphore, #tpu.memory_space<semaphore_mem>>)
      %mul3A_120 = arith.constant 640 : i32
      %mul3A_121 = arith.muli %arg1, %mul3A_120 : i32
      %add3A_122 = arith.constant 320 : i32
      %add3A_123 = arith.addi %mul3A_121, %add3A_122 : i32
      %dma_start3A_124 = arith.constant 0 : i32
      %dma_start3A_125 = tpu.memref_slice %arg10[%add3A_123, %dma_start3A_124] : memref<10000x128xbf16, #tpu.memory_space<vmem_shared>> -> memref<80x128xbf16, #tpu.memory_space<vmem_shared>>
      %dma_start3A_126 = arith.constant 0 : i32
      %dma_start3A_127 = tpu.memref_slice %arg10[%add3A_123, %dma_start3A_126] : memref<10000x128xbf16, #tpu.memory_space<vmem_shared>> -> memref<80x128xbf16, #tpu.memory_space<vmem_shared>>
      tpu.enqueue_dma source(%arg7 : memref<80x128xbf16, #tpu.memory_space<vmem>>) target(%dma_start3A_127 : memref<80x128xbf16, #tpu.memory_space<vmem_shared>>) target_semaphore(%arg18 : memref<!tpu.dma_semaphore, #tpu.memory_space<semaphore_mem>>)
      %mul3A_128 = arith.constant 640 : i32
      %mul3A_129 = arith.muli %arg1, %mul3A_128 : i32
      %dma_wait3A_130 = arith.constant 0 : i32
      %dma_wait3A_131 = tpu.memref_slice %arg10[%mul3A_129, %dma_wait3A_130] : memref<10000x128xbf16, #tpu.memory_space<vmem_shared>> -> memref<80x128xbf16, #tpu.memory_space<vmem_shared>>
      %dma_wait3A_132 = arith.constant 0 : i32
      %dma_wait3A_133 = tpu.memref_slice %arg10[%mul3A_129, %dma_wait3A_132] : memref<10000x128xbf16, #tpu.memory_space<vmem_shared>> -> memref<80x128xbf16, #tpu.memory_space<vmem_shared>>
      tpu.wait_dma2 semaphore(%arg18 : memref<!tpu.dma_semaphore, #tpu.memory_space<semaphore_mem>>) src(%arg7 : memref<80x128xbf16, #tpu.memory_space<vmem>>) dst(%dma_wait3A_133 : memref<80x128xbf16, #tpu.memory_space<vmem_shared>>)
      %mul3A_134 = arith.constant 640 : i32
      %mul3A_135 = arith.muli %arg1, %mul3A_134 : i32
      %dma_wait3A_136 = arith.constant 0 : i32
      %dma_wait3A_137 = tpu.memref_slice %arg10[%mul3A_135, %dma_wait3A_136] : memref<10000x128xbf16, #tpu.memory_space<vmem_shared>> -> memref<80x128xbf16, #tpu.memory_space<vmem_shared>>
      %dma_wait3A_138 = arith.constant 0 : i32
      %dma_wait3A_139 = tpu.memref_slice %arg10[%mul3A_135, %dma_wait3A_138] : memref<10000x128xbf16, #tpu.memory_space<vmem_shared>> -> memref<80x128xbf16, #tpu.memory_space<vmem_shared>>
      tpu.wait_dma2 semaphore(%arg18 : memref<!tpu.dma_semaphore, #tpu.memory_space<semaphore_mem>>) src(%arg7 : memref<80x128xbf16, #tpu.memory_space<vmem>>) dst(%dma_wait3A_139 : memref<80x128xbf16, #tpu.memory_space<vmem_shared>>)
      %mul3A_140 = arith.constant 640 : i32
      %mul3A_141 = arith.muli %arg1, %mul3A_140 : i32
      %dma_wait3A_142 = arith.constant 0 : i32
      %dma_wait3A_143 = tpu.memref_slice %arg10[%mul3A_141, %dma_wait3A_142] : memref<10000x128xbf16, #tpu.memory_space<vmem_shared>> -> memref<80x128xbf16, #tpu.memory_space<vmem_shared>>
      %dma_wait3A_144 = arith.constant 0 : i32
      %dma_wait3A_145 = tpu.memref_slice %arg10[%mul3A_141, %dma_wait3A_144] : memref<10000x128xbf16, #tpu.memory_space<vmem_shared>> -> memref<80x128xbf16, #tpu.memory_space<vmem_shared>>
      tpu.wait_dma2 semaphore(%arg18 : memref<!tpu.dma_semaphore, #tpu.memory_space<semaphore_mem>>) src(%arg7 : memref<80x128xbf16, #tpu.memory_space<vmem>>) dst(%dma_wait3A_145 : memref<80x128xbf16, #tpu.memory_space<vmem_shared>>)
      %mul3A_146 = arith.constant 640 : i32
      %mul3A_147 = arith.muli %arg1, %mul3A_146 : i32
      %dma_wait3A_148 = arith.constant 0 : i32
      %dma_wait3A_149 = tpu.memref_slice %arg10[%mul3A_147, %dma_wait3A_148] : memref<10000x128xbf16, #tpu.memory_space<vmem_shared>> -> memref<80x128xbf16, #tpu.memory_space<vmem_shared>>
      %dma_wait3A_150 = arith.constant 0 : i32
      %dma_wait3A_151 = tpu.memref_slice %arg10[%mul3A_147, %dma_wait3A_150] : memref<10000x128xbf16, #tpu.memory_space<vmem_shared>> -> memref<80x128xbf16, #tpu.memory_space<vmem_shared>>
      tpu.wait_dma2 semaphore(%arg18 : memref<!tpu.dma_semaphore, #tpu.memory_space<semaphore_mem>>) src(%arg7 : memref<80x128xbf16, #tpu.memory_space<vmem>>) dst(%dma_wait3A_151 : memref<80x128xbf16, #tpu.memory_space<vmem_shared>>)
      %mul3A_152 = arith.constant 640 : i32
      %mul3A_153 = arith.muli %arg1, %mul3A_152 : i32
      %dma_wait3A_154 = arith.constant 0 : i32
      %dma_wait3A_155 = tpu.memref_slice %arg10[%mul3A_153, %dma_wait3A_154] : memref<10000x128xbf16, #tpu.memory_space<vmem_shared>> -> memref<80x128xbf16, #tpu.memory_space<vmem_shared>>
      %dma_wait3A_156 = arith.constant 0 : i32
      %dma_wait3A_157 = tpu.memref_slice %arg10[%mul3A_153, %dma_wait3A_156] : memref<10000x128xbf16, #tpu.memory_space<vmem_shared>> -> memref<80x128xbf16, #tpu.memory_space<vmem_shared>>
      tpu.wait_dma2 semaphore(%arg18 : memref<!tpu.dma_semaphore, #tpu.memory_space<semaphore_mem>>) src(%arg7 : memref<80x128xbf16, #tpu.memory_space<vmem>>) dst(%dma_wait3A_157 : memref<80x128xbf16, #tpu.memory_space<vmem_shared>>)
    } else {
    }
    %dma_wait3A = arith.constant 0 : i32
    %dma_wait3A_22 = arith.constant 0 : i32
    %dma_wait3A_23 = tpu.memref_slice %arg3[%add3A, %dma_wait3A, %dma_wait3A_22] : memref<32x125x80xi32, #tpu.memory_space<hbm>> -> memref<1x125x80xi32, #tpu.memory_space<hbm>>
    %dma_wait3A_24 = tpu.memref_squeeze %dma_wait3A_23 : memref<1x125x80xi32, #tpu.memory_space<hbm>> -> memref<125x80xi32, #tpu.memory_space<hbm>>
    %dma_wait3A_25 = arith.constant 0 : i32
    %dma_wait3A_26 = arith.constant 0 : i32
    %dma_wait3A_27 = tpu.memref_slice %arg3[%add3A, %dma_wait3A_25, %dma_wait3A_26] : memref<32x125x80xi32, #tpu.memory_space<hbm>> -> memref<1x125x80xi32, #tpu.memory_space<hbm>>
    %dma_wait3A_28 = tpu.memref_squeeze %dma_wait3A_27 : memref<1x125x80xi32, #tpu.memory_space<hbm>> -> memref<125x80xi32, #tpu.memory_space<hbm>>
    tpu.wait_dma2 semaphore(%arg16 : memref<!tpu.dma_semaphore, #tpu.memory_space<semaphore_mem>>) src(%dma_wait3A_28 : memref<125x80xi32, #tpu.memory_space<hbm>>) dst(%arg8 : memref<125x80xi32, #tpu.memory_space<vmem>>)
    %dma_wait3A_29 = arith.constant 0 : i32
    %dma_wait3A_30 = arith.constant 0 : i32
    %dma_wait3A_31 = tpu.memref_slice %arg4[%add3A, %dma_wait3A_29, %dma_wait3A_30] : memref<32x125x80xi32, #tpu.memory_space<hbm>> -> memref<1x125x80xi32, #tpu.memory_space<hbm>>
    %dma_wait3A_32 = tpu.memref_squeeze %dma_wait3A_31 : memref<1x125x80xi32, #tpu.memory_space<hbm>> -> memref<125x80xi32, #tpu.memory_space<hbm>>
    %dma_wait3A_33 = arith.constant 0 : i32
    %dma_wait3A_34 = arith.constant 0 : i32
    %dma_wait3A_35 = tpu.memref_slice %arg4[%add3A, %dma_wait3A_33, %dma_wait3A_34] : memref<32x125x80xi32, #tpu.memory_space<hbm>> -> memref<1x125x80xi32, #tpu.memory_space<hbm>>
    %dma_wait3A_36 = tpu.memref_squeeze %dma_wait3A_35 : memref<1x125x80xi32, #tpu.memory_space<hbm>> -> memref<125x80xi32, #tpu.memory_space<hbm>>
    tpu.wait_dma2 semaphore(%arg17 : memref<!tpu.dma_semaphore, #tpu.memory_space<semaphore_mem>>) src(%dma_wait3A_36 : memref<125x80xi32, #tpu.memory_space<hbm>>) dst(%arg9 : memref<125x80xi32, #tpu.memory_space<vmem>>)
    %barrier3A = arith.constant 0 : index
    tpu.barrier barrier_id(%barrier3A)
    %dma_start3A_37 = arith.constant 0 : i32
    %dma_start3A_38 = arith.constant 0 : i32
    %dma_start3A_39 = tpu.memref_slice %arg8[%dma_start3A_37, %dma_start3A_38] : memref<125x80xi32, #tpu.memory_space<vmem>> -> memref<1x80xi32, #tpu.memory_space<vmem>>
    %dma_start3A_40 = tpu.memref_squeeze %dma_start3A_39 : memref<1x80xi32, #tpu.memory_space<vmem>> -> memref<80xi32, #tpu.memory_space<vmem>>
    %dma_start3A_41 = arith.constant 0 : i32
    %dma_start3A_42 = arith.constant 0 : i32
    %dma_start3A_43 = tpu.memref_slice %arg2[%dma_start3A_41, %dma_start3A_42] : memref<10000x128xbf16, #tpu.memory_space<hbm>> -> memref<10000x128xbf16, #tpu.memory_space<hbm>>
    tpu.enqueue_indirect_dma source(%dma_start3A_43 : memref<10000x128xbf16, #tpu.memory_space<hbm>>) target(%arg11 : memref<80x128xbf16, #tpu.memory_space<vmem>>) offsets(%dma_start3A_40 : memref<80xi32, #tpu.memory_space<vmem>>) semaphore(%arg16 : memref<!tpu.dma_semaphore, #tpu.memory_space<semaphore_mem>>)
    %dma_start3A_44 = arith.constant 1 : i32
    %dma_start3A_45 = arith.constant 0 : i32
    %dma_start3A_46 = tpu.memref_slice %arg8[%dma_start3A_44, %dma_start3A_45] : memref<125x80xi32, #tpu.memory_space<vmem>> -> memref<1x80xi32, #tpu.memory_space<vmem>>
    %dma_start3A_47 = tpu.memref_squeeze %dma_start3A_46 : memref<1x80xi32, #tpu.memory_space<vmem>> -> memref<80xi32, #tpu.memory_space<vmem>>
    %dma_start3A_48 = arith.constant 0 : i32
    %dma_start3A_49 = arith.constant 0 : i32
    %dma_start3A_50 = tpu.memref_slice %arg2[%dma_start3A_48, %dma_start3A_49] : memref<10000x128xbf16, #tpu.memory_space<hbm>> -> memref<10000x128xbf16, #tpu.memory_space<hbm>>
    tpu.enqueue_indirect_dma source(%dma_start3A_50 : memref<10000x128xbf16, #tpu.memory_space<hbm>>) target(%arg12 : memref<80x128xbf16, #tpu.memory_space<vmem>>) offsets(%dma_start3A_47 : memref<80xi32, #tpu.memory_space<vmem>>) semaphore(%arg17 : memref<!tpu.dma_semaphore, #tpu.memory_space<semaphore_mem>>)
    %dma_start3A_51 = arith.constant 2 : i32
    %dma_start3A_52 = arith.constant 0 : i32
    %dma_start3A_53 = tpu.memref_slice %arg8[%dma_start3A_51, %dma_start3A_52] : memref<125x80xi32, #tpu.memory_space<vmem>> -> memref<1x80xi32, #tpu.memory_space<vmem>>
    %dma_start3A_54 = tpu.memref_squeeze %dma_start3A_53 : memref<1x80xi32, #tpu.memory_space<vmem>> -> memref<80xi32, #tpu.memory_space<vmem>>
    %dma_start3A_55 = arith.constant 0 : i32
    %dma_start3A_56 = arith.constant 0 : i32
    %dma_start3A_57 = tpu.memref_slice %arg2[%dma_start3A_55, %dma_start3A_56] : memref<10000x128xbf16, #tpu.memory_space<hbm>> -> memref<10000x128xbf16, #tpu.memory_space<hbm>>
    tpu.enqueue_indirect_dma source(%dma_start3A_57 : memref<10000x128xbf16, #tpu.memory_space<hbm>>) target(%arg13 : memref<80x128xbf16, #tpu.memory_space<vmem>>) offsets(%dma_start3A_54 : memref<80xi32, #tpu.memory_space<vmem>>) semaphore(%arg18 : memref<!tpu.dma_semaphore, #tpu.memory_space<semaphore_mem>>)
    %dma_start3A_58 = arith.constant 3 : i32
    %dma_start3A_59 = arith.constant 0 : i32
    %dma_start3A_60 = tpu.memref_slice %arg8[%dma_start3A_58, %dma_start3A_59] : memref<125x80xi32, #tpu.memory_space<vmem>> -> memref<1x80xi32, #tpu.memory_space<vmem>>
    %dma_start3A_61 = tpu.memref_squeeze %dma_start3A_60 : memref<1x80xi32, #tpu.memory_space<vmem>> -> memref<80xi32, #tpu.memory_space<vmem>>
    %dma_start3A_62 = arith.constant 0 : i32
    %dma_start3A_63 = arith.constant 0 : i32
    %dma_start3A_64 = tpu.memref_slice %arg2[%dma_start3A_62, %dma_start3A_63] : memref<10000x128xbf16, #tpu.memory_space<hbm>> -> memref<10000x128xbf16, #tpu.memory_space<hbm>>
    tpu.enqueue_indirect_dma source(%dma_start3A_64 : memref<10000x128xbf16, #tpu.memory_space<hbm>>) target(%arg14 : memref<80x128xbf16, #tpu.memory_space<vmem>>) offsets(%dma_start3A_61 : memref<80xi32, #tpu.memory_space<vmem>>) semaphore(%arg19 : memref<!tpu.dma_semaphore, #tpu.memory_space<semaphore_mem>>)
    %dma_start3A_65 = arith.constant 4 : i32
    %dma_start3A_66 = arith.constant 0 : i32
    %dma_start3A_67 = tpu.memref_slice %arg8[%dma_start3A_65, %dma_start3A_66] : memref<125x80xi32, #tpu.memory_space<vmem>> -> memref<1x80xi32, #tpu.memory_space<vmem>>
    %dma_start3A_68 = tpu.memref_squeeze %dma_start3A_67 : memref<1x80xi32, #tpu.memory_space<vmem>> -> memref<80xi32, #tpu.memory_space<vmem>>
    %dma_start3A_69 = arith.constant 0 : i32
    %dma_start3A_70 = arith.constant 0 : i32
    %dma_start3A_71 = tpu.memref_slice %arg2[%dma_start3A_69, %dma_start3A_70] : memref<10000x128xbf16, #tpu.memory_space<hbm>> -> memref<10000x128xbf16, #tpu.memory_space<hbm>>
    tpu.enqueue_indirect_dma source(%dma_start3A_71 : memref<10000x128xbf16, #tpu.memory_space<hbm>>) target(%arg15 : memref<80x128xbf16, #tpu.memory_space<vmem>>) offsets(%dma_start3A_68 : memref<80xi32, #tpu.memory_space<vmem>>) semaphore(%arg20 : memref<!tpu.dma_semaphore, #tpu.memory_space<semaphore_mem>>)
    %scan3A = arith.constant 0 : i32
    %scan3A_72 = arith.constant 0 : i32
    %scan3A_73 = arith.constant 25 : i32
    %scan3A_74 = arith.addi %scan3A_72, %scan3A_73 : i32
    %scan3A_75 = arith.constant 1 : i32
    scf.for %scan3A_88 = %scan3A_72 to %scan3A_74 step %scan3A_75  : i32 {
      %mul3A_89 = arith.constant 5 : i32
      %mul3A_90 = arith.muli %scan3A_88, %mul3A_89 : i32
      %add3A_91 = arith.constant 0 : i32
      %add3A_92 = arith.addi %mul3A_90, %add3A_91 : i32
      %dma_wait3A_93 = arith.constant 0 : i32
      %dma_wait3A_94 = arith.constant 0 : i32
      %dma_wait3A_95 = tpu.memref_slice %arg8[%dma_wait3A_93, %dma_wait3A_94] : memref<125x80xi32, #tpu.memory_space<vmem>> -> memref<1x80xi32, #tpu.memory_space<vmem>>
      %dma_wait3A_96 = tpu.memref_squeeze %dma_wait3A_95 : memref<1x80xi32, #tpu.memory_space<vmem>> -> memref<80xi32, #tpu.memory_space<vmem>>
      %dma_wait3A_97 = arith.constant 0 : i32
      %dma_wait3A_98 = arith.constant 0 : i32
      %dma_wait3A_99 = tpu.memref_slice %arg2[%dma_wait3A_97, %dma_wait3A_98] : memref<10000x128xbf16, #tpu.memory_space<hbm>> -> memref<10000x128xbf16, #tpu.memory_space<hbm>>
      tpu.wait_indirect_dma semaphore(%arg16 : memref<!tpu.dma_semaphore, #tpu.memory_space<semaphore_mem>>) src(%dma_wait3A_99 : memref<10000x128xbf16, #tpu.memory_space<hbm>>) dst(%arg11 : memref<80x128xbf16, #tpu.memory_space<vmem>>)
      "tpu.region"() ({
        %run_scoped3A = tpu.sem_alloc : memref<!tpu.dma_semaphore, #tpu.memory_space<semaphore_mem>>
        %dma_start3A_160 = arith.constant 0 : i32
        %dma_start3A_161 = tpu.memref_slice %arg9[%add3A_92, %dma_start3A_160] : memref<125x80xi32, #tpu.memory_space<vmem>> -> memref<1x80xi32, #tpu.memory_space<vmem>>
        %dma_start3A_162 = tpu.memref_squeeze %dma_start3A_161 : memref<1x80xi32, #tpu.memory_space<vmem>> -> memref<80xi32, #tpu.memory_space<vmem>>
        %dma_start3A_163 = arith.constant 0 : i32
        %dma_start3A_164 = arith.constant 0 : i32
        %dma_start3A_165 = tpu.memref_slice %arg10[%dma_start3A_163, %dma_start3A_164] : memref<10000x128xbf16, #tpu.memory_space<vmem_shared>> -> memref<10000x128xbf16, #tpu.memory_space<vmem_shared>>
        tpu.enqueue_indirect_dma source(%arg11 : memref<80x128xbf16, #tpu.memory_space<vmem>>) target(%dma_start3A_165 : memref<10000x128xbf16, #tpu.memory_space<vmem_shared>>) offsets(%dma_start3A_162 : memref<80xi32, #tpu.memory_space<vmem>>) semaphore(%run_scoped3A : memref<!tpu.dma_semaphore, #tpu.memory_space<semaphore_mem>>) {add = true}
        %dma_wait3A_166 = arith.constant 0 : i32
        %dma_wait3A_167 = tpu.memref_slice %arg9[%add3A_92, %dma_wait3A_166] : memref<125x80xi32, #tpu.memory_space<vmem>> -> memref<1x80xi32, #tpu.memory_space<vmem>>
        %dma_wait3A_168 = tpu.memref_squeeze %dma_wait3A_167 : memref<1x80xi32, #tpu.memory_space<vmem>> -> memref<80xi32, #tpu.memory_space<vmem>>
        %dma_wait3A_169 = arith.constant 0 : i32
        %dma_wait3A_170 = arith.constant 0 : i32
        %dma_wait3A_171 = tpu.memref_slice %arg10[%dma_wait3A_169, %dma_wait3A_170] : memref<10000x128xbf16, #tpu.memory_space<vmem_shared>> -> memref<10000x128xbf16, #tpu.memory_space<vmem_shared>>
        tpu.wait_indirect_dma semaphore(%run_scoped3A : memref<!tpu.dma_semaphore, #tpu.memory_space<semaphore_mem>>) src(%arg11 : memref<80x128xbf16, #tpu.memory_space<vmem>>) dst(%dma_wait3A_171 : memref<10000x128xbf16, #tpu.memory_space<vmem_shared>>)
        tpu.yield
      }) : () -> ()
      %lt3A = arith.constant 120 : i32
      %lt3A_100 = arith.cmpi slt, %add3A_92, %lt3A : i32
      %convert_element_type3A_101 = arith.extui %lt3A_100 : i1 to i32
      %cond3A_102 = arith.constant 0 : i32
      %cond3A_103 = arith.cmpi ne, %convert_element_type3A_101, %cond3A_102 : i32
      scf.if %cond3A_103 {
        %add3A_160 = arith.constant 5 : i32
        %add3A_161 = arith.addi %add3A_92, %add3A_160 : i32
        %dma_start3A_162 = arith.constant 0 : i32
        %dma_start3A_163 = tpu.memref_slice %arg8[%add3A_161, %dma_start3A_162] : memref<125x80xi32, #tpu.memory_space<vmem>> -> memref<1x80xi32, #tpu.memory_space<vmem>>
        %dma_start3A_164 = tpu.memref_squeeze %dma_start3A_163 : memref<1x80xi32, #tpu.memory_space<vmem>> -> memref<80xi32, #tpu.memory_space<vmem>>
        %dma_start3A_165 = arith.constant 0 : i32
        %dma_start3A_166 = arith.constant 0 : i32
        %dma_start3A_167 = tpu.memref_slice %arg2[%dma_start3A_165, %dma_start3A_166] : memref<10000x128xbf16, #tpu.memory_space<hbm>> -> memref<10000x128xbf16, #tpu.memory_space<hbm>>
        tpu.enqueue_indirect_dma source(%dma_start3A_167 : memref<10000x128xbf16, #tpu.memory_space<hbm>>) target(%arg11 : memref<80x128xbf16, #tpu.memory_space<vmem>>) offsets(%dma_start3A_164 : memref<80xi32, #tpu.memory_space<vmem>>) semaphore(%arg16 : memref<!tpu.dma_semaphore, #tpu.memory_space<semaphore_mem>>)
      } else {
      }
      %add3A_104 = arith.constant 1 : i32
      %add3A_105 = arith.addi %mul3A_90, %add3A_104 : i32
      %dma_wait3A_106 = arith.constant 0 : i32
      %dma_wait3A_107 = arith.constant 0 : i32
      %dma_wait3A_108 = tpu.memref_slice %arg8[%dma_wait3A_106, %dma_wait3A_107] : memref<125x80xi32, #tpu.memory_space<vmem>> -> memref<1x80xi32, #tpu.memory_space<vmem>>
      %dma_wait3A_109 = tpu.memref_squeeze %dma_wait3A_108 : memref<1x80xi32, #tpu.memory_space<vmem>> -> memref<80xi32, #tpu.memory_space<vmem>>
      %dma_wait3A_110 = arith.constant 0 : i32
      %dma_wait3A_111 = arith.constant 0 : i32
      %dma_wait3A_112 = tpu.memref_slice %arg2[%dma_wait3A_110, %dma_wait3A_111] : memref<10000x128xbf16, #tpu.memory_space<hbm>> -> memref<10000x128xbf16, #tpu.memory_space<hbm>>
      tpu.wait_indirect_dma semaphore(%arg17 : memref<!tpu.dma_semaphore, #tpu.memory_space<semaphore_mem>>) src(%dma_wait3A_112 : memref<10000x128xbf16, #tpu.memory_space<hbm>>) dst(%arg12 : memref<80x128xbf16, #tpu.memory_space<vmem>>)
      "tpu.region"() ({
        %run_scoped3A = tpu.sem_alloc : memref<!tpu.dma_semaphore, #tpu.memory_space<semaphore_mem>>
        %dma_start3A_160 = arith.constant 0 : i32
        %dma_start3A_161 = tpu.memref_slice %arg9[%add3A_105, %dma_start3A_160] : memref<125x80xi32, #tpu.memory_space<vmem>> -> memref<1x80xi32, #tpu.memory_space<vmem>>
        %dma_start3A_162 = tpu.memref_squeeze %dma_start3A_161 : memref<1x80xi32, #tpu.memory_space<vmem>> -> memref<80xi32, #tpu.memory_space<vmem>>
        %dma_start3A_163 = arith.constant 0 : i32
        %dma_start3A_164 = arith.constant 0 : i32
        %dma_start3A_165 = tpu.memref_slice %arg10[%dma_start3A_163, %dma_start3A_164] : memref<10000x128xbf16, #tpu.memory_space<vmem_shared>> -> memref<10000x128xbf16, #tpu.memory_space<vmem_shared>>
        tpu.enqueue_indirect_dma source(%arg12 : memref<80x128xbf16, #tpu.memory_space<vmem>>) target(%dma_start3A_165 : memref<10000x128xbf16, #tpu.memory_space<vmem_shared>>) offsets(%dma_start3A_162 : memref<80xi32, #tpu.memory_space<vmem>>) semaphore(%run_scoped3A : memref<!tpu.dma_semaphore, #tpu.memory_space<semaphore_mem>>) {add = true}
        %dma_wait3A_166 = arith.constant 0 : i32
        %dma_wait3A_167 = tpu.memref_slice %arg9[%add3A_105, %dma_wait3A_166] : memref<125x80xi32, #tpu.memory_space<vmem>> -> memref<1x80xi32, #tpu.memory_space<vmem>>
        %dma_wait3A_168 = tpu.memref_squeeze %dma_wait3A_167 : memref<1x80xi32, #tpu.memory_space<vmem>> -> memref<80xi32, #tpu.memory_space<vmem>>
        %dma_wait3A_169 = arith.constant 0 : i32
        %dma_wait3A_170 = arith.constant 0 : i32
        %dma_wait3A_171 = tpu.memref_slice %arg10[%dma_wait3A_169, %dma_wait3A_170] : memref<10000x128xbf16, #tpu.memory_space<vmem_shared>> -> memref<10000x128xbf16, #tpu.memory_space<vmem_shared>>
        tpu.wait_indirect_dma semaphore(%run_scoped3A : memref<!tpu.dma_semaphore, #tpu.memory_space<semaphore_mem>>) src(%arg12 : memref<80x128xbf16, #tpu.memory_space<vmem>>) dst(%dma_wait3A_171 : memref<10000x128xbf16, #tpu.memory_space<vmem_shared>>)
        tpu.yield
      }) : () -> ()
      %lt3A_113 = arith.constant 120 : i32
      %lt3A_114 = arith.cmpi slt, %add3A_105, %lt3A_113 : i32
      %convert_element_type3A_115 = arith.extui %lt3A_114 : i1 to i32
      %cond3A_116 = arith.constant 0 : i32
      %cond3A_117 = arith.cmpi ne, %convert_element_type3A_115, %cond3A_116 : i32
      scf.if %cond3A_117 {
        %add3A_160 = arith.constant 5 : i32
        %add3A_161 = arith.addi %add3A_105, %add3A_160 : i32
        %dma_start3A_162 = arith.constant 0 : i32
        %dma_start3A_163 = tpu.memref_slice %arg8[%add3A_161, %dma_start3A_162] : memref<125x80xi32, #tpu.memory_space<vmem>> -> memref<1x80xi32, #tpu.memory_space<vmem>>
        %dma_start3A_164 = tpu.memref_squeeze %dma_start3A_163 : memref<1x80xi32, #tpu.memory_space<vmem>> -> memref<80xi32, #tpu.memory_space<vmem>>
        %dma_start3A_165 = arith.constant 0 : i32
        %dma_start3A_166 = arith.constant 0 : i32
        %dma_start3A_167 = tpu.memref_slice %arg2[%dma_start3A_165, %dma_start3A_166] : memref<10000x128xbf16, #tpu.memory_space<hbm>> -> memref<10000x128xbf16, #tpu.memory_space<hbm>>
        tpu.enqueue_indirect_dma source(%dma_start3A_167 : memref<10000x128xbf16, #tpu.memory_space<hbm>>) target(%arg12 : memref<80x128xbf16, #tpu.memory_space<vmem>>) offsets(%dma_start3A_164 : memref<80xi32, #tpu.memory_space<vmem>>) semaphore(%arg17 : memref<!tpu.dma_semaphore, #tpu.memory_space<semaphore_mem>>)
      } else {
      }
      %add3A_118 = arith.constant 2 : i32
      %add3A_119 = arith.addi %mul3A_90, %add3A_118 : i32
      %dma_wait3A_120 = arith.constant 0 : i32
      %dma_wait3A_121 = arith.constant 0 : i32
      %dma_wait3A_122 = tpu.memref_slice %arg8[%dma_wait3A_120, %dma_wait3A_121] : memref<125x80xi32, #tpu.memory_space<vmem>> -> memref<1x80xi32, #tpu.memory_space<vmem>>
      %dma_wait3A_123 = tpu.memref_squeeze %dma_wait3A_122 : memref<1x80xi32, #tpu.memory_space<vmem>> -> memref<80xi32, #tpu.memory_space<vmem>>
      %dma_wait3A_124 = arith.constant 0 : i32
      %dma_wait3A_125 = arith.constant 0 : i32
      %dma_wait3A_126 = tpu.memref_slice %arg2[%dma_wait3A_124, %dma_wait3A_125] : memref<10000x128xbf16, #tpu.memory_space<hbm>> -> memref<10000x128xbf16, #tpu.memory_space<hbm>>
      tpu.wait_indirect_dma semaphore(%arg18 : memref<!tpu.dma_semaphore, #tpu.memory_space<semaphore_mem>>) src(%dma_wait3A_126 : memref<10000x128xbf16, #tpu.memory_space<hbm>>) dst(%arg13 : memref<80x128xbf16, #tpu.memory_space<vmem>>)
      "tpu.region"() ({
        %run_scoped3A = tpu.sem_alloc : memref<!tpu.dma_semaphore, #tpu.memory_space<semaphore_mem>>
        %dma_start3A_160 = arith.constant 0 : i32
        %dma_start3A_161 = tpu.memref_slice %arg9[%add3A_119, %dma_start3A_160] : memref<125x80xi32, #tpu.memory_space<vmem>> -> memref<1x80xi32, #tpu.memory_space<vmem>>
        %dma_start3A_162 = tpu.memref_squeeze %dma_start3A_161 : memref<1x80xi32, #tpu.memory_space<vmem>> -> memref<80xi32, #tpu.memory_space<vmem>>
        %dma_start3A_163 = arith.constant 0 : i32
        %dma_start3A_164 = arith.constant 0 : i32
        %dma_start3A_165 = tpu.memref_slice %arg10[%dma_start3A_163, %dma_start3A_164] : memref<10000x128xbf16, #tpu.memory_space<vmem_shared>> -> memref<10000x128xbf16, #tpu.memory_space<vmem_shared>>
        tpu.enqueue_indirect_dma source(%arg13 : memref<80x128xbf16, #tpu.memory_space<vmem>>) target(%dma_start3A_165 : memref<10000x128xbf16, #tpu.memory_space<vmem_shared>>) offsets(%dma_start3A_162 : memref<80xi32, #tpu.memory_space<vmem>>) semaphore(%run_scoped3A : memref<!tpu.dma_semaphore, #tpu.memory_space<semaphore_mem>>) {add = true}
        %dma_wait3A_166 = arith.constant 0 : i32
        %dma_wait3A_167 = tpu.memref_slice %arg9[%add3A_119, %dma_wait3A_166] : memref<125x80xi32, #tpu.memory_space<vmem>> -> memref<1x80xi32, #tpu.memory_space<vmem>>
        %dma_wait3A_168 = tpu.memref_squeeze %dma_wait3A_167 : memref<1x80xi32, #tpu.memory_space<vmem>> -> memref<80xi32, #tpu.memory_space<vmem>>
        %dma_wait3A_169 = arith.constant 0 : i32
        %dma_wait3A_170 = arith.constant 0 : i32
        %dma_wait3A_171 = tpu.memref_slice %arg10[%dma_wait3A_169, %dma_wait3A_170] : memref<10000x128xbf16, #tpu.memory_space<vmem_shared>> -> memref<10000x128xbf16, #tpu.memory_space<vmem_shared>>
        tpu.wait_indirect_dma semaphore(%run_scoped3A : memref<!tpu.dma_semaphore, #tpu.memory_space<semaphore_mem>>) src(%arg13 : memref<80x128xbf16, #tpu.memory_space<vmem>>) dst(%dma_wait3A_171 : memref<10000x128xbf16, #tpu.memory_space<vmem_shared>>)
        tpu.yield
      }) : () -> ()
      %lt3A_127 = arith.constant 120 : i32
      %lt3A_128 = arith.cmpi slt, %add3A_119, %lt3A_127 : i32
      %convert_element_type3A_129 = arith.extui %lt3A_128 : i1 to i32
      %cond3A_130 = arith.constant 0 : i32
      %cond3A_131 = arith.cmpi ne, %convert_element_type3A_129, %cond3A_130 : i32
      scf.if %cond3A_131 {
        %add3A_160 = arith.constant 5 : i32
        %add3A_161 = arith.addi %add3A_119, %add3A_160 : i32
        %dma_start3A_162 = arith.constant 0 : i32
        %dma_start3A_163 = tpu.memref_slice %arg8[%add3A_161, %dma_start3A_162] : memref<125x80xi32, #tpu.memory_space<vmem>> -> memref<1x80xi32, #tpu.memory_space<vmem>>
        %dma_start3A_164 = tpu.memref_squeeze %dma_start3A_163 : memref<1x80xi32, #tpu.memory_space<vmem>> -> memref<80xi32, #tpu.memory_space<vmem>>
        %dma_start3A_165 = arith.constant 0 : i32
        %dma_start3A_166 = arith.constant 0 : i32
        %dma_start3A_167 = tpu.memref_slice %arg2[%dma_start3A_165, %dma_start3A_166] : memref<10000x128xbf16, #tpu.memory_space<hbm>> -> memref<10000x128xbf16, #tpu.memory_space<hbm>>
        tpu.enqueue_indirect_dma source(%dma_start3A_167 : memref<10000x128xbf16, #tpu.memory_space<hbm>>) target(%arg13 : memref<80x128xbf16, #tpu.memory_space<vmem>>) offsets(%dma_start3A_164 : memref<80xi32, #tpu.memory_space<vmem>>) semaphore(%arg18 : memref<!tpu.dma_semaphore, #tpu.memory_space<semaphore_mem>>)
      } else {
      }
      %add3A_132 = arith.constant 3 : i32
      %add3A_133 = arith.addi %mul3A_90, %add3A_132 : i32
      %dma_wait3A_134 = arith.constant 0 : i32
      %dma_wait3A_135 = arith.constant 0 : i32
      %dma_wait3A_136 = tpu.memref_slice %arg8[%dma_wait3A_134, %dma_wait3A_135] : memref<125x80xi32, #tpu.memory_space<vmem>> -> memref<1x80xi32, #tpu.memory_space<vmem>>
      %dma_wait3A_137 = tpu.memref_squeeze %dma_wait3A_136 : memref<1x80xi32, #tpu.memory_space<vmem>> -> memref<80xi32, #tpu.memory_space<vmem>>
      %dma_wait3A_138 = arith.constant 0 : i32
      %dma_wait3A_139 = arith.constant 0 : i32
      %dma_wait3A_140 = tpu.memref_slice %arg2[%dma_wait3A_138, %dma_wait3A_139] : memref<10000x128xbf16, #tpu.memory_space<hbm>> -> memref<10000x128xbf16, #tpu.memory_space<hbm>>
      tpu.wait_indirect_dma semaphore(%arg19 : memref<!tpu.dma_semaphore, #tpu.memory_space<semaphore_mem>>) src(%dma_wait3A_140 : memref<10000x128xbf16, #tpu.memory_space<hbm>>) dst(%arg14 : memref<80x128xbf16, #tpu.memory_space<vmem>>)
      "tpu.region"() ({
        %run_scoped3A = tpu.sem_alloc : memref<!tpu.dma_semaphore, #tpu.memory_space<semaphore_mem>>
        %dma_start3A_160 = arith.constant 0 : i32
        %dma_start3A_161 = tpu.memref_slice %arg9[%add3A_133, %dma_start3A_160] : memref<125x80xi32, #tpu.memory_space<vmem>> -> memref<1x80xi32, #tpu.memory_space<vmem>>
        %dma_start3A_162 = tpu.memref_squeeze %dma_start3A_161 : memref<1x80xi32, #tpu.memory_space<vmem>> -> memref<80xi32, #tpu.memory_space<vmem>>
        %dma_start3A_163 = arith.constant 0 : i32
        %dma_start3A_164 = arith.constant 0 : i32
        %dma_start3A_165 = tpu.memref_slice %arg10[%dma_start3A_163, %dma_start3A_164] : memref<10000x128xbf16, #tpu.memory_space<vmem_shared>> -> memref<10000x128xbf16, #tpu.memory_space<vmem_shared>>
        tpu.enqueue_indirect_dma source(%arg14 : memref<80x128xbf16, #tpu.memory_space<vmem>>) target(%dma_start3A_165 : memref<10000x128xbf16, #tpu.memory_space<vmem_shared>>) offsets(%dma_start3A_162 : memref<80xi32, #tpu.memory_space<vmem>>) semaphore(%run_scoped3A : memref<!tpu.dma_semaphore, #tpu.memory_space<semaphore_mem>>) {add = true}
        %dma_wait3A_166 = arith.constant 0 : i32
        %dma_wait3A_167 = tpu.memref_slice %arg9[%add3A_133, %dma_wait3A_166] : memref<125x80xi32, #tpu.memory_space<vmem>> -> memref<1x80xi32, #tpu.memory_space<vmem>>
        %dma_wait3A_168 = tpu.memref_squeeze %dma_wait3A_167 : memref<1x80xi32, #tpu.memory_space<vmem>> -> memref<80xi32, #tpu.memory_space<vmem>>
        %dma_wait3A_169 = arith.constant 0 : i32
        %dma_wait3A_170 = arith.constant 0 : i32
        %dma_wait3A_171 = tpu.memref_slice %arg10[%dma_wait3A_169, %dma_wait3A_170] : memref<10000x128xbf16, #tpu.memory_space<vmem_shared>> -> memref<10000x128xbf16, #tpu.memory_space<vmem_shared>>
        tpu.wait_indirect_dma semaphore(%run_scoped3A : memref<!tpu.dma_semaphore, #tpu.memory_space<semaphore_mem>>) src(%arg14 : memref<80x128xbf16, #tpu.memory_space<vmem>>) dst(%dma_wait3A_171 : memref<10000x128xbf16, #tpu.memory_space<vmem_shared>>)
        tpu.yield
      }) : () -> ()
      %lt3A_141 = arith.constant 120 : i32
      %lt3A_142 = arith.cmpi slt, %add3A_133, %lt3A_141 : i32
      %convert_element_type3A_143 = arith.extui %lt3A_142 : i1 to i32
      %cond3A_144 = arith.constant 0 : i32
      %cond3A_145 = arith.cmpi ne, %convert_element_type3A_143, %cond3A_144 : i32
      scf.if %cond3A_145 {
        %add3A_160 = arith.constant 5 : i32
        %add3A_161 = arith.addi %add3A_133, %add3A_160 : i32
        %dma_start3A_162 = arith.constant 0 : i32
        %dma_start3A_163 = tpu.memref_slice %arg8[%add3A_161, %dma_start3A_162] : memref<125x80xi32, #tpu.memory_space<vmem>> -> memref<1x80xi32, #tpu.memory_space<vmem>>
        %dma_start3A_164 = tpu.memref_squeeze %dma_start3A_163 : memref<1x80xi32, #tpu.memory_space<vmem>> -> memref<80xi32, #tpu.memory_space<vmem>>
        %dma_start3A_165 = arith.constant 0 : i32
        %dma_start3A_166 = arith.constant 0 : i32
        %dma_start3A_167 = tpu.memref_slice %arg2[%dma_start3A_165, %dma_start3A_166] : memref<10000x128xbf16, #tpu.memory_space<hbm>> -> memref<10000x128xbf16, #tpu.memory_space<hbm>>
        tpu.enqueue_indirect_dma source(%dma_start3A_167 : memref<10000x128xbf16, #tpu.memory_space<hbm>>) target(%arg14 : memref<80x128xbf16, #tpu.memory_space<vmem>>) offsets(%dma_start3A_164 : memref<80xi32, #tpu.memory_space<vmem>>) semaphore(%arg19 : memref<!tpu.dma_semaphore, #tpu.memory_space<semaphore_mem>>)
      } else {
      }
      %add3A_146 = arith.constant 4 : i32
      %add3A_147 = arith.addi %mul3A_90, %add3A_146 : i32
      %dma_wait3A_148 = arith.constant 0 : i32
      %dma_wait3A_149 = arith.constant 0 : i32
      %dma_wait3A_150 = tpu.memref_slice %arg8[%dma_wait3A_148, %dma_wait3A_149] : memref<125x80xi32, #tpu.memory_space<vmem>> -> memref<1x80xi32, #tpu.memory_space<vmem>>
      %dma_wait3A_151 = tpu.memref_squeeze %dma_wait3A_150 : memref<1x80xi32, #tpu.memory_space<vmem>> -> memref<80xi32, #tpu.memory_space<vmem>>
      %dma_wait3A_152 = arith.constant 0 : i32
      %dma_wait3A_153 = arith.constant 0 : i32
      %dma_wait3A_154 = tpu.memref_slice %arg2[%dma_wait3A_152, %dma_wait3A_153] : memref<10000x128xbf16, #tpu.memory_space<hbm>> -> memref<10000x128xbf16, #tpu.memory_space<hbm>>
      tpu.wait_indirect_dma semaphore(%arg20 : memref<!tpu.dma_semaphore, #tpu.memory_space<semaphore_mem>>) src(%dma_wait3A_154 : memref<10000x128xbf16, #tpu.memory_space<hbm>>) dst(%arg15 : memref<80x128xbf16, #tpu.memory_space<vmem>>)
      "tpu.region"() ({
        %run_scoped3A = tpu.sem_alloc : memref<!tpu.dma_semaphore, #tpu.memory_space<semaphore_mem>>
        %dma_start3A_160 = arith.constant 0 : i32
        %dma_start3A_161 = tpu.memref_slice %arg9[%add3A_147, %dma_start3A_160] : memref<125x80xi32, #tpu.memory_space<vmem>> -> memref<1x80xi32, #tpu.memory_space<vmem>>
        %dma_start3A_162 = tpu.memref_squeeze %dma_start3A_161 : memref<1x80xi32, #tpu.memory_space<vmem>> -> memref<80xi32, #tpu.memory_space<vmem>>
        %dma_start3A_163 = arith.constant 0 : i32
        %dma_start3A_164 = arith.constant 0 : i32
        %dma_start3A_165 = tpu.memref_slice %arg10[%dma_start3A_163, %dma_start3A_164] : memref<10000x128xbf16, #tpu.memory_space<vmem_shared>> -> memref<10000x128xbf16, #tpu.memory_space<vmem_shared>>
        tpu.enqueue_indirect_dma source(%arg15 : memref<80x128xbf16, #tpu.memory_space<vmem>>) target(%dma_start3A_165 : memref<10000x128xbf16, #tpu.memory_space<vmem_shared>>) offsets(%dma_start3A_162 : memref<80xi32, #tpu.memory_space<vmem>>) semaphore(%run_scoped3A : memref<!tpu.dma_semaphore, #tpu.memory_space<semaphore_mem>>) {add = true}
        %dma_wait3A_166 = arith.constant 0 : i32
        %dma_wait3A_167 = tpu.memref_slice %arg9[%add3A_147, %dma_wait3A_166] : memref<125x80xi32, #tpu.memory_space<vmem>> -> memref<1x80xi32, #tpu.memory_space<vmem>>
        %dma_wait3A_168 = tpu.memref_squeeze %dma_wait3A_167 : memref<1x80xi32, #tpu.memory_space<vmem>> -> memref<80xi32, #tpu.memory_space<vmem>>
        %dma_wait3A_169 = arith.constant 0 : i32
        %dma_wait3A_170 = arith.constant 0 : i32
        %dma_wait3A_171 = tpu.memref_slice %arg10[%dma_wait3A_169, %dma_wait3A_170] : memref<10000x128xbf16, #tpu.memory_space<vmem_shared>> -> memref<10000x128xbf16, #tpu.memory_space<vmem_shared>>
        tpu.wait_indirect_dma semaphore(%run_scoped3A : memref<!tpu.dma_semaphore, #tpu.memory_space<semaphore_mem>>) src(%arg15 : memref<80x128xbf16, #tpu.memory_space<vmem>>) dst(%dma_wait3A_171 : memref<10000x128xbf16, #tpu.memory_space<vmem_shared>>)
        tpu.yield
      }) : () -> ()
      %lt3A_155 = arith.constant 120 : i32
      %lt3A_156 = arith.cmpi slt, %add3A_147, %lt3A_155 : i32
      %convert_element_type3A_157 = arith.extui %lt3A_156 : i1 to i32
      %cond3A_158 = arith.constant 0 : i32
      %cond3A_159 = arith.cmpi ne, %convert_element_type3A_157, %cond3A_158 : i32
      scf.if %cond3A_159 {
        %add3A_160 = arith.constant 5 : i32
        %add3A_161 = arith.addi %add3A_147, %add3A_160 : i32
        %dma_start3A_162 = arith.constant 0 : i32
        %dma_start3A_163 = tpu.memref_slice %arg8[%add3A_161, %dma_start3A_162] : memref<125x80xi32, #tpu.memory_space<vmem>> -> memref<1x80xi32, #tpu.memory_space<vmem>>
        %dma_start3A_164 = tpu.memref_squeeze %dma_start3A_163 : memref<1x80xi32, #tpu.memory_space<vmem>> -> memref<80xi32, #tpu.memory_space<vmem>>
        %dma_start3A_165 = arith.constant 0 : i32
        %dma_start3A_166 = arith.constant 0 : i32
        %dma_start3A_167 = tpu.memref_slice %arg2[%dma_start3A_165, %dma_start3A_166] : memref<10000x128xbf16, #tpu.memory_space<hbm>> -> memref<10000x128xbf16, #tpu.memory_space<hbm>>
        tpu.enqueue_indirect_dma source(%dma_start3A_167 : memref<10000x128xbf16, #tpu.memory_space<hbm>>) target(%arg15 : memref<80x128xbf16, #tpu.memory_space<vmem>>) offsets(%dma_start3A_164 : memref<80xi32, #tpu.memory_space<vmem>>) semaphore(%arg20 : memref<!tpu.dma_semaphore, #tpu.memory_space<semaphore_mem>>)
      } else {
      }
    }
    %scan3A_76 = arith.constant 25 : i32
    %barrier3A_77 = arith.constant 0 : index
    tpu.barrier barrier_id(%barrier3A_77)
    %ne3A_78 = arith.constant 15 : i32
    %ne3A_79 = arith.cmpi ne, %arg1, %ne3A_78 : i32
    %convert_element_type3A_80 = arith.extui %ne3A_79 : i1 to i32
    %cond3A_81 = arith.constant 0 : i32
    %cond3A_82 = arith.cmpi ne, %convert_element_type3A_80, %cond3A_81 : i32
    scf.if %cond3A_82 {
      %mul3A_88 = arith.constant 10000 : i32
      %mul3A_89 = arith.muli %arg0, %mul3A_88 : i32
      %mul3A_90 = arith.constant 640 : i32
      %mul3A_91 = arith.muli %arg1, %mul3A_90 : i32
      %add3A_92 = arith.addi %mul3A_89, %mul3A_91 : i32
      %mul3A_93 = arith.constant 640 : i32
      %mul3A_94 = arith.muli %arg1, %mul3A_93 : i32
      %add3A_95 = arith.constant 0 : i32
      %add3A_96 = arith.addi %mul3A_94, %add3A_95 : i32
      "tpu.region"() ({
        %run_scoped3A = tpu.sem_alloc : memref<!tpu.dma_semaphore, #tpu.memory_space<semaphore_mem>>
        %dma_start3A_205 = arith.constant 0 : i32
        %dma_start3A_206 = tpu.memref_slice %arg10[%add3A_96, %dma_start3A_205] : memref<10000x128xbf16, #tpu.memory_space<vmem_shared>> -> memref<80x128xbf16, #tpu.memory_space<vmem_shared>>
        %dma_start3A_207 = arith.constant 0 : i32
        %dma_start3A_208 = tpu.memref_slice %arg10[%add3A_96, %dma_start3A_207] : memref<10000x128xbf16, #tpu.memory_space<vmem_shared>> -> memref<80x128xbf16, #tpu.memory_space<vmem_shared>>
        tpu.enqueue_dma source(%dma_start3A_208 : memref<80x128xbf16, #tpu.memory_space<vmem_shared>>) target(%arg7 : memref<80x128xbf16, #tpu.memory_space<vmem>>) target_semaphore(%run_scoped3A : memref<!tpu.dma_semaphore, #tpu.memory_space<semaphore_mem>>)
        %dma_wait3A_209 = arith.constant 0 : i32
        %dma_wait3A_210 = tpu.memref_slice %arg10[%add3A_96, %dma_wait3A_209] : memref<10000x128xbf16, #tpu.memory_space<vmem_shared>> -> memref<80x128xbf16, #tpu.memory_space<vmem_shared>>
        %dma_wait3A_211 = arith.constant 0 : i32
        %dma_wait3A_212 = tpu.memref_slice %arg10[%add3A_96, %dma_wait3A_211] : memref<10000x128xbf16, #tpu.memory_space<vmem_shared>> -> memref<80x128xbf16, #tpu.memory_space<vmem_shared>>
        tpu.wait_dma2 semaphore(%run_scoped3A : memref<!tpu.dma_semaphore, #tpu.memory_space<semaphore_mem>>) src(%dma_wait3A_212 : memref<80x128xbf16, #tpu.memory_space<vmem_shared>>) dst(%arg7 : memref<80x128xbf16, #tpu.memory_space<vmem>>)
        tpu.yield
      }) : () -> ()
      %add3A_97 = arith.constant 0 : i32
      %add3A_98 = arith.addi %add3A_92, %add3A_97 : i32
      %dma_start3A_99 = arith.constant 0 : i32
      %dma_start3A_100 = tpu.memref_slice %arg6[%add3A_98, %dma_start3A_99] : memref<20000x128xbf16, #tpu.memory_space<hbm>> -> memref<80x128xbf16, #tpu.memory_space<hbm>>
      %dma_start3A_101 = arith.constant 0 : i32
      %dma_start3A_102 = tpu.memref_slice %arg6[%add3A_98, %dma_start3A_101] : memref<20000x128xbf16, #tpu.memory_space<hbm>> -> memref<80x128xbf16, #tpu.memory_space<hbm>>
      tpu.enqueue_dma source(%arg7 : memref<80x128xbf16, #tpu.memory_space<vmem>>) target(%dma_start3A_102 : memref<80x128xbf16, #tpu.memory_space<hbm>>) target_semaphore(%arg16 : memref<!tpu.dma_semaphore, #tpu.memory_space<semaphore_mem>>)
      %mul3A_103 = arith.constant 640 : i32
      %mul3A_104 = arith.muli %arg1, %mul3A_103 : i32
      %add3A_105 = arith.constant 80 : i32
      %add3A_106 = arith.addi %mul3A_104, %add3A_105 : i32
      "tpu.region"() ({
        %run_scoped3A = tpu.sem_alloc : memref<!tpu.dma_semaphore, #tpu.memory_space<semaphore_mem>>
        %dma_start3A_205 = arith.constant 0 : i32
        %dma_start3A_206 = tpu.memref_slice %arg10[%add3A_106, %dma_start3A_205] : memref<10000x128xbf16, #tpu.memory_space<vmem_shared>> -> memref<80x128xbf16, #tpu.memory_space<vmem_shared>>
        %dma_start3A_207 = arith.constant 0 : i32
        %dma_start3A_208 = tpu.memref_slice %arg10[%add3A_106, %dma_start3A_207] : memref<10000x128xbf16, #tpu.memory_space<vmem_shared>> -> memref<80x128xbf16, #tpu.memory_space<vmem_shared>>
        tpu.enqueue_dma source(%dma_start3A_208 : memref<80x128xbf16, #tpu.memory_space<vmem_shared>>) target(%arg11 : memref<80x128xbf16, #tpu.memory_space<vmem>>) target_semaphore(%run_scoped3A : memref<!tpu.dma_semaphore, #tpu.memory_space<semaphore_mem>>)
        %dma_wait3A_209 = arith.constant 0 : i32
        %dma_wait3A_210 = tpu.memref_slice %arg10[%add3A_106, %dma_wait3A_209] : memref<10000x128xbf16, #tpu.memory_space<vmem_shared>> -> memref<80x128xbf16, #tpu.memory_space<vmem_shared>>
        %dma_wait3A_211 = arith.constant 0 : i32
        %dma_wait3A_212 = tpu.memref_slice %arg10[%add3A_106, %dma_wait3A_211] : memref<10000x128xbf16, #tpu.memory_space<vmem_shared>> -> memref<80x128xbf16, #tpu.memory_space<vmem_shared>>
        tpu.wait_dma2 semaphore(%run_scoped3A : memref<!tpu.dma_semaphore, #tpu.memory_space<semaphore_mem>>) src(%dma_wait3A_212 : memref<80x128xbf16, #tpu.memory_space<vmem_shared>>) dst(%arg11 : memref<80x128xbf16, #tpu.memory_space<vmem>>)
        tpu.yield
      }) : () -> ()
      %add3A_107 = arith.constant 80 : i32
      %add3A_108 = arith.addi %add3A_92, %add3A_107 : i32
      %dma_start3A_109 = arith.constant 0 : i32
      %dma_start3A_110 = tpu.memref_slice %arg6[%add3A_108, %dma_start3A_109] : memref<20000x128xbf16, #tpu.memory_space<hbm>> -> memref<80x128xbf16, #tpu.memory_space<hbm>>
      %dma_start3A_111 = arith.constant 0 : i32
      %dma_start3A_112 = tpu.memref_slice %arg6[%add3A_108, %dma_start3A_111] : memref<20000x128xbf16, #tpu.memory_space<hbm>> -> memref<80x128xbf16, #tpu.memory_space<hbm>>
      tpu.enqueue_dma source(%arg11 : memref<80x128xbf16, #tpu.memory_space<vmem>>) target(%dma_start3A_112 : memref<80x128xbf16, #tpu.memory_space<hbm>>) target_semaphore(%arg17 : memref<!tpu.dma_semaphore, #tpu.memory_space<semaphore_mem>>)
      %dma_wait3A_113 = arith.constant 0 : i32
      %dma_wait3A_114 = tpu.memref_slice %arg6[%add3A_92, %dma_wait3A_113] : memref<20000x128xbf16, #tpu.memory_space<hbm>> -> memref<80x128xbf16, #tpu.memory_space<hbm>>
      %dma_wait3A_115 = arith.constant 0 : i32
      %dma_wait3A_116 = tpu.memref_slice %arg6[%add3A_92, %dma_wait3A_115] : memref<20000x128xbf16, #tpu.memory_space<hbm>> -> memref<80x128xbf16, #tpu.memory_space<hbm>>
      tpu.wait_dma2 semaphore(%arg16 : memref<!tpu.dma_semaphore, #tpu.memory_space<semaphore_mem>>) src(%arg7 : memref<80x128xbf16, #tpu.memory_space<vmem>>) dst(%dma_wait3A_116 : memref<80x128xbf16, #tpu.memory_space<hbm>>)
      %mul3A_117 = arith.constant 640 : i32
      %mul3A_118 = arith.muli %arg1, %mul3A_117 : i32
      %add3A_119 = arith.constant 160 : i32
      %add3A_120 = arith.addi %mul3A_118, %add3A_119 : i32
      "tpu.region"() ({
        %run_scoped3A = tpu.sem_alloc : memref<!tpu.dma_semaphore, #tpu.memory_space<semaphore_mem>>
        %dma_start3A_205 = arith.constant 0 : i32
        %dma_start3A_206 = tpu.memref_slice %arg10[%add3A_120, %dma_start3A_205] : memref<10000x128xbf16, #tpu.memory_space<vmem_shared>> -> memref<80x128xbf16, #tpu.memory_space<vmem_shared>>
        %dma_start3A_207 = arith.constant 0 : i32
        %dma_start3A_208 = tpu.memref_slice %arg10[%add3A_120, %dma_start3A_207] : memref<10000x128xbf16, #tpu.memory_space<vmem_shared>> -> memref<80x128xbf16, #tpu.memory_space<vmem_shared>>
        tpu.enqueue_dma source(%dma_start3A_208 : memref<80x128xbf16, #tpu.memory_space<vmem_shared>>) target(%arg7 : memref<80x128xbf16, #tpu.memory_space<vmem>>) target_semaphore(%run_scoped3A : memref<!tpu.dma_semaphore, #tpu.memory_space<semaphore_mem>>)
        %dma_wait3A_209 = arith.constant 0 : i32
        %dma_wait3A_210 = tpu.memref_slice %arg10[%add3A_120, %dma_wait3A_209] : memref<10000x128xbf16, #tpu.memory_space<vmem_shared>> -> memref<80x128xbf16, #tpu.memory_space<vmem_shared>>
        %dma_wait3A_211 = arith.constant 0 : i32
        %dma_wait3A_212 = tpu.memref_slice %arg10[%add3A_120, %dma_wait3A_211] : memref<10000x128xbf16, #tpu.memory_space<vmem_shared>> -> memref<80x128xbf16, #tpu.memory_space<vmem_shared>>
        tpu.wait_dma2 semaphore(%run_scoped3A : memref<!tpu.dma_semaphore, #tpu.memory_space<semaphore_mem>>) src(%dma_wait3A_212 : memref<80x128xbf16, #tpu.memory_space<vmem_shared>>) dst(%arg7 : memref<80x128xbf16, #tpu.memory_space<vmem>>)
        tpu.yield
      }) : () -> ()
      %add3A_121 = arith.constant 160 : i32
      %add3A_122 = arith.addi %add3A_92, %add3A_121 : i32
      %dma_start3A_123 = arith.constant 0 : i32
      %dma_start3A_124 = tpu.memref_slice %arg6[%add3A_122, %dma_start3A_123] : memref<20000x128xbf16, #tpu.memory_space<hbm>> -> memref<80x128xbf16, #tpu.memory_space<hbm>>
      %dma_start3A_125 = arith.constant 0 : i32
      %dma_start3A_126 = tpu.memref_slice %arg6[%add3A_122, %dma_start3A_125] : memref<20000x128xbf16, #tpu.memory_space<hbm>> -> memref<80x128xbf16, #tpu.memory_space<hbm>>
      tpu.enqueue_dma source(%arg7 : memref<80x128xbf16, #tpu.memory_space<vmem>>) target(%dma_start3A_126 : memref<80x128xbf16, #tpu.memory_space<hbm>>) target_semaphore(%arg16 : memref<!tpu.dma_semaphore, #tpu.memory_space<semaphore_mem>>)
      %dma_wait3A_127 = arith.constant 0 : i32
      %dma_wait3A_128 = tpu.memref_slice %arg6[%add3A_92, %dma_wait3A_127] : memref<20000x128xbf16, #tpu.memory_space<hbm>> -> memref<80x128xbf16, #tpu.memory_space<hbm>>
      %dma_wait3A_129 = arith.constant 0 : i32
      %dma_wait3A_130 = tpu.memref_slice %arg6[%add3A_92, %dma_wait3A_129] : memref<20000x128xbf16, #tpu.memory_space<hbm>> -> memref<80x128xbf16, #tpu.memory_space<hbm>>
      tpu.wait_dma2 semaphore(%arg17 : memref<!tpu.dma_semaphore, #tpu.memory_space<semaphore_mem>>) src(%arg11 : memref<80x128xbf16, #tpu.memory_space<vmem>>) dst(%dma_wait3A_130 : memref<80x128xbf16, #tpu.memory_space<hbm>>)
      %mul3A_131 = arith.constant 640 : i32
      %mul3A_132 = arith.muli %arg1, %mul3A_131 : i32
      %add3A_133 = arith.constant 240 : i32
      %add3A_134 = arith.addi %mul3A_132, %add3A_133 : i32
      "tpu.region"() ({
        %run_scoped3A = tpu.sem_alloc : memref<!tpu.dma_semaphore, #tpu.memory_space<semaphore_mem>>
        %dma_start3A_205 = arith.constant 0 : i32
        %dma_start3A_206 = tpu.memref_slice %arg10[%add3A_134, %dma_start3A_205] : memref<10000x128xbf16, #tpu.memory_space<vmem_shared>> -> memref<80x128xbf16, #tpu.memory_space<vmem_shared>>
        %dma_start3A_207 = arith.constant 0 : i32
        %dma_start3A_208 = tpu.memref_slice %arg10[%add3A_134, %dma_start3A_207] : memref<10000x128xbf16, #tpu.memory_space<vmem_shared>> -> memref<80x128xbf16, #tpu.memory_space<vmem_shared>>
        tpu.enqueue_dma source(%dma_start3A_208 : memref<80x128xbf16, #tpu.memory_space<vmem_shared>>) target(%arg11 : memref<80x128xbf16, #tpu.memory_space<vmem>>) target_semaphore(%run_scoped3A : memref<!tpu.dma_semaphore, #tpu.memory_space<semaphore_mem>>)
        %dma_wait3A_209 = arith.constant 0 : i32
        %dma_wait3A_210 = tpu.memref_slice %arg10[%add3A_134, %dma_wait3A_209] : memref<10000x128xbf16, #tpu.memory_space<vmem_shared>> -> memref<80x128xbf16, #tpu.memory_space<vmem_shared>>
        %dma_wait3A_211 = arith.constant 0 : i32
        %dma_wait3A_212 = tpu.memref_slice %arg10[%add3A_134, %dma_wait3A_211] : memref<10000x128xbf16, #tpu.memory_space<vmem_shared>> -> memref<80x128xbf16, #tpu.memory_space<vmem_shared>>
        tpu.wait_dma2 semaphore(%run_scoped3A : memref<!tpu.dma_semaphore, #tpu.memory_space<semaphore_mem>>) src(%dma_wait3A_212 : memref<80x128xbf16, #tpu.memory_space<vmem_shared>>) dst(%arg11 : memref<80x128xbf16, #tpu.memory_space<vmem>>)
        tpu.yield
      }) : () -> ()
      %add3A_135 = arith.constant 240 : i32
      %add3A_136 = arith.addi %add3A_92, %add3A_135 : i32
      %dma_start3A_137 = arith.constant 0 : i32
      %dma_start3A_138 = tpu.memref_slice %arg6[%add3A_136, %dma_start3A_137] : memref<20000x128xbf16, #tpu.memory_space<hbm>> -> memref<80x128xbf16, #tpu.memory_space<hbm>>
      %dma_start3A_139 = arith.constant 0 : i32
      %dma_start3A_140 = tpu.memref_slice %arg6[%add3A_136, %dma_start3A_139] : memref<20000x128xbf16, #tpu.memory_space<hbm>> -> memref<80x128xbf16, #tpu.memory_space<hbm>>
      tpu.enqueue_dma source(%arg11 : memref<80x128xbf16, #tpu.memory_space<vmem>>) target(%dma_start3A_140 : memref<80x128xbf16, #tpu.memory_space<hbm>>) target_semaphore(%arg17 : memref<!tpu.dma_semaphore, #tpu.memory_space<semaphore_mem>>)
      %dma_wait3A_141 = arith.constant 0 : i32
      %dma_wait3A_142 = tpu.memref_slice %arg6[%add3A_92, %dma_wait3A_141] : memref<20000x128xbf16, #tpu.memory_space<hbm>> -> memref<80x128xbf16, #tpu.memory_space<hbm>>
      %dma_wait3A_143 = arith.constant 0 : i32
      %dma_wait3A_144 = tpu.memref_slice %arg6[%add3A_92, %dma_wait3A_143] : memref<20000x128xbf16, #tpu.memory_space<hbm>> -> memref<80x128xbf16, #tpu.memory_space<hbm>>
      tpu.wait_dma2 semaphore(%arg16 : memref<!tpu.dma_semaphore, #tpu.memory_space<semaphore_mem>>) src(%arg7 : memref<80x128xbf16, #tpu.memory_space<vmem>>) dst(%dma_wait3A_144 : memref<80x128xbf16, #tpu.memory_space<hbm>>)
      %mul3A_145 = arith.constant 640 : i32
      %mul3A_146 = arith.muli %arg1, %mul3A_145 : i32
      %add3A_147 = arith.constant 320 : i32
      %add3A_148 = arith.addi %mul3A_146, %add3A_147 : i32
      "tpu.region"() ({
        %run_scoped3A = tpu.sem_alloc : memref<!tpu.dma_semaphore, #tpu.memory_space<semaphore_mem>>
        %dma_start3A_205 = arith.constant 0 : i32
        %dma_start3A_206 = tpu.memref_slice %arg10[%add3A_148, %dma_start3A_205] : memref<10000x128xbf16, #tpu.memory_space<vmem_shared>> -> memref<80x128xbf16, #tpu.memory_space<vmem_shared>>
        %dma_start3A_207 = arith.constant 0 : i32
        %dma_start3A_208 = tpu.memref_slice %arg10[%add3A_148, %dma_start3A_207] : memref<10000x128xbf16, #tpu.memory_space<vmem_shared>> -> memref<80x128xbf16, #tpu.memory_space<vmem_shared>>
        tpu.enqueue_dma source(%dma_start3A_208 : memref<80x128xbf16, #tpu.memory_space<vmem_shared>>) target(%arg7 : memref<80x128xbf16, #tpu.memory_space<vmem>>) target_semaphore(%run_scoped3A : memref<!tpu.dma_semaphore, #tpu.memory_space<semaphore_mem>>)
        %dma_wait3A_209 = arith.constant 0 : i32
        %dma_wait3A_210 = tpu.memref_slice %arg10[%add3A_148, %dma_wait3A_209] : memref<10000x128xbf16, #tpu.memory_space<vmem_shared>> -> memref<80x128xbf16, #tpu.memory_space<vmem_shared>>
        %dma_wait3A_211 = arith.constant 0 : i32
        %dma_wait3A_212 = tpu.memref_slice %arg10[%add3A_148, %dma_wait3A_211] : memref<10000x128xbf16, #tpu.memory_space<vmem_shared>> -> memref<80x128xbf16, #tpu.memory_space<vmem_shared>>
        tpu.wait_dma2 semaphore(%run_scoped3A : memref<!tpu.dma_semaphore, #tpu.memory_space<semaphore_mem>>) src(%dma_wait3A_212 : memref<80x128xbf16, #tpu.memory_space<vmem_shared>>) dst(%arg7 : memref<80x128xbf16, #tpu.memory_space<vmem>>)
        tpu.yield
      }) : () -> ()
      %add3A_149 = arith.constant 320 : i32
      %add3A_150 = arith.addi %add3A_92, %add3A_149 : i32
      %dma_start3A_151 = arith.constant 0 : i32
      %dma_start3A_152 = tpu.memref_slice %arg6[%add3A_150, %dma_start3A_151] : memref<20000x128xbf16, #tpu.memory_space<hbm>> -> memref<80x128xbf16, #tpu.memory_space<hbm>>
      %dma_start3A_153 = arith.constant 0 : i32
      %dma_start3A_154 = tpu.memref_slice %arg6[%add3A_150, %dma_start3A_153] : memref<20000x128xbf16, #tpu.memory_space<hbm>> -> memref<80x128xbf16, #tpu.memory_space<hbm>>
      tpu.enqueue_dma source(%arg7 : memref<80x128xbf16, #tpu.memory_space<vmem>>) target(%dma_start3A_154 : memref<80x128xbf16, #tpu.memory_space<hbm>>) target_semaphore(%arg16 : memref<!tpu.dma_semaphore, #tpu.memory_space<semaphore_mem>>)
      %dma_wait3A_155 = arith.constant 0 : i32
      %dma_wait3A_156 = tpu.memref_slice %arg6[%add3A_92, %dma_wait3A_155] : memref<20000x128xbf16, #tpu.memory_space<hbm>> -> memref<80x128xbf16, #tpu.memory_space<hbm>>
      %dma_wait3A_157 = arith.constant 0 : i32
      %dma_wait3A_158 = tpu.memref_slice %arg6[%add3A_92, %dma_wait3A_157] : memref<20000x128xbf16, #tpu.memory_space<hbm>> -> memref<80x128xbf16, #tpu.memory_space<hbm>>
      tpu.wait_dma2 semaphore(%arg17 : memref<!tpu.dma_semaphore, #tpu.memory_space<semaphore_mem>>) src(%arg11 : memref<80x128xbf16, #tpu.memory_space<vmem>>) dst(%dma_wait3A_158 : memref<80x128xbf16, #tpu.memory_space<hbm>>)
      %mul3A_159 = arith.constant 640 : i32
      %mul3A_160 = arith.muli %arg1, %mul3A_159 : i32
      %add3A_161 = arith.constant 400 : i32
      %add3A_162 = arith.addi %mul3A_160, %add3A_161 : i32
      "tpu.region"() ({
        %run_scoped3A = tpu.sem_alloc : memref<!tpu.dma_semaphore, #tpu.memory_space<semaphore_mem>>
        %dma_start3A_205 = arith.constant 0 : i32
        %dma_start3A_206 = tpu.memref_slice %arg10[%add3A_162, %dma_start3A_205] : memref<10000x128xbf16, #tpu.memory_space<vmem_shared>> -> memref<80x128xbf16, #tpu.memory_space<vmem_shared>>
        %dma_start3A_207 = arith.constant 0 : i32
        %dma_start3A_208 = tpu.memref_slice %arg10[%add3A_162, %dma_start3A_207] : memref<10000x128xbf16, #tpu.memory_space<vmem_shared>> -> memref<80x128xbf16, #tpu.memory_space<vmem_shared>>
        tpu.enqueue_dma source(%dma_start3A_208 : memref<80x128xbf16, #tpu.memory_space<vmem_shared>>) target(%arg11 : memref<80x128xbf16, #tpu.memory_space<vmem>>) target_semaphore(%run_scoped3A : memref<!tpu.dma_semaphore, #tpu.memory_space<semaphore_mem>>)
        %dma_wait3A_209 = arith.constant 0 : i32
        %dma_wait3A_210 = tpu.memref_slice %arg10[%add3A_162, %dma_wait3A_209] : memref<10000x128xbf16, #tpu.memory_space<vmem_shared>> -> memref<80x128xbf16, #tpu.memory_space<vmem_shared>>
        %dma_wait3A_211 = arith.constant 0 : i32
        %dma_wait3A_212 = tpu.memref_slice %arg10[%add3A_162, %dma_wait3A_211] : memref<10000x128xbf16, #tpu.memory_space<vmem_shared>> -> memref<80x128xbf16, #tpu.memory_space<vmem_shared>>
        tpu.wait_dma2 semaphore(%run_scoped3A : memref<!tpu.dma_semaphore, #tpu.memory_space<semaphore_mem>>) src(%dma_wait3A_212 : memref<80x128xbf16, #tpu.memory_space<vmem_shared>>) dst(%arg11 : memref<80x128xbf16, #tpu.memory_space<vmem>>)
        tpu.yield
      }) : () -> ()
      %add3A_163 = arith.constant 400 : i32
      %add3A_164 = arith.addi %add3A_92, %add3A_163 : i32
      %dma_start3A_165 = arith.constant 0 : i32
      %dma_start3A_166 = tpu.memref_slice %arg6[%add3A_164, %dma_start3A_165] : memref<20000x128xbf16, #tpu.memory_space<hbm>> -> memref<80x128xbf16, #tpu.memory_space<hbm>>
      %dma_start3A_167 = arith.constant 0 : i32
      %dma_start3A_168 = tpu.memref_slice %arg6[%add3A_164, %dma_start3A_167] : memref<20000x128xbf16, #tpu.memory_space<hbm>> -> memref<80x128xbf16, #tpu.memory_space<hbm>>
      tpu.enqueue_dma source(%arg11 : memref<80x128xbf16, #tpu.memory_space<vmem>>) target(%dma_start3A_168 : memref<80x128xbf16, #tpu.memory_space<hbm>>) target_semaphore(%arg17 : memref<!tpu.dma_semaphore, #tpu.memory_space<semaphore_mem>>)
      %dma_wait3A_169 = arith.constant 0 : i32
      %dma_wait3A_170 = tpu.memref_slice %arg6[%add3A_92, %dma_wait3A_169] : memref<20000x128xbf16, #tpu.memory_space<hbm>> -> memref<80x128xbf16, #tpu.memory_space<hbm>>
      %dma_wait3A_171 = arith.constant 0 : i32
      %dma_wait3A_172 = tpu.memref_slice %arg6[%add3A_92, %dma_wait3A_171] : memref<20000x128xbf16, #tpu.memory_space<hbm>> -> memref<80x128xbf16, #tpu.memory_space<hbm>>
      tpu.wait_dma2 semaphore(%arg16 : memref<!tpu.dma_semaphore, #tpu.memory_space<semaphore_mem>>) src(%arg7 : memref<80x128xbf16, #tpu.memory_space<vmem>>) dst(%dma_wait3A_172 : memref<80x128xbf16, #tpu.memory_space<hbm>>)
      %mul3A_173 = arith.constant 640 : i32
      %mul3A_174 = arith.muli %arg1, %mul3A_173 : i32
      %add3A_175 = arith.constant 480 : i32
      %add3A_176 = arith.addi %mul3A_174, %add3A_175 : i32
      "tpu.region"() ({
        %run_scoped3A = tpu.sem_alloc : memref<!tpu.dma_semaphore, #tpu.memory_space<semaphore_mem>>
        %dma_start3A_205 = arith.constant 0 : i32
        %dma_start3A_206 = tpu.memref_slice %arg10[%add3A_176, %dma_start3A_205] : memref<10000x128xbf16, #tpu.memory_space<vmem_shared>> -> memref<80x128xbf16, #tpu.memory_space<vmem_shared>>
        %dma_start3A_207 = arith.constant 0 : i32
        %dma_start3A_208 = tpu.memref_slice %arg10[%add3A_176, %dma_start3A_207] : memref<10000x128xbf16, #tpu.memory_space<vmem_shared>> -> memref<80x128xbf16, #tpu.memory_space<vmem_shared>>
        tpu.enqueue_dma source(%dma_start3A_208 : memref<80x128xbf16, #tpu.memory_space<vmem_shared>>) target(%arg7 : memref<80x128xbf16, #tpu.memory_space<vmem>>) target_semaphore(%run_scoped3A : memref<!tpu.dma_semaphore, #tpu.memory_space<semaphore_mem>>)
        %dma_wait3A_209 = arith.constant 0 : i32
        %dma_wait3A_210 = tpu.memref_slice %arg10[%add3A_176, %dma_wait3A_209] : memref<10000x128xbf16, #tpu.memory_space<vmem_shared>> -> memref<80x128xbf16, #tpu.memory_space<vmem_shared>>
        %dma_wait3A_211 = arith.constant 0 : i32
        %dma_wait3A_212 = tpu.memref_slice %arg10[%add3A_176, %dma_wait3A_211] : memref<10000x128xbf16, #tpu.memory_space<vmem_shared>> -> memref<80x128xbf16, #tpu.memory_space<vmem_shared>>
        tpu.wait_dma2 semaphore(%run_scoped3A : memref<!tpu.dma_semaphore, #tpu.memory_space<semaphore_mem>>) src(%dma_wait3A_212 : memref<80x128xbf16, #tpu.memory_space<vmem_shared>>) dst(%arg7 : memref<80x128xbf16, #tpu.memory_space<vmem>>)
        tpu.yield
      }) : () -> ()
      %add3A_177 = arith.constant 480 : i32
      %add3A_178 = arith.addi %add3A_92, %add3A_177 : i32
      %dma_start3A_179 = arith.constant 0 : i32
      %dma_start3A_180 = tpu.memref_slice %arg6[%add3A_178, %dma_start3A_179] : memref<20000x128xbf16, #tpu.memory_space<hbm>> -> memref<80x128xbf16, #tpu.memory_space<hbm>>
      %dma_start3A_181 = arith.constant 0 : i32
      %dma_start3A_182 = tpu.memref_slice %arg6[%add3A_178, %dma_start3A_181] : memref<20000x128xbf16, #tpu.memory_space<hbm>> -> memref<80x128xbf16, #tpu.memory_space<hbm>>
      tpu.enqueue_dma source(%arg7 : memref<80x128xbf16, #tpu.memory_space<vmem>>) target(%dma_start3A_182 : memref<80x128xbf16, #tpu.memory_space<hbm>>) target_semaphore(%arg16 : memref<!tpu.dma_semaphore, #tpu.memory_space<semaphore_mem>>)
      %dma_wait3A_183 = arith.constant 0 : i32
      %dma_wait3A_184 = tpu.memref_slice %arg6[%add3A_92, %dma_wait3A_183] : memref<20000x128xbf16, #tpu.memory_space<hbm>> -> memref<80x128xbf16, #tpu.memory_space<hbm>>
      %dma_wait3A_185 = arith.constant 0 : i32
      %dma_wait3A_186 = tpu.memref_slice %arg6[%add3A_92, %dma_wait3A_185] : memref<20000x128xbf16, #tpu.memory_space<hbm>> -> memref<80x128xbf16, #tpu.memory_space<hbm>>
      tpu.wait_dma2 semaphore(%arg17 : memref<!tpu.dma_semaphore, #tpu.memory_space<semaphore_mem>>) src(%arg11 : memref<80x128xbf16, #tpu.memory_space<vmem>>) dst(%dma_wait3A_186 : memref<80x128xbf16, #tpu.memory_space<hbm>>)
      %mul3A_187 = arith.constant 640 : i32
      %mul3A_188 = arith.muli %arg1, %mul3A_187 : i32
      %add3A_189 = arith.constant 560 : i32
      %add3A_190 = arith.addi %mul3A_188, %add3A_189 : i32
      "tpu.region"() ({
        %run_scoped3A = tpu.sem_alloc : memref<!tpu.dma_semaphore, #tpu.memory_space<semaphore_mem>>
        %dma_start3A_205 = arith.constant 0 : i32
        %dma_start3A_206 = tpu.memref_slice %arg10[%add3A_190, %dma_start3A_205] : memref<10000x128xbf16, #tpu.memory_space<vmem_shared>> -> memref<80x128xbf16, #tpu.memory_space<vmem_shared>>
        %dma_start3A_207 = arith.constant 0 : i32
        %dma_start3A_208 = tpu.memref_slice %arg10[%add3A_190, %dma_start3A_207] : memref<10000x128xbf16, #tpu.memory_space<vmem_shared>> -> memref<80x128xbf16, #tpu.memory_space<vmem_shared>>
        tpu.enqueue_dma source(%dma_start3A_208 : memref<80x128xbf16, #tpu.memory_space<vmem_shared>>) target(%arg11 : memref<80x128xbf16, #tpu.memory_space<vmem>>) target_semaphore(%run_scoped3A : memref<!tpu.dma_semaphore, #tpu.memory_space<semaphore_mem>>)
        %dma_wait3A_209 = arith.constant 0 : i32
        %dma_wait3A_210 = tpu.memref_slice %arg10[%add3A_190, %dma_wait3A_209] : memref<10000x128xbf16, #tpu.memory_space<vmem_shared>> -> memref<80x128xbf16, #tpu.memory_space<vmem_shared>>
        %dma_wait3A_211 = arith.constant 0 : i32
        %dma_wait3A_212 = tpu.memref_slice %arg10[%add3A_190, %dma_wait3A_211] : memref<10000x128xbf16, #tpu.memory_space<vmem_shared>> -> memref<80x128xbf16, #tpu.memory_space<vmem_shared>>
        tpu.wait_dma2 semaphore(%run_scoped3A : memref<!tpu.dma_semaphore, #tpu.memory_space<semaphore_mem>>) src(%dma_wait3A_212 : memref<80x128xbf16, #tpu.memory_space<vmem_shared>>) dst(%arg11 : memref<80x128xbf16, #tpu.memory_space<vmem>>)
        tpu.yield
      }) : () -> ()
      %add3A_191 = arith.constant 560 : i32
      %add3A_192 = arith.addi %add3A_92, %add3A_191 : i32
      %dma_start3A_193 = arith.constant 0 : i32
      %dma_start3A_194 = tpu.memref_slice %arg6[%add3A_192, %dma_start3A_193] : memref<20000x128xbf16, #tpu.memory_space<hbm>> -> memref<80x128xbf16, #tpu.memory_space<hbm>>
      %dma_start3A_195 = arith.constant 0 : i32
      %dma_start3A_196 = tpu.memref_slice %arg6[%add3A_192, %dma_start3A_195] : memref<20000x128xbf16, #tpu.memory_space<hbm>> -> memref<80x128xbf16, #tpu.memory_space<hbm>>
      tpu.enqueue_dma source(%arg11 : memref<80x128xbf16, #tpu.memory_space<vmem>>) target(%dma_start3A_196 : memref<80x128xbf16, #tpu.memory_space<hbm>>) target_semaphore(%arg17 : memref<!tpu.dma_semaphore, #tpu.memory_space<semaphore_mem>>)
      %dma_wait3A_197 = arith.constant 0 : i32
      %dma_wait3A_198 = tpu.memref_slice %arg6[%add3A_92, %dma_wait3A_197] : memref<20000x128xbf16, #tpu.memory_space<hbm>> -> memref<80x128xbf16, #tpu.memory_space<hbm>>
      %dma_wait3A_199 = arith.constant 0 : i32
      %dma_wait3A_200 = tpu.memref_slice %arg6[%add3A_92, %dma_wait3A_199] : memref<20000x128xbf16, #tpu.memory_space<hbm>> -> memref<80x128xbf16, #tpu.memory_space<hbm>>
      tpu.wait_dma2 semaphore(%arg16 : memref<!tpu.dma_semaphore, #tpu.memory_space<semaphore_mem>>) src(%arg7 : memref<80x128xbf16, #tpu.memory_space<vmem>>) dst(%dma_wait3A_200 : memref<80x128xbf16, #tpu.memory_space<hbm>>)
      %dma_wait3A_201 = arith.constant 0 : i32
      %dma_wait3A_202 = tpu.memref_slice %arg6[%add3A_92, %dma_wait3A_201] : memref<20000x128xbf16, #tpu.memory_space<hbm>> -> memref<80x128xbf16, #tpu.memory_space<hbm>>
      %dma_wait3A_203 = arith.constant 0 : i32
      %dma_wait3A_204 = tpu.memref_slice %arg6[%add3A_92, %dma_wait3A_203] : memref<20000x128xbf16, #tpu.memory_space<hbm>> -> memref<80x128xbf16, #tpu.memory_space<hbm>>
      tpu.wait_dma2 semaphore(%arg17 : memref<!tpu.dma_semaphore, #tpu.memory_space<semaphore_mem>>) src(%arg11 : memref<80x128xbf16, #tpu.memory_space<vmem>>) dst(%dma_wait3A_204 : memref<80x128xbf16, #tpu.memory_space<hbm>>)
    } else {
    }
    %eq3A_83 = arith.constant 15 : i32
    %eq3A_84 = arith.cmpi eq, %arg1, %eq3A_83 : i32
    %convert_element_type3A_85 = arith.extui %eq3A_84 : i1 to i32
    %cond3A_86 = arith.constant 0 : i32
    %cond3A_87 = arith.cmpi ne, %convert_element_type3A_85, %cond3A_86 : i32
    scf.if %cond3A_87 {
      %mul3A_88 = arith.constant 10000 : i32
      %mul3A_89 = arith.muli %arg0, %mul3A_88 : i32
      %mul3A_90 = arith.constant 640 : i32
      %mul3A_91 = arith.muli %arg1, %mul3A_90 : i32
      %add3A_92 = arith.addi %mul3A_89, %mul3A_91 : i32
      %mul3A_93 = arith.constant 640 : i32
      %mul3A_94 = arith.muli %arg1, %mul3A_93 : i32
      %add3A_95 = arith.constant 0 : i32
      %add3A_96 = arith.addi %mul3A_94, %add3A_95 : i32
      "tpu.region"() ({
        %run_scoped3A = tpu.sem_alloc : memref<!tpu.dma_semaphore, #tpu.memory_space<semaphore_mem>>
        %dma_start3A_163 = arith.constant 0 : i32
        %dma_start3A_164 = tpu.memref_slice %arg10[%add3A_96, %dma_start3A_163] : memref<10000x128xbf16, #tpu.memory_space<vmem_shared>> -> memref<80x128xbf16, #tpu.memory_space<vmem_shared>>
        %dma_start3A_165 = arith.constant 0 : i32
        %dma_start3A_166 = tpu.memref_slice %arg10[%add3A_96, %dma_start3A_165] : memref<10000x128xbf16, #tpu.memory_space<vmem_shared>> -> memref<80x128xbf16, #tpu.memory_space<vmem_shared>>
        tpu.enqueue_dma source(%dma_start3A_166 : memref<80x128xbf16, #tpu.memory_space<vmem_shared>>) target(%arg7 : memref<80x128xbf16, #tpu.memory_space<vmem>>) target_semaphore(%run_scoped3A : memref<!tpu.dma_semaphore, #tpu.memory_space<semaphore_mem>>)
        %dma_wait3A_167 = arith.constant 0 : i32
        %dma_wait3A_168 = tpu.memref_slice %arg10[%add3A_96, %dma_wait3A_167] : memref<10000x128xbf16, #tpu.memory_space<vmem_shared>> -> memref<80x128xbf16, #tpu.memory_space<vmem_shared>>
        %dma_wait3A_169 = arith.constant 0 : i32
        %dma_wait3A_170 = tpu.memref_slice %arg10[%add3A_96, %dma_wait3A_169] : memref<10000x128xbf16, #tpu.memory_space<vmem_shared>> -> memref<80x128xbf16, #tpu.memory_space<vmem_shared>>
        tpu.wait_dma2 semaphore(%run_scoped3A : memref<!tpu.dma_semaphore, #tpu.memory_space<semaphore_mem>>) src(%dma_wait3A_170 : memref<80x128xbf16, #tpu.memory_space<vmem_shared>>) dst(%arg7 : memref<80x128xbf16, #tpu.memory_space<vmem>>)
        tpu.yield
      }) : () -> ()
      %add3A_97 = arith.constant 0 : i32
      %add3A_98 = arith.addi %add3A_92, %add3A_97 : i32
      %dma_start3A_99 = arith.constant 0 : i32
      %dma_start3A_100 = tpu.memref_slice %arg6[%add3A_98, %dma_start3A_99] : memref<20000x128xbf16, #tpu.memory_space<hbm>> -> memref<80x128xbf16, #tpu.memory_space<hbm>>
      %dma_start3A_101 = arith.constant 0 : i32
      %dma_start3A_102 = tpu.memref_slice %arg6[%add3A_98, %dma_start3A_101] : memref<20000x128xbf16, #tpu.memory_space<hbm>> -> memref<80x128xbf16, #tpu.memory_space<hbm>>
      tpu.enqueue_dma source(%arg7 : memref<80x128xbf16, #tpu.memory_space<vmem>>) target(%dma_start3A_102 : memref<80x128xbf16, #tpu.memory_space<hbm>>) target_semaphore(%arg16 : memref<!tpu.dma_semaphore, #tpu.memory_space<semaphore_mem>>)
      %mul3A_103 = arith.constant 640 : i32
      %mul3A_104 = arith.muli %arg1, %mul3A_103 : i32
      %add3A_105 = arith.constant 80 : i32
      %add3A_106 = arith.addi %mul3A_104, %add3A_105 : i32
      "tpu.region"() ({
        %run_scoped3A = tpu.sem_alloc : memref<!tpu.dma_semaphore, #tpu.memory_space<semaphore_mem>>
        %dma_start3A_163 = arith.constant 0 : i32
        %dma_start3A_164 = tpu.memref_slice %arg10[%add3A_106, %dma_start3A_163] : memref<10000x128xbf16, #tpu.memory_space<vmem_shared>> -> memref<80x128xbf16, #tpu.memory_space<vmem_shared>>
        %dma_start3A_165 = arith.constant 0 : i32
        %dma_start3A_166 = tpu.memref_slice %arg10[%add3A_106, %dma_start3A_165] : memref<10000x128xbf16, #tpu.memory_space<vmem_shared>> -> memref<80x128xbf16, #tpu.memory_space<vmem_shared>>
        tpu.enqueue_dma source(%dma_start3A_166 : memref<80x128xbf16, #tpu.memory_space<vmem_shared>>) target(%arg11 : memref<80x128xbf16, #tpu.memory_space<vmem>>) target_semaphore(%run_scoped3A : memref<!tpu.dma_semaphore, #tpu.memory_space<semaphore_mem>>)
        %dma_wait3A_167 = arith.constant 0 : i32
        %dma_wait3A_168 = tpu.memref_slice %arg10[%add3A_106, %dma_wait3A_167] : memref<10000x128xbf16, #tpu.memory_space<vmem_shared>> -> memref<80x128xbf16, #tpu.memory_space<vmem_shared>>
        %dma_wait3A_169 = arith.constant 0 : i32
        %dma_wait3A_170 = tpu.memref_slice %arg10[%add3A_106, %dma_wait3A_169] : memref<10000x128xbf16, #tpu.memory_space<vmem_shared>> -> memref<80x128xbf16, #tpu.memory_space<vmem_shared>>
        tpu.wait_dma2 semaphore(%run_scoped3A : memref<!tpu.dma_semaphore, #tpu.memory_space<semaphore_mem>>) src(%dma_wait3A_170 : memref<80x128xbf16, #tpu.memory_space<vmem_shared>>) dst(%arg11 : memref<80x128xbf16, #tpu.memory_space<vmem>>)
        tpu.yield
      }) : () -> ()
      %add3A_107 = arith.constant 80 : i32
      %add3A_108 = arith.addi %add3A_92, %add3A_107 : i32
      %dma_start3A_109 = arith.constant 0 : i32
      %dma_start3A_110 = tpu.memref_slice %arg6[%add3A_108, %dma_start3A_109] : memref<20000x128xbf16, #tpu.memory_space<hbm>> -> memref<80x128xbf16, #tpu.memory_space<hbm>>
      %dma_start3A_111 = arith.constant 0 : i32
      %dma_start3A_112 = tpu.memref_slice %arg6[%add3A_108, %dma_start3A_111] : memref<20000x128xbf16, #tpu.memory_space<hbm>> -> memref<80x128xbf16, #tpu.memory_space<hbm>>
      tpu.enqueue_dma source(%arg11 : memref<80x128xbf16, #tpu.memory_space<vmem>>) target(%dma_start3A_112 : memref<80x128xbf16, #tpu.memory_space<hbm>>) target_semaphore(%arg17 : memref<!tpu.dma_semaphore, #tpu.memory_space<semaphore_mem>>)
      %dma_wait3A_113 = arith.constant 0 : i32
      %dma_wait3A_114 = tpu.memref_slice %arg6[%add3A_92, %dma_wait3A_113] : memref<20000x128xbf16, #tpu.memory_space<hbm>> -> memref<80x128xbf16, #tpu.memory_space<hbm>>
      %dma_wait3A_115 = arith.constant 0 : i32
      %dma_wait3A_116 = tpu.memref_slice %arg6[%add3A_92, %dma_wait3A_115] : memref<20000x128xbf16, #tpu.memory_space<hbm>> -> memref<80x128xbf16, #tpu.memory_space<hbm>>
      tpu.wait_dma2 semaphore(%arg16 : memref<!tpu.dma_semaphore, #tpu.memory_space<semaphore_mem>>) src(%arg7 : memref<80x128xbf16, #tpu.memory_space<vmem>>) dst(%dma_wait3A_116 : memref<80x128xbf16, #tpu.memory_space<hbm>>)
      %mul3A_117 = arith.constant 640 : i32
      %mul3A_118 = arith.muli %arg1, %mul3A_117 : i32
      %add3A_119 = arith.constant 160 : i32
      %add3A_120 = arith.addi %mul3A_118, %add3A_119 : i32
      "tpu.region"() ({
        %run_scoped3A = tpu.sem_alloc : memref<!tpu.dma_semaphore, #tpu.memory_space<semaphore_mem>>
        %dma_start3A_163 = arith.constant 0 : i32
        %dma_start3A_164 = tpu.memref_slice %arg10[%add3A_120, %dma_start3A_163] : memref<10000x128xbf16, #tpu.memory_space<vmem_shared>> -> memref<80x128xbf16, #tpu.memory_space<vmem_shared>>
        %dma_start3A_165 = arith.constant 0 : i32
        %dma_start3A_166 = tpu.memref_slice %arg10[%add3A_120, %dma_start3A_165] : memref<10000x128xbf16, #tpu.memory_space<vmem_shared>> -> memref<80x128xbf16, #tpu.memory_space<vmem_shared>>
        tpu.enqueue_dma source(%dma_start3A_166 : memref<80x128xbf16, #tpu.memory_space<vmem_shared>>) target(%arg7 : memref<80x128xbf16, #tpu.memory_space<vmem>>) target_semaphore(%run_scoped3A : memref<!tpu.dma_semaphore, #tpu.memory_space<semaphore_mem>>)
        %dma_wait3A_167 = arith.constant 0 : i32
        %dma_wait3A_168 = tpu.memref_slice %arg10[%add3A_120, %dma_wait3A_167] : memref<10000x128xbf16, #tpu.memory_space<vmem_shared>> -> memref<80x128xbf16, #tpu.memory_space<vmem_shared>>
        %dma_wait3A_169 = arith.constant 0 : i32
        %dma_wait3A_170 = tpu.memref_slice %arg10[%add3A_120, %dma_wait3A_169] : memref<10000x128xbf16, #tpu.memory_space<vmem_shared>> -> memref<80x128xbf16, #tpu.memory_space<vmem_shared>>
        tpu.wait_dma2 semaphore(%run_scoped3A : memref<!tpu.dma_semaphore, #tpu.memory_space<semaphore_mem>>) src(%dma_wait3A_170 : memref<80x128xbf16, #tpu.memory_space<vmem_shared>>) dst(%arg7 : memref<80x128xbf16, #tpu.memory_space<vmem>>)
        tpu.yield
      }) : () -> ()
      %add3A_121 = arith.constant 160 : i32
      %add3A_122 = arith.addi %add3A_92, %add3A_121 : i32
      %dma_start3A_123 = arith.constant 0 : i32
      %dma_start3A_124 = tpu.memref_slice %arg6[%add3A_122, %dma_start3A_123] : memref<20000x128xbf16, #tpu.memory_space<hbm>> -> memref<80x128xbf16, #tpu.memory_space<hbm>>
      %dma_start3A_125 = arith.constant 0 : i32
      %dma_start3A_126 = tpu.memref_slice %arg6[%add3A_122, %dma_start3A_125] : memref<20000x128xbf16, #tpu.memory_space<hbm>> -> memref<80x128xbf16, #tpu.memory_space<hbm>>
      tpu.enqueue_dma source(%arg7 : memref<80x128xbf16, #tpu.memory_space<vmem>>) target(%dma_start3A_126 : memref<80x128xbf16, #tpu.memory_space<hbm>>) target_semaphore(%arg16 : memref<!tpu.dma_semaphore, #tpu.memory_space<semaphore_mem>>)
      %dma_wait3A_127 = arith.constant 0 : i32
      %dma_wait3A_128 = tpu.memref_slice %arg6[%add3A_92, %dma_wait3A_127] : memref<20000x128xbf16, #tpu.memory_space<hbm>> -> memref<80x128xbf16, #tpu.memory_space<hbm>>
      %dma_wait3A_129 = arith.constant 0 : i32
      %dma_wait3A_130 = tpu.memref_slice %arg6[%add3A_92, %dma_wait3A_129] : memref<20000x128xbf16, #tpu.memory_space<hbm>> -> memref<80x128xbf16, #tpu.memory_space<hbm>>
      tpu.wait_dma2 semaphore(%arg17 : memref<!tpu.dma_semaphore, #tpu.memory_space<semaphore_mem>>) src(%arg11 : memref<80x128xbf16, #tpu.memory_space<vmem>>) dst(%dma_wait3A_130 : memref<80x128xbf16, #tpu.memory_space<hbm>>)
      %mul3A_131 = arith.constant 640 : i32
      %mul3A_132 = arith.muli %arg1, %mul3A_131 : i32
      %add3A_133 = arith.constant 240 : i32
      %add3A_134 = arith.addi %mul3A_132, %add3A_133 : i32
      "tpu.region"() ({
        %run_scoped3A = tpu.sem_alloc : memref<!tpu.dma_semaphore, #tpu.memory_space<semaphore_mem>>
        %dma_start3A_163 = arith.constant 0 : i32
        %dma_start3A_164 = tpu.memref_slice %arg10[%add3A_134, %dma_start3A_163] : memref<10000x128xbf16, #tpu.memory_space<vmem_shared>> -> memref<80x128xbf16, #tpu.memory_space<vmem_shared>>
        %dma_start3A_165 = arith.constant 0 : i32
        %dma_start3A_166 = tpu.memref_slice %arg10[%add3A_134, %dma_start3A_165] : memref<10000x128xbf16, #tpu.memory_space<vmem_shared>> -> memref<80x128xbf16, #tpu.memory_space<vmem_shared>>
        tpu.enqueue_dma source(%dma_start3A_166 : memref<80x128xbf16, #tpu.memory_space<vmem_shared>>) target(%arg11 : memref<80x128xbf16, #tpu.memory_space<vmem>>) target_semaphore(%run_scoped3A : memref<!tpu.dma_semaphore, #tpu.memory_space<semaphore_mem>>)
        %dma_wait3A_167 = arith.constant 0 : i32
        %dma_wait3A_168 = tpu.memref_slice %arg10[%add3A_134, %dma_wait3A_167] : memref<10000x128xbf16, #tpu.memory_space<vmem_shared>> -> memref<80x128xbf16, #tpu.memory_space<vmem_shared>>
        %dma_wait3A_169 = arith.constant 0 : i32
        %dma_wait3A_170 = tpu.memref_slice %arg10[%add3A_134, %dma_wait3A_169] : memref<10000x128xbf16, #tpu.memory_space<vmem_shared>> -> memref<80x128xbf16, #tpu.memory_space<vmem_shared>>
        tpu.wait_dma2 semaphore(%run_scoped3A : memref<!tpu.dma_semaphore, #tpu.memory_space<semaphore_mem>>) src(%dma_wait3A_170 : memref<80x128xbf16, #tpu.memory_space<vmem_shared>>) dst(%arg11 : memref<80x128xbf16, #tpu.memory_space<vmem>>)
        tpu.yield
      }) : () -> ()
      %add3A_135 = arith.constant 240 : i32
      %add3A_136 = arith.addi %add3A_92, %add3A_135 : i32
      %dma_start3A_137 = arith.constant 0 : i32
      %dma_start3A_138 = tpu.memref_slice %arg6[%add3A_136, %dma_start3A_137] : memref<20000x128xbf16, #tpu.memory_space<hbm>> -> memref<80x128xbf16, #tpu.memory_space<hbm>>
      %dma_start3A_139 = arith.constant 0 : i32
      %dma_start3A_140 = tpu.memref_slice %arg6[%add3A_136, %dma_start3A_139] : memref<20000x128xbf16, #tpu.memory_space<hbm>> -> memref<80x128xbf16, #tpu.memory_space<hbm>>
      tpu.enqueue_dma source(%arg11 : memref<80x128xbf16, #tpu.memory_space<vmem>>) target(%dma_start3A_140 : memref<80x128xbf16, #tpu.memory_space<hbm>>) target_semaphore(%arg17 : memref<!tpu.dma_semaphore, #tpu.memory_space<semaphore_mem>>)
      %dma_wait3A_141 = arith.constant 0 : i32
      %dma_wait3A_142 = tpu.memref_slice %arg6[%add3A_92, %dma_wait3A_141] : memref<20000x128xbf16, #tpu.memory_space<hbm>> -> memref<80x128xbf16, #tpu.memory_space<hbm>>
      %dma_wait3A_143 = arith.constant 0 : i32
      %dma_wait3A_144 = tpu.memref_slice %arg6[%add3A_92, %dma_wait3A_143] : memref<20000x128xbf16, #tpu.memory_space<hbm>> -> memref<80x128xbf16, #tpu.memory_space<hbm>>
      tpu.wait_dma2 semaphore(%arg16 : memref<!tpu.dma_semaphore, #tpu.memory_space<semaphore_mem>>) src(%arg7 : memref<80x128xbf16, #tpu.memory_space<vmem>>) dst(%dma_wait3A_144 : memref<80x128xbf16, #tpu.memory_space<hbm>>)
      %mul3A_145 = arith.constant 640 : i32
      %mul3A_146 = arith.muli %arg1, %mul3A_145 : i32
      %add3A_147 = arith.constant 320 : i32
      %add3A_148 = arith.addi %mul3A_146, %add3A_147 : i32
      "tpu.region"() ({
        %run_scoped3A = tpu.sem_alloc : memref<!tpu.dma_semaphore, #tpu.memory_space<semaphore_mem>>
        %dma_start3A_163 = arith.constant 0 : i32
        %dma_start3A_164 = tpu.memref_slice %arg10[%add3A_148, %dma_start3A_163] : memref<10000x128xbf16, #tpu.memory_space<vmem_shared>> -> memref<80x128xbf16, #tpu.memory_space<vmem_shared>>
        %dma_start3A_165 = arith.constant 0 : i32
        %dma_start3A_166 = tpu.memref_slice %arg10[%add3A_148, %dma_start3A_165] : memref<10000x128xbf16, #tpu.memory_space<vmem_shared>> -> memref<80x128xbf16, #tpu.memory_space<vmem_shared>>
        tpu.enqueue_dma source(%dma_start3A_166 : memref<80x128xbf16, #tpu.memory_space<vmem_shared>>) target(%arg7 : memref<80x128xbf16, #tpu.memory_space<vmem>>) target_semaphore(%run_scoped3A : memref<!tpu.dma_semaphore, #tpu.memory_space<semaphore_mem>>)
        %dma_wait3A_167 = arith.constant 0 : i32
        %dma_wait3A_168 = tpu.memref_slice %arg10[%add3A_148, %dma_wait3A_167] : memref<10000x128xbf16, #tpu.memory_space<vmem_shared>> -> memref<80x128xbf16, #tpu.memory_space<vmem_shared>>
        %dma_wait3A_169 = arith.constant 0 : i32
        %dma_wait3A_170 = tpu.memref_slice %arg10[%add3A_148, %dma_wait3A_169] : memref<10000x128xbf16, #tpu.memory_space<vmem_shared>> -> memref<80x128xbf16, #tpu.memory_space<vmem_shared>>
        tpu.wait_dma2 semaphore(%run_scoped3A : memref<!tpu.dma_semaphore, #tpu.memory_space<semaphore_mem>>) src(%dma_wait3A_170 : memref<80x128xbf16, #tpu.memory_space<vmem_shared>>) dst(%arg7 : memref<80x128xbf16, #tpu.memory_space<vmem>>)
        tpu.yield
      }) : () -> ()
      %add3A_149 = arith.constant 320 : i32
      %add3A_150 = arith.addi %add3A_92, %add3A_149 : i32
      %dma_start3A_151 = arith.constant 0 : i32
      %dma_start3A_152 = tpu.memref_slice %arg6[%add3A_150, %dma_start3A_151] : memref<20000x128xbf16, #tpu.memory_space<hbm>> -> memref<80x128xbf16, #tpu.memory_space<hbm>>
      %dma_start3A_153 = arith.constant 0 : i32
      %dma_start3A_154 = tpu.memref_slice %arg6[%add3A_150, %dma_start3A_153] : memref<20000x128xbf16, #tpu.memory_space<hbm>> -> memref<80x128xbf16, #tpu.memory_space<hbm>>
      tpu.enqueue_dma source(%arg7 : memref<80x128xbf16, #tpu.memory_space<vmem>>) target(%dma_start3A_154 : memref<80x128xbf16, #tpu.memory_space<hbm>>) target_semaphore(%arg16 : memref<!tpu.dma_semaphore, #tpu.memory_space<semaphore_mem>>)
      %dma_wait3A_155 = arith.constant 0 : i32
      %dma_wait3A_156 = tpu.memref_slice %arg6[%add3A_92, %dma_wait3A_155] : memref<20000x128xbf16, #tpu.memory_space<hbm>> -> memref<80x128xbf16, #tpu.memory_space<hbm>>
      %dma_wait3A_157 = arith.constant 0 : i32
      %dma_wait3A_158 = tpu.memref_slice %arg6[%add3A_92, %dma_wait3A_157] : memref<20000x128xbf16, #tpu.memory_space<hbm>> -> memref<80x128xbf16, #tpu.memory_space<hbm>>
      tpu.wait_dma2 semaphore(%arg16 : memref<!tpu.dma_semaphore, #tpu.memory_space<semaphore_mem>>) src(%arg7 : memref<80x128xbf16, #tpu.memory_space<vmem>>) dst(%dma_wait3A_158 : memref<80x128xbf16, #tpu.memory_space<hbm>>)
      %dma_wait3A_159 = arith.constant 0 : i32
      %dma_wait3A_160 = tpu.memref_slice %arg6[%add3A_92, %dma_wait3A_159] : memref<20000x128xbf16, #tpu.memory_space<hbm>> -> memref<80x128xbf16, #tpu.memory_space<hbm>>
      %dma_wait3A_161 = arith.constant 0 : i32
      %dma_wait3A_162 = tpu.memref_slice %arg6[%add3A_92, %dma_wait3A_161] : memref<20000x128xbf16, #tpu.memory_space<hbm>> -> memref<80x128xbf16, #tpu.memory_space<hbm>>
      tpu.wait_dma2 semaphore(%arg17 : memref<!tpu.dma_semaphore, #tpu.memory_space<semaphore_mem>>) src(%arg11 : memref<80x128xbf16, #tpu.memory_space<vmem>>) dst(%dma_wait3A_162 : memref<80x128xbf16, #tpu.memory_space<hbm>>)
    } else {
    }
    return
  }
}

module attributes {stable_mosaic.version = 14 : i64} {
  func.func @_lin1_body(%arg0: i32, %arg1: memref<10000x128xf32, #tpu.memory_space<vmem>>, %arg2: memref<128x128xf32, #tpu.memory_space<vmem>>, %arg3: memref<1x128xf32, #tpu.memory_space<vmem>>, %arg4: memref<10000x128xbf16, #tpu.memory_space<vmem>>) attributes {dimension_semantics = [#tpu.dimension_semantics<arbitrary>], iteration_bounds = array<i64: 1>, scalar_prefetch = 0 : i64, scratch_operands = 0 : i64, tpu.core_type = #tpu.core_type<tc>, window_params = [{transform_indices = @transform_0, window_bounds = array<i64: 10000, 128>}, {pipeline_mode = #tpu.pipeline_mode<synchronous>, transform_indices = @transform_1, window_bounds = array<i64: 128, 128>}, {pipeline_mode = #tpu.pipeline_mode<synchronous>, transform_indices = @transform_2, window_bounds = array<i64: 1, 128>}, {transform_indices = @transform_3, window_bounds = array<i64: 10000, 128>}]} {
    %get3A = arith.constant 0 : index
    %get3A_0 = arith.constant 0 : index
    %get3A_1 = vector.load %arg1[%get3A, %get3A_0] : memref<10000x128xf32, #tpu.memory_space<vmem>>, vector<10000x128xf32>
    %get3A_2 = arith.constant 0 : index
    %get3A_3 = arith.constant 0 : index
    %get3A_4 = vector.load %arg2[%get3A_2, %get3A_3] : memref<128x128xf32, #tpu.memory_space<vmem>>, vector<128x128xf32>
    %dot_general3A = arith.constant dense<0.000000e+00> : vector<10000x128xf32>
    %dot_general3A_5 = tpu.matmul %get3A_1, %get3A_4, %dot_general3A {dimension_numbers = #tpu.dot_dimension_numbers<[1], [1], [0], [0], [0, 0, 1, 0], [], []>, transpose_lhs_hint = false} : vector<10000x128xf32>, vector<128x128xf32>, vector<10000x128xf32> -> vector<10000x128xf32>
    %get3A_6 = arith.constant 0 : index
    %get3A_7 = arith.constant 0 : index
    %get3A_8 = vector.load %arg3[%get3A_6, %get3A_7] : memref<1x128xf32, #tpu.memory_space<vmem>>, vector<1x128xf32>
    %add3A = vector.broadcast %get3A_8 : vector<1x128xf32> to vector<10000x128xf32>
    %add3A_9 = arith.addf %dot_general3A_5, %add3A : vector<10000x128xf32>
    %convert_element_type3A = arith.truncf %add3A_9 : vector<10000x128xf32> to vector<10000x128xbf16>
    %swap3A = arith.constant 0 : index
    %swap3A_10 = arith.constant 0 : index
    %swap3A_11 = vector.load %arg4[%swap3A, %swap3A_10] : memref<10000x128xbf16, #tpu.memory_space<vmem>>, vector<10000x128xbf16>
    tpu.vector_store %arg4[%swap3A, %swap3A_10], %convert_element_type3A {strides = array<i32>} : memref<10000x128xbf16, #tpu.memory_space<vmem>>, vector<10000x128xbf16>,
    return
  }
  func.func @transform_0(%arg0: i32) -> (i32, i32) {
    %c0_i32 = arith.constant 0 : i32
    %c0_i32_0 = arith.constant 0 : i32
    return %arg0, %c0_i32 : i32, i32
  }
  func.func @transform_1(%arg0: i32) -> (i32, i32) {
    %c0_i32 = arith.constant 0 : i32
    %c0_i32_0 = arith.constant 0 : i32
    %c0_i32_1 = arith.constant 0 : i32
    return %c0_i32, %c0_i32_0 : i32, i32
  }
  func.func @transform_2(%arg0: i32) -> (i32, i32) {
    %c0_i32 = arith.constant 0 : i32
    %c0_i32_0 = arith.constant 0 : i32
    %c0_i32_1 = arith.constant 0 : i32
    return %c0_i32, %c0_i32_0 : i32, i32
  }
  func.func @transform_3(%arg0: i32) -> (i32, i32) {
    %c0_i32 = arith.constant 0 : i32
    %c0_i32_0 = arith.constant 0 : i32
    return %arg0, %c0_i32 : i32, i32
  }
}

module attributes {stable_mosaic.version = 14 : i64} {
  func.func @_combine_body(%arg0: i32, %arg1: memref<10000x128xbf16, #tpu.memory_space<vmem>>, %arg2: memref<10000x128xbf16, #tpu.memory_space<vmem>>, %arg3: memref<10000x16xf32, #tpu.memory_space<vmem>>, %arg4: memref<10000x16xf32, #tpu.memory_space<vmem>>, %arg5: memref<10000x128xbf16, #tpu.memory_space<vmem>>, %arg6: memref<128x128xf32, #tpu.memory_space<vmem>>, %arg7: memref<1x128xf32, #tpu.memory_space<vmem>>, %arg8: memref<128x128xf32, #tpu.memory_space<vmem>>, %arg9: memref<10000x128xbf16, #tpu.memory_space<vmem>>) attributes {dimension_semantics = [#tpu.dimension_semantics<arbitrary>], iteration_bounds = array<i64: 1>, scalar_prefetch = 0 : i64, scratch_operands = 0 : i64, tpu.core_type = #tpu.core_type<tc>, window_params = [{transform_indices = @transform_0, window_bounds = array<i64: 10000, 128>}, {transform_indices = @transform_1, window_bounds = array<i64: 10000, 128>}, {transform_indices = @transform_2, window_bounds = array<i64: 10000, 16>}, {transform_indices = @transform_3, window_bounds = array<i64: 10000, 16>}, {transform_indices = @transform_4, window_bounds = array<i64: 10000, 128>}, {pipeline_mode = #tpu.pipeline_mode<synchronous>, transform_indices = @transform_5, window_bounds = array<i64: 128, 128>}, {pipeline_mode = #tpu.pipeline_mode<synchronous>, transform_indices = @transform_6, window_bounds = array<i64: 1, 128>}, {pipeline_mode = #tpu.pipeline_mode<synchronous>, transform_indices = @transform_7, window_bounds = array<i64: 128, 128>}, {transform_indices = @transform_8, window_bounds = array<i64: 10000, 128>}]} {
    %get3A = arith.constant 0 : index
    %get3A_0 = arith.constant 0 : index
    %get3A_1 = vector.load %arg1[%get3A, %get3A_0] : memref<10000x128xbf16, #tpu.memory_space<vmem>>, vector<10000x128xbf16>
    %convert_element_type3A = arith.extf %get3A_1 : vector<10000x128xbf16> to vector<10000x128xf32>
    %get3A_2 = arith.constant 0 : index
    %get3A_3 = arith.constant 0 : index
    %get3A_4 = vector.load %arg2[%get3A_2, %get3A_3] : memref<10000x128xbf16, #tpu.memory_space<vmem>>, vector<10000x128xbf16>
    %convert_element_type3A_5 = arith.extf %get3A_4 : vector<10000x128xbf16> to vector<10000x128xf32>
    %add3A = arith.addf %convert_element_type3A, %convert_element_type3A_5 : vector<10000x128xf32>
    %get3A_6 = arith.constant 0 : index
    %get3A_7 = arith.constant 0 : index
    %get3A_8 = vector.load %arg3[%get3A_6, %get3A_7] : memref<10000x16xf32, #tpu.memory_space<vmem>>, vector<10000x1xf32>
    %get3A_9 = arith.constant 0 : index
    %get3A_10 = arith.constant 0 : index
    %get3A_11 = vector.load %arg4[%get3A_9, %get3A_10] : memref<10000x16xf32, #tpu.memory_space<vmem>>, vector<10000x1xf32>
    %add3A_12 = arith.addf %get3A_8, %get3A_11 : vector<10000x1xf32>
    %max3A = arith.constant 1.000000e+00 : f32
    %max3A_13 = vector.broadcast %max3A : f32 to vector<10000x1xf32>
    %max3A_14 = arith.maximumf %add3A_12, %max3A_13 : vector<10000x1xf32>
    %div3A = vector.broadcast %max3A_14 : vector<10000x1xf32> to vector<10000x128xf32>
    %div3A_15 = arith.divf %add3A, %div3A : vector<10000x128xf32>
    %get3A_16 = arith.constant 0 : index
    %get3A_17 = arith.constant 0 : index
    %get3A_18 = vector.load %arg5[%get3A_16, %get3A_17] : memref<10000x128xbf16, #tpu.memory_space<vmem>>, vector<10000x128xbf16>
    %convert_element_type3A_19 = arith.extf %get3A_18 : vector<10000x128xbf16> to vector<10000x128xf32>
    %get3A_20 = arith.constant 0 : index
    %get3A_21 = arith.constant 0 : index
    %get3A_22 = vector.load %arg6[%get3A_20, %get3A_21] : memref<128x128xf32, #tpu.memory_space<vmem>>, vector<128x128xf32>
    %dot_general3A = arith.constant dense<0.000000e+00> : vector<10000x128xf32>
    %dot_general3A_23 = tpu.matmul %div3A_15, %get3A_22, %dot_general3A {dimension_numbers = #tpu.dot_dimension_numbers<[1], [1], [0], [0], [0, 0, 1, 0], [], []>, transpose_lhs_hint = false} : vector<10000x128xf32>, vector<128x128xf32>, vector<10000x128xf32> -> vector<10000x128xf32>
    %get3A_24 = arith.constant 0 : index
    %get3A_25 = arith.constant 0 : index
    %get3A_26 = vector.load %arg7[%get3A_24, %get3A_25] : memref<1x128xf32, #tpu.memory_space<vmem>>, vector<1x128xf32>
    %add3A_27 = vector.broadcast %get3A_26 : vector<1x128xf32> to vector<10000x128xf32>
    %add3A_28 = arith.addf %dot_general3A_23, %add3A_27 : vector<10000x128xf32>
    %get3A_29 = arith.constant 0 : index
    %get3A_30 = arith.constant 0 : index
    %get3A_31 = vector.load %arg8[%get3A_29, %get3A_30] : memref<128x128xf32, #tpu.memory_space<vmem>>, vector<128x128xf32>
    %dot_general3A_32 = arith.constant dense<0.000000e+00> : vector<10000x128xf32>
    %dot_general3A_33 = tpu.matmul %convert_element_type3A_19, %get3A_31, %dot_general3A_32 {dimension_numbers = #tpu.dot_dimension_numbers<[1], [1], [0], [0], [0, 0, 1, 0], [], []>, transpose_lhs_hint = false} : vector<10000x128xf32>, vector<128x128xf32>, vector<10000x128xf32> -> vector<10000x128xf32>
    %add3A_34 = arith.addf %add3A_28, %dot_general3A_33 : vector<10000x128xf32>
    %mul3A = arith.mulf %add3A_34, %add3A_34 : vector<10000x128xf32>
    %reduce_sum3A = arith.constant dense<0.000000e+00> : vector<10000xf32>
    %reduce_sum3A_35 = vector.multi_reduction <add>, %mul3A, %reduce_sum3A [1] : vector<10000x128xf32> to vector<10000xf32>
    %broadcast_in_dim3A = vector.shape_cast %reduce_sum3A_35 : vector<10000xf32> to vector<10000x1xf32>
    %sqrt3A = math.sqrt %broadcast_in_dim3A : vector<10000x1xf32>
    %max3A_36 = arith.constant 9.99999996E-13 : f32
    %max3A_37 = vector.broadcast %max3A_36 : f32 to vector<10000x1xf32>
    %max3A_38 = arith.maximumf %sqrt3A, %max3A_37 : vector<10000x1xf32>
    %div3A_39 = vector.broadcast %max3A_38 : vector<10000x1xf32> to vector<10000x128xf32>
    %div3A_40 = arith.divf %add3A_34, %div3A_39 : vector<10000x128xf32>
    %max3A_41 = arith.constant 0.000000e+00 : f32
    %max3A_42 = vector.broadcast %max3A_41 : f32 to vector<10000x128xf32>
    %max3A_43 = arith.maximumf %div3A_40, %max3A_42 : vector<10000x128xf32>
    %convert_element_type3A_44 = arith.truncf %max3A_43 : vector<10000x128xf32> to vector<10000x128xbf16>
    %swap3A = arith.constant 0 : index
    %swap3A_45 = arith.constant 0 : index
    %swap3A_46 = vector.load %arg9[%swap3A, %swap3A_45] : memref<10000x128xbf16, #tpu.memory_space<vmem>>, vector<10000x128xbf16>
    tpu.vector_store %arg9[%swap3A, %swap3A_45], %convert_element_type3A_44 {strides = array<i32>} : memref<10000x128xbf16, #tpu.memory_space<vmem>>, vector<10000x128xbf16>,
    return
  }
  func.func @transform_0(%arg0: i32) -> (i32, i32) {
    %c0_i32 = arith.constant 0 : i32
    %c0_i32_0 = arith.constant 0 : i32
    return %arg0, %c0_i32 : i32, i32
  }
  func.func @transform_1(%arg0: i32) -> (i32, i32) {
    %add3A = arith.constant 1 : i32
    %add3A_0 = arith.addi %arg0, %add3A : i32
    %c0_i32 = arith.constant 0 : i32
    %c0_i32_1 = arith.constant 0 : i32
    return %add3A_0, %c0_i32 : i32, i32
  }
  func.func @transform_2(%arg0: i32) -> (i32, i32) {
    %c0_i32 = arith.constant 0 : i32
    %c0_i32_0 = arith.constant 0 : i32
    return %arg0, %c0_i32 : i32, i32
  }
  func.func @transform_3(%arg0: i32) -> (i32, i32) {
    %add3A = arith.constant 1 : i32
    %add3A_0 = arith.addi %arg0, %add3A : i32
    %c0_i32 = arith.constant 0 : i32
    %c0_i32_1 = arith.constant 0 : i32
    return %add3A_0, %c0_i32 : i32, i32
  }
  func.func @transform_4(%arg0: i32) -> (i32, i32) {
    %c0_i32 = arith.constant 0 : i32
    %c0_i32_0 = arith.constant 0 : i32
    return %arg0, %c0_i32 : i32, i32
  }
  func.func @transform_5(%arg0: i32) -> (i32, i32) {
    %c0_i32 = arith.constant 0 : i32
    %c0_i32_0 = arith.constant 0 : i32
    %c0_i32_1 = arith.constant 0 : i32
    return %c0_i32, %c0_i32_0 : i32, i32
  }
  func.func @transform_6(%arg0: i32) -> (i32, i32) {
    %c0_i32 = arith.constant 0 : i32
    %c0_i32_0 = arith.constant 0 : i32
    %c0_i32_1 = arith.constant 0 : i32
    return %c0_i32, %c0_i32_0 : i32, i32
  }
  func.func @transform_7(%arg0: i32) -> (i32, i32) {
    %c0_i32 = arith.constant 0 : i32
    %c0_i32_0 = arith.constant 0 : i32
    %c0_i32_1 = arith.constant 0 : i32
    return %c0_i32, %c0_i32_0 : i32, i32
  }
  func.func @transform_8(%arg0: i32) -> (i32, i32) {
    %c0_i32 = arith.constant 0 : i32
    %c0_i32_0 = arith.constant 0 : i32
    return %arg0, %c0_i32 : i32, i32
  }
}

module attributes {stable_mosaic.version = 14 : i64} {
  func.func @_final_body(%arg0: i32, %arg1: memref<10000x128xbf16, #tpu.memory_space<vmem>>, %arg2: memref<10000x128xbf16, #tpu.memory_space<vmem>>, %arg3: memref<10000x16xf32, #tpu.memory_space<vmem>>, %arg4: memref<10000x16xf32, #tpu.memory_space<vmem>>, %arg5: memref<10000x128xbf16, #tpu.memory_space<vmem>>, %arg6: memref<256x128xf32, #tpu.memory_space<vmem>>, %arg7: memref<1x256xf32, #tpu.memory_space<vmem>>, %arg8: memref<256x128xf32, #tpu.memory_space<vmem>>, %arg9: memref<1x1x10000xi32, #tpu.memory_space<vmem>>, %arg10: memref<1x256xf32, #tpu.memory_space<vmem>>, %arg11: memref<1x1xf32, #tpu.memory_space<vmem>>, %arg12: memref<64x1xf32, #tpu.memory_space<vmem>>, %arg13: memref<64x256xf32, #tpu.memory_space<vmem>>, %arg14: memref<64x1xf32, #tpu.memory_space<vmem>>) attributes {dimension_semantics = [#tpu.dimension_semantics<arbitrary>], iteration_bounds = array<i64: 1>, scalar_prefetch = 0 : i64, scratch_operands = 2 : i64, tpu.core_type = #tpu.core_type<tc>, window_params = [{transform_indices = @transform_0, window_bounds = array<i64: 10000, 128>}, {transform_indices = @transform_1, window_bounds = array<i64: 10000, 128>}, {transform_indices = @transform_2, window_bounds = array<i64: 10000, 16>}, {transform_indices = @transform_3, window_bounds = array<i64: 10000, 16>}, {transform_indices = @transform_4, window_bounds = array<i64: 10000, 128>}, {pipeline_mode = #tpu.pipeline_mode<synchronous>, transform_indices = @transform_5, window_bounds = array<i64: 256, 128>}, {pipeline_mode = #tpu.pipeline_mode<synchronous>, transform_indices = @transform_6, window_bounds = array<i64: 1, 256>}, {pipeline_mode = #tpu.pipeline_mode<synchronous>, transform_indices = @transform_7, window_bounds = array<i64: 256, 128>}, {transform_indices = @transform_8, window_bounds = array<i64: 1, 1, 10000>}, {pipeline_mode = #tpu.pipeline_mode<synchronous>, transform_indices = @transform_9, window_bounds = array<i64: 1, 256>}, {pipeline_mode = #tpu.pipeline_mode<synchronous>, transform_indices = @transform_10, window_bounds = array<i64: 1, 1>}, {pipeline_mode = #tpu.pipeline_mode<synchronous>, transform_indices = @transform_11, window_bounds = array<i64: 64, 1>}]} {
    %get3A = arith.constant 0 : index
    %get3A_0 = arith.constant 0 : index
    %get3A_1 = vector.load %arg1[%get3A, %get3A_0] : memref<10000x128xbf16, #tpu.memory_space<vmem>>, vector<10000x128xbf16>
    %convert_element_type3A = arith.extf %get3A_1 : vector<10000x128xbf16> to vector<10000x128xf32>
    %get3A_2 = arith.constant 0 : index
    %get3A_3 = arith.constant 0 : index
    %get3A_4 = vector.load %arg2[%get3A_2, %get3A_3] : memref<10000x128xbf16, #tpu.memory_space<vmem>>, vector<10000x128xbf16>
    %convert_element_type3A_5 = arith.extf %get3A_4 : vector<10000x128xbf16> to vector<10000x128xf32>
    %add3A = arith.addf %convert_element_type3A, %convert_element_type3A_5 : vector<10000x128xf32>
    %get3A_6 = arith.constant 0 : index
    %get3A_7 = arith.constant 0 : index
    %get3A_8 = vector.load %arg3[%get3A_6, %get3A_7] : memref<10000x16xf32, #tpu.memory_space<vmem>>, vector<10000x1xf32>
    %get3A_9 = arith.constant 0 : index
    %get3A_10 = arith.constant 0 : index
    %get3A_11 = vector.load %arg4[%get3A_9, %get3A_10] : memref<10000x16xf32, #tpu.memory_space<vmem>>, vector<10000x1xf32>
    %add3A_12 = arith.addf %get3A_8, %get3A_11 : vector<10000x1xf32>
    %max3A = arith.constant 1.000000e+00 : f32
    %max3A_13 = vector.broadcast %max3A : f32 to vector<10000x1xf32>
    %max3A_14 = arith.maximumf %add3A_12, %max3A_13 : vector<10000x1xf32>
    %div3A = vector.broadcast %max3A_14 : vector<10000x1xf32> to vector<10000x128xf32>
    %div3A_15 = arith.divf %add3A, %div3A : vector<10000x128xf32>
    %get3A_16 = arith.constant 0 : index
    %get3A_17 = arith.constant 0 : index
    %get3A_18 = vector.load %arg5[%get3A_16, %get3A_17] : memref<10000x128xbf16, #tpu.memory_space<vmem>>, vector<10000x128xbf16>
    %convert_element_type3A_19 = arith.extf %get3A_18 : vector<10000x128xbf16> to vector<10000x128xf32>
    %get3A_20 = arith.constant 0 : index
    %get3A_21 = arith.constant 0 : index
    %get3A_22 = vector.load %arg6[%get3A_20, %get3A_21] : memref<256x128xf32, #tpu.memory_space<vmem>>, vector<256x128xf32>
    %dot_general3A = arith.constant dense<0.000000e+00> : vector<10000x256xf32>
    %dot_general3A_23 = tpu.matmul %div3A_15, %get3A_22, %dot_general3A {dimension_numbers = #tpu.dot_dimension_numbers<[1], [1], [0], [0], [0, 0, 1, 0], [], []>, transpose_lhs_hint = false} : vector<10000x128xf32>, vector<256x128xf32>, vector<10000x256xf32> -> vector<10000x256xf32>
    %get3A_24 = arith.constant 0 : index
    %get3A_25 = arith.constant 0 : index
    %get3A_26 = vector.load %arg7[%get3A_24, %get3A_25] : memref<1x256xf32, #tpu.memory_space<vmem>>, vector<1x256xf32>
    %add3A_27 = vector.broadcast %get3A_26 : vector<1x256xf32> to vector<10000x256xf32>
    %add3A_28 = arith.addf %dot_general3A_23, %add3A_27 : vector<10000x256xf32>
    %get3A_29 = arith.constant 0 : index
    %get3A_30 = arith.constant 0 : index
    %get3A_31 = vector.load %arg8[%get3A_29, %get3A_30] : memref<256x128xf32, #tpu.memory_space<vmem>>, vector<256x128xf32>
    %dot_general3A_32 = arith.constant dense<0.000000e+00> : vector<10000x256xf32>
    %dot_general3A_33 = tpu.matmul %convert_element_type3A_19, %get3A_31, %dot_general3A_32 {dimension_numbers = #tpu.dot_dimension_numbers<[1], [1], [0], [0], [0, 0, 1, 0], [], []>, transpose_lhs_hint = false} : vector<10000x128xf32>, vector<256x128xf32>, vector<10000x256xf32> -> vector<10000x256xf32>
    %add3A_34 = arith.addf %add3A_28, %dot_general3A_33 : vector<10000x256xf32>
    %mul3A = arith.mulf %add3A_34, %add3A_34 : vector<10000x256xf32>
    %reduce_sum3A = arith.constant dense<0.000000e+00> : vector<10000xf32>
    %reduce_sum3A_35 = vector.multi_reduction <add>, %mul3A, %reduce_sum3A [1] : vector<10000x256xf32> to vector<10000xf32>
    %broadcast_in_dim3A = vector.shape_cast %reduce_sum3A_35 : vector<10000xf32> to vector<10000x1xf32>
    %sqrt3A = math.sqrt %broadcast_in_dim3A : vector<10000x1xf32>
    %max3A_36 = arith.constant 9.99999996E-13 : f32
    %max3A_37 = vector.broadcast %max3A_36 : f32 to vector<10000x1xf32>
    %max3A_38 = arith.maximumf %sqrt3A, %max3A_37 : vector<10000x1xf32>
    %div3A_39 = vector.broadcast %max3A_38 : vector<10000x1xf32> to vector<10000x256xf32>
    %div3A_40 = arith.divf %add3A_34, %div3A_39 : vector<10000x256xf32>
    %iota3A = tpu.iota {dimensions = array<i32: 0>} : vector<64x10000xi32>
    %get3A_41 = arith.constant 0 : index
    %get3A_42 = arith.constant 0 : index
    %get3A_43 = arith.constant 0 : index
    %get3A_44 = vector.load %arg9[%get3A_41, %get3A_42, %get3A_43] : memref<1x1x10000xi32, #tpu.memory_space<vmem>>, vector<1x1x10000xi32>
    %get3A_45 = vector.shape_cast %get3A_44 : vector<1x1x10000xi32> to vector<1x10000xi32>
    %eq3A = vector.broadcast %get3A_45 : vector<1x10000xi32> to vector<64x10000xi32>
    %eq3A_46 = arith.cmpi eq, %iota3A, %eq3A : vector<64x10000xi32>
    %jit3A = arith.constant 1.000000e+00 : f32
    %jit3A_47 = arith.constant 0.000000e+00 : f32
    %broadcast_in_dim3A_48 = vector.broadcast %jit3A : f32 to vector<64x10000xf32>
    %broadcast_in_dim3A_49 = vector.broadcast %jit3A_47 : f32 to vector<64x10000xf32>
    %select_n3A = arith.select %eq3A_46, %broadcast_in_dim3A_48, %broadcast_in_dim3A_49 : vector<64x10000xi1>, vector<64x10000xf32>
    %eq3A_50 = arith.constant 0 : i32
    %eq3A_51 = arith.cmpi eq, %arg0, %eq3A_50 : i32
    %convert_element_type3A_52 = arith.extui %eq3A_51 : i1 to i32
    %cond3A = arith.constant 0 : i32
    %cond3A_53 = arith.cmpi ne, %convert_element_type3A_52, %cond3A : i32
    scf.if %cond3A_53 {
      %broadcast_in_dim3A_77 = arith.constant 0.000000e+00 : f32
      %broadcast_in_dim3A_78 = vector.broadcast %broadcast_in_dim3A_77 : f32 to vector<64x256xf32>
      %swap3A_79 = arith.constant 0 : index
      %swap3A_80 = arith.constant 0 : index
      %swap3A_81 = vector.load %arg13[%swap3A_79, %swap3A_80] : memref<64x256xf32, #tpu.memory_space<vmem>>, vector<64x256xf32>
      tpu.vector_store %arg13[%swap3A_79, %swap3A_80], %broadcast_in_dim3A_78 {strides = array<i32>} : memref<64x256xf32, #tpu.memory_space<vmem>>, vector<64x256xf32>,
      %broadcast_in_dim3A_82 = arith.constant 0.000000e+00 : f32
      %broadcast_in_dim3A_83 = vector.broadcast %broadcast_in_dim3A_82 : f32 to vector<64x1xf32>
      %swap3A_84 = arith.constant 0 : index
      %swap3A_85 = arith.constant 0 : index
      %swap3A_86 = vector.load %arg14[%swap3A_84, %swap3A_85] : memref<64x1xf32, #tpu.memory_space<vmem>>, vector<64x1xf32>
      tpu.vector_store %arg14[%swap3A_84, %swap3A_85], %broadcast_in_dim3A_83 {strides = array<i32>} : memref<64x1xf32, #tpu.memory_space<vmem>>, vector<64x1xf32>,
    } else {
    }
    %get3A_54 = arith.constant 0 : index
    %get3A_55 = arith.constant 0 : index
    %get3A_56 = vector.load %arg13[%get3A_54, %get3A_55] : memref<64x256xf32, #tpu.memory_space<vmem>>, vector<64x256xf32>
    %dot_general3A_57 = arith.constant dense<0.000000e+00> : vector<64x256xf32>
    %dot_general3A_58 = tpu.matmul %select_n3A, %div3A_40, %dot_general3A_57 {dimension_numbers = #tpu.dot_dimension_numbers<[1], [0], [0], [1], [0, 0, 1, 1], [], []>, transpose_lhs_hint = false} : vector<64x10000xf32>, vector<10000x256xf32>, vector<64x256xf32> -> vector<64x256xf32>
    %add3A_59 = arith.addf %get3A_56, %dot_general3A_58 : vector<64x256xf32>
    %swap3A = arith.constant 0 : index
    %swap3A_60 = arith.constant 0 : index
    %swap3A_61 = vector.load %arg13[%swap3A, %swap3A_60] : memref<64x256xf32, #tpu.memory_space<vmem>>, vector<64x256xf32>
    tpu.vector_store %arg13[%swap3A, %swap3A_60], %add3A_59 {strides = array<i32>} : memref<64x256xf32, #tpu.memory_space<vmem>>, vector<64x256xf32>,
    %get3A_62 = arith.constant 0 : index
    %get3A_63 = arith.constant 0 : index
    %get3A_64 = vector.load %arg14[%get3A_62, %get3A_63] : memref<64x1xf32, #tpu.memory_space<vmem>>, vector<64x1xf32>
    %reduce_sum3A_65 = arith.constant dense<0.000000e+00> : vector<64xf32>
    %reduce_sum3A_66 = vector.multi_reduction <add>, %select_n3A, %reduce_sum3A_65 [1] : vector<64x10000xf32> to vector<64xf32>
    %broadcast_in_dim3A_67 = vector.shape_cast %reduce_sum3A_66 : vector<64xf32> to vector<64x1xf32>
    %add3A_68 = arith.addf %get3A_64, %broadcast_in_dim3A_67 : vector<64x1xf32>
    %swap3A_69 = arith.constant 0 : index
    %swap3A_70 = arith.constant 0 : index
    %swap3A_71 = vector.load %arg14[%swap3A_69, %swap3A_70] : memref<64x1xf32, #tpu.memory_space<vmem>>, vector<64x1xf32>
    tpu.vector_store %arg14[%swap3A_69, %swap3A_70], %add3A_68 {strides = array<i32>} : memref<64x1xf32, #tpu.memory_space<vmem>>, vector<64x1xf32>,
    %eq3A_72 = arith.constant 0 : i32
    %eq3A_73 = arith.cmpi eq, %arg0, %eq3A_72 : i32
    %convert_element_type3A_74 = arith.extui %eq3A_73 : i1 to i32
    %cond3A_75 = arith.constant 0 : i32
    %cond3A_76 = arith.cmpi ne, %convert_element_type3A_74, %cond3A_75 : i32
    scf.if %cond3A_76 {
      %get3A_77 = arith.constant 0 : index
      %get3A_78 = arith.constant 0 : index
      %get3A_79 = vector.load %arg13[%get3A_77, %get3A_78] : memref<64x256xf32, #tpu.memory_space<vmem>>, vector<64x256xf32>
      %get3A_80 = arith.constant 0 : index
      %get3A_81 = arith.constant 0 : index
      %get3A_82 = vector.load %arg14[%get3A_80, %get3A_81] : memref<64x1xf32, #tpu.memory_space<vmem>>, vector<64x1xf32>
      %max3A_83 = arith.constant 1.000000e+00 : f32
      %max3A_84 = vector.broadcast %max3A_83 : f32 to vector<64x1xf32>
      %max3A_85 = arith.maximumf %get3A_82, %max3A_84 : vector<64x1xf32>
      %div3A_86 = vector.broadcast %max3A_85 : vector<64x1xf32> to vector<64x256xf32>
      %div3A_87 = arith.divf %get3A_79, %div3A_86 : vector<64x256xf32>
      %get3A_88 = arith.constant 0 : index
      %get3A_89 = arith.constant 0 : index
      %get3A_90 = vector.load %arg10[%get3A_88, %get3A_89] : memref<1x256xf32, #tpu.memory_space<vmem>>, vector<1x256xf32>
      %mul3A_91 = vector.broadcast %get3A_90 : vector<1x256xf32> to vector<64x256xf32>
      %mul3A_92 = arith.mulf %div3A_87, %mul3A_91 : vector<64x256xf32>
      %reduce_sum3A_93 = arith.constant dense<0.000000e+00> : vector<64xf32>
      %reduce_sum3A_94 = vector.multi_reduction <add>, %mul3A_92, %reduce_sum3A_93 [1] : vector<64x256xf32> to vector<64xf32>
      %broadcast_in_dim3A_95 = vector.shape_cast %reduce_sum3A_94 : vector<64xf32> to vector<64x1xf32>
      %get3A_96 = arith.constant 0 : index
      %get3A_97 = arith.constant 0 : index
      %get3A_98 = vector.load %arg11[%get3A_96, %get3A_97] : memref<1x1xf32, #tpu.memory_space<vmem>>, vector<1x1xf32>
      %get3A_99 = vector.extract %get3A_98[0, 0] : f32 from vector<1x1xf32>
      %add3A_100 = vector.broadcast %get3A_99 : f32 to vector<64x1xf32>
      %add3A_101 = arith.addf %broadcast_in_dim3A_95, %add3A_100 : vector<64x1xf32>
      %logistic3A = arith.negf %add3A_101 : vector<64x1xf32>
      %logistic3A_102 = math.exp %logistic3A : vector<64x1xf32>
      %logistic3A_103 = arith.constant 1.000000e+00 : f32
      %logistic3A_104 = vector.broadcast %logistic3A_103 : f32 to vector<64x1xf32>
      %logistic3A_105 = arith.addf %logistic3A_104, %logistic3A_102 : vector<64x1xf32>
      %logistic3A_106 = arith.divf %logistic3A_104, %logistic3A_105 : vector<64x1xf32>
      %swap3A_107 = arith.constant 0 : index
      %swap3A_108 = arith.constant 0 : index
      %swap3A_109 = vector.load %arg12[%swap3A_107, %swap3A_108] : memref<64x1xf32, #tpu.memory_space<vmem>>, vector<64x1xf32>
      tpu.vector_store %arg12[%swap3A_107, %swap3A_108], %logistic3A_106 {strides = array<i32>} : memref<64x1xf32, #tpu.memory_space<vmem>>, vector<64x1xf32>,
    } else {
    }
    return
  }
  func.func @transform_0(%arg0: i32) -> (i32, i32) {
    %c0_i32 = arith.constant 0 : i32
    %c0_i32_0 = arith.constant 0 : i32
    return %arg0, %c0_i32 : i32, i32
  }
  func.func @transform_1(%arg0: i32) -> (i32, i32) {
    %add3A = arith.constant 1 : i32
    %add3A_0 = arith.addi %arg0, %add3A : i32
    %c0_i32 = arith.constant 0 : i32
    %c0_i32_1 = arith.constant 0 : i32
    return %add3A_0, %c0_i32 : i32, i32
  }
  func.func @transform_2(%arg0: i32) -> (i32, i32) {
    %c0_i32 = arith.constant 0 : i32
    %c0_i32_0 = arith.constant 0 : i32
    return %arg0, %c0_i32 : i32, i32
  }
  func.func @transform_3(%arg0: i32) -> (i32, i32) {
    %add3A = arith.constant 1 : i32
    %add3A_0 = arith.addi %arg0, %add3A : i32
    %c0_i32 = arith.constant 0 : i32
    %c0_i32_1 = arith.constant 0 : i32
    return %add3A_0, %c0_i32 : i32, i32
  }
  func.func @transform_4(%arg0: i32) -> (i32, i32) {
    %c0_i32 = arith.constant 0 : i32
    %c0_i32_0 = arith.constant 0 : i32
    return %arg0, %c0_i32 : i32, i32
  }
  func.func @transform_5(%arg0: i32) -> (i32, i32) {
    %c0_i32 = arith.constant 0 : i32
    %c0_i32_0 = arith.constant 0 : i32
    %c0_i32_1 = arith.constant 0 : i32
    return %c0_i32, %c0_i32_0 : i32, i32
  }
  func.func @transform_6(%arg0: i32) -> (i32, i32) {
    %c0_i32 = arith.constant 0 : i32
    %c0_i32_0 = arith.constant 0 : i32
    %c0_i32_1 = arith.constant 0 : i32
    return %c0_i32, %c0_i32_0 : i32, i32
  }
  func.func @transform_7(%arg0: i32) -> (i32, i32) {
    %c0_i32 = arith.constant 0 : i32
    %c0_i32_0 = arith.constant 0 : i32
    %c0_i32_1 = arith.constant 0 : i32
    return %c0_i32, %c0_i32_0 : i32, i32
  }
  func.func @transform_8(%arg0: i32) -> (i32, i32, i32) {
    %c0_i32 = arith.constant 0 : i32
    %c0_i32_0 = arith.constant 0 : i32
    %c0_i32_1 = arith.constant 0 : i32
    return %arg0, %c0_i32, %c0_i32_0 : i32, i32, i32
  }
  func.func @transform_9(%arg0: i32) -> (i32, i32) {
    %c0_i32 = arith.constant 0 : i32
    %c0_i32_0 = arith.constant 0 : i32
    %c0_i32_1 = arith.constant 0 : i32
    return %c0_i32, %c0_i32_0 : i32, i32
  }
  func.func @transform_10(%arg0: i32) -> (i32, i32) {
    %c0_i32 = arith.constant 0 : i32
    %c0_i32_0 = arith.constant 0 : i32
    %c0_i32_1 = arith.constant 0 : i32
    return %c0_i32, %c0_i32_0 : i32, i32
  }
  func.func @transform_11(%arg0: i32) -> (i32, i32) {
    %c0_i32 = arith.constant 0 : i32
    %c0_i32_0 = arith.constant 0 : i32
    %c0_i32_1 = arith.constant 0 : i32
    return %c0_i32, %c0_i32_0 : i32, i32
  }
}

</mosaic_0001>

<sc_bundles>
// kernel: kernel.11.cloned.1.call-start
scs
__scs_entry_jumppad:
0x0: {  	(pc) =	sbr.rel $0x88, $3  }
0x1: {  	(tag) =	ssettag $0x0;
	lr =	simm.s32 $0x1  }
0x2: {  	[smem:$0x3F94] =	sst lr;
	_ =	strace $0xD0000000  }
0x3: {  	_ = 	snop  }
0x4: {  	_ = 	snop  }
0x5: {  	_ = 	snop  }
0x6: {  	_ = 	snop  }
0x7: {  	_ = 	snop  }
__scs_overlays_trampoline_lowered:
0x8: {  	[smem:$0x3FA3] =	sst s0  }
0x9: {  	[smem:$0x3FA4] =	sst s1  }
0xa: {  	[smem:$0x3FA5] =	sst s2  }
0xb: {  	[smem:$0x3FA6] =	sst s3  }
0xc: {  	[smem:$0x3FA7] =	sst s4  }
0xd: {  	[smem:$0x3FA8] =	sst s5  }
0xe: {  	[smem:$0x3FA9] =	sst s6  }
0xf: {  	[smem:$0x3FAA] =	sst s7  }
0x10: {  	[smem:$0x3FAB] =	sst s8  }
0x11: {  	[smem:$0x3FAC] =	sst s9;
	s0 =	simm.s32 @!p0 $0x0  }
0x12: {  	s1 =	sld [smem:$0x3F92];
	s0 =	simm.s32 @p0 $0x1  }
0x13: {  	[smem:$0x3FAD] =	sst s0;
	s0 =	simm.s32 @!p1 $0x0  }
0x14: {  	s2 =	sld [smem:$0x3F91];
	s0 =	simm.s32 @p1 $0x1  }
0x15: {  	[smem:$0x3FAE] =	sst s0;
	s0 =	simm.s32 @!p2 $0x0  }
0x16: {  	s3 =	sld [smem:$0x3FDB];
	s0 =	simm.s32 @p2 $0x1  }
0x17: {  	s4 =	simm.s32 $0x1BF5;
	[smem:$0x3FB0] =	sst s0  }
0x18: {  	s0 =	sld [smem:$0x3F93];
	_ =	swait.ge [sflag:s4], $0x0  }
0x19: {  	s7 =	sld [smem:$0x3F94]  }
0x1a: {  	s8 =	sadd.s32 $0xFFFFE003, lr  }
0x1b: {  	s9 =	sadd.s32 $0xFFFFFEF7, lr;
	s5 =	simm.s32 $0xFFFFFFFF;
	p2 =	slt.u32 s8, $0xFFFFF086  }
0x1c: {  	p1 =	slt.u32 s9, $0xF7A;
	s5 =	simm.s32 @!p2 $0x0  }
0x1d: {  	s5 =	simm.s32 @p1 $0x1;
	p0 =	seq.s32 s7, s2  }
0x1e: {  	s7 =	smul.u32 @!p0 $0xF7A, s2;
	p2 =	seq.s32 @!p0 s5, $0x0  }
0x1f: {  	s9 =	smul.u32 $0xF7A, s1;
	s8 =	simm.s32 @!p0 $0x1BF5;
	p2 =	por !p2, p0  }
0x20: {  	[sflag:s8] =	ssyncset.s32 @!p0 $0xFFFFF086;
	s6 =	sadd.s32 @!p0 s3, s7;
	s7 =	simm.s32 @!p0 $0x108  }
0x21: {  	s3 =	sadd.s32 s3, s9;
	s6 =	sadd.s32 @!p0 $0x88, s6;
	s7 =	simm.s32 @p2 $0x1082  }
0x22: {  	[simem:s7], [sflag:s8] =	dma.local @!p0 [hbm:s6], $0xF7A  }
0x23: {  	s9 =	sor.u32 $0xD0000000, s2;
	s6 =	simm.s32 $0x108;
	_ =	swait.ge @!p0 [sflag:s8], $0x0  }
0x24: {  	s3 =	sadd.s32 $0x88, s3;
	s6 =	simm.s32 @!p1 $0x1082;
	[sflag:s4] =	ssyncset.s32 $0xFFFFF086  }
0x25: {  	[simem:s6], [sflag:s4] =	dma.local [hbm:s3], $0xF7A  }
0x26: {  	[smem:$0x3F94] =	sst s1;
	(tag) =	ssettag s2;
	_ =	strace s9  }
0x27: {  	s1 =	sld [smem:$0x3FA4]  }
0x28: {  	s2 =	sld [smem:$0x3FA5]  }
0x29: {  	s4 =	sld [smem:$0x3FA7]  }
0x2a: {  	p0 =	seq.s32 s5, $0x0;
	s5 =	sld [smem:$0x3FA8]  }
0x2b: {  	s6 =	sld [smem:$0x3FA9]  }
0x2c: {  	s7 =	sld [smem:$0x3FAA]  }
0x2d: {  	s3 =	simm.s32 $0x108;
	s8 =	sld [smem:$0x3FAB]  }
0x2e: {  	s3 =	simm.s32 @!p0 $0x1082;
	s9 =	sld [smem:$0x3FAC]  }
0x2f: {  	lr =	sadd.s32 s0, s3;
	s0 =	sld [smem:$0x3FA3]  }
0x30: {  	s3 =	sld [smem:$0x3FA6]  }
0x31: {  	[smem:$0x3FAF] =	sst s10  }
0x32: {  	s10 =	sld [smem:$0x3FAD];
	_ =	sdelay $0x3  }
0x33: {  	p0 =	seq.s32 s10, $0x1;
	s10 =	sld [smem:$0x3FAF];
	_ =	sdelay $0x3  }
0x34: {  	[smem:$0x3FAF] =	sst s10  }
0x35: {  	s10 =	sld [smem:$0x3FAE];
	_ =	sdelay $0x3  }
0x36: {  	p1 =	seq.s32 s10, $0x1;
	s10 =	sld [smem:$0x3FAF];
	_ =	sdelay $0x3  }
0x37: {  	[smem:$0x3FAF] =	sst s10  }
0x38: {  	s10 =	sld [smem:$0x3FB0]  }
0x39: {  	_ = 	snop;
	(pc) =	sbr.ind lr, $3  }
0x3a: {  	_ = 	snop  }
0x3b: {  	_ = 	snop  }
0x3c: {  	p2 =	seq.s32 s10, $0x1;
	s10 =	sld [smem:$0x3FAF]  }
0x3d: {  	_ =	shalt  }
0x3e: {  	_ =	shalt  }
0x3f: {  	_ =	shalt  }
0x40: {  	_ =	shalt  }
0x41: {  	_ =	shalt  }
0x42: {  	_ =	shalt  }
0x43: {  	_ =	shalt  }
0x44: {  	_ =	shalt  }
0x45: {  	_ =	shalt  }
0x46: {  	_ =	shalt  }
0x47: {  	_ =	shalt  }
0x48: {  	_ =	shalt  }
0x49: {  	_ =	shalt  }
0x4a: {  	_ =	shalt  }
0x4b: {  	_ =	shalt  }
0x4c: {  	_ =	shalt  }
0x4d: {  	_ =	shalt  }
0x4e: {  	_ =	shalt  }
0x4f: {  	_ =	shalt  }
0x50: {  	_ =	shalt  }
0x51: {  	_ =	shalt  }
0x52: {  	_ =	shalt  }
0x53: {  	_ =	shalt  }
0x54: {  	_ =	shalt  }
0x55: {  	_ =	shalt  }
0x56: {  	_ =	shalt  }
0x57: {  	_ =	shalt  }
0x58: {  	_ =	shalt  }
0x59: {  	_ =	shalt  }
0x5a: {  	_ =	shalt  }
0x5b: {  	_ =	shalt  }
0x5c: {  	_ =	shalt  }
0x5d: {  	_ =	shalt  }
0x5e: {  	_ =	shalt  }
0x5f: {  	_ =	shalt  }
0x60: {  	_ =	shalt  }
0x61: {  	_ =	shalt  }
0x62: {  	_ =	shalt  }
0x63: {  	_ =	shalt  }
0x64: {  	_ =	shalt  }
0x65: {  	_ =	shalt  }
0x66: {  	_ =	shalt  }
0x67: {  	_ =	shalt  }
0x68: {  	_ =	shalt  }
0x69: {  	_ =	shalt  }
0x6a: {  	_ =	shalt  }
0x6b: {  	_ =	shalt  }
0x6c: {  	_ =	shalt  }
0x6d: {  	_ =	shalt  }
0x6e: {  	_ =	shalt  }
0x6f: {  	_ =	shalt  }
0x70: {  	_ =	shalt  }
0x71: {  	_ =	shalt  }
0x72: {  	_ =	shalt  }
0x73: {  	_ =	shalt  }
0x74: {  	_ =	shalt  }
0x75: {  	_ =	shalt  }
0x76: {  	_ =	shalt  }
0x77: {  	_ =	shalt  }
0x78: {  	_ =	shalt  }
0x79: {  	_ =	shalt  }
0x7a: {  	_ =	shalt  }
0x7b: {  	_ =	shalt  }
0x7c: {  	_ =	shalt  }
0x7d: {  	_ =	shalt  }
0x7e: {  	_ =	shalt  }
0x7f: {  	_ =	shalt  }
0x80: {  	_ =	shalt  }
0x81: {  	_ =	shalt  }
0x82: {  	_ =	shalt  }
0x83: {  	_ =	shalt  }
0x84: {  	_ =	shalt  }
0x85: {  	_ =	shalt  }
0x86: {  	_ =	shalt  }
0x87: {  	_ =	shalt  }
.Lfunc_end0:
.L_simem_size_0:
called_computation.1_lowered:
.L_overlay_start_0:
0x88: {  	s2 =	sld [smem:$0x3FD9]  }
0x89: {  	s3 =	sld [smem:$0x3FFE];
	_ =	sdelay $0x1  }
0x8a: {  	s1 =	srdreg.scid  }
0x8b: {  	s0 =	sand.u32 $0x1, s1  }
0x8c: {  	s16 =	sshll.u32 s0, $0xA;
	s2 =	sadd.s32 s3, s2  }
0x8d: {  	s2 =	sadd.s32 s2, s16  }
0x8e: {  	[smem:$0x3FBB] =	sst s2  }
0x8f: {  	_ = 	snop  }
0x90: {  	(tm) =	ssettm $0x1  }
0x91: {  	s17 =	sld [smem:$0x3FFB];
	_ =	sdelay $0x3  }
0x92: {  	_ =	strace s17  }
0x93: {  	s2 =	sld [smem:$0x3FFC];
	_ =	sdelay $0x3  }
0x94: {  	_ =	strace s2  }
0x95: {  	s2 =	sld [smem:$0x3FFD];
	_ =	sdelay $0x3  }
0x96: {  	_ =	strace s2  }
0x97: {  	_ =	strace $0x8FFFFFFF  }
0x98: {  	s18 =	sld [smem:$0x3FDB];
	_ =	sdelay $0x1  }
0x99: {  	s19 =	simm.s32 $_scs_section_size  }
0x9a: {  	s4 =	simm.s32 $_size__tile_overlayer_lowered;
	s5 =	simm.s32 $_tile_overlayer_lowered  }
0x9b: {  	s22 =	simm.s32 $0x1BFF;
	s21 =	sshll.u32 s5, $0x1;
	s2 =	sadd.s32 s19, s18  }
0x9c: {  	s6 =	simm.s32 $0x0;
	s20 =	sshll.u32 s4, $0x1;
	s4 =	sadd.s32 s21, s2  }
0x9d: {  	[timem:s6], [sflag:s22] =	dma.local [hbm:s4], s20  }
0x9e: {  	_ =	swait.ge [sflag:s22], s20  }
0x9f: {  	s3 =	ssub.s32 $0x0, s20;
	[sflag:s22] =	ssyncset.done $0x0  }
0xa0: {  	[sflag:s22] =	ssyncadd.s32 s3;
	_ =	sdelay $0x1  }
0xa1: {  	s23 =	simm.s32 $0x1B8B  }
0xa2: {  	_ =	swait.ge [sflag:s23], $0x1  }
0xa3: {  	[sflag:s23] =	ssyncset.done $0x0  }
0xa4: {  	s25 =	simm.s32 $0x1B8E;
	s24 =	sld [smem:$0x3FFE];
	[sflag:s23] =	ssyncadd.s32 $0xFFFFFFFF  }
0xa5: {  	s26 =	simm.s32 $execute0_lowered;
	[smem:$0x3FD2] =	sst s25  }
0xa6: {  	s4 =	sshll.u32 s26, $0x1;
	_ =	strace $0x80000046;
	[dreg:$0x1] =	wrdreg $0xFFFFFFFF  }
0xa7: {  	s28 =	simm.s32 $_size_execute0_lowered;
	s2 =	sadd.s32 s2, s4;
	[dreg:$0x0] =	wrdreg $0x0  }
0xa8: {  	s4 =	sshll.u32 s28, $0x1;
	[dreg:$0x2] =	wrdreg s2  }
0xa9: {  	[dreg:$0x3] =	wrdreg s4  }
0xaa: {  	[dreg:$0x4] =	wrdreg $0xC0  }
0xab: {  	_ =	task [dreg:s6], $0x5FFFF  }
0xac: {  	[dreg:$0x1] =	wrdreg $0xFFFFFFFF  }
0xad: {  	[dreg:$0x0] =	wrdreg $0x60  }
0xae: {  	[dreg:$0x2] =	wrdreg s24  }
0xaf: {  	[dreg:$0x3] =	wrdreg $0x62200  }
0xb0: {  	[dreg:$0x4] =	wrdreg $0xA  }
0xb1: {  	_ =	task.clear_ibuf [dreg:s6], $0x5FFFF;
	_ =	strace $0x90000046  }
0xb2: {  	s29 =	simm.s32 $0xA;
	_ =	strace $0x80000048  }
0xb3: {  	_ =	swait.ge [sflag:s29], $0x1  }
0xb4: {  	[sflag:s29] =	ssyncadd.s32 $0xFFFFFFFF  }
0xb5: {  	_ =	strace $0x90000048  }
0xb6: {  	_ =	sfence  }
0xb7: {  	s30 =	sld [smem:$0x0];
	_ =	sdelay $0x2  }
0xb8: {  	s31 =	sshll.u32 s1, $0xD;
	s1 =	sshrl.u32 s1, $0x2  }
0xb9: {  	s3 =	sand.u32 $0x4000, s31;
	s1 =	sadd.s32 s1, s30  }
0xba: {  	s0 =	sor.u32 s3, s0;
	s1 =	sshll.u32 s1, $0x11  }
0xbb: {  	s0 =	sor.u32 s1, s0  }
0xbc: {  	s0 =	sadd.s32 $0x8F2B, s0  }
0xbd: {  	[sflag:s0] =	ssyncadd.remote.s32 $0x1  }
0xbe: {  	_ =	sfence.sel $0xFFFF  }
0xbf: {  	[dreg:$0x0] =	wrdreg $0xFFFFFFFF;
	(pc) =	sbr.abs _section_cstart, $3  }
0xc0: {  	[dreg:$0x1] =	wrdreg $0xFFFFFFFF  }
0xc1: {  	_ =	task.clear_ibuf [dreg:s6], $0x2FFFF;
	_ =	strace $0x9FFFFFFF  }
0xc2: {  	(tm) =	ssettm $0x7FFFFFFF  }
0xc3: {  	_ =	shalt  }
tec
execute0_lowered:
.L_overlay_start_1:
0x0: {  	(tag) =	ssettag $0x1  }
0x1: {  	s0 =	rddreg [dreg:$0x0]  }
0x2: {  	s1 =	rddreg [dreg:$0x1]  }
0x3: {  	s2 =	srdreg.scid;
	s3 =	stileid.u32  }
0x4: {  	s5 =	simm.s32 $0x0;
	s2 =	sand.u32 $0x1, s2;
	s7 =	smul.u32 $0x28000, s3  }
0x5: {  	[smem:$0x7FF] =	sst s5;
	s8 =	sadd.s32 $0x29000, s0;
	s25 =	smul.u32 $0x280, s3  }
0x6: {  	s4 =	sshll.u32 s2, $0x4;
	_ =	strace $0x80000047;
	s6 =	ssub.s32 $0x2, s2  }
0x7: {  	[dreg:$0x3] =	wrdreg s8;
	s2 =	smul.u32 $0x2710, s2;
	s23 =	sshrl.u32 s6, $0x1  }
0x8: {  	s4 =	sor.u32 s3, s4;
	s7 =	sshrl.u32 s7, $0x2;
	s6 =	ssub.s32 s6, s23  }
0x9: {  	s22 =	smul.u32 $0x4E2, s4;
	s13 =	sadd.s32 s7, s1;
	s20 =	smax.u32 s6, $0x1  }
0xa: {  	s4 =	sadd.s32 $0x15600, s0;
	s18 =	sadd.s32 $0x8C00, s13;
	[dreg:$0xe] =	wrdreg s20  }
0xb: {  	s10 =	sadd.s32 $0x2800, s13;
	s17 =	sadd.s32 $0x7800, s13;
	[dreg:$0x6] =	wrdreg s18  }
0xc: {  	s19 =	sadd.s32 $0x3C00, s13;
	s16 =	sadd.s32 $0x6400, s13;
	[dreg:$0x7] =	wrdreg s17  }
0xd: {  	s5 =	sadd.s32 s22, s0;
	s0 =	sadd.s32 $0x29400, s0;
	[dreg:$0xf] =	wrdreg s16  }
0xe: {  	[dreg:$0x10] =	wrdreg s19;
	s24 =	sadd.s32 $0xB800, s5;
	s5 =	sadd.s32 $0x1A00, s5  }
0xf: {  	[dreg:$0x5] =	wrdreg s5;
	s5 =	sadd.s32 s25, s2;
	s2 =	sshll.u32 s2, $0x3  }
0x10: {  	s29 =	simm.s32 $0x11260;
	[dreg:$0x11] =	wrdreg s10;
	s2 =	sadd.s32 s0, s2  }
0x11: {  	s30 =	simm.s32 $0x12660;
	[dreg:$0x4] =	wrdreg s24;
	s26 =	sadd.s32 $0x12C00, s2  }
0x12: {  	s31 =	simm.s32 $0x14E60;
	s28 =	sadd.s32 $0x12E80, s2;
	[dreg:$0x9] =	wrdreg s26  }
0x13: {  	s11 =	sadd.s32 $0x96000, s1;
	s7 =	sadd.s32 $0x13100, s2;
	[dreg:$0xa] =	wrdreg s28  }
0x14: {  	s12 =	sadd.s32 $0x97400, s1;
	s8 =	sadd.s32 $0x13380, s2;
	[dreg:$0xb] =	wrdreg s7  }
0x15: {  	s5 =	sshll.u32 s5, $0x3;
	s2 =	sadd.s32 $0x13600, s2;
	[dreg:$0xc] =	wrdreg s8  }
0x16: {  	s15 =	sadd.s32 $0x98800, s1;
	s0 =	sadd.s32 s0, s5;
	[dreg:$0xd] =	wrdreg s2  }
0x17: {  	p0 =	seq.s32 s3, $0xF;
	s21 =	sadd.s32 $0x280, s0;
	[dreg:$0x8] =	wrdreg s0  }
0x18: {  	s9 =	sadd.s32 $0x1400, s13;
	s22 =	sadd.s32 $0x500, s0;
	[dreg:$0x12] =	wrdreg s21  }
0x19: {  	s14 =	sadd.s32 $0x5000, s13;
	s23 =	sadd.s32 $0x780, s0;
	[dreg:$0x13] =	wrdreg s22  }
0x1a: {  	s6 =	simm.s32 $0x0;
	s24 =	sadd.s32 $0xA00, s0;
	[dreg:$0x14] =	wrdreg s23  }
0x1b: {  	s20 =	simm.s32 $0x13A60;
	s25 =	sadd.s32 $0xC80, s0;
	[dreg:$0x15] =	wrdreg s24  }
0x1c: {  	s5 =	sadd.s32 $0x99C00, s1;
	s28 =	sadd.s32 $0xF00, s0;
	[dreg:$0x16] =	wrdreg s25  }
0x1d: {  	s26 =	sadd.s32 $0x9B000, s1;
	s0 =	sadd.s32 $0x1180, s0;
	[dreg:$0x17] =	wrdreg s28  }
0x1e: {  	s7 =	simm.s32 $0x6;
	s2 =	simm.s32 $0x5;
	[dreg:$0x18] =	wrdreg s0  }
0x1f: {  	s21 =	simm.s32 $0x3;
	s22 =	simm.s32 $0x1;
	s23 =	simm.s32 $0x2  }
0x20: {  	s24 =	simm.s32 $0x50;
	s25 =	simm.s32 $0xFE60;
	s0 =	simm.s32 $0x4  }
.LBB2_1:
0x21: {  	[dreg:$0x19] =	wrdreg s6  }
0x22: {  	s3 =	simm.s32 $0x0;
	s8 =	rddreg [dreg:$0x3]  }
0x23: {  	[tilespmem:s3], [sflag:$0x6] =	stream.linear.gather [hbm4b:s8+s3], $0x1400, $0x38;
	[tilespmem:$0x16260] =	vst v63  }
0x24: {  	_ =	swait.ge [sflag:s7], $0x1400  }
0x25: {  	[sflag:s7] =	ssyncset.done $0x0  }
0x26: {  	s8 =	simm.s32 $0x1400;
	s6 =	rddreg [dreg:$0x4];
	[sflag:s7] =	ssyncadd.s32 $0xFFFFEC00  }
0x27: {  	[tilespmem:s8], [sflag:$0x1] =	stream.linear.gather [hbm4b:s6+s3], $0x2710, $0x38;
	[tilespmem:$0x16260] =	vst v63  }
0x28: {  	s28 =	simm.s32 $0x3B10;
	s6 =	rddreg [dreg:$0x5]  }
0x29: {  	[tilespmem:s28], [sflag:$0x2] =	stream.linear.gather [hbm4b:s6+s3], $0x2710, $0x38;
	[tilespmem:$0x16260] =	vst v63  }
0x2a: {  	s6 =	simm.s32 @p0 $0x0  }
0x2b: {  	[spmem:s11] =	stream.linear.scatter @p0 [tilespmem:s6], [sflag:$0x3], $0x1400, $0x38;
	[tilespmem:$0x16260] =	vst v63  }
0x2c: {  	_ = 	snop  }
0x2d: {  	[spmem:s12] =	stream.linear.scatter @p0 [tilespmem:s6], [sflag:$0x3], $0x1400, $0x38;
	[tilespmem:$0x16260] =	vst v63  }
0x2e: {  	_ = 	snop  }
0x2f: {  	[spmem:s15] =	stream.linear.scatter @p0 [tilespmem:s6], [sflag:$0x3], $0x1400, $0x38;
	[tilespmem:$0x16260] =	vst v63  }
0x30: {  	_ = 	snop  }
0x31: {  	[spmem:s5] =	stream.linear.scatter @p0 [tilespmem:s6], [sflag:$0x3], $0x1400, $0x38;
	[tilespmem:$0x16260] =	vst v63  }
0x32: {  	_ = 	snop  }
0x33: {  	[spmem:s26] =	stream.linear.scatter @p0 [tilespmem:s6], [sflag:$0x3], $0x1400, $0x38;
	[tilespmem:$0x16260] =	vst v63  }
0x34: {  	s6 =	simm.s32 @!p0 $0x0  }
0x35: {  	[spmem:s13] =	stream.linear.scatter @!p0 [tilespmem:s6], [sflag:$0x3], $0x1400, $0x38;
	[tilespmem:$0x16260] =	vst v63  }
0x36: {  	_ = 	snop  }
0x37: {  	[spmem:s9] =	stream.linear.scatter @!p0 [tilespmem:s6], [sflag:$0x3], $0x1400, $0x38;
	[tilespmem:$0x16260] =	vst v63  }
0x38: {  	_ = 	snop  }
0x39: {  	[spmem:s10] =	stream.linear.scatter @!p0 [tilespmem:s6], [sflag:$0x3], $0x1400, $0x38;
	[tilespmem:$0x16260] =	vst v63  }
0x3a: {  	_ = 	snop  }
0x3b: {  	[spmem:s19] =	stream.linear.scatter @!p0 [tilespmem:s6], [sflag:$0x3], $0x1400, $0x38;
	[tilespmem:$0x16260] =	vst v63  }
0x3c: {  	_ = 	snop  }
0x3d: {  	[spmem:s14] =	stream.linear.scatter @!p0 [tilespmem:s6], [sflag:$0x3], $0x1400, $0x38;
	[tilespmem:$0x16260] =	vst v63  }
0x3e: {  	s3 =	smov.u32 s16  }
0x3f: {  	[spmem:s3] =	stream.linear.scatter @!p0 [tilespmem:s6], [sflag:$0x3], $0x1400, $0x38;
	[tilespmem:$0x16260] =	vst v63  }
0x40: {  	_ = 	snop  }
0x41: {  	[spmem:s17] =	stream.linear.scatter @!p0 [tilespmem:s6], [sflag:$0x3], $0x1400, $0x38;
	[tilespmem:$0x16260] =	vst v63  }
0x42: {  	_ = 	snop  }
0x43: {  	[spmem:s18] =	stream.linear.scatter @!p0 [tilespmem:s6], [sflag:$0x3], $0x1400, $0x38;
	[tilespmem:$0x16260] =	vst v63  }
0x44: {  	s6 =	simm.s32 @!p0 $0x3  }
0x45: {  	_ =	swait.ge @!p0 [sflag:s6], $0x1400  }
0x46: {  	[sflag:s6] =	ssyncset.done @!p0 $0x0  }
0x47: {  	[sflag:s6] =	ssyncadd.s32 @!p0 $0xFFFFEC00  }
0x48: {  	_ =	swait.ge @!p0 [sflag:s6], $0x1400  }
0x49: {  	[sflag:s6] =	ssyncset.done @!p0 $0x0  }
0x4a: {  	[sflag:s6] =	ssyncadd.s32 @!p0 $0xFFFFEC00  }
0x4b: {  	_ =	swait.ge @!p0 [sflag:s6], $0x1400  }
0x4c: {  	[sflag:s6] =	ssyncset.done @!p0 $0x0  }
0x4d: {  	[sflag:s6] =	ssyncadd.s32 @!p0 $0xFFFFEC00  }
0x4e: {  	_ =	swait.ge [sflag:s21], $0x1400  }
0x4f: {  	[sflag:s21] =	ssyncset.done $0x0  }
0x50: {  	[sflag:s21] =	ssyncadd.s32 $0xFFFFEC00  }
0x51: {  	_ =	swait.ge [sflag:s21], $0x1400  }
0x52: {  	[sflag:s21] =	ssyncset.done $0x0  }
0x53: {  	[sflag:s21] =	ssyncadd.s32 $0xFFFFEC00  }
0x54: {  	_ =	swait.ge [sflag:s21], $0x1400  }
0x55: {  	[sflag:s21] =	ssyncset.done $0x0  }
0x56: {  	[sflag:s21] =	ssyncadd.s32 $0xFFFFEC00  }
0x57: {  	_ =	swait.ge [sflag:s21], $0x1400  }
0x58: {  	[sflag:s21] =	ssyncset.done $0x0  }
0x59: {  	[sflag:s21] =	ssyncadd.s32 $0xFFFFEC00  }
0x5a: {  	_ =	swait.ge [sflag:s21], $0x1400  }
0x5b: {  	[sflag:s21] =	ssyncset.done $0x0  }
0x5c: {  	[sflag:s21] =	ssyncadd.s32 $0xFFFFEC00  }
0x5d: {  	_ =	swait.ge [sflag:s22], $0x2710  }
0x5e: {  	[sflag:s22] =	ssyncset.done $0x0  }
0x5f: {  	[sflag:s22] =	ssyncadd.s32 $0xFFFFD8F0  }
0x60: {  	_ =	swait.ge [sflag:s23], $0x2710  }
0x61: {  	[sflag:s23] =	ssyncset.done $0x0  }
0x62: {  	[sflag:s23] =	ssyncadd.s32 $0xFFFFD8F0  }
0x63: {  	[bflag:$0x0] =	sbarrier.arrive $0xFFFF  }
0x64: {  	[tilespmem:s25], [sflag:$0x1] =	stream.indirect.gather [hbm4b:s4+s24], $0x40, s8, s24, $0xb8;
	[tilespmem:$0x16260] =	vst v63  }
0x65: {  	s10 =	simm.s32 $0x1450  }
0x66: {  	[tilespmem:s29], [sflag:$0x2] =	stream.indirect.gather [hbm4b:s4+s24], $0x40, s10, s24, $0xb8;
	[tilespmem:$0x16260] =	vst v63  }
0x67: {  	s16 =	smov.u32 s14;
	s14 =	simm.s32 $0x14A0  }
0x68: {  	[tilespmem:s30], [sflag:$0x3] =	stream.indirect.gather [hbm4b:s4+s24], $0x40, s14, s24, $0xb8;
	[tilespmem:$0x16260] =	vst v63  }
0x69: {  	s17 =	simm.s32 $0x14F0  }
0x6a: {  	[tilespmem:s20], [sflag:$0x4] =	stream.indirect.gather [hbm4b:s4+s24], $0x40, s17, s24, $0xb8;
	[tilespmem:$0x16260] =	vst v63  }
0x6b: {  	s18 =	simm.s32 $0x1540  }
0x6c: {  	[tilespmem:s31], [sflag:$0x5] =	stream.indirect.gather [hbm4b:s4+s24], $0x40, s18, s24, $0xb8;
	[tilespmem:$0x16260] =	vst v63  }
0x6d: {  	_ =	swait.ge [sflag:s22], $0x1400  }
0x6e: {  	[sflag:s22] =	ssyncset.done $0x0  }
0x6f: {  	s19 =	simm.s32 $0x3B10;
	[sflag:s22] =	ssyncadd.s32 $0xFFFFEC00  }
0x70: {  	[spmem:s1] =	stream.indirect.scatter.add.bf16 [tilespmem:s25], [sflag:$0x6], $0x40, s19, s24, $0xb8;
	[tilespmem:$0x16260] =	vst v63  }
0x71: {  	_ =	swait.ge [sflag:s7], $0x1400  }
0x72: {  	[sflag:s7] =	ssyncset.done $0x0  }
0x73: {  	s3 =	simm.s32 $0x1590;
	[sflag:s7] =	ssyncadd.s32 $0xFFFFEC00  }
0x74: {  	[tilespmem:s25], [sflag:$0x1] =	stream.indirect.gather [hbm4b:s4+s24], $0x40, s3, s24, $0xb8;
	[tilespmem:$0x16260] =	vst v63  }
0x75: {  	_ =	swait.ge [sflag:s23], $0x1400  }
0x76: {  	s28 =	smov.u32 s11;
	[sflag:s23] =	ssyncset.done $0x0  }
0x77: {  	s11 =	smov.u32 s12;
	s8 =	simm.s32 $0x3B60;
	[sflag:s23] =	ssyncadd.s32 $0xFFFFEC00  }
0x78: {  	[spmem:s1] =	stream.indirect.scatter.add.bf16 [tilespmem:s29], [sflag:$0x6], $0x40, s8, s24, $0xb8;
	[tilespmem:$0x16260] =	vst v63  }
0x79: {  	s12 =	smov.u32 s15;
	s15 =	smov.u32 s5;
	_ =	swait.ge [sflag:s7], $0x1400  }
0x7a: {  	s5 =	smov.u32 s26;
	s26 =	smov.u32 s13;
	[sflag:s7] =	ssyncset.done $0x0  }
0x7b: {  	s13 =	smov.u32 s9;
	s9 =	simm.s32 $0x15E0;
	[sflag:s7] =	ssyncadd.s32 $0xFFFFEC00  }
0x7c: {  	[tilespmem:s29], [sflag:$0x2] =	stream.indirect.gather [hbm4b:s4+s24], $0x40, s9, s24, $0xb8;
	[tilespmem:$0x16260] =	vst v63  }
0x7d: {  	_ =	swait.ge [sflag:s21], $0x1400  }
0x7e: {  	[sflag:s21] =	ssyncset.done $0x0  }
0x7f: {  	s10 =	simm.s32 $0x3BB0;
	[sflag:s21] =	ssyncadd.s32 $0xFFFFEC00  }
0x80: {  	[spmem:s1] =	stream.indirect.scatter.add.bf16 [tilespmem:s30], [sflag:$0x6], $0x40, s10, s24, $0xb8;
	[tilespmem:$0x16260] =	vst v63  }
0x81: {  	_ =	swait.ge [sflag:s7], $0x1400  }
0x82: {  	[sflag:s7] =	ssyncset.done $0x0  }
0x83: {  	s14 =	simm.s32 $0x1630;
	[sflag:s7] =	ssyncadd.s32 $0xFFFFEC00  }
0x84: {  	[tilespmem:s30], [sflag:$0x3] =	stream.indirect.gather [hbm4b:s4+s24], $0x40, s14, s24, $0xb8;
	[tilespmem:$0x16260] =	vst v63  }
0x85: {  	_ =	swait.ge [sflag:s0], $0x1400  }
0x86: {  	[sflag:s0] =	ssyncset.done $0x0  }
0x87: {  	s17 =	simm.s32 $0x3C00;
	[sflag:s0] =	ssyncadd.s32 $0xFFFFEC00  }
0x88: {  	[spmem:s1] =	stream.indirect.scatter.add.bf16 [tilespmem:s20], [sflag:$0x6], $0x40, s17, s24, $0xb8;
	[tilespmem:$0x16260] =	vst v63  }
0x89: {  	_ =	swait.ge [sflag:s7], $0x1400  }
0x8a: {  	[sflag:s7] =	ssyncset.done $0x0  }
0x8b: {  	s18 =	simm.s32 $0x1680;
	[sflag:s7] =	ssyncadd.s32 $0xFFFFEC00  }
0x8c: {  	[tilespmem:s20], [sflag:$0x4] =	stream.indirect.gather [hbm4b:s4+s24], $0x40, s18, s24, $0xb8;
	[tilespmem:$0x16260] =	vst v63  }
0x8d: {  	_ =	swait.ge [sflag:s2], $0x1400  }
0x8e: {  	[sflag:s2] =	ssyncset.done $0x0  }
0x8f: {  	s19 =	simm.s32 $0x3C50;
	[sflag:s2] =	ssyncadd.s32 $0xFFFFEC00  }
0x90: {  	[spmem:s1] =	stream.indirect.scatter.add.bf16 [tilespmem:s31], [sflag:$0x6], $0x40, s19, s24, $0xb8;
	[tilespmem:$0x16260] =	vst v63  }
0x91: {  	_ =	swait.ge [sflag:s7], $0x1400  }
0x92: {  	[sflag:s7] =	ssyncset.done $0x0  }
0x93: {  	s6 =	simm.s32 $0x640;
	s19 =	simm.s32 $0x16D0;
	[sflag:s7] =	ssyncadd.s32 $0xFFFFEC00  }
.LBB2_2:
0x94: {  	[tilespmem:s31], [sflag:$0x5] =	stream.indirect.gather [hbm4b:s4+s24], $0x40, s19, s24, $0xb8;
	[tilespmem:$0x16260] =	vst v63  }
0x95: {  	s19 =	smov.u32 s6  }
0x96: {  	p1 =	sne.s32 s6, $0x8FC0;
	s6 =	sadd.s32 $0x640, s6;
	_ =	swait.ge [sflag:s22], $0x1400  }
0x97: {  	s19 =	sshra.s32 s19, $0x2;
	[sflag:s22] =	ssyncset.done $0x0  }
0x98: {  	s3 =	sadd.s32 $0x3B10, s19;
	[sflag:s22] =	ssyncadd.s32 $0xFFFFEC00  }
0x99: {  	[spmem:s1] =	stream.indirect.scatter.add.bf16 [tilespmem:s25], [sflag:$0x6], $0x40, s3, s24, $0xb8;
	[tilespmem:$0x16260] =	vst v63  }
0x9a: {  	_ =	swait.ge [sflag:s7], $0x1400  }
0x9b: {  	[sflag:s7] =	ssyncset.done $0x0  }
0x9c: {  	s3 =	sadd.s32 $0x1590, s19;
	[sflag:s7] =	ssyncadd.s32 $0xFFFFEC00  }
0x9d: {  	[tilespmem:s25], [sflag:$0x1] =	stream.indirect.gather [hbm4b:s4+s24], $0x40, s3, s24, $0xb8;
	[tilespmem:$0x16260] =	vst v63  }
0x9e: {  	_ =	swait.ge [sflag:s23], $0x1400  }
0x9f: {  	[sflag:s23] =	ssyncset.done $0x0  }
0xa0: {  	s3 =	sadd.s32 $0x3B60, s19;
	[sflag:s23] =	ssyncadd.s32 $0xFFFFEC00  }
0xa1: {  	[spmem:s1] =	stream.indirect.scatter.add.bf16 [tilespmem:s29], [sflag:$0x6], $0x40, s3, s24, $0xb8;
	[tilespmem:$0x16260] =	vst v63  }
0xa2: {  	_ =	swait.ge [sflag:s7], $0x1400  }
0xa3: {  	[sflag:s7] =	ssyncset.done $0x0  }
0xa4: {  	s3 =	sadd.s32 $0x15E0, s19;
	[sflag:s7] =	ssyncadd.s32 $0xFFFFEC00  }
0xa5: {  	[tilespmem:s29], [sflag:$0x2] =	stream.indirect.gather [hbm4b:s4+s24], $0x40, s3, s24, $0xb8;
	[tilespmem:$0x16260] =	vst v63  }
0xa6: {  	_ =	swait.ge [sflag:s21], $0x1400  }
0xa7: {  	[sflag:s21] =	ssyncset.done $0x0  }
0xa8: {  	s3 =	sadd.s32 $0x3BB0, s19;
	[sflag:s21] =	ssyncadd.s32 $0xFFFFEC00  }
0xa9: {  	[spmem:s1] =	stream.indirect.scatter.add.bf16 [tilespmem:s30], [sflag:$0x6], $0x40, s3, s24, $0xb8;
	[tilespmem:$0x16260] =	vst v63  }
0xaa: {  	_ =	swait.ge [sflag:s7], $0x1400  }
0xab: {  	[sflag:s7] =	ssyncset.done $0x0  }
0xac: {  	s3 =	sadd.s32 $0x1630, s19;
	[sflag:s7] =	ssyncadd.s32 $0xFFFFEC00  }
0xad: {  	[tilespmem:s30], [sflag:$0x3] =	stream.indirect.gather [hbm4b:s4+s24], $0x40, s3, s24, $0xb8;
	[tilespmem:$0x16260] =	vst v63  }
0xae: {  	_ =	swait.ge [sflag:s0], $0x1400  }
0xaf: {  	[sflag:s0] =	ssyncset.done $0x0  }
0xb0: {  	s3 =	sadd.s32 $0x3C00, s19;
	[sflag:s0] =	ssyncadd.s32 $0xFFFFEC00  }
0xb1: {  	[spmem:s1] =	stream.indirect.scatter.add.bf16 [tilespmem:s20], [sflag:$0x6], $0x40, s3, s24, $0xb8;
	[tilespmem:$0x16260] =	vst v63  }
0xb2: {  	_ =	swait.ge [sflag:s7], $0x1400  }
0xb3: {  	[sflag:s7] =	ssyncset.done $0x0  }
0xb4: {  	s3 =	sadd.s32 $0x1680, s19;
	[sflag:s7] =	ssyncadd.s32 $0xFFFFEC00  }
0xb5: {  	[tilespmem:s20], [sflag:$0x4] =	stream.indirect.gather [hbm4b:s4+s24], $0x40, s3, s24, $0xb8;
	[tilespmem:$0x16260] =	vst v63  }
0xb6: {  	_ =	swait.ge [sflag:s2], $0x1400  }
0xb7: {  	[sflag:s2] =	ssyncset.done $0x0  }
.Ltmp0:
0xb8: {  	s3 =	sadd.s32 $0x3C50, s19;
	[sflag:s2] =	ssyncadd.s32 $0xFFFFEC00;
	(pc) =	sbr.rel @p1 .LBB2_2-.Ltmp0, $4  }
0xb9: {  	[spmem:s1] =	stream.indirect.scatter.add.bf16 [tilespmem:s31], [sflag:$0x6], $0x40, s3, s24, $0xb8;
	[tilespmem:$0x16260] =	vst v63  }
0xba: {  	_ =	swait.ge [sflag:s7], $0x1400  }
0xbb: {  	[sflag:s7] =	ssyncset.done $0x0  }
0xbc: {  	s19 =	sadd.s32 $0x16D0, s19;
	[sflag:s7] =	ssyncadd.s32 $0xFFFFEC00  }
0xbd: {  	[tilespmem:s31], [sflag:$0x5] =	stream.indirect.gather [hbm4b:s4+s24], $0x40, s19, s24, $0xb8;
	[tilespmem:$0x16260] =	vst v63  }
0xbe: {  	_ =	swait.ge [sflag:s22], $0x1400  }
0xbf: {  	[sflag:s22] =	ssyncset.done $0x0  }
0xc0: {  	s3 =	simm.s32 $0x6090;
	[sflag:s22] =	ssyncadd.s32 $0xFFFFEC00  }
0xc1: {  	[spmem:s1] =	stream.indirect.scatter.add.bf16 [tilespmem:s25], [sflag:$0x6], $0x40, s3, s24, $0xb8;
	[tilespmem:$0x16260] =	vst v63  }
0xc2: {  	_ =	swait.ge [sflag:s7], $0x1400  }
0xc3: {  	[sflag:s7] =	ssyncset.done $0x0  }
0xc4: {  	[sflag:s7] =	ssyncadd.s32 $0xFFFFEC00  }
0xc5: {  	_ =	swait.ge [sflag:s23], $0x1400  }
0xc6: {  	[sflag:s23] =	ssyncset.done $0x0  }
0xc7: {  	s17 =	simm.s32 $0x60E0;
	[sflag:s23] =	ssyncadd.s32 $0xFFFFEC00  }
0xc8: {  	[spmem:s1] =	stream.indirect.scatter.add.bf16 [tilespmem:s29], [sflag:$0x6], $0x40, s17, s24, $0xb8;
	[tilespmem:$0x16260] =	vst v63  }
0xc9: {  	_ =	swait.ge [sflag:s7], $0x1400  }
0xca: {  	[sflag:s7] =	ssyncset.done $0x0  }
0xcb: {  	[sflag:s7] =	ssyncadd.s32 $0xFFFFEC00  }
0xcc: {  	_ =	swait.ge [sflag:s21], $0x1400  }
0xcd: {  	[sflag:s21] =	ssyncset.done $0x0  }
0xce: {  	s18 =	simm.s32 $0x6130;
	[sflag:s21] =	ssyncadd.s32 $0xFFFFEC00  }
0xcf: {  	[spmem:s1] =	stream.indirect.scatter.add.bf16 [tilespmem:s30], [sflag:$0x6], $0x40, s18, s24, $0xb8;
	[tilespmem:$0x16260] =	vst v63  }
0xd0: {  	_ =	swait.ge [sflag:s7], $0x1400  }
0xd1: {  	[sflag:s7] =	ssyncset.done $0x0  }
0xd2: {  	[sflag:s7] =	ssyncadd.s32 $0xFFFFEC00  }
0xd3: {  	_ =	swait.ge [sflag:s0], $0x1400  }
0xd4: {  	[sflag:s0] =	ssyncset.done $0x0  }
0xd5: {  	s19 =	simm.s32 $0x6180;
	[sflag:s0] =	ssyncadd.s32 $0xFFFFEC00  }
0xd6: {  	[spmem:s1] =	stream.indirect.scatter.add.bf16 [tilespmem:s20], [sflag:$0x6], $0x40, s19, s24, $0xb8;
	[tilespmem:$0x16260] =	vst v63  }
0xd7: {  	_ =	swait.ge [sflag:s7], $0x1400  }
0xd8: {  	[sflag:s7] =	ssyncset.done $0x0  }
0xd9: {  	[sflag:s7] =	ssyncadd.s32 $0xFFFFEC00  }
0xda: {  	_ =	swait.ge [sflag:s2], $0x1400  }
0xdb: {  	[sflag:s2] =	ssyncset.done $0x0  }
0xdc: {  	s6 =	simm.s32 $0x61D0;
	[sflag:s2] =	ssyncadd.s32 $0xFFFFEC00  }
0xdd: {  	[spmem:s1] =	stream.indirect.scatter.add.bf16 [tilespmem:s31], [sflag:$0x6], $0x40, s6, s24, $0xb8;
	[tilespmem:$0x16260] =	vst v63  }
0xde: {  	_ =	swait.ge [sflag:s7], $0x1400  }
0xdf: {  	[sflag:s7] =	ssyncset.done $0x0  }
0xe0: {  	[sflag:s7] =	ssyncadd.s32 $0xFFFFEC00  }
0xe1: {  	s3 =	simm.s32 @p0 $0x0;
	s6 =	simm.s32 @p0 $0x6;
	[bflag:$0x0] =	sbarrier.arrive $0xFFFF  }
0xe2: {  	[tilespmem:s3], [sflag:$0x6] =	stream.linear.gather @p0 [spmem:s28], $0x1400, $0x38;
	[tilespmem:$0x16260] =	vst v63  }
0xe3: {  	_ =	swait.ge @p0 [sflag:s6], $0x1400  }
0xe4: {  	[sflag:s6] =	ssyncset.done @p0 $0x0  }
0xe5: {  	s9 =	rddreg [dreg:$0x9];
	[sflag:s6] =	ssyncadd.s32 @p0 $0xFFFFEC00  }
0xe6: {  	[hbm4b:s9+s3] =	stream.linear.scatter @p0 [tilespmem:s3], [sflag:$0x1], $0x1400, $0x38;
	[tilespmem:$0x16260] =	vst v63  }
0xe7: {  	s19 =	simm.s32 @p0 $0xFE60  }
0xe8: {  	[tilespmem:s19], [sflag:$0x6] =	stream.linear.gather @p0 [spmem:s11], $0x1400, $0x38;
	[tilespmem:$0x16260] =	vst v63  }
0xe9: {  	_ =	swait.ge @p0 [sflag:s6], $0x1400  }
0xea: {  	[sflag:s6] =	ssyncset.done @p0 $0x0  }
0xeb: {  	s9 =	rddreg [dreg:$0xa];
	[sflag:s6] =	ssyncadd.s32 @p0 $0xFFFFEC00  }
0xec: {  	[hbm4b:s9+s3] =	stream.linear.scatter @p0 [tilespmem:s19], [sflag:$0x2], $0x1400, $0x38;
	[tilespmem:$0x16260] =	vst v63  }
0xed: {  	s9 =	simm.s32 @p0 $0x1  }
0xee: {  	_ =	swait.ge @p0 [sflag:s9], $0x1400  }
0xef: {  	[sflag:s9] =	ssyncset.done @p0 $0x0  }
0xf0: {  	[sflag:s9] =	ssyncadd.s32 @p0 $0xFFFFEC00  }
0xf1: {  	[tilespmem:s3], [sflag:$0x6] =	stream.linear.gather @p0 [spmem:s12], $0x1400, $0x38;
	[tilespmem:$0x16260] =	vst v63  }
0xf2: {  	_ =	swait.ge @p0 [sflag:s6], $0x1400  }
0xf3: {  	[sflag:s6] =	ssyncset.done @p0 $0x0  }
0xf4: {  	s10 =	rddreg [dreg:$0xb];
	[sflag:s6] =	ssyncadd.s32 @p0 $0xFFFFEC00  }
0xf5: {  	[hbm4b:s10+s3] =	stream.linear.scatter @p0 [tilespmem:s3], [sflag:$0x1], $0x1400, $0x38;
	[tilespmem:$0x16260] =	vst v63  }
0xf6: {  	s10 =	simm.s32 @p0 $0x2  }
0xf7: {  	_ =	swait.ge @p0 [sflag:s10], $0x1400  }
0xf8: {  	[sflag:s10] =	ssyncset.done @p0 $0x0  }
0xf9: {  	[sflag:s10] =	ssyncadd.s32 @p0 $0xFFFFEC00  }
0xfa: {  	[tilespmem:s19], [sflag:$0x6] =	stream.linear.gather @p0 [spmem:s15], $0x1400, $0x38;
	[tilespmem:$0x16260] =	vst v63  }
0xfb: {  	_ =	swait.ge @p0 [sflag:s6], $0x1400  }
0xfc: {  	[sflag:s6] =	ssyncset.done @p0 $0x0  }
0xfd: {  	s10 =	rddreg [dreg:$0xc];
	[sflag:s6] =	ssyncadd.s32 @p0 $0xFFFFEC00  }
0xfe: {  	[hbm4b:s10+s3] =	stream.linear.scatter @p0 [tilespmem:s19], [sflag:$0x2], $0x1400, $0x38;
	[tilespmem:$0x16260] =	vst v63  }
0xff: {  	_ =	swait.ge @p0 [sflag:s9], $0x1400  }
0x100: {  	[sflag:s9] =	ssyncset.done @p0 $0x0  }
0x101: {  	[sflag:s9] =	ssyncadd.s32 @p0 $0xFFFFEC00  }
0x102: {  	[tilespmem:s3], [sflag:$0x6] =	stream.linear.gather @p0 [spmem:s5], $0x1400, $0x38;
	[tilespmem:$0x16260] =	vst v63  }
0x103: {  	_ =	swait.ge @p0 [sflag:s6], $0x1400  }
0x104: {  	[sflag:s6] =	ssyncset.done @p0 $0x0  }
0x105: {  	[sflag:s6] =	ssyncadd.s32 @p0 $0xFFFFEC00;
	s6 =	rddreg [dreg:$0xd]  }
0x106: {  	[hbm4b:s6+s3] =	stream.linear.scatter @p0 [tilespmem:s3], [sflag:$0x1], $0x1400, $0x38;
	[tilespmem:$0x16260] =	vst v63  }
0x107: {  	s3 =	simm.s32 @!p0 $0x0;
	s6 =	simm.s32 @!p0 $0x6  }
0x108: {  	[tilespmem:s3], [sflag:$0x6] =	stream.linear.gather @!p0 [spmem:s26], $0x1400, $0x38;
	[tilespmem:$0x16260] =	vst v63  }
0x109: {  	_ =	swait.ge @!p0 [sflag:s6], $0x1400  }
0x10a: {  	[sflag:s6] =	ssyncset.done @!p0 $0x0  }
0x10b: {  	s9 =	rddreg [dreg:$0x8];
	[sflag:s6] =	ssyncadd.s32 @!p0 $0xFFFFEC00  }
0x10c: {  	[hbm4b:s9+s3] =	stream.linear.scatter @!p0 [tilespmem:s3], [sflag:$0x1], $0x1400, $0x38;
	[tilespmem:$0x16260] =	vst v63  }
0x10d: {  	s9 =	simm.s32 @!p0 $0xFE60  }
0x10e: {  	[tilespmem:s9], [sflag:$0x6] =	stream.linear.gather @!p0 [spmem:s13], $0x1400, $0x38;
	[tilespmem:$0x16260] =	vst v63  }
0x10f: {  	_ =	swait.ge @!p0 [sflag:s6], $0x1400  }
0x110: {  	[sflag:s6] =	ssyncset.done @!p0 $0x0  }
0x111: {  	s10 =	rddreg [dreg:$0x12];
	[sflag:s6] =	ssyncadd.s32 @!p0 $0xFFFFEC00  }
0x112: {  	[hbm4b:s10+s3] =	stream.linear.scatter @!p0 [tilespmem:s9], [sflag:$0x2], $0x1400, $0x38;
	[tilespmem:$0x16260] =	vst v63  }
0x113: {  	s10 =	simm.s32 @!p0 $0x1  }
0x114: {  	_ =	swait.ge @!p0 [sflag:s10], $0x1400  }
0x115: {  	[sflag:s10] =	ssyncset.done @!p0 $0x0  }
0x116: {  	s18 =	smov.u32 s12;
	s12 =	rddreg [dreg:$0x11];
	[sflag:s10] =	ssyncadd.s32 @!p0 $0xFFFFEC00  }
0x117: {  	[tilespmem:s3], [sflag:$0x6] =	stream.linear.gather @!p0 [spmem:s12], $0x1400, $0x38;
	[tilespmem:$0x16260] =	vst v63  }
0x118: {  	_ =	swait.ge @!p0 [sflag:s6], $0x1400  }
0x119: {  	s17 =	smov.u32 s11;
	s11 =	smov.u32 s13;
	[sflag:s6] =	ssyncset.done @!p0 $0x0  }
0x11a: {  	s19 =	simm.s32 @!p0 $0x2;
	s13 =	rddreg [dreg:$0x13];
	[sflag:s6] =	ssyncadd.s32 @!p0 $0xFFFFEC00  }
0x11b: {  	[hbm4b:s13+s3] =	stream.linear.scatter @!p0 [tilespmem:s3], [sflag:$0x1], $0x1400, $0x38;
	[tilespmem:$0x16260] =	vst v63  }
0x11c: {  	_ =	swait.ge @!p0 [sflag:s19], $0x1400  }
0x11d: {  	[sflag:s19] =	ssyncset.done @!p0 $0x0  }
0x11e: {  	s13 =	rddreg [dreg:$0x10];
	[sflag:s19] =	ssyncadd.s32 @!p0 $0xFFFFEC00  }
0x11f: {  	[tilespmem:s9], [sflag:$0x6] =	stream.linear.gather @!p0 [spmem:s13], $0x1400, $0x38;
	[tilespmem:$0x16260] =	vst v63  }
0x120: {  	_ =	swait.ge @!p0 [sflag:s6], $0x1400  }
0x121: {  	[sflag:s6] =	ssyncset.done @!p0 $0x0  }
0x122: {  	s14 =	rddreg [dreg:$0x14];
	[sflag:s6] =	ssyncadd.s32 @!p0 $0xFFFFEC00  }
0x123: {  	[hbm4b:s14+s3] =	stream.linear.scatter @!p0 [tilespmem:s9], [sflag:$0x2], $0x1400, $0x38;
	[tilespmem:$0x16260] =	vst v63  }
0x124: {  	_ =	swait.ge @!p0 [sflag:s10], $0x1400  }
0x125: {  	[sflag:s10] =	ssyncset.done @!p0 $0x0  }
0x126: {  	[sflag:s10] =	ssyncadd.s32 @!p0 $0xFFFFEC00  }
0x127: {  	[tilespmem:s3], [sflag:$0x6] =	stream.linear.gather @!p0 [spmem:s16], $0x1400, $0x38;
	[tilespmem:$0x16260] =	vst v63  }
0x128: {  	_ =	swait.ge @!p0 [sflag:s6], $0x1400  }
0x129: {  	[sflag:s6] =	ssyncset.done @!p0 $0x0  }
0x12a: {  	s14 =	smov.u32 s16;
	s16 =	rddreg [dreg:$0x15];
	[sflag:s6] =	ssyncadd.s32 @!p0 $0xFFFFEC00  }
0x12b: {  	[hbm4b:s16+s3] =	stream.linear.scatter @!p0 [tilespmem:s3], [sflag:$0x1], $0x1400, $0x38;
	[tilespmem:$0x16260] =	vst v63  }
0x12c: {  	_ =	swait.ge @!p0 [sflag:s19], $0x1400  }
0x12d: {  	[sflag:s19] =	ssyncset.done @!p0 $0x0  }
0x12e: {  	s16 =	rddreg [dreg:$0xf];
	[sflag:s19] =	ssyncadd.s32 @!p0 $0xFFFFEC00  }
0x12f: {  	[tilespmem:s9], [sflag:$0x6] =	stream.linear.gather @!p0 [spmem:s16], $0x1400, $0x38;
	[tilespmem:$0x16260] =	vst v63  }
0x130: {  	_ =	swait.ge @!p0 [sflag:s6], $0x1400  }
0x131: {  	s8 =	smov.u32 s15;
	[sflag:s6] =	ssyncset.done @!p0 $0x0  }
0x132: {  	s15 =	smov.u32 s18;
	s18 =	rddreg [dreg:$0x16];
	[sflag:s6] =	ssyncadd.s32 @!p0 $0xFFFFEC00  }
0x133: {  	[hbm4b:s18+s3] =	stream.linear.scatter @!p0 [tilespmem:s9], [sflag:$0x2], $0x1400, $0x38;
	[tilespmem:$0x16260] =	vst v63  }
0x134: {  	_ =	swait.ge @!p0 [sflag:s10], $0x1400  }
0x135: {  	[sflag:s10] =	ssyncset.done @!p0 $0x0  }
0x136: {  	[sflag:s10] =	ssyncadd.s32 @!p0 $0xFFFFEC00  }
0x137: {  	s10 =	smov.u32 s12;
	s12 =	smov.u32 s17;
	s17 =	rddreg [dreg:$0x7]  }
0x138: {  	[tilespmem:s3], [sflag:$0x6] =	stream.linear.gather @!p0 [spmem:s17], $0x1400, $0x38;
	[tilespmem:$0x16260] =	vst v63  }
0x139: {  	_ =	swait.ge @!p0 [sflag:s6], $0x1400  }
0x13a: {  	[sflag:s6] =	ssyncset.done @!p0 $0x0  }
0x13b: {  	s18 =	rddreg [dreg:$0x17];
	[sflag:s6] =	ssyncadd.s32 @!p0 $0xFFFFEC00  }
0x13c: {  	[hbm4b:s18+s3] =	stream.linear.scatter @!p0 [tilespmem:s3], [sflag:$0x1], $0x1400, $0x38;
	[tilespmem:$0x16260] =	vst v63  }
0x13d: {  	_ =	swait.ge @!p0 [sflag:s19], $0x1400  }
0x13e: {  	[sflag:s19] =	ssyncset.done @!p0 $0x0  }
0x13f: {  	s18 =	rddreg [dreg:$0x6];
	[sflag:s19] =	ssyncadd.s32 @!p0 $0xFFFFEC00  }
0x140: {  	[tilespmem:s9], [sflag:$0x6] =	stream.linear.gather @!p0 [spmem:s18], $0x1400, $0x38;
	[tilespmem:$0x16260] =	vst v63  }
0x141: {  	_ =	swait.ge @!p0 [sflag:s6], $0x1400  }
0x142: {  	[sflag:s6] =	ssyncset.done @!p0 $0x0  }
0x143: {  	[sflag:s6] =	ssyncadd.s32 @!p0 $0xFFFFEC00;
	s6 =	rddreg [dreg:$0x18]  }
0x144: {  	[hbm4b:s6+s3] =	stream.linear.scatter @!p0 [tilespmem:s9], [sflag:$0x2], $0x1400, $0x38;
	[tilespmem:$0x16260] =	vst v63  }
0x145: {  	_ =	swait.ge [sflag:s22], $0x1400  }
0x146: {  	[sflag:s22] =	ssyncset.done $0x0  }
0x147: {  	s19 =	smov.u32 s13;
	[sflag:s22] =	ssyncadd.s32 $0xFFFFEC00  }
0x148: {  	s13 =	smov.u32 s26;
	s26 =	smov.u32 s5;
	_ =	swait.ge [sflag:s23], $0x1400  }
0x149: {  	s5 =	smov.u32 s8;
	s9 =	smov.u32 s11;
	s8 =	rddreg [dreg:$0x19]  }
0x14a: {  	s11 =	smov.u32 s28;
	s28 =	rddreg [dreg:$0xe];
	s6 =	sadd.s32 $0x1, s8  }
0x14b: {  	p1 =	sne.s32 s6, s28  }
.Ltmp1:
0x14c: {  	_ = 	snop;
	(pc) =	sbr.rel @p1 .LBB2_1-.Ltmp1, $3  }
0x14d: {  	_ =	sdelay $0x1  }
0x14e: {  	[sflag:s23] =	ssyncset.done $0x0  }
0x14f: {  	[sflag:s23] =	ssyncadd.s32 $0xFFFFEC00  }
0x150: {  	_ =	sfence.sel $0x180000  }
0x151: {  	[bflag:$0x0] =	sbarrier.arrive $0xFFFF  }
0x152: {  	_ =	strace $0x90000047  }
0x153: {  	s0 =	stileid.u32;
	[bflag:$0x2] =	sbarrier.arrive $0xFFFF  }
0x154: {  	p0 =	sne.s32 s0, $0x0;
	s0 =	rddreg [dreg:$0x2]  }
0x155: {  	s0 =	sadd.s32 @!p0 $0x100000, s0  }
0x156: {  	[sflag:s0] =	ssyncadd.tile.s32 @!p0 $0x1;
	_ =	shalt  }
.Lfunc_end2:
_tile_overlayer_lowered:
.L_overlay_start_2:
0x157: {  	(tag) =	ssettag $0x2  }
0x158: {  	s0 =	rddreg [dreg:$0x0];
	s2 =	stileid.u32  }
0x159: {  	s1 =	rddreg [dreg:$0x1];
	p0 =	sne.s32 s2, $0x0  }
0x15a: {  	s3 =	rddreg [dreg:$0x2];
	[bflag:$0x3] =	sbarrier.arrive $0xFFFF;
	s2 =	simm.s32 @!p0 $0x1C06  }
0x15b: {  	[timem:s3], [sflag:s2] =	dma.local @!p0 [hbm:s0], s1  }
0x15c: {  	s0 =	simm.s32 @!p0 $0x6  }
0x15d: {  	_ =	swait.ge @!p0 [sflag:s0], s1  }
0x15e: {  	s1 =	ssub.s32 @!p0 $0x0, s1;
	[sflag:s0] =	ssyncset.done @!p0 $0x0  }
0x15f: {  	[sflag:s0] =	ssyncadd.s32 @!p0 s1  }
0x160: {  	[bflag:$0x3] =	sbarrier.arrive $0xFFFF  }
0x161: {  	_ =	shalt  }

// kernel: kernel.14.cloned.1.call-start
scs
__scs_entry_jumppad:
0x0: {  	(pc) =	sbr.rel $0x88, $3  }
0x1: {  	(tag) =	ssettag $0x0;
	lr =	simm.s32 $0x1  }
0x2: {  	[smem:$0x3F94] =	sst lr;
	_ =	strace $0xD0000000  }
0x3: {  	_ = 	snop  }
0x4: {  	_ = 	snop  }
0x5: {  	_ = 	snop  }
0x6: {  	_ = 	snop  }
0x7: {  	_ = 	snop  }
__scs_overlays_trampoline_lowered:
0x8: {  	[smem:$0x3FA3] =	sst s0  }
0x9: {  	[smem:$0x3FA4] =	sst s1  }
0xa: {  	[smem:$0x3FA5] =	sst s2  }
0xb: {  	[smem:$0x3FA6] =	sst s3  }
0xc: {  	[smem:$0x3FA7] =	sst s4  }
0xd: {  	[smem:$0x3FA8] =	sst s5  }
0xe: {  	[smem:$0x3FA9] =	sst s6  }
0xf: {  	[smem:$0x3FAA] =	sst s7  }
0x10: {  	[smem:$0x3FAB] =	sst s8  }
0x11: {  	[smem:$0x3FAC] =	sst s9;
	s0 =	simm.s32 @!p0 $0x0  }
0x12: {  	s1 =	sld [smem:$0x3F92];
	s0 =	simm.s32 @p0 $0x1  }
0x13: {  	[smem:$0x3FAD] =	sst s0;
	s0 =	simm.s32 @!p1 $0x0  }
0x14: {  	s2 =	sld [smem:$0x3F91];
	s0 =	simm.s32 @p1 $0x1  }
0x15: {  	[smem:$0x3FAE] =	sst s0;
	s0 =	simm.s32 @!p2 $0x0  }
0x16: {  	s3 =	sld [smem:$0x3FDB];
	s0 =	simm.s32 @p2 $0x1  }
0x17: {  	s4 =	simm.s32 $0x1BF5;
	[smem:$0x3FB0] =	sst s0  }
0x18: {  	s0 =	sld [smem:$0x3F93];
	_ =	swait.ge [sflag:s4], $0x0  }
0x19: {  	s7 =	sld [smem:$0x3F94]  }
0x1a: {  	s8 =	sadd.s32 $0xFFFFE003, lr  }
0x1b: {  	s9 =	sadd.s32 $0xFFFFFEF7, lr;
	s5 =	simm.s32 $0xFFFFFFFF;
	p2 =	slt.u32 s8, $0xFFFFF086  }
0x1c: {  	p1 =	slt.u32 s9, $0xF7A;
	s5 =	simm.s32 @!p2 $0x0  }
0x1d: {  	s5 =	simm.s32 @p1 $0x1;
	p0 =	seq.s32 s7, s2  }
0x1e: {  	s7 =	smul.u32 @!p0 $0xF7A, s2;
	p2 =	seq.s32 @!p0 s5, $0x0  }
0x1f: {  	s9 =	smul.u32 $0xF7A, s1;
	s8 =	simm.s32 @!p0 $0x1BF5;
	p2 =	por !p2, p0  }
0x20: {  	[sflag:s8] =	ssyncset.s32 @!p0 $0xFFFFF086;
	s6 =	sadd.s32 @!p0 s3, s7;
	s7 =	simm.s32 @!p0 $0x108  }
0x21: {  	s3 =	sadd.s32 s3, s9;
	s6 =	sadd.s32 @!p0 $0x88, s6;
	s7 =	simm.s32 @p2 $0x1082  }
0x22: {  	[simem:s7], [sflag:s8] =	dma.local @!p0 [hbm:s6], $0xF7A  }
0x23: {  	s9 =	sor.u32 $0xD0000000, s2;
	s6 =	simm.s32 $0x108;
	_ =	swait.ge @!p0 [sflag:s8], $0x0  }
0x24: {  	s3 =	sadd.s32 $0x88, s3;
	s6 =	simm.s32 @!p1 $0x1082;
	[sflag:s4] =	ssyncset.s32 $0xFFFFF086  }
0x25: {  	[simem:s6], [sflag:s4] =	dma.local [hbm:s3], $0xF7A  }
0x26: {  	[smem:$0x3F94] =	sst s1;
	(tag) =	ssettag s2;
	_ =	strace s9  }
0x27: {  	s1 =	sld [smem:$0x3FA4]  }
0x28: {  	s2 =	sld [smem:$0x3FA5]  }
0x29: {  	s4 =	sld [smem:$0x3FA7]  }
0x2a: {  	p0 =	seq.s32 s5, $0x0;
	s5 =	sld [smem:$0x3FA8]  }
0x2b: {  	s6 =	sld [smem:$0x3FA9]  }
0x2c: {  	s7 =	sld [smem:$0x3FAA]  }
0x2d: {  	s3 =	simm.s32 $0x108;
	s8 =	sld [smem:$0x3FAB]  }
0x2e: {  	s3 =	simm.s32 @!p0 $0x1082;
	s9 =	sld [smem:$0x3FAC]  }
0x2f: {  	lr =	sadd.s32 s0, s3;
	s0 =	sld [smem:$0x3FA3]  }
0x30: {  	s3 =	sld [smem:$0x3FA6]  }
0x31: {  	[smem:$0x3FAF] =	sst s10  }
0x32: {  	s10 =	sld [smem:$0x3FAD];
	_ =	sdelay $0x3  }
0x33: {  	p0 =	seq.s32 s10, $0x1;
	s10 =	sld [smem:$0x3FAF];
	_ =	sdelay $0x3  }
0x34: {  	[smem:$0x3FAF] =	sst s10  }
0x35: {  	s10 =	sld [smem:$0x3FAE];
	_ =	sdelay $0x3  }
0x36: {  	p1 =	seq.s32 s10, $0x1;
	s10 =	sld [smem:$0x3FAF];
	_ =	sdelay $0x3  }
0x37: {  	[smem:$0x3FAF] =	sst s10  }
0x38: {  	s10 =	sld [smem:$0x3FB0]  }
0x39: {  	_ = 	snop;
	(pc) =	sbr.ind lr, $3  }
0x3a: {  	_ = 	snop  }
0x3b: {  	_ = 	snop  }
0x3c: {  	p2 =	seq.s32 s10, $0x1;
	s10 =	sld [smem:$0x3FAF]  }
0x3d: {  	_ =	shalt  }
0x3e: {  	_ =	shalt  }
0x3f: {  	_ =	shalt  }
0x40: {  	_ =	shalt  }
0x41: {  	_ =	shalt  }
0x42: {  	_ =	shalt  }
0x43: {  	_ =	shalt  }
0x44: {  	_ =	shalt  }
0x45: {  	_ =	shalt  }
0x46: {  	_ =	shalt  }
0x47: {  	_ =	shalt  }
0x48: {  	_ =	shalt  }
0x49: {  	_ =	shalt  }
0x4a: {  	_ =	shalt  }
0x4b: {  	_ =	shalt  }
0x4c: {  	_ =	shalt  }
0x4d: {  	_ =	shalt  }
0x4e: {  	_ =	shalt  }
0x4f: {  	_ =	shalt  }
0x50: {  	_ =	shalt  }
0x51: {  	_ =	shalt  }
0x52: {  	_ =	shalt  }
0x53: {  	_ =	shalt  }
0x54: {  	_ =	shalt  }
0x55: {  	_ =	shalt  }
0x56: {  	_ =	shalt  }
0x57: {  	_ =	shalt  }
0x58: {  	_ =	shalt  }
0x59: {  	_ =	shalt  }
0x5a: {  	_ =	shalt  }
0x5b: {  	_ =	shalt  }
0x5c: {  	_ =	shalt  }
0x5d: {  	_ =	shalt  }
0x5e: {  	_ =	shalt  }
0x5f: {  	_ =	shalt  }
0x60: {  	_ =	shalt  }
0x61: {  	_ =	shalt  }
0x62: {  	_ =	shalt  }
0x63: {  	_ =	shalt  }
0x64: {  	_ =	shalt  }
0x65: {  	_ =	shalt  }
0x66: {  	_ =	shalt  }
0x67: {  	_ =	shalt  }
0x68: {  	_ =	shalt  }
0x69: {  	_ =	shalt  }
0x6a: {  	_ =	shalt  }
0x6b: {  	_ =	shalt  }
0x6c: {  	_ =	shalt  }
0x6d: {  	_ =	shalt  }
0x6e: {  	_ =	shalt  }
0x6f: {  	_ =	shalt  }
0x70: {  	_ =	shalt  }
0x71: {  	_ =	shalt  }
0x72: {  	_ =	shalt  }
0x73: {  	_ =	shalt  }
0x74: {  	_ =	shalt  }
0x75: {  	_ =	shalt  }
0x76: {  	_ =	shalt  }
0x77: {  	_ =	shalt  }
0x78: {  	_ =	shalt  }
0x79: {  	_ =	shalt  }
0x7a: {  	_ =	shalt  }
0x7b: {  	_ =	shalt  }
0x7c: {  	_ =	shalt  }
0x7d: {  	_ =	shalt  }
0x7e: {  	_ =	shalt  }
0x7f: {  	_ =	shalt  }
0x80: {  	_ =	shalt  }
0x81: {  	_ =	shalt  }
0x82: {  	_ =	shalt  }
0x83: {  	_ =	shalt  }
0x84: {  	_ =	shalt  }
0x85: {  	_ =	shalt  }
0x86: {  	_ =	shalt  }
0x87: {  	_ =	shalt  }
.Lfunc_end0:
.L_simem_size_0:
called_computation.2_lowered:
.L_overlay_start_0:
0x88: {  	s2 =	sld [smem:$0x3FD9]  }
0x89: {  	s3 =	sld [smem:$0x3FFE];
	_ =	sdelay $0x1  }
0x8a: {  	s1 =	srdreg.scid  }
0x8b: {  	s0 =	sand.u32 $0x1, s1  }
0x8c: {  	s16 =	sshll.u32 s0, $0xA;
	s2 =	sadd.s32 s3, s2  }
0x8d: {  	s2 =	sadd.s32 s2, s16  }
0x8e: {  	[smem:$0x3FBB] =	sst s2  }
0x8f: {  	_ = 	snop  }
0x90: {  	(tm) =	ssettm $0x1  }
0x91: {  	s17 =	sld [smem:$0x3FFB];
	_ =	sdelay $0x3  }
0x92: {  	_ =	strace s17  }
0x93: {  	s2 =	sld [smem:$0x3FFC];
	_ =	sdelay $0x3  }
0x94: {  	_ =	strace s2  }
0x95: {  	s2 =	sld [smem:$0x3FFD];
	_ =	sdelay $0x3  }
0x96: {  	_ =	strace s2  }
0x97: {  	_ =	strace $0x8FFFFFFF  }
0x98: {  	s18 =	sld [smem:$0x3FDB];
	_ =	sdelay $0x1  }
0x99: {  	s19 =	simm.s32 $_scs_section_size  }
0x9a: {  	s4 =	simm.s32 $_size__tile_overlayer_lowered;
	s5 =	simm.s32 $_tile_overlayer_lowered  }
0x9b: {  	s22 =	simm.s32 $0x1BFF;
	s21 =	sshll.u32 s5, $0x1;
	s2 =	sadd.s32 s19, s18  }
0x9c: {  	s6 =	simm.s32 $0x0;
	s20 =	sshll.u32 s4, $0x1;
	s4 =	sadd.s32 s21, s2  }
0x9d: {  	[timem:s6], [sflag:s22] =	dma.local [hbm:s4], s20  }
0x9e: {  	_ =	swait.ge [sflag:s22], s20  }
0x9f: {  	s3 =	ssub.s32 $0x0, s20;
	[sflag:s22] =	ssyncset.done $0x0  }
0xa0: {  	[sflag:s22] =	ssyncadd.s32 s3;
	_ =	sdelay $0x1  }
0xa1: {  	s23 =	simm.s32 $0x1B8B  }
0xa2: {  	_ =	swait.ge [sflag:s23], $0x1  }
0xa3: {  	[sflag:s23] =	ssyncset.done $0x0  }
0xa4: {  	s25 =	simm.s32 $0x1B8E;
	s24 =	sld [smem:$0x3FFE];
	[sflag:s23] =	ssyncadd.s32 $0xFFFFFFFF  }
0xa5: {  	s26 =	simm.s32 $execute0_lowered;
	[smem:$0x3FD2] =	sst s25  }
0xa6: {  	s4 =	sshll.u32 s26, $0x1;
	_ =	strace $0x8000004C;
	[dreg:$0x1] =	wrdreg $0xFFFFFFFF  }
0xa7: {  	s28 =	simm.s32 $_size_execute0_lowered;
	s2 =	sadd.s32 s2, s4;
	[dreg:$0x0] =	wrdreg $0x0  }
0xa8: {  	s4 =	sshll.u32 s28, $0x1;
	[dreg:$0x2] =	wrdreg s2  }
0xa9: {  	[dreg:$0x3] =	wrdreg s4  }
0xaa: {  	[dreg:$0x4] =	wrdreg $0xC0  }
0xab: {  	_ =	task [dreg:s6], $0x5FFFF  }
0xac: {  	[dreg:$0x1] =	wrdreg $0xFFFFFFFF  }
0xad: {  	[dreg:$0x0] =	wrdreg $0x60  }
0xae: {  	[dreg:$0x2] =	wrdreg s24  }
0xaf: {  	[dreg:$0x3] =	wrdreg $0x62200  }
0xb0: {  	[dreg:$0x4] =	wrdreg $0x9  }
0xb1: {  	_ =	task.clear_ibuf [dreg:s6], $0x5FFFF;
	_ =	strace $0x9000004C  }
0xb2: {  	s29 =	simm.s32 $0x9;
	_ =	strace $0x8000004E  }
0xb3: {  	_ =	swait.ge [sflag:s29], $0x1  }
0xb4: {  	[sflag:s29] =	ssyncadd.s32 $0xFFFFFFFF  }
0xb5: {  	_ =	strace $0x9000004E  }
0xb6: {  	_ =	sfence  }
0xb7: {  	s30 =	sld [smem:$0x0];
	_ =	sdelay $0x2  }
0xb8: {  	s31 =	sshll.u32 s1, $0xD;
	s1 =	sshrl.u32 s1, $0x2  }
0xb9: {  	s3 =	sand.u32 $0x4000, s31;
	s1 =	sadd.s32 s1, s30  }
0xba: {  	s0 =	sor.u32 s3, s0;
	s1 =	sshll.u32 s1, $0x11  }
0xbb: {  	s0 =	sor.u32 s1, s0  }
0xbc: {  	s0 =	sadd.s32 $0x8F2B, s0  }
0xbd: {  	[sflag:s0] =	ssyncadd.remote.s32 $0x1  }
0xbe: {  	_ =	sfence.sel $0xFFFF  }
0xbf: {  	[dreg:$0x0] =	wrdreg $0xFFFFFFFF;
	(pc) =	sbr.abs _section_cstart, $3  }
0xc0: {  	[dreg:$0x1] =	wrdreg $0xFFFFFFFF  }
0xc1: {  	_ =	task.clear_ibuf [dreg:s6], $0x2FFFF;
	_ =	strace $0x9FFFFFFF  }
0xc2: {  	(tm) =	ssettm $0x7FFFFFFF  }
0xc3: {  	_ =	shalt  }
tec
execute0_lowered:
.L_overlay_start_1:
0x0: {  	(tag) =	ssettag $0x1  }
0x1: {  	s0 =	rddreg [dreg:$0x0]  }
0x2: {  	s1 =	rddreg [dreg:$0x1]  }
0x3: {  	s2 =	srdreg.scid;
	s3 =	stileid.u32  }
0x4: {  	s5 =	simm.s32 $0x0;
	s2 =	sand.u32 $0x1, s2;
	s7 =	smul.u32 $0x28000, s3  }
0x5: {  	[smem:$0x7FF] =	sst s5;
	s8 =	sadd.s32 $0x29000, s0;
	s25 =	smul.u32 $0x280, s3  }
0x6: {  	s4 =	sshll.u32 s2, $0x4;
	_ =	strace $0x8000004D;
	s6 =	ssub.s32 $0x2, s2  }
0x7: {  	[dreg:$0x3] =	wrdreg s8;
	s2 =	smul.u32 $0x2710, s2;
	s23 =	sshrl.u32 s6, $0x1  }
0x8: {  	s4 =	sor.u32 s3, s4;
	s7 =	sshrl.u32 s7, $0x2;
	s6 =	ssub.s32 s6, s23  }
0x9: {  	s22 =	smul.u32 $0x4E2, s4;
	s13 =	sadd.s32 s7, s1;
	s20 =	smax.u32 s6, $0x1  }
0xa: {  	s4 =	sadd.s32 $0x15600, s0;
	s18 =	sadd.s32 $0x8C00, s13;
	[dreg:$0xe] =	wrdreg s20  }
0xb: {  	s10 =	sadd.s32 $0x2800, s13;
	s17 =	sadd.s32 $0x7800, s13;
	[dreg:$0x6] =	wrdreg s18  }
0xc: {  	s19 =	sadd.s32 $0x3C00, s13;
	s16 =	sadd.s32 $0x6400, s13;
	[dreg:$0x7] =	wrdreg s17  }
0xd: {  	s5 =	sadd.s32 s22, s0;
	s0 =	sadd.s32 $0x29400, s0;
	[dreg:$0xf] =	wrdreg s16  }
0xe: {  	[dreg:$0x10] =	wrdreg s19;
	s24 =	sadd.s32 $0xB800, s5;
	s5 =	sadd.s32 $0x1A00, s5  }
0xf: {  	[dreg:$0x5] =	wrdreg s5;
	s5 =	sadd.s32 s25, s2;
	s2 =	sshll.u32 s2, $0x3  }
0x10: {  	s29 =	simm.s32 $0x11260;
	[dreg:$0x11] =	wrdreg s10;
	s2 =	sadd.s32 s0, s2  }
0x11: {  	s30 =	simm.s32 $0x12660;
	[dreg:$0x4] =	wrdreg s24;
	s26 =	sadd.s32 $0x12C00, s2  }
0x12: {  	s31 =	simm.s32 $0x14E60;
	s28 =	sadd.s32 $0x12E80, s2;
	[dreg:$0x9] =	wrdreg s26  }
0x13: {  	s11 =	sadd.s32 $0x96000, s1;
	s7 =	sadd.s32 $0x13100, s2;
	[dreg:$0xa] =	wrdreg s28  }
0x14: {  	s12 =	sadd.s32 $0x97400, s1;
	s8 =	sadd.s32 $0x13380, s2;
	[dreg:$0xb] =	wrdreg s7  }
0x15: {  	s5 =	sshll.u32 s5, $0x3;
	s2 =	sadd.s32 $0x13600, s2;
	[dreg:$0xc] =	wrdreg s8  }
0x16: {  	s15 =	sadd.s32 $0x98800, s1;
	s0 =	sadd.s32 s0, s5;
	[dreg:$0xd] =	wrdreg s2  }
0x17: {  	p0 =	seq.s32 s3, $0xF;
	s21 =	sadd.s32 $0x280, s0;
	[dreg:$0x8] =	wrdreg s0  }
0x18: {  	s9 =	sadd.s32 $0x1400, s13;
	s22 =	sadd.s32 $0x500, s0;
	[dreg:$0x12] =	wrdreg s21  }
0x19: {  	s14 =	sadd.s32 $0x5000, s13;
	s23 =	sadd.s32 $0x780, s0;
	[dreg:$0x13] =	wrdreg s22  }
0x1a: {  	s6 =	simm.s32 $0x0;
	s24 =	sadd.s32 $0xA00, s0;
	[dreg:$0x14] =	wrdreg s23  }
0x1b: {  	s20 =	simm.s32 $0x13A60;
	s25 =	sadd.s32 $0xC80, s0;
	[dreg:$0x15] =	wrdreg s24  }
0x1c: {  	s5 =	sadd.s32 $0x99C00, s1;
	s28 =	sadd.s32 $0xF00, s0;
	[dreg:$0x16] =	wrdreg s25  }
0x1d: {  	s26 =	sadd.s32 $0x9B000, s1;
	s0 =	sadd.s32 $0x1180, s0;
	[dreg:$0x17] =	wrdreg s28  }
0x1e: {  	s7 =	simm.s32 $0x6;
	s2 =	simm.s32 $0x5;
	[dreg:$0x18] =	wrdreg s0  }
0x1f: {  	s21 =	simm.s32 $0x3;
	s22 =	simm.s32 $0x1;
	s23 =	simm.s32 $0x2  }
0x20: {  	s24 =	simm.s32 $0x50;
	s25 =	simm.s32 $0xFE60;
	s0 =	simm.s32 $0x4  }
.LBB2_1:
0x21: {  	[dreg:$0x19] =	wrdreg s6  }
0x22: {  	s3 =	simm.s32 $0x0;
	s8 =	rddreg [dreg:$0x3]  }
0x23: {  	[tilespmem:s3], [sflag:$0x6] =	stream.linear.gather [hbm4b:s8+s3], $0x1400, $0x38;
	[tilespmem:$0x16260] =	vst v63  }
0x24: {  	_ =	swait.ge [sflag:s7], $0x1400  }
0x25: {  	[sflag:s7] =	ssyncset.done $0x0  }
0x26: {  	s8 =	simm.s32 $0x1400;
	s6 =	rddreg [dreg:$0x4];
	[sflag:s7] =	ssyncadd.s32 $0xFFFFEC00  }
0x27: {  	[tilespmem:s8], [sflag:$0x1] =	stream.linear.gather [hbm4b:s6+s3], $0x2710, $0x38;
	[tilespmem:$0x16260] =	vst v63  }
0x28: {  	s28 =	simm.s32 $0x3B10;
	s6 =	rddreg [dreg:$0x5]  }
0x29: {  	[tilespmem:s28], [sflag:$0x2] =	stream.linear.gather [hbm4b:s6+s3], $0x2710, $0x38;
	[tilespmem:$0x16260] =	vst v63  }
0x2a: {  	s6 =	simm.s32 @p0 $0x0  }
0x2b: {  	[spmem:s11] =	stream.linear.scatter @p0 [tilespmem:s6], [sflag:$0x3], $0x1400, $0x38;
	[tilespmem:$0x16260] =	vst v63  }
0x2c: {  	_ = 	snop  }
0x2d: {  	[spmem:s12] =	stream.linear.scatter @p0 [tilespmem:s6], [sflag:$0x3], $0x1400, $0x38;
	[tilespmem:$0x16260] =	vst v63  }
0x2e: {  	_ = 	snop  }
0x2f: {  	[spmem:s15] =	stream.linear.scatter @p0 [tilespmem:s6], [sflag:$0x3], $0x1400, $0x38;
	[tilespmem:$0x16260] =	vst v63  }
0x30: {  	_ = 	snop  }
0x31: {  	[spmem:s5] =	stream.linear.scatter @p0 [tilespmem:s6], [sflag:$0x3], $0x1400, $0x38;
	[tilespmem:$0x16260] =	vst v63  }
0x32: {  	_ = 	snop  }
0x33: {  	[spmem:s26] =	stream.linear.scatter @p0 [tilespmem:s6], [sflag:$0x3], $0x1400, $0x38;
	[tilespmem:$0x16260] =	vst v63  }
0x34: {  	s6 =	simm.s32 @!p0 $0x0  }
0x35: {  	[spmem:s13] =	stream.linear.scatter @!p0 [tilespmem:s6], [sflag:$0x3], $0x1400, $0x38;
	[tilespmem:$0x16260] =	vst v63  }
0x36: {  	_ = 	snop  }
0x37: {  	[spmem:s9] =	stream.linear.scatter @!p0 [tilespmem:s6], [sflag:$0x3], $0x1400, $0x38;
	[tilespmem:$0x16260] =	vst v63  }
0x38: {  	_ = 	snop  }
0x39: {  	[spmem:s10] =	stream.linear.scatter @!p0 [tilespmem:s6], [sflag:$0x3], $0x1400, $0x38;
	[tilespmem:$0x16260] =	vst v63  }
0x3a: {  	_ = 	snop  }
0x3b: {  	[spmem:s19] =	stream.linear.scatter @!p0 [tilespmem:s6], [sflag:$0x3], $0x1400, $0x38;
	[tilespmem:$0x16260] =	vst v63  }
0x3c: {  	_ = 	snop  }
0x3d: {  	[spmem:s14] =	stream.linear.scatter @!p0 [tilespmem:s6], [sflag:$0x3], $0x1400, $0x38;
	[tilespmem:$0x16260] =	vst v63  }
0x3e: {  	s3 =	smov.u32 s16  }
0x3f: {  	[spmem:s3] =	stream.linear.scatter @!p0 [tilespmem:s6], [sflag:$0x3], $0x1400, $0x38;
	[tilespmem:$0x16260] =	vst v63  }
0x40: {  	_ = 	snop  }
0x41: {  	[spmem:s17] =	stream.linear.scatter @!p0 [tilespmem:s6], [sflag:$0x3], $0x1400, $0x38;
	[tilespmem:$0x16260] =	vst v63  }
0x42: {  	_ = 	snop  }
0x43: {  	[spmem:s18] =	stream.linear.scatter @!p0 [tilespmem:s6], [sflag:$0x3], $0x1400, $0x38;
	[tilespmem:$0x16260] =	vst v63  }
0x44: {  	s6 =	simm.s32 @!p0 $0x3  }
0x45: {  	_ =	swait.ge @!p0 [sflag:s6], $0x1400  }
0x46: {  	[sflag:s6] =	ssyncset.done @!p0 $0x0  }
0x47: {  	[sflag:s6] =	ssyncadd.s32 @!p0 $0xFFFFEC00  }
0x48: {  	_ =	swait.ge @!p0 [sflag:s6], $0x1400  }
0x49: {  	[sflag:s6] =	ssyncset.done @!p0 $0x0  }
0x4a: {  	[sflag:s6] =	ssyncadd.s32 @!p0 $0xFFFFEC00  }
0x4b: {  	_ =	swait.ge @!p0 [sflag:s6], $0x1400  }
0x4c: {  	[sflag:s6] =	ssyncset.done @!p0 $0x0  }
0x4d: {  	[sflag:s6] =	ssyncadd.s32 @!p0 $0xFFFFEC00  }
0x4e: {  	_ =	swait.ge [sflag:s21], $0x1400  }
0x4f: {  	[sflag:s21] =	ssyncset.done $0x0  }
0x50: {  	[sflag:s21] =	ssyncadd.s32 $0xFFFFEC00  }
0x51: {  	_ =	swait.ge [sflag:s21], $0x1400  }
0x52: {  	[sflag:s21] =	ssyncset.done $0x0  }
0x53: {  	[sflag:s21] =	ssyncadd.s32 $0xFFFFEC00  }
0x54: {  	_ =	swait.ge [sflag:s21], $0x1400  }
0x55: {  	[sflag:s21] =	ssyncset.done $0x0  }
0x56: {  	[sflag:s21] =	ssyncadd.s32 $0xFFFFEC00  }
0x57: {  	_ =	swait.ge [sflag:s21], $0x1400  }
0x58: {  	[sflag:s21] =	ssyncset.done $0x0  }
0x59: {  	[sflag:s21] =	ssyncadd.s32 $0xFFFFEC00  }
0x5a: {  	_ =	swait.ge [sflag:s21], $0x1400  }
0x5b: {  	[sflag:s21] =	ssyncset.done $0x0  }
0x5c: {  	[sflag:s21] =	ssyncadd.s32 $0xFFFFEC00  }
0x5d: {  	_ =	swait.ge [sflag:s22], $0x2710  }
0x5e: {  	[sflag:s22] =	ssyncset.done $0x0  }
0x5f: {  	[sflag:s22] =	ssyncadd.s32 $0xFFFFD8F0  }
0x60: {  	_ =	swait.ge [sflag:s23], $0x2710  }
0x61: {  	[sflag:s23] =	ssyncset.done $0x0  }
0x62: {  	[sflag:s23] =	ssyncadd.s32 $0xFFFFD8F0  }
0x63: {  	[bflag:$0x0] =	sbarrier.arrive $0xFFFF  }
0x64: {  	[tilespmem:s25], [sflag:$0x1] =	stream.indirect.gather [hbm4b:s4+s24], $0x40, s8, s24, $0xb8;
	[tilespmem:$0x16260] =	vst v63  }
0x65: {  	s10 =	simm.s32 $0x1450  }
0x66: {  	[tilespmem:s29], [sflag:$0x2] =	stream.indirect.gather [hbm4b:s4+s24], $0x40, s10, s24, $0xb8;
	[tilespmem:$0x16260] =	vst v63  }
0x67: {  	s16 =	smov.u32 s14;
	s14 =	simm.s32 $0x14A0  }
0x68: {  	[tilespmem:s30], [sflag:$0x3] =	stream.indirect.gather [hbm4b:s4+s24], $0x40, s14, s24, $0xb8;
	[tilespmem:$0x16260] =	vst v63  }
0x69: {  	s17 =	simm.s32 $0x14F0  }
0x6a: {  	[tilespmem:s20], [sflag:$0x4] =	stream.indirect.gather [hbm4b:s4+s24], $0x40, s17, s24, $0xb8;
	[tilespmem:$0x16260] =	vst v63  }
0x6b: {  	s18 =	simm.s32 $0x1540  }
0x6c: {  	[tilespmem:s31], [sflag:$0x5] =	stream.indirect.gather [hbm4b:s4+s24], $0x40, s18, s24, $0xb8;
	[tilespmem:$0x16260] =	vst v63  }
0x6d: {  	_ =	swait.ge [sflag:s22], $0x1400  }
0x6e: {  	[sflag:s22] =	ssyncset.done $0x0  }
0x6f: {  	s19 =	simm.s32 $0x3B10;
	[sflag:s22] =	ssyncadd.s32 $0xFFFFEC00  }
0x70: {  	[spmem:s1] =	stream.indirect.scatter.add.bf16 [tilespmem:s25], [sflag:$0x6], $0x40, s19, s24, $0xb8;
	[tilespmem:$0x16260] =	vst v63  }
0x71: {  	_ =	swait.ge [sflag:s7], $0x1400  }
0x72: {  	[sflag:s7] =	ssyncset.done $0x0  }
0x73: {  	s3 =	simm.s32 $0x1590;
	[sflag:s7] =	ssyncadd.s32 $0xFFFFEC00  }
0x74: {  	[tilespmem:s25], [sflag:$0x1] =	stream.indirect.gather [hbm4b:s4+s24], $0x40, s3, s24, $0xb8;
	[tilespmem:$0x16260] =	vst v63  }
0x75: {  	_ =	swait.ge [sflag:s23], $0x1400  }
0x76: {  	s28 =	smov.u32 s11;
	[sflag:s23] =	ssyncset.done $0x0  }
0x77: {  	s11 =	smov.u32 s12;
	s8 =	simm.s32 $0x3B60;
	[sflag:s23] =	ssyncadd.s32 $0xFFFFEC00  }
0x78: {  	[spmem:s1] =	stream.indirect.scatter.add.bf16 [tilespmem:s29], [sflag:$0x6], $0x40, s8, s24, $0xb8;
	[tilespmem:$0x16260] =	vst v63  }
0x79: {  	s12 =	smov.u32 s15;
	s15 =	smov.u32 s5;
	_ =	swait.ge [sflag:s7], $0x1400  }
0x7a: {  	s5 =	smov.u32 s26;
	s26 =	smov.u32 s13;
	[sflag:s7] =	ssyncset.done $0x0  }
0x7b: {  	s13 =	smov.u32 s9;
	s9 =	simm.s32 $0x15E0;
	[sflag:s7] =	ssyncadd.s32 $0xFFFFEC00  }
0x7c: {  	[tilespmem:s29], [sflag:$0x2] =	stream.indirect.gather [hbm4b:s4+s24], $0x40, s9, s24, $0xb8;
	[tilespmem:$0x16260] =	vst v63  }
0x7d: {  	_ =	swait.ge [sflag:s21], $0x1400  }
0x7e: {  	[sflag:s21] =	ssyncset.done $0x0  }
0x7f: {  	s10 =	simm.s32 $0x3BB0;
	[sflag:s21] =	ssyncadd.s32 $0xFFFFEC00  }
0x80: {  	[spmem:s1] =	stream.indirect.scatter.add.bf16 [tilespmem:s30], [sflag:$0x6], $0x40, s10, s24, $0xb8;
	[tilespmem:$0x16260] =	vst v63  }
0x81: {  	_ =	swait.ge [sflag:s7], $0x1400  }
0x82: {  	[sflag:s7] =	ssyncset.done $0x0  }
0x83: {  	s14 =	simm.s32 $0x1630;
	[sflag:s7] =	ssyncadd.s32 $0xFFFFEC00  }
0x84: {  	[tilespmem:s30], [sflag:$0x3] =	stream.indirect.gather [hbm4b:s4+s24], $0x40, s14, s24, $0xb8;
	[tilespmem:$0x16260] =	vst v63  }
0x85: {  	_ =	swait.ge [sflag:s0], $0x1400  }
0x86: {  	[sflag:s0] =	ssyncset.done $0x0  }
0x87: {  	s17 =	simm.s32 $0x3C00;
	[sflag:s0] =	ssyncadd.s32 $0xFFFFEC00  }
0x88: {  	[spmem:s1] =	stream.indirect.scatter.add.bf16 [tilespmem:s20], [sflag:$0x6], $0x40, s17, s24, $0xb8;
	[tilespmem:$0x16260] =	vst v63  }
0x89: {  	_ =	swait.ge [sflag:s7], $0x1400  }
0x8a: {  	[sflag:s7] =	ssyncset.done $0x0  }
0x8b: {  	s18 =	simm.s32 $0x1680;
	[sflag:s7] =	ssyncadd.s32 $0xFFFFEC00  }
0x8c: {  	[tilespmem:s20], [sflag:$0x4] =	stream.indirect.gather [hbm4b:s4+s24], $0x40, s18, s24, $0xb8;
	[tilespmem:$0x16260] =	vst v63  }
0x8d: {  	_ =	swait.ge [sflag:s2], $0x1400  }
0x8e: {  	[sflag:s2] =	ssyncset.done $0x0  }
0x8f: {  	s19 =	simm.s32 $0x3C50;
	[sflag:s2] =	ssyncadd.s32 $0xFFFFEC00  }
0x90: {  	[spmem:s1] =	stream.indirect.scatter.add.bf16 [tilespmem:s31], [sflag:$0x6], $0x40, s19, s24, $0xb8;
	[tilespmem:$0x16260] =	vst v63  }
0x91: {  	_ =	swait.ge [sflag:s7], $0x1400  }
0x92: {  	[sflag:s7] =	ssyncset.done $0x0  }
0x93: {  	s6 =	simm.s32 $0x640;
	s19 =	simm.s32 $0x16D0;
	[sflag:s7] =	ssyncadd.s32 $0xFFFFEC00  }
.LBB2_2:
0x94: {  	[tilespmem:s31], [sflag:$0x5] =	stream.indirect.gather [hbm4b:s4+s24], $0x40, s19, s24, $0xb8;
	[tilespmem:$0x16260] =	vst v63  }
0x95: {  	s19 =	smov.u32 s6  }
0x96: {  	p1 =	sne.s32 s6, $0x8FC0;
	s6 =	sadd.s32 $0x640, s6;
	_ =	swait.ge [sflag:s22], $0x1400  }
0x97: {  	s19 =	sshra.s32 s19, $0x2;
	[sflag:s22] =	ssyncset.done $0x0  }
0x98: {  	s3 =	sadd.s32 $0x3B10, s19;
	[sflag:s22] =	ssyncadd.s32 $0xFFFFEC00  }
0x99: {  	[spmem:s1] =	stream.indirect.scatter.add.bf16 [tilespmem:s25], [sflag:$0x6], $0x40, s3, s24, $0xb8;
	[tilespmem:$0x16260] =	vst v63  }
0x9a: {  	_ =	swait.ge [sflag:s7], $0x1400  }
0x9b: {  	[sflag:s7] =	ssyncset.done $0x0  }
0x9c: {  	s3 =	sadd.s32 $0x1590, s19;
	[sflag:s7] =	ssyncadd.s32 $0xFFFFEC00  }
0x9d: {  	[tilespmem:s25], [sflag:$0x1] =	stream.indirect.gather [hbm4b:s4+s24], $0x40, s3, s24, $0xb8;
	[tilespmem:$0x16260] =	vst v63  }
0x9e: {  	_ =	swait.ge [sflag:s23], $0x1400  }
0x9f: {  	[sflag:s23] =	ssyncset.done $0x0  }
0xa0: {  	s3 =	sadd.s32 $0x3B60, s19;
	[sflag:s23] =	ssyncadd.s32 $0xFFFFEC00  }
0xa1: {  	[spmem:s1] =	stream.indirect.scatter.add.bf16 [tilespmem:s29], [sflag:$0x6], $0x40, s3, s24, $0xb8;
	[tilespmem:$0x16260] =	vst v63  }
0xa2: {  	_ =	swait.ge [sflag:s7], $0x1400  }
0xa3: {  	[sflag:s7] =	ssyncset.done $0x0  }
0xa4: {  	s3 =	sadd.s32 $0x15E0, s19;
	[sflag:s7] =	ssyncadd.s32 $0xFFFFEC00  }
0xa5: {  	[tilespmem:s29], [sflag:$0x2] =	stream.indirect.gather [hbm4b:s4+s24], $0x40, s3, s24, $0xb8;
	[tilespmem:$0x16260] =	vst v63  }
0xa6: {  	_ =	swait.ge [sflag:s21], $0x1400  }
0xa7: {  	[sflag:s21] =	ssyncset.done $0x0  }
0xa8: {  	s3 =	sadd.s32 $0x3BB0, s19;
	[sflag:s21] =	ssyncadd.s32 $0xFFFFEC00  }
0xa9: {  	[spmem:s1] =	stream.indirect.scatter.add.bf16 [tilespmem:s30], [sflag:$0x6], $0x40, s3, s24, $0xb8;
	[tilespmem:$0x16260] =	vst v63  }
0xaa: {  	_ =	swait.ge [sflag:s7], $0x1400  }
0xab: {  	[sflag:s7] =	ssyncset.done $0x0  }
0xac: {  	s3 =	sadd.s32 $0x1630, s19;
	[sflag:s7] =	ssyncadd.s32 $0xFFFFEC00  }
0xad: {  	[tilespmem:s30], [sflag:$0x3] =	stream.indirect.gather [hbm4b:s4+s24], $0x40, s3, s24, $0xb8;
	[tilespmem:$0x16260] =	vst v63  }
0xae: {  	_ =	swait.ge [sflag:s0], $0x1400  }
0xaf: {  	[sflag:s0] =	ssyncset.done $0x0  }
0xb0: {  	s3 =	sadd.s32 $0x3C00, s19;
	[sflag:s0] =	ssyncadd.s32 $0xFFFFEC00  }
0xb1: {  	[spmem:s1] =	stream.indirect.scatter.add.bf16 [tilespmem:s20], [sflag:$0x6], $0x40, s3, s24, $0xb8;
	[tilespmem:$0x16260] =	vst v63  }
0xb2: {  	_ =	swait.ge [sflag:s7], $0x1400  }
0xb3: {  	[sflag:s7] =	ssyncset.done $0x0  }
0xb4: {  	s3 =	sadd.s32 $0x1680, s19;
	[sflag:s7] =	ssyncadd.s32 $0xFFFFEC00  }
0xb5: {  	[tilespmem:s20], [sflag:$0x4] =	stream.indirect.gather [hbm4b:s4+s24], $0x40, s3, s24, $0xb8;
	[tilespmem:$0x16260] =	vst v63  }
0xb6: {  	_ =	swait.ge [sflag:s2], $0x1400  }
0xb7: {  	[sflag:s2] =	ssyncset.done $0x0  }
.Ltmp0:
0xb8: {  	s3 =	sadd.s32 $0x3C50, s19;
	[sflag:s2] =	ssyncadd.s32 $0xFFFFEC00;
	(pc) =	sbr.rel @p1 .LBB2_2-.Ltmp0, $4  }
0xb9: {  	[spmem:s1] =	stream.indirect.scatter.add.bf16 [tilespmem:s31], [sflag:$0x6], $0x40, s3, s24, $0xb8;
	[tilespmem:$0x16260] =	vst v63  }
0xba: {  	_ =	swait.ge [sflag:s7], $0x1400  }
0xbb: {  	[sflag:s7] =	ssyncset.done $0x0  }
0xbc: {  	s19 =	sadd.s32 $0x16D0, s19;
	[sflag:s7] =	ssyncadd.s32 $0xFFFFEC00  }
0xbd: {  	[tilespmem:s31], [sflag:$0x5] =	stream.indirect.gather [hbm4b:s4+s24], $0x40, s19, s24, $0xb8;
	[tilespmem:$0x16260] =	vst v63  }
0xbe: {  	_ =	swait.ge [sflag:s22], $0x1400  }
0xbf: {  	[sflag:s22] =	ssyncset.done $0x0  }
0xc0: {  	s3 =	simm.s32 $0x6090;
	[sflag:s22] =	ssyncadd.s32 $0xFFFFEC00  }
0xc1: {  	[spmem:s1] =	stream.indirect.scatter.add.bf16 [tilespmem:s25], [sflag:$0x6], $0x40, s3, s24, $0xb8;
	[tilespmem:$0x16260] =	vst v63  }
0xc2: {  	_ =	swait.ge [sflag:s7], $0x1400  }
0xc3: {  	[sflag:s7] =	ssyncset.done $0x0  }
0xc4: {  	[sflag:s7] =	ssyncadd.s32 $0xFFFFEC00  }
0xc5: {  	_ =	swait.ge [sflag:s23], $0x1400  }
0xc6: {  	[sflag:s23] =	ssyncset.done $0x0  }
0xc7: {  	s17 =	simm.s32 $0x60E0;
	[sflag:s23] =	ssyncadd.s32 $0xFFFFEC00  }
0xc8: {  	[spmem:s1] =	stream.indirect.scatter.add.bf16 [tilespmem:s29], [sflag:$0x6], $0x40, s17, s24, $0xb8;
	[tilespmem:$0x16260] =	vst v63  }
0xc9: {  	_ =	swait.ge [sflag:s7], $0x1400  }
0xca: {  	[sflag:s7] =	ssyncset.done $0x0  }
0xcb: {  	[sflag:s7] =	ssyncadd.s32 $0xFFFFEC00  }
0xcc: {  	_ =	swait.ge [sflag:s21], $0x1400  }
0xcd: {  	[sflag:s21] =	ssyncset.done $0x0  }
0xce: {  	s18 =	simm.s32 $0x6130;
	[sflag:s21] =	ssyncadd.s32 $0xFFFFEC00  }
0xcf: {  	[spmem:s1] =	stream.indirect.scatter.add.bf16 [tilespmem:s30], [sflag:$0x6], $0x40, s18, s24, $0xb8;
	[tilespmem:$0x16260] =	vst v63  }
0xd0: {  	_ =	swait.ge [sflag:s7], $0x1400  }
0xd1: {  	[sflag:s7] =	ssyncset.done $0x0  }
0xd2: {  	[sflag:s7] =	ssyncadd.s32 $0xFFFFEC00  }
0xd3: {  	_ =	swait.ge [sflag:s0], $0x1400  }
0xd4: {  	[sflag:s0] =	ssyncset.done $0x0  }
0xd5: {  	s19 =	simm.s32 $0x6180;
	[sflag:s0] =	ssyncadd.s32 $0xFFFFEC00  }
0xd6: {  	[spmem:s1] =	stream.indirect.scatter.add.bf16 [tilespmem:s20], [sflag:$0x6], $0x40, s19, s24, $0xb8;
	[tilespmem:$0x16260] =	vst v63  }
0xd7: {  	_ =	swait.ge [sflag:s7], $0x1400  }
0xd8: {  	[sflag:s7] =	ssyncset.done $0x0  }
0xd9: {  	[sflag:s7] =	ssyncadd.s32 $0xFFFFEC00  }
0xda: {  	_ =	swait.ge [sflag:s2], $0x1400  }
0xdb: {  	[sflag:s2] =	ssyncset.done $0x0  }
0xdc: {  	s6 =	simm.s32 $0x61D0;
	[sflag:s2] =	ssyncadd.s32 $0xFFFFEC00  }
0xdd: {  	[spmem:s1] =	stream.indirect.scatter.add.bf16 [tilespmem:s31], [sflag:$0x6], $0x40, s6, s24, $0xb8;
	[tilespmem:$0x16260] =	vst v63  }
0xde: {  	_ =	swait.ge [sflag:s7], $0x1400  }
0xdf: {  	[sflag:s7] =	ssyncset.done $0x0  }
0xe0: {  	[sflag:s7] =	ssyncadd.s32 $0xFFFFEC00  }
0xe1: {  	s3 =	simm.s32 @p0 $0x0;
	s6 =	simm.s32 @p0 $0x6;
	[bflag:$0x0] =	sbarrier.arrive $0xFFFF  }
0xe2: {  	[tilespmem:s3], [sflag:$0x6] =	stream.linear.gather @p0 [spmem:s28], $0x1400, $0x38;
	[tilespmem:$0x16260] =	vst v63  }
0xe3: {  	_ =	swait.ge @p0 [sflag:s6], $0x1400  }
0xe4: {  	[sflag:s6] =	ssyncset.done @p0 $0x0  }
0xe5: {  	s9 =	rddreg [dreg:$0x9];
	[sflag:s6] =	ssyncadd.s32 @p0 $0xFFFFEC00  }
0xe6: {  	[hbm4b:s9+s3] =	stream.linear.scatter @p0 [tilespmem:s3], [sflag:$0x1], $0x1400, $0x38;
	[tilespmem:$0x16260] =	vst v63  }
0xe7: {  	s19 =	simm.s32 @p0 $0xFE60  }
0xe8: {  	[tilespmem:s19], [sflag:$0x6] =	stream.linear.gather @p0 [spmem:s11], $0x1400, $0x38;
	[tilespmem:$0x16260] =	vst v63  }
0xe9: {  	_ =	swait.ge @p0 [sflag:s6], $0x1400  }
0xea: {  	[sflag:s6] =	ssyncset.done @p0 $0x0  }
0xeb: {  	s9 =	rddreg [dreg:$0xa];
	[sflag:s6] =	ssyncadd.s32 @p0 $0xFFFFEC00  }
0xec: {  	[hbm4b:s9+s3] =	stream.linear.scatter @p0 [tilespmem:s19], [sflag:$0x2], $0x1400, $0x38;
	[tilespmem:$0x16260] =	vst v63  }
0xed: {  	s9 =	simm.s32 @p0 $0x1  }
0xee: {  	_ =	swait.ge @p0 [sflag:s9], $0x1400  }
0xef: {  	[sflag:s9] =	ssyncset.done @p0 $0x0  }
0xf0: {  	[sflag:s9] =	ssyncadd.s32 @p0 $0xFFFFEC00  }
0xf1: {  	[tilespmem:s3], [sflag:$0x6] =	stream.linear.gather @p0 [spmem:s12], $0x1400, $0x38;
	[tilespmem:$0x16260] =	vst v63  }
0xf2: {  	_ =	swait.ge @p0 [sflag:s6], $0x1400  }
0xf3: {  	[sflag:s6] =	ssyncset.done @p0 $0x0  }
0xf4: {  	s10 =	rddreg [dreg:$0xb];
	[sflag:s6] =	ssyncadd.s32 @p0 $0xFFFFEC00  }
0xf5: {  	[hbm4b:s10+s3] =	stream.linear.scatter @p0 [tilespmem:s3], [sflag:$0x1], $0x1400, $0x38;
	[tilespmem:$0x16260] =	vst v63  }
0xf6: {  	s10 =	simm.s32 @p0 $0x2  }
0xf7: {  	_ =	swait.ge @p0 [sflag:s10], $0x1400  }
0xf8: {  	[sflag:s10] =	ssyncset.done @p0 $0x0  }
0xf9: {  	[sflag:s10] =	ssyncadd.s32 @p0 $0xFFFFEC00  }
0xfa: {  	[tilespmem:s19], [sflag:$0x6] =	stream.linear.gather @p0 [spmem:s15], $0x1400, $0x38;
	[tilespmem:$0x16260] =	vst v63  }
0xfb: {  	_ =	swait.ge @p0 [sflag:s6], $0x1400  }
0xfc: {  	[sflag:s6] =	ssyncset.done @p0 $0x0  }
0xfd: {  	s10 =	rddreg [dreg:$0xc];
	[sflag:s6] =	ssyncadd.s32 @p0 $0xFFFFEC00  }
0xfe: {  	[hbm4b:s10+s3] =	stream.linear.scatter @p0 [tilespmem:s19], [sflag:$0x2], $0x1400, $0x38;
	[tilespmem:$0x16260] =	vst v63  }
0xff: {  	_ =	swait.ge @p0 [sflag:s9], $0x1400  }
0x100: {  	[sflag:s9] =	ssyncset.done @p0 $0x0  }
0x101: {  	[sflag:s9] =	ssyncadd.s32 @p0 $0xFFFFEC00  }
0x102: {  	[tilespmem:s3], [sflag:$0x6] =	stream.linear.gather @p0 [spmem:s5], $0x1400, $0x38;
	[tilespmem:$0x16260] =	vst v63  }
0x103: {  	_ =	swait.ge @p0 [sflag:s6], $0x1400  }
0x104: {  	[sflag:s6] =	ssyncset.done @p0 $0x0  }
0x105: {  	[sflag:s6] =	ssyncadd.s32 @p0 $0xFFFFEC00;
	s6 =	rddreg [dreg:$0xd]  }
0x106: {  	[hbm4b:s6+s3] =	stream.linear.scatter @p0 [tilespmem:s3], [sflag:$0x1], $0x1400, $0x38;
	[tilespmem:$0x16260] =	vst v63  }
0x107: {  	s3 =	simm.s32 @!p0 $0x0;
	s6 =	simm.s32 @!p0 $0x6  }
0x108: {  	[tilespmem:s3], [sflag:$0x6] =	stream.linear.gather @!p0 [spmem:s26], $0x1400, $0x38;
	[tilespmem:$0x16260] =	vst v63  }
0x109: {  	_ =	swait.ge @!p0 [sflag:s6], $0x1400  }
0x10a: {  	[sflag:s6] =	ssyncset.done @!p0 $0x0  }
0x10b: {  	s9 =	rddreg [dreg:$0x8];
	[sflag:s6] =	ssyncadd.s32 @!p0 $0xFFFFEC00  }
0x10c: {  	[hbm4b:s9+s3] =	stream.linear.scatter @!p0 [tilespmem:s3], [sflag:$0x1], $0x1400, $0x38;
	[tilespmem:$0x16260] =	vst v63  }
0x10d: {  	s9 =	simm.s32 @!p0 $0xFE60  }
0x10e: {  	[tilespmem:s9], [sflag:$0x6] =	stream.linear.gather @!p0 [spmem:s13], $0x1400, $0x38;
	[tilespmem:$0x16260] =	vst v63  }
0x10f: {  	_ =	swait.ge @!p0 [sflag:s6], $0x1400  }
0x110: {  	[sflag:s6] =	ssyncset.done @!p0 $0x0  }
0x111: {  	s10 =	rddreg [dreg:$0x12];
	[sflag:s6] =	ssyncadd.s32 @!p0 $0xFFFFEC00  }
0x112: {  	[hbm4b:s10+s3] =	stream.linear.scatter @!p0 [tilespmem:s9], [sflag:$0x2], $0x1400, $0x38;
	[tilespmem:$0x16260] =	vst v63  }
0x113: {  	s10 =	simm.s32 @!p0 $0x1  }
0x114: {  	_ =	swait.ge @!p0 [sflag:s10], $0x1400  }
0x115: {  	[sflag:s10] =	ssyncset.done @!p0 $0x0  }
0x116: {  	s18 =	smov.u32 s12;
	s12 =	rddreg [dreg:$0x11];
	[sflag:s10] =	ssyncadd.s32 @!p0 $0xFFFFEC00  }
0x117: {  	[tilespmem:s3], [sflag:$0x6] =	stream.linear.gather @!p0 [spmem:s12], $0x1400, $0x38;
	[tilespmem:$0x16260] =	vst v63  }
0x118: {  	_ =	swait.ge @!p0 [sflag:s6], $0x1400  }
0x119: {  	s17 =	smov.u32 s11;
	s11 =	smov.u32 s13;
	[sflag:s6] =	ssyncset.done @!p0 $0x0  }
0x11a: {  	s19 =	simm.s32 @!p0 $0x2;
	s13 =	rddreg [dreg:$0x13];
	[sflag:s6] =	ssyncadd.s32 @!p0 $0xFFFFEC00  }
0x11b: {  	[hbm4b:s13+s3] =	stream.linear.scatter @!p0 [tilespmem:s3], [sflag:$0x1], $0x1400, $0x38;
	[tilespmem:$0x16260] =	vst v63  }
0x11c: {  	_ =	swait.ge @!p0 [sflag:s19], $0x1400  }
0x11d: {  	[sflag:s19] =	ssyncset.done @!p0 $0x0  }
0x11e: {  	s13 =	rddreg [dreg:$0x10];
	[sflag:s19] =	ssyncadd.s32 @!p0 $0xFFFFEC00  }
0x11f: {  	[tilespmem:s9], [sflag:$0x6] =	stream.linear.gather @!p0 [spmem:s13], $0x1400, $0x38;
	[tilespmem:$0x16260] =	vst v63  }
0x120: {  	_ =	swait.ge @!p0 [sflag:s6], $0x1400  }
0x121: {  	[sflag:s6] =	ssyncset.done @!p0 $0x0  }
0x122: {  	s14 =	rddreg [dreg:$0x14];
	[sflag:s6] =	ssyncadd.s32 @!p0 $0xFFFFEC00  }
0x123: {  	[hbm4b:s14+s3] =	stream.linear.scatter @!p0 [tilespmem:s9], [sflag:$0x2], $0x1400, $0x38;
	[tilespmem:$0x16260] =	vst v63  }
0x124: {  	_ =	swait.ge @!p0 [sflag:s10], $0x1400  }
0x125: {  	[sflag:s10] =	ssyncset.done @!p0 $0x0  }
0x126: {  	[sflag:s10] =	ssyncadd.s32 @!p0 $0xFFFFEC00  }
0x127: {  	[tilespmem:s3], [sflag:$0x6] =	stream.linear.gather @!p0 [spmem:s16], $0x1400, $0x38;
	[tilespmem:$0x16260] =	vst v63  }
0x128: {  	_ =	swait.ge @!p0 [sflag:s6], $0x1400  }
0x129: {  	[sflag:s6] =	ssyncset.done @!p0 $0x0  }
0x12a: {  	s14 =	smov.u32 s16;
	s16 =	rddreg [dreg:$0x15];
	[sflag:s6] =	ssyncadd.s32 @!p0 $0xFFFFEC00  }
0x12b: {  	[hbm4b:s16+s3] =	stream.linear.scatter @!p0 [tilespmem:s3], [sflag:$0x1], $0x1400, $0x38;
	[tilespmem:$0x16260] =	vst v63  }
0x12c: {  	_ =	swait.ge @!p0 [sflag:s19], $0x1400  }
0x12d: {  	[sflag:s19] =	ssyncset.done @!p0 $0x0  }
0x12e: {  	s16 =	rddreg [dreg:$0xf];
	[sflag:s19] =	ssyncadd.s32 @!p0 $0xFFFFEC00  }
0x12f: {  	[tilespmem:s9], [sflag:$0x6] =	stream.linear.gather @!p0 [spmem:s16], $0x1400, $0x38;
	[tilespmem:$0x16260] =	vst v63  }
0x130: {  	_ =	swait.ge @!p0 [sflag:s6], $0x1400  }
0x131: {  	s8 =	smov.u32 s15;
	[sflag:s6] =	ssyncset.done @!p0 $0x0  }
0x132: {  	s15 =	smov.u32 s18;
	s18 =	rddreg [dreg:$0x16];
	[sflag:s6] =	ssyncadd.s32 @!p0 $0xFFFFEC00  }
0x133: {  	[hbm4b:s18+s3] =	stream.linear.scatter @!p0 [tilespmem:s9], [sflag:$0x2], $0x1400, $0x38;
	[tilespmem:$0x16260] =	vst v63  }
0x134: {  	_ =	swait.ge @!p0 [sflag:s10], $0x1400  }
0x135: {  	[sflag:s10] =	ssyncset.done @!p0 $0x0  }
0x136: {  	[sflag:s10] =	ssyncadd.s32 @!p0 $0xFFFFEC00  }
0x137: {  	s10 =	smov.u32 s12;
	s12 =	smov.u32 s17;
	s17 =	rddreg [dreg:$0x7]  }
0x138: {  	[tilespmem:s3], [sflag:$0x6] =	stream.linear.gather @!p0 [spmem:s17], $0x1400, $0x38;
	[tilespmem:$0x16260] =	vst v63  }
0x139: {  	_ =	swait.ge @!p0 [sflag:s6], $0x1400  }
0x13a: {  	[sflag:s6] =	ssyncset.done @!p0 $0x0  }
0x13b: {  	s18 =	rddreg [dreg:$0x17];
	[sflag:s6] =	ssyncadd.s32 @!p0 $0xFFFFEC00  }
0x13c: {  	[hbm4b:s18+s3] =	stream.linear.scatter @!p0 [tilespmem:s3], [sflag:$0x1], $0x1400, $0x38;
	[tilespmem:$0x16260] =	vst v63  }
0x13d: {  	_ =	swait.ge @!p0 [sflag:s19], $0x1400  }
0x13e: {  	[sflag:s19] =	ssyncset.done @!p0 $0x0  }
0x13f: {  	s18 =	rddreg [dreg:$0x6];
	[sflag:s19] =	ssyncadd.s32 @!p0 $0xFFFFEC00  }
0x140: {  	[tilespmem:s9], [sflag:$0x6] =	stream.linear.gather @!p0 [spmem:s18], $0x1400, $0x38;
	[tilespmem:$0x16260] =	vst v63  }
0x141: {  	_ =	swait.ge @!p0 [sflag:s6], $0x1400  }
0x142: {  	[sflag:s6] =	ssyncset.done @!p0 $0x0  }
0x143: {  	[sflag:s6] =	ssyncadd.s32 @!p0 $0xFFFFEC00;
	s6 =	rddreg [dreg:$0x18]  }
0x144: {  	[hbm4b:s6+s3] =	stream.linear.scatter @!p0 [tilespmem:s9], [sflag:$0x2], $0x1400, $0x38;
	[tilespmem:$0x16260] =	vst v63  }
0x145: {  	_ =	swait.ge [sflag:s22], $0x1400  }
0x146: {  	[sflag:s22] =	ssyncset.done $0x0  }
0x147: {  	s19 =	smov.u32 s13;
	[sflag:s22] =	ssyncadd.s32 $0xFFFFEC00  }
0x148: {  	s13 =	smov.u32 s26;
	s26 =	smov.u32 s5;
	_ =	swait.ge [sflag:s23], $0x1400  }
0x149: {  	s5 =	smov.u32 s8;
	s9 =	smov.u32 s11;
	s8 =	rddreg [dreg:$0x19]  }
0x14a: {  	s11 =	smov.u32 s28;
	s28 =	rddreg [dreg:$0xe];
	s6 =	sadd.s32 $0x1, s8  }
0x14b: {  	p1 =	sne.s32 s6, s28  }
.Ltmp1:
0x14c: {  	_ = 	snop;
	(pc) =	sbr.rel @p1 .LBB2_1-.Ltmp1, $3  }
0x14d: {  	_ =	sdelay $0x1  }
0x14e: {  	[sflag:s23] =	ssyncset.done $0x0  }
0x14f: {  	[sflag:s23] =	ssyncadd.s32 $0xFFFFEC00  }
0x150: {  	_ =	sfence.sel $0x180000  }
0x151: {  	[bflag:$0x0] =	sbarrier.arrive $0xFFFF  }
0x152: {  	_ =	strace $0x9000004D  }
0x153: {  	s0 =	stileid.u32;
	[bflag:$0x2] =	sbarrier.arrive $0xFFFF  }
0x154: {  	p0 =	sne.s32 s0, $0x0;
	s0 =	rddreg [dreg:$0x2]  }
0x155: {  	s0 =	sadd.s32 @!p0 $0x100000, s0  }
0x156: {  	[sflag:s0] =	ssyncadd.tile.s32 @!p0 $0x1;
	_ =	shalt  }
.Lfunc_end2:
_tile_overlayer_lowered:
.L_overlay_start_2:
0x157: {  	(tag) =	ssettag $0x2  }
0x158: {  	s0 =	rddreg [dreg:$0x0];
	s2 =	stileid.u32  }
0x159: {  	s1 =	rddreg [dreg:$0x1];
	p0 =	sne.s32 s2, $0x0  }
0x15a: {  	s3 =	rddreg [dreg:$0x2];
	[bflag:$0x3] =	sbarrier.arrive $0xFFFF;
	s2 =	simm.s32 @!p0 $0x1C06  }
0x15b: {  	[timem:s3], [sflag:s2] =	dma.local @!p0 [hbm:s0], s1  }
0x15c: {  	s0 =	simm.s32 @!p0 $0x6  }
0x15d: {  	_ =	swait.ge @!p0 [sflag:s0], s1  }
0x15e: {  	s1 =	ssub.s32 @!p0 $0x0, s1;
	[sflag:s0] =	ssyncset.done @!p0 $0x0  }
0x15f: {  	[sflag:s0] =	ssyncadd.s32 @!p0 s1  }
0x160: {  	[bflag:$0x3] =	sbarrier.arrive $0xFFFF  }
0x161: {  	_ =	shalt  }

// kernel: kernel.8.cloned.1.call-start
scs
__scs_entry_jumppad:
0x0: {  	(pc) =	sbr.rel $0x88, $3  }
0x1: {  	(tag) =	ssettag $0x0;
	lr =	simm.s32 $0x1  }
0x2: {  	[smem:$0x3F94] =	sst lr;
	_ =	strace $0xD0000000  }
0x3: {  	_ = 	snop  }
0x4: {  	_ = 	snop  }
0x5: {  	_ = 	snop  }
0x6: {  	_ = 	snop  }
0x7: {  	_ = 	snop  }
__scs_overlays_trampoline_lowered:
0x8: {  	[smem:$0x3FA3] =	sst s0  }
0x9: {  	[smem:$0x3FA4] =	sst s1  }
0xa: {  	[smem:$0x3FA5] =	sst s2  }
0xb: {  	[smem:$0x3FA6] =	sst s3  }
0xc: {  	[smem:$0x3FA7] =	sst s4  }
0xd: {  	[smem:$0x3FA8] =	sst s5  }
0xe: {  	[smem:$0x3FA9] =	sst s6  }
0xf: {  	[smem:$0x3FAA] =	sst s7  }
0x10: {  	[smem:$0x3FAB] =	sst s8  }
0x11: {  	[smem:$0x3FAC] =	sst s9;
	s0 =	simm.s32 @!p0 $0x0  }
0x12: {  	s1 =	sld [smem:$0x3F92];
	s0 =	simm.s32 @p0 $0x1  }
0x13: {  	[smem:$0x3FAD] =	sst s0;
	s0 =	simm.s32 @!p1 $0x0  }
0x14: {  	s2 =	sld [smem:$0x3F91];
	s0 =	simm.s32 @p1 $0x1  }
0x15: {  	[smem:$0x3FAE] =	sst s0;
	s0 =	simm.s32 @!p2 $0x0  }
0x16: {  	s3 =	sld [smem:$0x3FDB];
	s0 =	simm.s32 @p2 $0x1  }
0x17: {  	s4 =	simm.s32 $0x1BF5;
	[smem:$0x3FB0] =	sst s0  }
0x18: {  	s0 =	sld [smem:$0x3F93];
	_ =	swait.ge [sflag:s4], $0x0  }
0x19: {  	s7 =	sld [smem:$0x3F94]  }
0x1a: {  	s8 =	sadd.s32 $0xFFFFE003, lr  }
0x1b: {  	s9 =	sadd.s32 $0xFFFFFEF7, lr;
	s5 =	simm.s32 $0xFFFFFFFF;
	p2 =	slt.u32 s8, $0xFFFFF086  }
0x1c: {  	p1 =	slt.u32 s9, $0xF7A;
	s5 =	simm.s32 @!p2 $0x0  }
0x1d: {  	s5 =	simm.s32 @p1 $0x1;
	p0 =	seq.s32 s7, s2  }
0x1e: {  	s7 =	smul.u32 @!p0 $0xF7A, s2;
	p2 =	seq.s32 @!p0 s5, $0x0  }
0x1f: {  	s9 =	smul.u32 $0xF7A, s1;
	s8 =	simm.s32 @!p0 $0x1BF5;
	p2 =	por !p2, p0  }
0x20: {  	[sflag:s8] =	ssyncset.s32 @!p0 $0xFFFFF086;
	s6 =	sadd.s32 @!p0 s3, s7;
	s7 =	simm.s32 @!p0 $0x108  }
0x21: {  	s3 =	sadd.s32 s3, s9;
	s6 =	sadd.s32 @!p0 $0x88, s6;
	s7 =	simm.s32 @p2 $0x1082  }
0x22: {  	[simem:s7], [sflag:s8] =	dma.local @!p0 [hbm:s6], $0xF7A  }
0x23: {  	s9 =	sor.u32 $0xD0000000, s2;
	s6 =	simm.s32 $0x108;
	_ =	swait.ge @!p0 [sflag:s8], $0x0  }
0x24: {  	s3 =	sadd.s32 $0x88, s3;
	s6 =	simm.s32 @!p1 $0x1082;
	[sflag:s4] =	ssyncset.s32 $0xFFFFF086  }
0x25: {  	[simem:s6], [sflag:s4] =	dma.local [hbm:s3], $0xF7A  }
0x26: {  	[smem:$0x3F94] =	sst s1;
	(tag) =	ssettag s2;
	_ =	strace s9  }
0x27: {  	s1 =	sld [smem:$0x3FA4]  }
0x28: {  	s2 =	sld [smem:$0x3FA5]  }
0x29: {  	s4 =	sld [smem:$0x3FA7]  }
0x2a: {  	p0 =	seq.s32 s5, $0x0;
	s5 =	sld [smem:$0x3FA8]  }
0x2b: {  	s6 =	sld [smem:$0x3FA9]  }
0x2c: {  	s7 =	sld [smem:$0x3FAA]  }
0x2d: {  	s3 =	simm.s32 $0x108;
	s8 =	sld [smem:$0x3FAB]  }
0x2e: {  	s3 =	simm.s32 @!p0 $0x1082;
	s9 =	sld [smem:$0x3FAC]  }
0x2f: {  	lr =	sadd.s32 s0, s3;
	s0 =	sld [smem:$0x3FA3]  }
0x30: {  	s3 =	sld [smem:$0x3FA6]  }
0x31: {  	[smem:$0x3FAF] =	sst s10  }
0x32: {  	s10 =	sld [smem:$0x3FAD];
	_ =	sdelay $0x3  }
0x33: {  	p0 =	seq.s32 s10, $0x1;
	s10 =	sld [smem:$0x3FAF];
	_ =	sdelay $0x3  }
0x34: {  	[smem:$0x3FAF] =	sst s10  }
0x35: {  	s10 =	sld [smem:$0x3FAE];
	_ =	sdelay $0x3  }
0x36: {  	p1 =	seq.s32 s10, $0x1;
	s10 =	sld [smem:$0x3FAF];
	_ =	sdelay $0x3  }
0x37: {  	[smem:$0x3FAF] =	sst s10  }
0x38: {  	s10 =	sld [smem:$0x3FB0]  }
0x39: {  	_ = 	snop;
	(pc) =	sbr.ind lr, $3  }
0x3a: {  	_ = 	snop  }
0x3b: {  	_ = 	snop  }
0x3c: {  	p2 =	seq.s32 s10, $0x1;
	s10 =	sld [smem:$0x3FAF]  }
0x3d: {  	_ =	shalt  }
0x3e: {  	_ =	shalt  }
0x3f: {  	_ =	shalt  }
0x40: {  	_ =	shalt  }
0x41: {  	_ =	shalt  }
0x42: {  	_ =	shalt  }
0x43: {  	_ =	shalt  }
0x44: {  	_ =	shalt  }
0x45: {  	_ =	shalt  }
0x46: {  	_ =	shalt  }
0x47: {  	_ =	shalt  }
0x48: {  	_ =	shalt  }
0x49: {  	_ =	shalt  }
0x4a: {  	_ =	shalt  }
0x4b: {  	_ =	shalt  }
0x4c: {  	_ =	shalt  }
0x4d: {  	_ =	shalt  }
0x4e: {  	_ =	shalt  }
0x4f: {  	_ =	shalt  }
0x50: {  	_ =	shalt  }
0x51: {  	_ =	shalt  }
0x52: {  	_ =	shalt  }
0x53: {  	_ =	shalt  }
0x54: {  	_ =	shalt  }
0x55: {  	_ =	shalt  }
0x56: {  	_ =	shalt  }
0x57: {  	_ =	shalt  }
0x58: {  	_ =	shalt  }
0x59: {  	_ =	shalt  }
0x5a: {  	_ =	shalt  }
0x5b: {  	_ =	shalt  }
0x5c: {  	_ =	shalt  }
0x5d: {  	_ =	shalt  }
0x5e: {  	_ =	shalt  }
0x5f: {  	_ =	shalt  }
0x60: {  	_ =	shalt  }
0x61: {  	_ =	shalt  }
0x62: {  	_ =	shalt  }
0x63: {  	_ =	shalt  }
0x64: {  	_ =	shalt  }
0x65: {  	_ =	shalt  }
0x66: {  	_ =	shalt  }
0x67: {  	_ =	shalt  }
0x68: {  	_ =	shalt  }
0x69: {  	_ =	shalt  }
0x6a: {  	_ =	shalt  }
0x6b: {  	_ =	shalt  }
0x6c: {  	_ =	shalt  }
0x6d: {  	_ =	shalt  }
0x6e: {  	_ =	shalt  }
0x6f: {  	_ =	shalt  }
0x70: {  	_ =	shalt  }
0x71: {  	_ =	shalt  }
0x72: {  	_ =	shalt  }
0x73: {  	_ =	shalt  }
0x74: {  	_ =	shalt  }
0x75: {  	_ =	shalt  }
0x76: {  	_ =	shalt  }
0x77: {  	_ =	shalt  }
0x78: {  	_ =	shalt  }
0x79: {  	_ =	shalt  }
0x7a: {  	_ =	shalt  }
0x7b: {  	_ =	shalt  }
0x7c: {  	_ =	shalt  }
0x7d: {  	_ =	shalt  }
0x7e: {  	_ =	shalt  }
0x7f: {  	_ =	shalt  }
0x80: {  	_ =	shalt  }
0x81: {  	_ =	shalt  }
0x82: {  	_ =	shalt  }
0x83: {  	_ =	shalt  }
0x84: {  	_ =	shalt  }
0x85: {  	_ =	shalt  }
0x86: {  	_ =	shalt  }
0x87: {  	_ =	shalt  }
.Lfunc_end0:
.L_simem_size_0:
called_computation_lowered:
.L_overlay_start_0:
0x88: {  	s2 =	sld [smem:$0x3FD9]  }
0x89: {  	s3 =	sld [smem:$0x3FFE];
	_ =	sdelay $0x1  }
0x8a: {  	s1 =	srdreg.scid  }
0x8b: {  	s0 =	sand.u32 $0x1, s1  }
0x8c: {  	s17 =	sshll.u32 s0, $0xA;
	s2 =	sadd.s32 s3, s2  }
0x8d: {  	s2 =	sadd.s32 s2, s17  }
0x8e: {  	[smem:$0x3FBB] =	sst s2  }
0x8f: {  	_ = 	snop  }
0x90: {  	(tm) =	ssettm $0x1  }
0x91: {  	s18 =	sld [smem:$0x3FFB];
	_ =	sdelay $0x3  }
0x92: {  	_ =	strace s18  }
0x93: {  	s2 =	sld [smem:$0x3FFC];
	_ =	sdelay $0x3  }
0x94: {  	_ =	strace s2  }
0x95: {  	s2 =	sld [smem:$0x3FFD];
	_ =	sdelay $0x3  }
0x96: {  	_ =	strace s2  }
0x97: {  	_ =	strace $0x8FFFFFFF  }
0x98: {  	s19 =	sld [smem:$0x3FDB];
	_ =	sdelay $0x1  }
0x99: {  	s20 =	simm.s32 $_scs_section_size  }
0x9a: {  	s4 =	simm.s32 $_size__tile_overlayer_lowered;
	s5 =	simm.s32 $_tile_overlayer_lowered  }
0x9b: {  	s6 =	simm.s32 $0x1BFF;
	s21 =	sshll.u32 s5, $0x1;
	s3 =	sadd.s32 s20, s19  }
0x9c: {  	s22 =	simm.s32 $0x0;
	s4 =	sshll.u32 s4, $0x1;
	s5 =	sadd.s32 s21, s3  }
0x9d: {  	[timem:s22], [sflag:s6] =	dma.local [hbm:s5], s4  }
0x9e: {  	_ =	swait.ge [sflag:s6], s4  }
0x9f: {  	s4 =	ssub.s32 $0x0, s4;
	[sflag:s6] =	ssyncset.done $0x0  }
0xa0: {  	[sflag:s6] =	ssyncadd.s32 s4;
	_ =	sdelay $0x1  }
0xa1: {  	s23 =	simm.s32 $0x1B8B  }
0xa2: {  	_ =	swait.ge [sflag:s23], $0x1  }
0xa3: {  	[sflag:s23] =	ssyncset.done $0x0  }
0xa4: {  	[sflag:s23] =	ssyncadd.s32 $0xFFFFFFFF  }
0xa5: {  	s4 =	sld [smem:$0x0]  }
0xa6: {  	s5 =	sand.u32 $0xFFFFFFFE, s1  }
0xa7: {  	p0 =	sne.s32 s1, s5  }
0xa8: {  	s5 =	sshll.u32 @p0 s5, $0xE  }
0xa9: {  	s5 =	sadd.s32 @p0 $0x11B8D, s5;
	s6 =	sshll.u32 @p0 s4, $0x11  }
0xaa: {  	s5 =	sor.u32 @p0 s6, s5  }
0xab: {  	[sflag:s5] =	ssyncadd.remote.s32 @p0 $0x1;
	_ =	sdelay $0x1  }
0xac: {  	s5 =	simm.s32 @p0 $0x1B8D  }
0xad: {  	_ =	swait.eq @p0 [sflag:s5], $0x1  }
0xae: {  	[sflag:s5] =	ssyncadd.s32 @p0 $0xFFFFFFFF  }
0xaf: {  	s6 =	sshll.u32 @!p0 s1, $0xE  }
0xb0: {  	s6 =	sor.u32 @!p0 $0x4000, s6;
	s5 =	simm.s32 @!p0 $0x1B8D  }
0xb1: {  	s4 =	sshll.u32 @!p0 s4, $0x11;
	s6 =	sadd.s32 @!p0 $0x11B8D, s6;
	_ =	swait.eq @!p0 [sflag:s5], $0x1  }
0xb2: {  	s4 =	sor.u32 @!p0 s4, s6;
	[sflag:s5] =	ssyncadd.s32 @!p0 $0xFFFFFFFF  }
0xb3: {  	s25 =	simm.s32 $0x1B8E;
	s24 =	sld [smem:$0x3FFE];
	[sflag:s4] =	ssyncadd.remote.s32 @!p0 $0x1  }
0xb4: {  	s26 =	simm.s32 $execute0_lowered;
	[smem:$0x3FD2] =	sst s25  }
0xb5: {  	s5 =	sshll.u32 s26, $0x1;
	_ =	strace $0x80000049;
	[dreg:$0x1] =	wrdreg $0xFFFFFFFF  }
0xb6: {  	s28 =	simm.s32 $_size_execute0_lowered;
	s3 =	sadd.s32 s3, s5;
	[dreg:$0x0] =	wrdreg $0x0  }
0xb7: {  	s5 =	sshll.u32 s28, $0x1;
	[dreg:$0x2] =	wrdreg s3  }
0xb8: {  	[dreg:$0x3] =	wrdreg s5  }
0xb9: {  	[dreg:$0x4] =	wrdreg $0xC0  }
0xba: {  	_ =	task [dreg:s22], $0x5FFFF  }
0xbb: {  	[dreg:$0x1] =	wrdreg $0xFFFFFFFF  }
0xbc: {  	[dreg:$0x0] =	wrdreg $0x60  }
0xbd: {  	[dreg:$0x2] =	wrdreg s24  }
0xbe: {  	[dreg:$0x3] =	wrdreg $0x58200  }
0xbf: {  	[dreg:$0x4] =	wrdreg $0x9  }
0xc0: {  	_ =	task.clear_ibuf [dreg:s22], $0x5FFFF;
	_ =	strace $0x90000049  }
0xc1: {  	s29 =	simm.s32 $0x9;
	_ =	strace $0x8000004B  }
0xc2: {  	_ =	swait.ge [sflag:s29], $0x1  }
0xc3: {  	[sflag:s29] =	ssyncadd.s32 $0xFFFFFFFF  }
0xc4: {  	_ =	strace $0x9000004B  }
0xc5: {  	_ =	sfence  }
0xc6: {  	s30 =	sld [smem:$0x0];
	_ =	sdelay $0x2  }
0xc7: {  	s31 =	sshll.u32 s1, $0xD;
	s1 =	sshrl.u32 s1, $0x2  }
0xc8: {  	s4 =	sand.u32 $0x4000, s31;
	s1 =	sadd.s32 s1, s30  }
0xc9: {  	s0 =	sor.u32 s4, s0;
	s1 =	sshll.u32 s1, $0x11  }
0xca: {  	s0 =	sor.u32 s1, s0  }
0xcb: {  	s0 =	sadd.s32 $0x8F2B, s0  }
0xcc: {  	[sflag:s0] =	ssyncadd.remote.s32 $0x1  }
0xcd: {  	_ =	sfence.sel $0xFFFF  }
0xce: {  	[dreg:$0x0] =	wrdreg $0xFFFFFFFF;
	(pc) =	sbr.abs _section_cstart, $3  }
0xcf: {  	[dreg:$0x1] =	wrdreg $0xFFFFFFFF  }
0xd0: {  	_ =	task.clear_ibuf [dreg:s22], $0x2FFFF;
	_ =	strace $0x9FFFFFFF  }
0xd1: {  	(tm) =	ssettm $0x7FFFFFFF  }
tec
execute0_lowered:
.L_overlay_start_1:
0x0: {  	(tag) =	ssettag $0x1  }
0x1: {  	s0 =	rddreg [dreg:$0x0]  }
0x2: {  	s2 =	rddreg [dreg:$0x1]  }
0x3: {  	s3 =	simm.s32 $0x0;
	s19 =	stileid.u32;
	s4 =	srdreg.scid  }
0x4: {  	[smem:$0x7FF] =	sst s3;
	s1 =	smul.u32 $0x9C4, s19  }
0x5: {  	s5 =	smul.u32 $0xA000, s19;
	s6 =	sadd.s32 $0x50800, s0;
	s4 =	sand.u32 $0x1, s4  }
0x6: {  	s24 =	sadd.s32 $0x50600, s0;
	s29 =	smul.u32 $0x280, s19;
	s15 =	sadd.s32 $0x25800, s2  }
0x7: {  	s16 =	sadd.s32 $0x25D00, s2;
	s17 =	sadd.s32 $0x26200, s2;
	p0 =	seq.s32 s19, $0xF  }
0x8: {  	s28 =	sadd.s32 $0x26C00, s2;
	_ =	strace $0x8000004A;
	[dreg:$0x3] =	wrdreg s6  }
0x9: {  	s19 =	simm.s32 $0x5320;
	[dreg:$0x4] =	wrdreg s24;
	s26 =	smul.u32 $0x2710, s4  }
0xa: {  	s7 =	ssub.s32 $0x2, s4;
	s31 =	smul.u32 $0x9C40, s4;
	s1 =	sadd.s32 s1, s0  }
0xb: {  	s5 =	sshrl.u32 s5, $0x2;
	s0 =	sadd.s32 $0x50A00, s0;
	s8 =	sshrl.u32 s7, $0x1  }
0xc: {  	s6 =	sadd.s32 s5, s2;
	s25 =	ssub.s32 s7, s8;
	s1 =	sadd.s32 $0x1A00, s1  }
0xd: {  	s7 =	sadd.s32 s29, s26;
	[dreg:$0x5] =	wrdreg s1;
	s8 =	sadd.s32 $0x500, s6  }
0xe: {  	s9 =	sadd.s32 $0xA00, s6;
	s10 =	sadd.s32 $0xF00, s6;
	s11 =	sadd.s32 $0x1400, s6  }
0xf: {  	s12 =	sadd.s32 $0x1900, s6;
	s13 =	sadd.s32 $0x1E00, s6;
	s1 =	sshll.u32 s26, $0x1  }
0x10: {  	s14 =	sadd.s32 $0x2300, s6;
	s22 =	smax.u32 s25, $0x1;
	s1 =	sadd.s32 s0, s1  }
0x11: {  	s7 =	sshll.u32 s7, $0x1;
	[dreg:$0xb] =	wrdreg s22;
	s30 =	sadd.s32 $0x4B00, s1  }
0x12: {  	s18 =	sadd.s32 s0, s7;
	s7 =	sadd.s32 $0x4BA0, s1;
	[dreg:$0x6] =	wrdreg s30  }
0x13: {  	s26 =	sadd.s32 $0x26700, s2;
	s20 =	sadd.s32 $0x4C40, s1;
	[dreg:$0x7] =	wrdreg s7  }
0x14: {  	s0 =	sshrl.u32 s31, $0x2;
	s21 =	sadd.s32 $0x4CE0, s1;
	[dreg:$0x8] =	wrdreg s20  }
0x15: {  	s22 =	simm.s32 $0x50;
	s1 =	sadd.s32 $0x4D80, s1;
	[dreg:$0x9] =	wrdreg s21  }
0x16: {  	s25 =	sadd.s32 $0x500, s0;
	s23 =	sadd.s32 $0xA0, s18;
	[dreg:$0xa] =	wrdreg s1  }
0x17: {  	s24 =	sadd.s32 $0x140, s18;
	s29 =	sadd.s32 $0x1E0, s18;
	[dreg:$0xc] =	wrdreg s23  }
0x18: {  	s31 =	sadd.s32 $0x320, s18;
	s4 =	sadd.s32 $0x3C0, s18;
	[dreg:$0xd] =	wrdreg s24  }
0x19: {  	s5 =	sadd.s32 $0x460, s18;
	[dreg:$0xe] =	wrdreg s29;
	s30 =	sadd.s32 $0x280, s18  }
0x1a: {  	[dreg:$0x10] =	wrdreg s31;
	s7 =	simm.s32 $0x3;
	s20 =	simm.s32 $0x1  }
0x1b: {  	s21 =	simm.s32 $0x2;
	s23 =	simm.s32 $0x0;
	[dreg:$0xf] =	wrdreg s30  }
.LBB2_1:
0x1c: {  	s0 =	rddreg [dreg:$0x3]  }
0x1d: {  	[tilespmem:s3], [sflag:$0x3] =	stream.linear.gather [hbm4b:s0+s3], $0x500, $0x38;
	[tilespmem:$0x7F30] =	vst v63  }
0x1e: {  	_ =	swait.ge [sflag:s7], $0x500  }
0x1f: {  	[sflag:s7] =	ssyncset.done $0x0  }
0x20: {  	s1 =	simm.s32 $0x500;
	s30 =	rddreg [dreg:$0x5];
	[sflag:s7] =	ssyncadd.s32 $0xFFFFFB00  }
0x21: {  	[tilespmem:s1], [sflag:$0x2] =	stream.linear.gather [hbm4b:s30+s3], $0x4E20, $0x38;
	[tilespmem:$0x7F30] =	vst v63  }
0x22: {  	s31 =	rddreg [dreg:$0x4]  }
0x23: {  	[tilespmem:s19], [sflag:$0x3] =	stream.linear.gather [hbm4b:s31+s3], $0x500, $0x38;
	[tilespmem:$0x7F30] =	vst v63  }
0x24: {  	_ =	swait.ge [sflag:s7], $0x500  }
0x25: {  	[sflag:s7] =	ssyncset.done $0x0  }
0x26: {  	s24 =	simm.s32 @p0 $0x0;
	[sflag:s7] =	ssyncadd.s32 $0xFFFFFB00  }
0x27: {  	[spmem:s15] =	stream.linear.scatter @p0 [tilespmem:s24], [sflag:$0x1], $0x500, $0x38;
	[tilespmem:$0x7F30] =	vst v63  }
0x28: {  	_ = 	snop  }
0x29: {  	[spmem:s16] =	stream.linear.scatter @p0 [tilespmem:s24], [sflag:$0x1], $0x500, $0x38;
	[tilespmem:$0x7F30] =	vst v63  }
0x2a: {  	_ = 	snop  }
0x2b: {  	[spmem:s17] =	stream.linear.scatter @p0 [tilespmem:s24], [sflag:$0x1], $0x500, $0x38;
	[tilespmem:$0x7F30] =	vst v63  }
0x2c: {  	_ = 	snop  }
0x2d: {  	[spmem:s26] =	stream.linear.scatter @p0 [tilespmem:s24], [sflag:$0x1], $0x500, $0x38;
	[tilespmem:$0x7F30] =	vst v63  }
0x2e: {  	_ = 	snop  }
0x2f: {  	[spmem:s28] =	stream.linear.scatter @p0 [tilespmem:s24], [sflag:$0x1], $0x500, $0x38;
	[tilespmem:$0x7F30] =	vst v63  }
0x30: {  	s24 =	simm.s32 @!p0 $0x0  }
0x31: {  	[spmem:s6] =	stream.linear.scatter @!p0 [tilespmem:s24], [sflag:$0x1], $0x500, $0x38;
	[tilespmem:$0x7F30] =	vst v63  }
0x32: {  	_ = 	snop  }
0x33: {  	[spmem:s8] =	stream.linear.scatter @!p0 [tilespmem:s24], [sflag:$0x1], $0x500, $0x38;
	[tilespmem:$0x7F30] =	vst v63  }
0x34: {  	_ = 	snop  }
0x35: {  	[spmem:s9] =	stream.linear.scatter @!p0 [tilespmem:s24], [sflag:$0x1], $0x500, $0x38;
	[tilespmem:$0x7F30] =	vst v63  }
0x36: {  	_ = 	snop  }
0x37: {  	[spmem:s10] =	stream.linear.scatter @!p0 [tilespmem:s24], [sflag:$0x1], $0x500, $0x38;
	[tilespmem:$0x7F30] =	vst v63  }
0x38: {  	_ = 	snop  }
0x39: {  	[spmem:s11] =	stream.linear.scatter @!p0 [tilespmem:s24], [sflag:$0x1], $0x500, $0x38;
	[tilespmem:$0x7F30] =	vst v63  }
0x3a: {  	_ = 	snop  }
0x3b: {  	[spmem:s12] =	stream.linear.scatter @!p0 [tilespmem:s24], [sflag:$0x1], $0x500, $0x38;
	[tilespmem:$0x7F30] =	vst v63  }
0x3c: {  	_ = 	snop  }
0x3d: {  	[spmem:s13] =	stream.linear.scatter @!p0 [tilespmem:s24], [sflag:$0x1], $0x500, $0x38;
	[tilespmem:$0x7F30] =	vst v63  }
0x3e: {  	_ = 	snop  }
0x3f: {  	[spmem:s14] =	stream.linear.scatter @!p0 [tilespmem:s24], [sflag:$0x1], $0x500, $0x38;
	[tilespmem:$0x7F30] =	vst v63  }
0x40: {  	s24 =	simm.s32 @!p0 $0x1  }
0x41: {  	_ =	swait.ge @!p0 [sflag:s24], $0x500  }
0x42: {  	[sflag:s24] =	ssyncset.done @!p0 $0x0  }
0x43: {  	[sflag:s24] =	ssyncadd.s32 @!p0 $0xFFFFFB00  }
0x44: {  	_ =	swait.ge @!p0 [sflag:s24], $0x500  }
0x45: {  	[sflag:s24] =	ssyncset.done @!p0 $0x0  }
0x46: {  	[sflag:s24] =	ssyncadd.s32 @!p0 $0xFFFFFB00  }
0x47: {  	_ =	swait.ge @!p0 [sflag:s24], $0x500  }
0x48: {  	[sflag:s24] =	ssyncset.done @!p0 $0x0  }
0x49: {  	[sflag:s24] =	ssyncadd.s32 @!p0 $0xFFFFFB00  }
0x4a: {  	_ =	swait.ge [sflag:s20], $0x500  }
0x4b: {  	[sflag:s20] =	ssyncset.done $0x0  }
0x4c: {  	[sflag:s20] =	ssyncadd.s32 $0xFFFFFB00  }
0x4d: {  	_ =	swait.ge [sflag:s20], $0x500  }
0x4e: {  	[sflag:s20] =	ssyncset.done $0x0  }
0x4f: {  	[sflag:s20] =	ssyncadd.s32 $0xFFFFFB00  }
0x50: {  	_ =	swait.ge [sflag:s20], $0x500  }
0x51: {  	[sflag:s20] =	ssyncset.done $0x0  }
0x52: {  	[sflag:s20] =	ssyncadd.s32 $0xFFFFFB00  }
0x53: {  	_ =	swait.ge [sflag:s20], $0x500  }
0x54: {  	[sflag:s20] =	ssyncset.done $0x0  }
0x55: {  	[sflag:s20] =	ssyncadd.s32 $0xFFFFFB00  }
0x56: {  	_ =	swait.ge [sflag:s20], $0x500  }
0x57: {  	[sflag:s20] =	ssyncset.done $0x0  }
0x58: {  	[sflag:s20] =	ssyncadd.s32 $0xFFFFFB00  }
0x59: {  	_ =	swait.ge [sflag:s21], $0x4E20  }
0x5a: {  	[sflag:s21] =	ssyncset.done $0x0  }
0x5b: {  	[sflag:s21] =	ssyncadd.s32 $0xFFFFB1E0  }
0x5c: {  	s24 =	simm.s32 $0x0;
	[bflag:$0x0] =	sbarrier.arrive $0xFFFF  }
.LBB2_2:
0x5d: {  	p1 =	sne.s32 s24, $0x9B00  }
.Ltmp0:
0x5e: {  	_ = 	snop;
	(pc) =	sbr.rel @p1 .LBB2_2-.Ltmp0, $4  }
0x5f: {  	_ = 	snop  }
0x60: {  	s29 =	sshra.s32 s24, $0x2  }
0x61: {  	s24 =	sadd.s32 $0x140, s24;
	s29 =	sadd.s32 s29, s25  }
0x62: {  	[spmem:s2] =	stream.indirect.scatter.add.f32 [tilespmem:s19], [sflag:$0x1], $0x10, s29, s22, $0xb8;
	[tilespmem:$0x7F30] =	vst v63  }
0x63: {  	_ =	swait.ge [sflag:s20], $0x500  }
0x64: {  	s24 =	simm.s32 $0x7C;
	[sflag:s20] =	ssyncset.done $0x0  }
.LBB2_4:
0x65: {  	p1 =	sne.s32 s24, $0x1;
	s24 =	sadd.s32 $0xFFFFFFFF, s24;
	[sflag:s20] =	ssyncadd.s32 $0xFFFFFB00  }
.Ltmp1:
0x66: {  	(pc) =	sbr.rel @p1 .LBB2_4-.Ltmp1, $3  }
0x67: {  	_ =	sdelay $0x1  }
0x68: {  	_ =	swait.ge [sflag:s20], $0x500  }
0x69: {  	[sflag:s20] =	ssyncset.done $0x0  }
0x6a: {  	[sflag:s20] =	ssyncadd.s32 $0xFFFFFB00  }
0x6b: {  	s24 =	simm.s32 @p0 $0x0;
	s29 =	simm.s32 @p0 $0x3;
	[bflag:$0x0] =	sbarrier.arrive $0xFFFF  }
0x6c: {  	[tilespmem:s24], [sflag:$0x3] =	stream.linear.gather @p0 [spmem:s15], $0x500, $0x38;
	[tilespmem:$0x7F30] =	vst v63  }
0x6d: {  	_ =	swait.ge @p0 [sflag:s29], $0x500  }
0x6e: {  	[sflag:s29] =	ssyncset.done @p0 $0x0  }
0x6f: {  	s0 =	rddreg [dreg:$0x6];
	[sflag:s29] =	ssyncadd.s32 @p0 $0xFFFFFB00  }
0x70: {  	[hbm4b:s0+s24] =	stream.linear.scatter @p0 [tilespmem:s24], [sflag:$0x1], $0x500, $0x38;
	[tilespmem:$0x7F30] =	vst v63  }
0x71: {  	s30 =	simm.s32 @p0 $0x5320  }
0x72: {  	[tilespmem:s30], [sflag:$0x3] =	stream.linear.gather @p0 [spmem:s16], $0x500, $0x38;
	[tilespmem:$0x7F30] =	vst v63  }
0x73: {  	_ =	swait.ge @p0 [sflag:s29], $0x500  }
0x74: {  	[sflag:s29] =	ssyncset.done @p0 $0x0  }
0x75: {  	s31 =	simm.s32 @p0 $0x1;
	s0 =	rddreg [dreg:$0x7];
	[sflag:s29] =	ssyncadd.s32 @p0 $0xFFFFFB00  }
0x76: {  	[hbm4b:s0+s24] =	stream.linear.scatter @p0 [tilespmem:s30], [sflag:$0x2], $0x500, $0x38;
	[tilespmem:$0x7F30] =	vst v63  }
0x77: {  	_ =	swait.ge @p0 [sflag:s31], $0x500  }
0x78: {  	[sflag:s31] =	ssyncset.done @p0 $0x0  }
0x79: {  	[sflag:s31] =	ssyncadd.s32 @p0 $0xFFFFFB00  }
0x7a: {  	[tilespmem:s24], [sflag:$0x3] =	stream.linear.gather @p0 [spmem:s17], $0x500, $0x38;
	[tilespmem:$0x7F30] =	vst v63  }
0x7b: {  	_ =	swait.ge @p0 [sflag:s29], $0x500  }
0x7c: {  	[sflag:s29] =	ssyncset.done @p0 $0x0  }
0x7d: {  	s0 =	rddreg [dreg:$0x8];
	[sflag:s29] =	ssyncadd.s32 @p0 $0xFFFFFB00  }
0x7e: {  	[hbm4b:s0+s24] =	stream.linear.scatter @p0 [tilespmem:s24], [sflag:$0x1], $0x500, $0x38;
	[tilespmem:$0x7F30] =	vst v63  }
0x7f: {  	s0 =	simm.s32 @p0 $0x2  }
0x80: {  	_ =	swait.ge @p0 [sflag:s0], $0x500  }
0x81: {  	[sflag:s0] =	ssyncset.done @p0 $0x0  }
0x82: {  	[sflag:s0] =	ssyncadd.s32 @p0 $0xFFFFFB00  }
0x83: {  	[tilespmem:s30], [sflag:$0x3] =	stream.linear.gather @p0 [spmem:s26], $0x500, $0x38;
	[tilespmem:$0x7F30] =	vst v63  }
0x84: {  	_ =	swait.ge @p0 [sflag:s29], $0x500  }
0x85: {  	[sflag:s29] =	ssyncset.done @p0 $0x0  }
0x86: {  	s0 =	rddreg [dreg:$0x9];
	[sflag:s29] =	ssyncadd.s32 @p0 $0xFFFFFB00  }
0x87: {  	[hbm4b:s0+s24] =	stream.linear.scatter @p0 [tilespmem:s30], [sflag:$0x2], $0x500, $0x38;
	[tilespmem:$0x7F30] =	vst v63  }
0x88: {  	_ =	swait.ge @p0 [sflag:s31], $0x500  }
0x89: {  	[sflag:s31] =	ssyncset.done @p0 $0x0  }
0x8a: {  	[sflag:s31] =	ssyncadd.s32 @p0 $0xFFFFFB00  }
0x8b: {  	[tilespmem:s24], [sflag:$0x3] =	stream.linear.gather @p0 [spmem:s28], $0x500, $0x38;
	[tilespmem:$0x7F30] =	vst v63  }
0x8c: {  	_ =	swait.ge @p0 [sflag:s29], $0x500  }
0x8d: {  	[sflag:s29] =	ssyncset.done @p0 $0x0  }
0x8e: {  	s0 =	rddreg [dreg:$0xa];
	[sflag:s29] =	ssyncadd.s32 @p0 $0xFFFFFB00  }
0x8f: {  	[hbm4b:s0+s24] =	stream.linear.scatter @p0 [tilespmem:s24], [sflag:$0x1], $0x500, $0x38;
	[tilespmem:$0x7F30] =	vst v63  }
0x90: {  	s0 =	simm.s32 @!p0 $0x0;
	s24 =	simm.s32 @!p0 $0x3  }
0x91: {  	[tilespmem:s0], [sflag:$0x3] =	stream.linear.gather @!p0 [spmem:s6], $0x500, $0x38;
	[tilespmem:$0x7F30] =	vst v63  }
0x92: {  	_ =	swait.ge @!p0 [sflag:s24], $0x500  }
0x93: {  	[sflag:s24] =	ssyncset.done @!p0 $0x0  }
0x94: {  	[sflag:s24] =	ssyncadd.s32 @!p0 $0xFFFFFB00  }
0x95: {  	[hbm4b:s18+s0] =	stream.linear.scatter @!p0 [tilespmem:s0], [sflag:$0x1], $0x500, $0x38;
	[tilespmem:$0x7F30] =	vst v63  }
0x96: {  	s29 =	simm.s32 @!p0 $0x5320  }
0x97: {  	[tilespmem:s29], [sflag:$0x3] =	stream.linear.gather @!p0 [spmem:s8], $0x500, $0x38;
	[tilespmem:$0x7F30] =	vst v63  }
0x98: {  	_ =	swait.ge @!p0 [sflag:s24], $0x500  }
0x99: {  	[sflag:s24] =	ssyncset.done @!p0 $0x0  }
0x9a: {  	s30 =	rddreg [dreg:$0xc];
	[sflag:s24] =	ssyncadd.s32 @!p0 $0xFFFFFB00  }
0x9b: {  	[hbm4b:s30+s0] =	stream.linear.scatter @!p0 [tilespmem:s29], [sflag:$0x2], $0x500, $0x38;
	[tilespmem:$0x7F30] =	vst v63  }
0x9c: {  	s30 =	simm.s32 @!p0 $0x1  }
0x9d: {  	_ =	swait.ge @!p0 [sflag:s30], $0x500  }
0x9e: {  	[sflag:s30] =	ssyncset.done @!p0 $0x0  }
0x9f: {  	[sflag:s30] =	ssyncadd.s32 @!p0 $0xFFFFFB00  }
0xa0: {  	[tilespmem:s0], [sflag:$0x3] =	stream.linear.gather @!p0 [spmem:s9], $0x500, $0x38;
	[tilespmem:$0x7F30] =	vst v63  }
0xa1: {  	_ =	swait.ge @!p0 [sflag:s24], $0x500  }
0xa2: {  	[sflag:s24] =	ssyncset.done @!p0 $0x0  }
0xa3: {  	s31 =	rddreg [dreg:$0xd];
	[sflag:s24] =	ssyncadd.s32 @!p0 $0xFFFFFB00  }
0xa4: {  	[hbm4b:s31+s0] =	stream.linear.scatter @!p0 [tilespmem:s0], [sflag:$0x1], $0x500, $0x38;
	[tilespmem:$0x7F30] =	vst v63  }
0xa5: {  	s31 =	simm.s32 @!p0 $0x2  }
0xa6: {  	_ =	swait.ge @!p0 [sflag:s31], $0x500  }
0xa7: {  	[sflag:s31] =	ssyncset.done @!p0 $0x0  }
0xa8: {  	[sflag:s31] =	ssyncadd.s32 @!p0 $0xFFFFFB00  }
0xa9: {  	[tilespmem:s29], [sflag:$0x3] =	stream.linear.gather @!p0 [spmem:s10], $0x500, $0x38;
	[tilespmem:$0x7F30] =	vst v63  }
0xaa: {  	_ =	swait.ge @!p0 [sflag:s24], $0x500  }
0xab: {  	[sflag:s24] =	ssyncset.done @!p0 $0x0  }
0xac: {  	s1 =	rddreg [dreg:$0xe];
	[sflag:s24] =	ssyncadd.s32 @!p0 $0xFFFFFB00  }
0xad: {  	[hbm4b:s1+s0] =	stream.linear.scatter @!p0 [tilespmem:s29], [sflag:$0x2], $0x500, $0x38;
	[tilespmem:$0x7F30] =	vst v63  }
0xae: {  	_ =	swait.ge @!p0 [sflag:s30], $0x500  }
0xaf: {  	[sflag:s30] =	ssyncset.done @!p0 $0x0  }
0xb0: {  	[sflag:s30] =	ssyncadd.s32 @!p0 $0xFFFFFB00  }
0xb1: {  	[tilespmem:s0], [sflag:$0x3] =	stream.linear.gather @!p0 [spmem:s11], $0x500, $0x38;
	[tilespmem:$0x7F30] =	vst v63  }
0xb2: {  	_ =	swait.ge @!p0 [sflag:s24], $0x500  }
0xb3: {  	[sflag:s24] =	ssyncset.done @!p0 $0x0  }
0xb4: {  	s1 =	rddreg [dreg:$0xf];
	[sflag:s24] =	ssyncadd.s32 @!p0 $0xFFFFFB00  }
0xb5: {  	[hbm4b:s1+s0] =	stream.linear.scatter @!p0 [tilespmem:s0], [sflag:$0x1], $0x500, $0x38;
	[tilespmem:$0x7F30] =	vst v63  }
0xb6: {  	_ =	swait.ge @!p0 [sflag:s31], $0x500  }
0xb7: {  	[sflag:s31] =	ssyncset.done @!p0 $0x0  }
0xb8: {  	[sflag:s31] =	ssyncadd.s32 @!p0 $0xFFFFFB00  }
0xb9: {  	[tilespmem:s29], [sflag:$0x3] =	stream.linear.gather @!p0 [spmem:s12], $0x500, $0x38;
	[tilespmem:$0x7F30] =	vst v63  }
0xba: {  	_ =	swait.ge @!p0 [sflag:s24], $0x500  }
0xbb: {  	[sflag:s24] =	ssyncset.done @!p0 $0x0  }
0xbc: {  	s1 =	rddreg [dreg:$0x10];
	[sflag:s24] =	ssyncadd.s32 @!p0 $0xFFFFFB00  }
0xbd: {  	[hbm4b:s1+s0] =	stream.linear.scatter @!p0 [tilespmem:s29], [sflag:$0x2], $0x500, $0x38;
	[tilespmem:$0x7F30] =	vst v63  }
0xbe: {  	_ =	swait.ge @!p0 [sflag:s30], $0x500  }
0xbf: {  	[sflag:s30] =	ssyncset.done @!p0 $0x0  }
0xc0: {  	[sflag:s30] =	ssyncadd.s32 @!p0 $0xFFFFFB00  }
0xc1: {  	[tilespmem:s0], [sflag:$0x3] =	stream.linear.gather @!p0 [spmem:s13], $0x500, $0x38;
	[tilespmem:$0x7F30] =	vst v63  }
0xc2: {  	_ =	swait.ge @!p0 [sflag:s24], $0x500  }
0xc3: {  	[sflag:s24] =	ssyncset.done @!p0 $0x0  }
0xc4: {  	[sflag:s24] =	ssyncadd.s32 @!p0 $0xFFFFFB00  }
0xc5: {  	[hbm4b:s4+s0] =	stream.linear.scatter @!p0 [tilespmem:s0], [sflag:$0x1], $0x500, $0x38;
	[tilespmem:$0x7F30] =	vst v63  }
0xc6: {  	_ =	swait.ge @!p0 [sflag:s31], $0x500  }
0xc7: {  	[sflag:s31] =	ssyncset.done @!p0 $0x0  }
0xc8: {  	[sflag:s31] =	ssyncadd.s32 @!p0 $0xFFFFFB00  }
0xc9: {  	[tilespmem:s29], [sflag:$0x3] =	stream.linear.gather @!p0 [spmem:s14], $0x500, $0x38;
	[tilespmem:$0x7F30] =	vst v63  }
0xca: {  	_ =	swait.ge @!p0 [sflag:s24], $0x500  }
0xcb: {  	[sflag:s24] =	ssyncset.done @!p0 $0x0  }
0xcc: {  	[sflag:s24] =	ssyncadd.s32 @!p0 $0xFFFFFB00  }
0xcd: {  	[hbm4b:s5+s0] =	stream.linear.scatter @!p0 [tilespmem:s29], [sflag:$0x2], $0x500, $0x38;
	[tilespmem:$0x7F30] =	vst v63  }
0xce: {  	_ =	swait.ge [sflag:s20], $0x500  }
0xcf: {  	[sflag:s20] =	ssyncset.done $0x0  }
0xd0: {  	[sflag:s20] =	ssyncadd.s32 $0xFFFFFB00  }
0xd1: {  	_ =	swait.ge [sflag:s21], $0x500  }
0xd2: {  	s23 =	sadd.s32 $0x1, s23;
	s31 =	rddreg [dreg:$0xb]  }
0xd3: {  	p1 =	sne.s32 s23, s31  }
.Ltmp2:
0xd4: {  	_ = 	snop;
	(pc) =	sbr.rel @p1 .LBB2_1-.Ltmp2, $3  }
0xd5: {  	_ =	sdelay $0x1  }
0xd6: {  	[sflag:s21] =	ssyncset.done $0x0  }
0xd7: {  	[sflag:s21] =	ssyncadd.s32 $0xFFFFFB00  }
0xd8: {  	_ =	sfence.sel $0x180000  }
0xd9: {  	[bflag:$0x0] =	sbarrier.arrive $0xFFFF  }
0xda: {  	_ =	strace $0x9000004A  }
0xdb: {  	s0 =	stileid.u32;
	[bflag:$0x2] =	sbarrier.arrive $0xFFFF  }
0xdc: {  	p0 =	sne.s32 s0, $0x0;
	s0 =	rddreg [dreg:$0x2]  }
0xdd: {  	s0 =	sadd.s32 @!p0 $0x100000, s0  }
0xde: {  	[sflag:s0] =	ssyncadd.tile.s32 @!p0 $0x1;
	_ =	shalt  }
.Lfunc_end2:
_tile_overlayer_lowered:
.L_overlay_start_2:
0xdf: {  	(tag) =	ssettag $0x2  }
0xe0: {  	s0 =	rddreg [dreg:$0x0];
	s2 =	stileid.u32  }
0xe1: {  	s1 =	rddreg [dreg:$0x1];
	p0 =	sne.s32 s2, $0x0  }
0xe2: {  	s3 =	rddreg [dreg:$0x2];
	[bflag:$0x3] =	sbarrier.arrive $0xFFFF;
	s2 =	simm.s32 @!p0 $0x1C03  }
0xe3: {  	[timem:s3], [sflag:s2] =	dma.local @!p0 [hbm:s0], s1  }
0xe4: {  	s0 =	simm.s32 @!p0 $0x3  }
0xe5: {  	_ =	swait.ge @!p0 [sflag:s0], s1  }
0xe6: {  	s1 =	ssub.s32 @!p0 $0x0, s1;
	[sflag:s0] =	ssyncset.done @!p0 $0x0  }
0xe7: {  	[sflag:s0] =	ssyncadd.s32 @!p0 s1  }
0xe8: {  	[bflag:$0x3] =	sbarrier.arrive $0xFFFF  }
0xe9: {  	_ =	shalt  }

</sc_bundles>
